<compile_context>
chip_gen: v7x
topology: tpu7x:2x2x1
jax: 0.10.2.dev20260603
libtpu: 0.0.44.dev20260713+nightly
codegen_flags: <defaults>
</compile_context>

<pallas_src>
import functools

import jax
import jax.numpy as jnp
from jax import lax
from jax.experimental import pallas as pl
from jax.experimental.pallas import tpu as pltpu
from jax.experimental.pallas import tpu_sc as plsc

_NC = 2
_NS = 16


def _pad_to(n: int, m: int) -> int:
    return ((n + m - 1) // m) * m



def _make_deg_kernel(E: int, Np: int):
    K = 80
    ept = E // _NS
    n_chunks = ept // K
    assert ept % K == 0 and Np % (16 * _NS) == 0
    sl = Np // _NS
    mesh = plsc.VectorSubcoreMesh(core_axis_name="c", subcore_axis_name="s")

    @functools.partial(
        pl.kernel,
        out_type=jax.ShapeDtypeStruct((_NC * Np,), jnp.float32),
        mesh=mesh,
        scratch_types=[
            pltpu.VMEM((n_chunks, K), jnp.int32),
            pltpu.VMEM((K,), jnp.float32),
            pltpu.VMEM((Np // _NS,), jnp.float32),
            pltpu.VMEM_SHARED((Np,), jnp.float32),
            pltpu.SemaphoreType.DMA,
        ],
    )
    def deg_kernel(ei_hbm, out_hbm, idx_v, ones_v, buf_v, acc_sh, sem):
        c = lax.axis_index("c")
        s = lax.axis_index("s")
        for j in range(sl // 16):
            buf_v[pl.ds(j * 16, 16)] = jnp.zeros((16,), jnp.float32)
        pltpu.sync_copy(buf_v, acc_sh.at[pl.ds(s * sl, sl)])
        pltpu.sync_copy(ei_hbm.at[c, s], idx_v)
        for j in range(K // 16):
            ones_v[pl.ds(j * 16, 16)] = jnp.ones((16,), jnp.float32)
        plsc.subcore_barrier()

        def body(i, _):
            pltpu.async_copy(ones_v, acc_sh.at[idx_v.at[i]], sem, add=True)
            return ()

        lax.fori_loop(0, n_chunks, body, ())

        def drain(i, _):
            pltpu.make_async_copy(ones_v, acc_sh.at[idx_v.at[0]], sem).wait()
            return ()

        lax.fori_loop(0, n_chunks, drain, ())
        plsc.subcore_barrier()
        pltpu.sync_copy(acc_sh.at[pl.ds(s * sl, sl)], buf_v)
        pltpu.sync_copy(buf_v, out_hbm.at[pl.ds(c * Np + s * sl, sl)])

    return deg_kernel


_KS = 80
_NBUF = 2


def _make_scatter_kernel(E: int, Nn: int, H: int, nbuf: int = _NBUF):
    _NBUF = nbuf
    nw = _NC * _NS
    ept = E // nw
    K = _KS
    n_chunks = ept // K
    assert ept % K == 0 and n_chunks >= 2 * _NBUF
    Na = _pad_to(Nn, _NS * K)
    rpt = Na // _NS
    zc = rpt // K
    mesh = plsc.VectorSubcoreMesh(core_axis_name="c", subcore_axis_name="s")

    tc_tiling = (H % 128 == 0)

    scratch = [
        pltpu.VMEM((ept,) if tc_tiling else (n_chunks, K), jnp.int32),
        pltpu.VMEM((n_chunks, K), jnp.int32),
    ] + [pltpu.VMEM((K, H), jnp.float32)] * _NBUF \
      + [pltpu.VMEM_SHARED((Na, H), jnp.float32)] \
      + [pltpu.SemaphoreType.DMA] * _NBUF

    def body(ei_rows_src, ei_cols_src, g_hbm, out_hbm, ridx_v, cidx_v, rest):
        rows = rest[:_NBUF]
        acc_sh = rest[_NBUF]
        sems = rest[_NBUF + 1:]
        c = lax.axis_index("c")
        s = lax.axis_index("s")
        for j in range(zc):
            pltpu.sync_copy(rows[0], acc_sh.at[pl.ds(s * rpt + j * K, K)])
        pltpu.sync_copy(ei_rows_src, ridx_v)
        pltpu.sync_copy(ei_cols_src, cidx_v)
        plsc.subcore_barrier()

        def rsl(i):
            if tc_tiling:
                return ridx_v.at[pl.ds(i * K, K)]
            return ridx_v.at[i]

        def start(i, b):
            pltpu.async_copy(g_hbm.at[rsl(i)], rows[b], sems[b])

        def wait(b):
            pltpu.make_async_copy(g_hbm.at[rsl(0)], rows[b], sems[b]).wait()

        def scat(i, b):
            pltpu.sync_copy(rows[b], acc_sh.at[cidx_v.at[i]], add=True)

        for b in range(_NBUF):
            start(b, b)
        main_iters = n_chunks // _NBUF - 1

        def loop_body(j, _):
            for b in range(_NBUF):
                i = j * _NBUF + b
                wait(b)
                scat(i, b)
                start(i + _NBUF, b)
            return ()

        lax.fori_loop(0, main_iters, loop_body, ())
        for i in range(main_iters * _NBUF, n_chunks):
            b = i % _NBUF
            wait(b)
            scat(i, b)
            if i + _NBUF < n_chunks:
                start(i + _NBUF, b)
        plsc.subcore_barrier()
        co = lax.axis_index("c")
        for j in range(zc):
            pltpu.sync_copy(acc_sh.at[pl.ds(s * rpt + j * K, K)], rows[0])
            pltpu.sync_copy(rows[0],
                            out_hbm.at[co, pl.ds(s * rpt + j * K, K)])

    params = pltpu.CompilerParams(use_tc_tiling_on_sc=tc_tiling)
    kw = dict(out_type=jax.ShapeDtypeStruct((_NC, Na, H), jnp.float32),
              mesh=mesh, scratch_types=scratch, compiler_params=params)

    if tc_tiling:
        @functools.partial(pl.kernel, **kw)
        def scatter_tc(eir_hbm, eic_hbm, g_hbm, zeros_hbm, out_hbm,
                       ridx_v, cidx_v, *rest):
            c = lax.axis_index("c")
            s = lax.axis_index("s")
            wid = c * _NS + s
            pltpu.sync_copy(zeros_hbm, rest[0])
            body(eir_hbm.at[0, wid], eic_hbm.at[1, wid], g_hbm, out_hbm,
                 ridx_v, cidx_v, rest)

        return scatter_tc

    @functools.partial(pl.kernel, **kw)
    def scatter_sc(ei_hbm, g_hbm, zeros_hbm, out_hbm,
                   ridx_v, cidx_v, *rest):
        c = lax.axis_index("c")
        s = lax.axis_index("s")
        wid = c * _NS + s
        pltpu.sync_copy(zeros_hbm, rest[0])
        body(ei_hbm.at[0, wid], ei_hbm.at[1, wid], g_hbm, out_hbm,
             ridx_v, cidx_v, rest)

    return scatter_sc



_BN = 2000


def _matmul_bias_scale(x, W, b, dis):
    Nn, Din = x.shape
    Hh = W.shape[1]

    def body(x_ref, w_ref, b_ref, d_ref, h_ref, g_ref):
        h = jnp.dot(x_ref[...], w_ref[...],
                    preferred_element_type=jnp.float32) + b_ref[...]
        h_ref[...] = h
        g_ref[...] = d_ref[...] * h

    return pl.pallas_call(
        body,
        grid=(Nn // _BN,),
        in_specs=[
            pl.BlockSpec((_BN, Din), lambda i: (i, 0)),
            pl.BlockSpec((Din, Hh), lambda i: (0, 0)),
            pl.BlockSpec((1, Hh), lambda i: (0, 0)),
            pl.BlockSpec((_BN, 1), lambda i: (i, 0)),
        ],
        out_specs=[pl.BlockSpec((_BN, Hh), lambda i: (i, 0))] * 2,
        out_shape=[jax.ShapeDtypeStruct((Nn, Hh), jnp.float32)] * 2,
    )(x, W, b.reshape(1, -1), dis)


_GW2 = 72


def _combine_relu_mm_scale(h, Sp, coef, dis, W, b):
    Nn, H1 = h.shape
    H2 = W.shape[1]

    def body(h_ref, sp_ref, c_ref, d_ref, w_ref, b_ref, h2_ref, g2_ref):
        S = sp_ref[0, :, :H1] + sp_ref[1, :, :H1]
        d = d_ref[...]
        z = c_ref[...] * h_ref[...] + d * S
        a = jnp.maximum(z, 0.0)
        h2 = jnp.dot(a, w_ref[...],
                     preferred_element_type=jnp.float32) + b_ref[...]
        h2_ref[...] = h2
        pad = jnp.zeros((a.shape[0], _GW2 - H1 - 1), jnp.float32)
        g2_ref[...] = jnp.concatenate([d * a, d, pad], axis=1)

    return pl.pallas_call(
        body,
        grid=(Nn // _BN,),
        in_specs=[
            pl.BlockSpec((_BN, H1), lambda i: (i, 0)),
            pl.BlockSpec((_NC, _BN, H1), lambda i: (0, i, 0)),
            pl.BlockSpec((_BN, 1), lambda i: (i, 0)),
            pl.BlockSpec((_BN, 1), lambda i: (i, 0)),
            pl.BlockSpec((H1, H2), lambda i: (0, 0)),
            pl.BlockSpec((1, H2), lambda i: (0, 0)),
        ],
        out_specs=[pl.BlockSpec((_BN, H2), lambda i: (i, 0)),
                   pl.BlockSpec((_BN, _GW2), lambda i: (i, 0))],
        out_shape=[jax.ShapeDtypeStruct((Nn, H2), jnp.float32),
                   jax.ShapeDtypeStruct((Nn, _GW2), jnp.float32)],
    )(h, Sp, coef, dis, W, b.reshape(1, -1))


def _combine_logsoftmax(h, Sp, coef, dis, W, b):
    Nn, H2 = h.shape
    H1 = W.shape[0]

    def body(h_ref, sp_ref, c_ref, d_ref, w_ref, b_ref, o_ref):
        Sa = sp_ref[0] + sp_ref[1]
        S2 = jnp.dot(Sa[:, :H1], w_ref[...],
                     preferred_element_type=jnp.float32) \
             + Sa[:, H1:H1 + 1] * b_ref[...]
        z = c_ref[...] * h_ref[...] + d_ref[...] * S2
        m = jnp.max(z, axis=1, keepdims=True)
        e = jnp.exp(z - m)
        lse = jnp.log(jnp.sum(e, axis=1, keepdims=True)) + m
        o_ref[...] = z - lse

    return pl.pallas_call(
        body,
        grid=(Nn // _BN,),
        in_specs=[
            pl.BlockSpec((_BN, H2), lambda i: (i, 0)),
            pl.BlockSpec((_NC, _BN, _GW2), lambda i: (0, i, 0)),
            pl.BlockSpec((_BN, 1), lambda i: (i, 0)),
            pl.BlockSpec((_BN, 1), lambda i: (i, 0)),
            pl.BlockSpec((H1, H2), lambda i: (0, 0)),
            pl.BlockSpec((1, H2), lambda i: (0, 0)),
        ],
        out_specs=pl.BlockSpec((_BN, H2), lambda i: (i, 0)),
        out_shape=jax.ShapeDtypeStruct((Nn, H2), jnp.float32),
    )(h, Sp, coef, dis, W, b.reshape(1, -1))



def kernel(x, edge_index, W1, b1, W2, b2):
    Nn, D = x.shape
    H = W1.shape[1]
    E = edge_index.shape[1]
    Np = _pad_to(Nn, 16 * _NS)

    nw = _NC * _NS
    ei_deg = edge_index.reshape(2, _NS, (E // _NS) // 80, 80)
    ei_row = edge_index.reshape(2, nw, E // nw)
    ei_col = edge_index.reshape(2, nw, (E // nw) // _KS, _KS)
    zeros_s1 = jnp.zeros((_KS, H), jnp.float32)
    zeros_s2 = jnp.zeros((_KS, _GW2), jnp.float32)

    cnt = _make_deg_kernel(E, Np)(ei_deg).reshape(_NC, Np)
    cnt_row = cnt[0, :Nn]
    cnt_col = cnt[1, :Nn]
    dis1 = lax.rsqrt(cnt_row + 1.0)
    dis = dis1.reshape(Nn, 1)
    coef = (cnt_col + 1.0 + dis1 * dis1).reshape(Nn, 1)

    h1, g1 = _matmul_bias_scale(x, W1, b1, dis)
    S1p = _make_scatter_kernel(E, Nn, H, nbuf=10)(ei_col, g1, zeros_s1)
    h2, g2 = _combine_relu_mm_scale(h1, S1p, coef, dis, W2, b2)
    S2p = _make_scatter_kernel(E, Nn, _GW2, nbuf=9)(ei_col, g2, zeros_s2)
    return _combine_logsoftmax(h2, S2p, coef, dis, W2, b2)

# --- scband reference (transcript-rebuilt; emitter-appended) ---
"""Pipeline reference for scband-net-m-27943057227873 (READ-ONLY COPY).

The authoritative reference and input builder live on the scoring server;
editing this copy changes nothing except your own understanding.
"""

import jax, jax.numpy as jnp
import numpy as np

N = 10000
D = 128
E = 320000


def setup_inputs(seed: int = 0):
    key = jax.random.key(seed)
    k1, k2, k3, k4 = jax.random.split(key, 4)
    x = jax.random.normal(k1, (N, D), dtype=jnp.float32)
    edge_index = jax.random.randint(k2, (2, E), 0, N, dtype=jnp.int32)
    H = D // 2
    W1 = jax.random.normal(k3, (D, H), dtype=jnp.float32) * (1.0 / np.sqrt(D))
    b1 = jnp.zeros((H,), dtype=jnp.float32)
    W2 = jax.random.normal(k4, (H, D), dtype=jnp.float32) * (1.0 / np.sqrt(H))
    b2 = jnp.zeros((D,), dtype=jnp.float32)
    return {"x": x, "edge_index": edge_index, "W1": W1, "b1": b1, "W2": W2, "b2": b2}


def _gcn_conv(x, edge_index, W, b):
    n = x.shape[0]
    loops = jnp.arange(n, dtype=edge_index.dtype)
    ei = jnp.concatenate([edge_index, jnp.stack([loops, loops], axis=0)], axis=1)
    h = x @ W + b
    row, col = ei[0], ei[1]
    deg = jax.ops.segment_sum(jnp.ones(ei.shape[1], dtype=h.dtype), row, num_segments=n)
    deg_inv_sqrt = jnp.power(deg, -0.5)
    norm = deg_inv_sqrt[row] * deg_inv_sqrt[col]
    # message: x_i + norm * x_j  (x_i = h[col] target, x_j = h[row] source, PyG source_to_target flow)
    msg = h[col] + norm[:, None] * h[row]
    # aggr='add': scatter-add messages into target nodes
    return jax.ops.segment_sum(msg, col, num_segments=n)


def reference(x, edge_index, W1, b1, W2, b2):
    h = _gcn_conv(x, edge_index, W1, b1)
    h = jax.nn.relu(h)
    # F.dropout(x, training=self.training): identity in eval mode
    h = _gcn_conv(h, edge_index, W2, b2)
    return jax.nn.log_softmax(h, axis=1)

if __name__ == "__main__":
    import jax
    _d = setup_inputs()
    print(jax.jit(kernel)(*tuple(_d.values())))

</pallas_src>

<mosaic_0001>
#map = affine_map<(d0, d1) -> (0, 0, 0, 0)>
#map1 = affine_map<(d0, d1) -> (0, 0)>
#map2 = affine_map<(d0, d1) -> (0, 0, 0)>
module attributes {stable_mosaic.version = 14 : i64} {
  func.func @scatter_sc(%arg0: i32, %arg1: i32, %arg2: memref<2x32x125x80xi32, #tpu.memory_space<hbm>>, %arg3: memref<10000x72xf32, #tpu.memory_space<hbm>>, %arg4: memref<80x72xf32, #tpu.memory_space<hbm>>, %arg5: memref<2x10240x72xf32, #tpu.memory_space<hbm>>, %arg6: memref<125x80xi32, #tpu.memory_space<vmem>>, %arg7: memref<125x80xi32, #tpu.memory_space<vmem>>, %arg8: memref<80x72xf32, #tpu.memory_space<vmem>>, %arg9: memref<80x72xf32, #tpu.memory_space<vmem>>, %arg10: memref<80x72xf32, #tpu.memory_space<vmem>>, %arg11: memref<80x72xf32, #tpu.memory_space<vmem>>, %arg12: memref<80x72xf32, #tpu.memory_space<vmem>>, %arg13: memref<80x72xf32, #tpu.memory_space<vmem>>, %arg14: memref<80x72xf32, #tpu.memory_space<vmem>>, %arg15: memref<80x72xf32, #tpu.memory_space<vmem>>, %arg16: memref<80x72xf32, #tpu.memory_space<vmem>>, %arg17: memref<10240x72xf32, #tpu.memory_space<vmem_shared>>, %arg18: memref<!tpu.dma_semaphore, #tpu.memory_space<semaphore_mem>>, %arg19: memref<!tpu.dma_semaphore, #tpu.memory_space<semaphore_mem>>, %arg20: memref<!tpu.dma_semaphore, #tpu.memory_space<semaphore_mem>>, %arg21: memref<!tpu.dma_semaphore, #tpu.memory_space<semaphore_mem>>, %arg22: memref<!tpu.dma_semaphore, #tpu.memory_space<semaphore_mem>>, %arg23: memref<!tpu.dma_semaphore, #tpu.memory_space<semaphore_mem>>, %arg24: memref<!tpu.dma_semaphore, #tpu.memory_space<semaphore_mem>>, %arg25: memref<!tpu.dma_semaphore, #tpu.memory_space<semaphore_mem>>, %arg26: memref<!tpu.dma_semaphore, #tpu.memory_space<semaphore_mem>>) attributes {dimension_semantics = [#tpu.dimension_semantics<core_parallel>, #tpu.dimension_semantics<subcore_parallel>], iteration_bounds = array<i64: 2, 16>, scalar_prefetch = 0 : i64, scratch_operands = 21 : i64, tpu.core_type = #tpu.core_type<sc_vector_subcore>, window_params = [{transform_indices = #map}, {transform_indices = #map1}, {transform_indices = #map1}, {transform_indices = #map2}]} {
    %mul3A = arith.constant 16 : i32
    %mul3A_0 = arith.muli %arg0, %mul3A : i32
    %add3A = arith.addi %mul3A_0, %arg1 : i32
    "tpu.region"() ({
      %run_scoped3A_356 = tpu.sem_alloc : memref<!tpu.dma_semaphore, #tpu.memory_space<semaphore_mem>>
      tpu.enqueue_dma source(%arg4 : memref<80x72xf32, #tpu.memory_space<hbm>>) target(%arg8 : memref<80x72xf32, #tpu.memory_space<vmem>>) target_semaphore(%run_scoped3A_356 : memref<!tpu.dma_semaphore, #tpu.memory_space<semaphore_mem>>)
      tpu.wait_dma2 semaphore(%run_scoped3A_356 : memref<!tpu.dma_semaphore, #tpu.memory_space<semaphore_mem>>) src(%arg4 : memref<80x72xf32, #tpu.memory_space<hbm>>) dst(%arg8 : memref<80x72xf32, #tpu.memory_space<vmem>>)
      tpu.yield
    }) : () -> ()
    %mul3A_1 = arith.constant 640 : i32
    %mul3A_2 = arith.muli %arg1, %mul3A_1 : i32
    %add3A_3 = arith.constant 0 : i32
    %add3A_4 = arith.addi %mul3A_2, %add3A_3 : i32
    "tpu.region"() ({
      %run_scoped3A_356 = tpu.sem_alloc : memref<!tpu.dma_semaphore, #tpu.memory_space<semaphore_mem>>
      %dma_start3A_357 = arith.constant 0 : i32
      %dma_start3A_358 = tpu.memref_slice %arg17[%add3A_4, %dma_start3A_357] : memref<10240x72xf32, #tpu.memory_space<vmem_shared>> -> memref<80x72xf32, #tpu.memory_space<vmem_shared>>
      %dma_start3A_359 = arith.constant 0 : i32
      %dma_start3A_360 = tpu.memref_slice %arg17[%add3A_4, %dma_start3A_359] : memref<10240x72xf32, #tpu.memory_space<vmem_shared>> -> memref<80x72xf32, #tpu.memory_space<vmem_shared>>
      tpu.enqueue_dma source(%arg8 : memref<80x72xf32, #tpu.memory_space<vmem>>) target(%dma_start3A_360 : memref<80x72xf32, #tpu.memory_space<vmem_shared>>) target_semaphore(%run_scoped3A_356 : memref<!tpu.dma_semaphore, #tpu.memory_space<semaphore_mem>>)
      %dma_wait3A_361 = arith.constant 0 : i32
      %dma_wait3A_362 = tpu.memref_slice %arg17[%add3A_4, %dma_wait3A_361] : memref<10240x72xf32, #tpu.memory_space<vmem_shared>> -> memref<80x72xf32, #tpu.memory_space<vmem_shared>>
      %dma_wait3A_363 = arith.constant 0 : i32
      %dma_wait3A_364 = tpu.memref_slice %arg17[%add3A_4, %dma_wait3A_363] : memref<10240x72xf32, #tpu.memory_space<vmem_shared>> -> memref<80x72xf32, #tpu.memory_space<vmem_shared>>
      tpu.wait_dma2 semaphore(%run_scoped3A_356 : memref<!tpu.dma_semaphore, #tpu.memory_space<semaphore_mem>>) src(%arg8 : memref<80x72xf32, #tpu.memory_space<vmem>>) dst(%dma_wait3A_364 : memref<80x72xf32, #tpu.memory_space<vmem_shared>>)
      tpu.yield
    }) : () -> ()
    %mul3A_5 = arith.constant 640 : i32
    %mul3A_6 = arith.muli %arg1, %mul3A_5 : i32
    %add3A_7 = arith.constant 80 : i32
    %add3A_8 = arith.addi %mul3A_6, %add3A_7 : i32
    "tpu.region"() ({
      %run_scoped3A_356 = tpu.sem_alloc : memref<!tpu.dma_semaphore, #tpu.memory_space<semaphore_mem>>
      %dma_start3A_357 = arith.constant 0 : i32
      %dma_start3A_358 = tpu.memref_slice %arg17[%add3A_8, %dma_start3A_357] : memref<10240x72xf32, #tpu.memory_space<vmem_shared>> -> memref<80x72xf32, #tpu.memory_space<vmem_shared>>
      %dma_start3A_359 = arith.constant 0 : i32
      %dma_start3A_360 = tpu.memref_slice %arg17[%add3A_8, %dma_start3A_359] : memref<10240x72xf32, #tpu.memory_space<vmem_shared>> -> memref<80x72xf32, #tpu.memory_space<vmem_shared>>
      tpu.enqueue_dma source(%arg8 : memref<80x72xf32, #tpu.memory_space<vmem>>) target(%dma_start3A_360 : memref<80x72xf32, #tpu.memory_space<vmem_shared>>) target_semaphore(%run_scoped3A_356 : memref<!tpu.dma_semaphore, #tpu.memory_space<semaphore_mem>>)
      %dma_wait3A_361 = arith.constant 0 : i32
      %dma_wait3A_362 = tpu.memref_slice %arg17[%add3A_8, %dma_wait3A_361] : memref<10240x72xf32, #tpu.memory_space<vmem_shared>> -> memref<80x72xf32, #tpu.memory_space<vmem_shared>>
      %dma_wait3A_363 = arith.constant 0 : i32
      %dma_wait3A_364 = tpu.memref_slice %arg17[%add3A_8, %dma_wait3A_363] : memref<10240x72xf32, #tpu.memory_space<vmem_shared>> -> memref<80x72xf32, #tpu.memory_space<vmem_shared>>
      tpu.wait_dma2 semaphore(%run_scoped3A_356 : memref<!tpu.dma_semaphore, #tpu.memory_space<semaphore_mem>>) src(%arg8 : memref<80x72xf32, #tpu.memory_space<vmem>>) dst(%dma_wait3A_364 : memref<80x72xf32, #tpu.memory_space<vmem_shared>>)
      tpu.yield
    }) : () -> ()
    %mul3A_9 = arith.constant 640 : i32
    %mul3A_10 = arith.muli %arg1, %mul3A_9 : i32
    %add3A_11 = arith.constant 160 : i32
    %add3A_12 = arith.addi %mul3A_10, %add3A_11 : i32
    "tpu.region"() ({
      %run_scoped3A_356 = tpu.sem_alloc : memref<!tpu.dma_semaphore, #tpu.memory_space<semaphore_mem>>
      %dma_start3A_357 = arith.constant 0 : i32
      %dma_start3A_358 = tpu.memref_slice %arg17[%add3A_12, %dma_start3A_357] : memref<10240x72xf32, #tpu.memory_space<vmem_shared>> -> memref<80x72xf32, #tpu.memory_space<vmem_shared>>
      %dma_start3A_359 = arith.constant 0 : i32
      %dma_start3A_360 = tpu.memref_slice %arg17[%add3A_12, %dma_start3A_359] : memref<10240x72xf32, #tpu.memory_space<vmem_shared>> -> memref<80x72xf32, #tpu.memory_space<vmem_shared>>
      tpu.enqueue_dma source(%arg8 : memref<80x72xf32, #tpu.memory_space<vmem>>) target(%dma_start3A_360 : memref<80x72xf32, #tpu.memory_space<vmem_shared>>) target_semaphore(%run_scoped3A_356 : memref<!tpu.dma_semaphore, #tpu.memory_space<semaphore_mem>>)
      %dma_wait3A_361 = arith.constant 0 : i32
      %dma_wait3A_362 = tpu.memref_slice %arg17[%add3A_12, %dma_wait3A_361] : memref<10240x72xf32, #tpu.memory_space<vmem_shared>> -> memref<80x72xf32, #tpu.memory_space<vmem_shared>>
      %dma_wait3A_363 = arith.constant 0 : i32
      %dma_wait3A_364 = tpu.memref_slice %arg17[%add3A_12, %dma_wait3A_363] : memref<10240x72xf32, #tpu.memory_space<vmem_shared>> -> memref<80x72xf32, #tpu.memory_space<vmem_shared>>
      tpu.wait_dma2 semaphore(%run_scoped3A_356 : memref<!tpu.dma_semaphore, #tpu.memory_space<semaphore_mem>>) src(%arg8 : memref<80x72xf32, #tpu.memory_space<vmem>>) dst(%dma_wait3A_364 : memref<80x72xf32, #tpu.memory_space<vmem_shared>>)
      tpu.yield
    }) : () -> ()
    %mul3A_13 = arith.constant 640 : i32
    %mul3A_14 = arith.muli %arg1, %mul3A_13 : i32
    %add3A_15 = arith.constant 240 : i32
    %add3A_16 = arith.addi %mul3A_14, %add3A_15 : i32
    "tpu.region"() ({
      %run_scoped3A_356 = tpu.sem_alloc : memref<!tpu.dma_semaphore, #tpu.memory_space<semaphore_mem>>
      %dma_start3A_357 = arith.constant 0 : i32
      %dma_start3A_358 = tpu.memref_slice %arg17[%add3A_16, %dma_start3A_357] : memref<10240x72xf32, #tpu.memory_space<vmem_shared>> -> memref<80x72xf32, #tpu.memory_space<vmem_shared>>
      %dma_start3A_359 = arith.constant 0 : i32
      %dma_start3A_360 = tpu.memref_slice %arg17[%add3A_16, %dma_start3A_359] : memref<10240x72xf32, #tpu.memory_space<vmem_shared>> -> memref<80x72xf32, #tpu.memory_space<vmem_shared>>
      tpu.enqueue_dma source(%arg8 : memref<80x72xf32, #tpu.memory_space<vmem>>) target(%dma_start3A_360 : memref<80x72xf32, #tpu.memory_space<vmem_shared>>) target_semaphore(%run_scoped3A_356 : memref<!tpu.dma_semaphore, #tpu.memory_space<semaphore_mem>>)
      %dma_wait3A_361 = arith.constant 0 : i32
      %dma_wait3A_362 = tpu.memref_slice %arg17[%add3A_16, %dma_wait3A_361] : memref<10240x72xf32, #tpu.memory_space<vmem_shared>> -> memref<80x72xf32, #tpu.memory_space<vmem_shared>>
      %dma_wait3A_363 = arith.constant 0 : i32
      %dma_wait3A_364 = tpu.memref_slice %arg17[%add3A_16, %dma_wait3A_363] : memref<10240x72xf32, #tpu.memory_space<vmem_shared>> -> memref<80x72xf32, #tpu.memory_space<vmem_shared>>
      tpu.wait_dma2 semaphore(%run_scoped3A_356 : memref<!tpu.dma_semaphore, #tpu.memory_space<semaphore_mem>>) src(%arg8 : memref<80x72xf32, #tpu.memory_space<vmem>>) dst(%dma_wait3A_364 : memref<80x72xf32, #tpu.memory_space<vmem_shared>>)
      tpu.yield
    }) : () -> ()
    %mul3A_17 = arith.constant 640 : i32
    %mul3A_18 = arith.muli %arg1, %mul3A_17 : i32
    %add3A_19 = arith.constant 320 : i32
    %add3A_20 = arith.addi %mul3A_18, %add3A_19 : i32
    "tpu.region"() ({
      %run_scoped3A_356 = tpu.sem_alloc : memref<!tpu.dma_semaphore, #tpu.memory_space<semaphore_mem>>
      %dma_start3A_357 = arith.constant 0 : i32
      %dma_start3A_358 = tpu.memref_slice %arg17[%add3A_20, %dma_start3A_357] : memref<10240x72xf32, #tpu.memory_space<vmem_shared>> -> memref<80x72xf32, #tpu.memory_space<vmem_shared>>
      %dma_start3A_359 = arith.constant 0 : i32
      %dma_start3A_360 = tpu.memref_slice %arg17[%add3A_20, %dma_start3A_359] : memref<10240x72xf32, #tpu.memory_space<vmem_shared>> -> memref<80x72xf32, #tpu.memory_space<vmem_shared>>
      tpu.enqueue_dma source(%arg8 : memref<80x72xf32, #tpu.memory_space<vmem>>) target(%dma_start3A_360 : memref<80x72xf32, #tpu.memory_space<vmem_shared>>) target_semaphore(%run_scoped3A_356 : memref<!tpu.dma_semaphore, #tpu.memory_space<semaphore_mem>>)
      %dma_wait3A_361 = arith.constant 0 : i32
      %dma_wait3A_362 = tpu.memref_slice %arg17[%add3A_20, %dma_wait3A_361] : memref<10240x72xf32, #tpu.memory_space<vmem_shared>> -> memref<80x72xf32, #tpu.memory_space<vmem_shared>>
      %dma_wait3A_363 = arith.constant 0 : i32
      %dma_wait3A_364 = tpu.memref_slice %arg17[%add3A_20, %dma_wait3A_363] : memref<10240x72xf32, #tpu.memory_space<vmem_shared>> -> memref<80x72xf32, #tpu.memory_space<vmem_shared>>
      tpu.wait_dma2 semaphore(%run_scoped3A_356 : memref<!tpu.dma_semaphore, #tpu.memory_space<semaphore_mem>>) src(%arg8 : memref<80x72xf32, #tpu.memory_space<vmem>>) dst(%dma_wait3A_364 : memref<80x72xf32, #tpu.memory_space<vmem_shared>>)
      tpu.yield
    }) : () -> ()
    %mul3A_21 = arith.constant 640 : i32
    %mul3A_22 = arith.muli %arg1, %mul3A_21 : i32
    %add3A_23 = arith.constant 400 : i32
    %add3A_24 = arith.addi %mul3A_22, %add3A_23 : i32
    "tpu.region"() ({
      %run_scoped3A_356 = tpu.sem_alloc : memref<!tpu.dma_semaphore, #tpu.memory_space<semaphore_mem>>
      %dma_start3A_357 = arith.constant 0 : i32
      %dma_start3A_358 = tpu.memref_slice %arg17[%add3A_24, %dma_start3A_357] : memref<10240x72xf32, #tpu.memory_space<vmem_shared>> -> memref<80x72xf32, #tpu.memory_space<vmem_shared>>
      %dma_start3A_359 = arith.constant 0 : i32
      %dma_start3A_360 = tpu.memref_slice %arg17[%add3A_24, %dma_start3A_359] : memref<10240x72xf32, #tpu.memory_space<vmem_shared>> -> memref<80x72xf32, #tpu.memory_space<vmem_shared>>
      tpu.enqueue_dma source(%arg8 : memref<80x72xf32, #tpu.memory_space<vmem>>) target(%dma_start3A_360 : memref<80x72xf32, #tpu.memory_space<vmem_shared>>) target_semaphore(%run_scoped3A_356 : memref<!tpu.dma_semaphore, #tpu.memory_space<semaphore_mem>>)
      %dma_wait3A_361 = arith.constant 0 : i32
      %dma_wait3A_362 = tpu.memref_slice %arg17[%add3A_24, %dma_wait3A_361] : memref<10240x72xf32, #tpu.memory_space<vmem_shared>> -> memref<80x72xf32, #tpu.memory_space<vmem_shared>>
      %dma_wait3A_363 = arith.constant 0 : i32
      %dma_wait3A_364 = tpu.memref_slice %arg17[%add3A_24, %dma_wait3A_363] : memref<10240x72xf32, #tpu.memory_space<vmem_shared>> -> memref<80x72xf32, #tpu.memory_space<vmem_shared>>
      tpu.wait_dma2 semaphore(%run_scoped3A_356 : memref<!tpu.dma_semaphore, #tpu.memory_space<semaphore_mem>>) src(%arg8 : memref<80x72xf32, #tpu.memory_space<vmem>>) dst(%dma_wait3A_364 : memref<80x72xf32, #tpu.memory_space<vmem_shared>>)
      tpu.yield
    }) : () -> ()
    %mul3A_25 = arith.constant 640 : i32
    %mul3A_26 = arith.muli %arg1, %mul3A_25 : i32
    %add3A_27 = arith.constant 480 : i32
    %add3A_28 = arith.addi %mul3A_26, %add3A_27 : i32
    "tpu.region"() ({
      %run_scoped3A_356 = tpu.sem_alloc : memref<!tpu.dma_semaphore, #tpu.memory_space<semaphore_mem>>
      %dma_start3A_357 = arith.constant 0 : i32
      %dma_start3A_358 = tpu.memref_slice %arg17[%add3A_28, %dma_start3A_357] : memref<10240x72xf32, #tpu.memory_space<vmem_shared>> -> memref<80x72xf32, #tpu.memory_space<vmem_shared>>
      %dma_start3A_359 = arith.constant 0 : i32
      %dma_start3A_360 = tpu.memref_slice %arg17[%add3A_28, %dma_start3A_359] : memref<10240x72xf32, #tpu.memory_space<vmem_shared>> -> memref<80x72xf32, #tpu.memory_space<vmem_shared>>
      tpu.enqueue_dma source(%arg8 : memref<80x72xf32, #tpu.memory_space<vmem>>) target(%dma_start3A_360 : memref<80x72xf32, #tpu.memory_space<vmem_shared>>) target_semaphore(%run_scoped3A_356 : memref<!tpu.dma_semaphore, #tpu.memory_space<semaphore_mem>>)
      %dma_wait3A_361 = arith.constant 0 : i32
      %dma_wait3A_362 = tpu.memref_slice %arg17[%add3A_28, %dma_wait3A_361] : memref<10240x72xf32, #tpu.memory_space<vmem_shared>> -> memref<80x72xf32, #tpu.memory_space<vmem_shared>>
      %dma_wait3A_363 = arith.constant 0 : i32
      %dma_wait3A_364 = tpu.memref_slice %arg17[%add3A_28, %dma_wait3A_363] : memref<10240x72xf32, #tpu.memory_space<vmem_shared>> -> memref<80x72xf32, #tpu.memory_space<vmem_shared>>
      tpu.wait_dma2 semaphore(%run_scoped3A_356 : memref<!tpu.dma_semaphore, #tpu.memory_space<semaphore_mem>>) src(%arg8 : memref<80x72xf32, #tpu.memory_space<vmem>>) dst(%dma_wait3A_364 : memref<80x72xf32, #tpu.memory_space<vmem_shared>>)
      tpu.yield
    }) : () -> ()
    %mul3A_29 = arith.constant 640 : i32
    %mul3A_30 = arith.muli %arg1, %mul3A_29 : i32
    %add3A_31 = arith.constant 560 : i32
    %add3A_32 = arith.addi %mul3A_30, %add3A_31 : i32
    "tpu.region"() ({
      %run_scoped3A_356 = tpu.sem_alloc : memref<!tpu.dma_semaphore, #tpu.memory_space<semaphore_mem>>
      %dma_start3A_357 = arith.constant 0 : i32
      %dma_start3A_358 = tpu.memref_slice %arg17[%add3A_32, %dma_start3A_357] : memref<10240x72xf32, #tpu.memory_space<vmem_shared>> -> memref<80x72xf32, #tpu.memory_space<vmem_shared>>
      %dma_start3A_359 = arith.constant 0 : i32
      %dma_start3A_360 = tpu.memref_slice %arg17[%add3A_32, %dma_start3A_359] : memref<10240x72xf32, #tpu.memory_space<vmem_shared>> -> memref<80x72xf32, #tpu.memory_space<vmem_shared>>
      tpu.enqueue_dma source(%arg8 : memref<80x72xf32, #tpu.memory_space<vmem>>) target(%dma_start3A_360 : memref<80x72xf32, #tpu.memory_space<vmem_shared>>) target_semaphore(%run_scoped3A_356 : memref<!tpu.dma_semaphore, #tpu.memory_space<semaphore_mem>>)
      %dma_wait3A_361 = arith.constant 0 : i32
      %dma_wait3A_362 = tpu.memref_slice %arg17[%add3A_32, %dma_wait3A_361] : memref<10240x72xf32, #tpu.memory_space<vmem_shared>> -> memref<80x72xf32, #tpu.memory_space<vmem_shared>>
      %dma_wait3A_363 = arith.constant 0 : i32
      %dma_wait3A_364 = tpu.memref_slice %arg17[%add3A_32, %dma_wait3A_363] : memref<10240x72xf32, #tpu.memory_space<vmem_shared>> -> memref<80x72xf32, #tpu.memory_space<vmem_shared>>
      tpu.wait_dma2 semaphore(%run_scoped3A_356 : memref<!tpu.dma_semaphore, #tpu.memory_space<semaphore_mem>>) src(%arg8 : memref<80x72xf32, #tpu.memory_space<vmem>>) dst(%dma_wait3A_364 : memref<80x72xf32, #tpu.memory_space<vmem_shared>>)
      tpu.yield
    }) : () -> ()
    %run_scoped3A = arith.constant 0 : i32
    "tpu.region"() ({
      %run_scoped3A_356 = tpu.sem_alloc : memref<!tpu.dma_semaphore, #tpu.memory_space<semaphore_mem>>
      %dma_start3A_357 = arith.constant 0 : i32
      %dma_start3A_358 = arith.constant 0 : i32
      %dma_start3A_359 = tpu.memref_slice %arg2[%run_scoped3A, %add3A, %dma_start3A_357, %dma_start3A_358] : memref<2x32x125x80xi32, #tpu.memory_space<hbm>> -> memref<1x1x125x80xi32, #tpu.memory_space<hbm>>
      %dma_start3A_360 = tpu.memref_squeeze %dma_start3A_359 : memref<1x1x125x80xi32, #tpu.memory_space<hbm>> -> memref<125x80xi32, #tpu.memory_space<hbm>>
      %dma_start3A_361 = arith.constant 0 : i32
      %dma_start3A_362 = arith.constant 0 : i32
      %dma_start3A_363 = tpu.memref_slice %arg2[%run_scoped3A, %add3A, %dma_start3A_361, %dma_start3A_362] : memref<2x32x125x80xi32, #tpu.memory_space<hbm>> -> memref<1x1x125x80xi32, #tpu.memory_space<hbm>>
      %dma_start3A_364 = tpu.memref_squeeze %dma_start3A_363 : memref<1x1x125x80xi32, #tpu.memory_space<hbm>> -> memref<125x80xi32, #tpu.memory_space<hbm>>
      tpu.enqueue_dma source(%dma_start3A_364 : memref<125x80xi32, #tpu.memory_space<hbm>>) target(%arg6 : memref<125x80xi32, #tpu.memory_space<vmem>>) target_semaphore(%run_scoped3A_356 : memref<!tpu.dma_semaphore, #tpu.memory_space<semaphore_mem>>)
      %dma_wait3A_365 = arith.constant 0 : i32
      %dma_wait3A_366 = arith.constant 0 : i32
      %dma_wait3A_367 = tpu.memref_slice %arg2[%run_scoped3A, %add3A, %dma_wait3A_365, %dma_wait3A_366] : memref<2x32x125x80xi32, #tpu.memory_space<hbm>> -> memref<1x1x125x80xi32, #tpu.memory_space<hbm>>
      %dma_wait3A_368 = tpu.memref_squeeze %dma_wait3A_367 : memref<1x1x125x80xi32, #tpu.memory_space<hbm>> -> memref<125x80xi32, #tpu.memory_space<hbm>>
      %dma_wait3A_369 = arith.constant 0 : i32
      %dma_wait3A_370 = arith.constant 0 : i32
      %dma_wait3A_371 = tpu.memref_slice %arg2[%run_scoped3A, %add3A, %dma_wait3A_369, %dma_wait3A_370] : memref<2x32x125x80xi32, #tpu.memory_space<hbm>> -> memref<1x1x125x80xi32, #tpu.memory_space<hbm>>
      %dma_wait3A_372 = tpu.memref_squeeze %dma_wait3A_371 : memref<1x1x125x80xi32, #tpu.memory_space<hbm>> -> memref<125x80xi32, #tpu.memory_space<hbm>>
      tpu.wait_dma2 semaphore(%run_scoped3A_356 : memref<!tpu.dma_semaphore, #tpu.memory_space<semaphore_mem>>) src(%dma_wait3A_372 : memref<125x80xi32, #tpu.memory_space<hbm>>) dst(%arg6 : memref<125x80xi32, #tpu.memory_space<vmem>>)
      tpu.yield
    }) : () -> ()
    %run_scoped3A_33 = arith.constant 1 : i32
    "tpu.region"() ({
      %run_scoped3A_356 = tpu.sem_alloc : memref<!tpu.dma_semaphore, #tpu.memory_space<semaphore_mem>>
      %dma_start3A_357 = arith.constant 0 : i32
      %dma_start3A_358 = arith.constant 0 : i32
      %dma_start3A_359 = tpu.memref_slice %arg2[%run_scoped3A_33, %add3A, %dma_start3A_357, %dma_start3A_358] : memref<2x32x125x80xi32, #tpu.memory_space<hbm>> -> memref<1x1x125x80xi32, #tpu.memory_space<hbm>>
      %dma_start3A_360 = tpu.memref_squeeze %dma_start3A_359 : memref<1x1x125x80xi32, #tpu.memory_space<hbm>> -> memref<125x80xi32, #tpu.memory_space<hbm>>
      %dma_start3A_361 = arith.constant 0 : i32
      %dma_start3A_362 = arith.constant 0 : i32
      %dma_start3A_363 = tpu.memref_slice %arg2[%run_scoped3A_33, %add3A, %dma_start3A_361, %dma_start3A_362] : memref<2x32x125x80xi32, #tpu.memory_space<hbm>> -> memref<1x1x125x80xi32, #tpu.memory_space<hbm>>
      %dma_start3A_364 = tpu.memref_squeeze %dma_start3A_363 : memref<1x1x125x80xi32, #tpu.memory_space<hbm>> -> memref<125x80xi32, #tpu.memory_space<hbm>>
      tpu.enqueue_dma source(%dma_start3A_364 : memref<125x80xi32, #tpu.memory_space<hbm>>) target(%arg7 : memref<125x80xi32, #tpu.memory_space<vmem>>) target_semaphore(%run_scoped3A_356 : memref<!tpu.dma_semaphore, #tpu.memory_space<semaphore_mem>>)
      %dma_wait3A_365 = arith.constant 0 : i32
      %dma_wait3A_366 = arith.constant 0 : i32
      %dma_wait3A_367 = tpu.memref_slice %arg2[%run_scoped3A_33, %add3A, %dma_wait3A_365, %dma_wait3A_366] : memref<2x32x125x80xi32, #tpu.memory_space<hbm>> -> memref<1x1x125x80xi32, #tpu.memory_space<hbm>>
      %dma_wait3A_368 = tpu.memref_squeeze %dma_wait3A_367 : memref<1x1x125x80xi32, #tpu.memory_space<hbm>> -> memref<125x80xi32, #tpu.memory_space<hbm>>
      %dma_wait3A_369 = arith.constant 0 : i32
      %dma_wait3A_370 = arith.constant 0 : i32
      %dma_wait3A_371 = tpu.memref_slice %arg2[%run_scoped3A_33, %add3A, %dma_wait3A_369, %dma_wait3A_370] : memref<2x32x125x80xi32, #tpu.memory_space<hbm>> -> memref<1x1x125x80xi32, #tpu.memory_space<hbm>>
      %dma_wait3A_372 = tpu.memref_squeeze %dma_wait3A_371 : memref<1x1x125x80xi32, #tpu.memory_space<hbm>> -> memref<125x80xi32, #tpu.memory_space<hbm>>
      tpu.wait_dma2 semaphore(%run_scoped3A_356 : memref<!tpu.dma_semaphore, #tpu.memory_space<semaphore_mem>>) src(%dma_wait3A_372 : memref<125x80xi32, #tpu.memory_space<hbm>>) dst(%arg7 : memref<125x80xi32, #tpu.memory_space<vmem>>)
      tpu.yield
    }) : () -> ()
    %barrier3A = arith.constant 0 : index
    tpu.barrier barrier_id(%barrier3A)
    %dma_start3A = arith.constant 0 : i32
    %dma_start3A_34 = arith.constant 0 : i32
    %dma_start3A_35 = tpu.memref_slice %arg6[%dma_start3A, %dma_start3A_34] : memref<125x80xi32, #tpu.memory_space<vmem>> -> memref<1x80xi32, #tpu.memory_space<vmem>>
    %dma_start3A_36 = tpu.memref_squeeze %dma_start3A_35 : memref<1x80xi32, #tpu.memory_space<vmem>> -> memref<80xi32, #tpu.memory_space<vmem>>
    %dma_start3A_37 = arith.constant 0 : i32
    %dma_start3A_38 = arith.constant 0 : i32
    %dma_start3A_39 = tpu.memref_slice %arg3[%dma_start3A_37, %dma_start3A_38] : memref<10000x72xf32, #tpu.memory_space<hbm>> -> memref<10000x72xf32, #tpu.memory_space<hbm>>
    tpu.enqueue_indirect_dma source(%dma_start3A_39 : memref<10000x72xf32, #tpu.memory_space<hbm>>) target(%arg8 : memref<80x72xf32, #tpu.memory_space<vmem>>) offsets(%dma_start3A_36 : memref<80xi32, #tpu.memory_space<vmem>>) semaphore(%arg18 : memref<!tpu.dma_semaphore, #tpu.memory_space<semaphore_mem>>)
    %dma_start3A_40 = arith.constant 1 : i32
    %dma_start3A_41 = arith.constant 0 : i32
    %dma_start3A_42 = tpu.memref_slice %arg6[%dma_start3A_40, %dma_start3A_41] : memref<125x80xi32, #tpu.memory_space<vmem>> -> memref<1x80xi32, #tpu.memory_space<vmem>>
    %dma_start3A_43 = tpu.memref_squeeze %dma_start3A_42 : memref<1x80xi32, #tpu.memory_space<vmem>> -> memref<80xi32, #tpu.memory_space<vmem>>
    %dma_start3A_44 = arith.constant 0 : i32
    %dma_start3A_45 = arith.constant 0 : i32
    %dma_start3A_46 = tpu.memref_slice %arg3[%dma_start3A_44, %dma_start3A_45] : memref<10000x72xf32, #tpu.memory_space<hbm>> -> memref<10000x72xf32, #tpu.memory_space<hbm>>
    tpu.enqueue_indirect_dma source(%dma_start3A_46 : memref<10000x72xf32, #tpu.memory_space<hbm>>) target(%arg9 : memref<80x72xf32, #tpu.memory_space<vmem>>) offsets(%dma_start3A_43 : memref<80xi32, #tpu.memory_space<vmem>>) semaphore(%arg19 : memref<!tpu.dma_semaphore, #tpu.memory_space<semaphore_mem>>)
    %dma_start3A_47 = arith.constant 2 : i32
    %dma_start3A_48 = arith.constant 0 : i32
    %dma_start3A_49 = tpu.memref_slice %arg6[%dma_start3A_47, %dma_start3A_48] : memref<125x80xi32, #tpu.memory_space<vmem>> -> memref<1x80xi32, #tpu.memory_space<vmem>>
    %dma_start3A_50 = tpu.memref_squeeze %dma_start3A_49 : memref<1x80xi32, #tpu.memory_space<vmem>> -> memref<80xi32, #tpu.memory_space<vmem>>
    %dma_start3A_51 = arith.constant 0 : i32
    %dma_start3A_52 = arith.constant 0 : i32
    %dma_start3A_53 = tpu.memref_slice %arg3[%dma_start3A_51, %dma_start3A_52] : memref<10000x72xf32, #tpu.memory_space<hbm>> -> memref<10000x72xf32, #tpu.memory_space<hbm>>
    tpu.enqueue_indirect_dma source(%dma_start3A_53 : memref<10000x72xf32, #tpu.memory_space<hbm>>) target(%arg10 : memref<80x72xf32, #tpu.memory_space<vmem>>) offsets(%dma_start3A_50 : memref<80xi32, #tpu.memory_space<vmem>>) semaphore(%arg20 : memref<!tpu.dma_semaphore, #tpu.memory_space<semaphore_mem>>)
    %dma_start3A_54 = arith.constant 3 : i32
    %dma_start3A_55 = arith.constant 0 : i32
    %dma_start3A_56 = tpu.memref_slice %arg6[%dma_start3A_54, %dma_start3A_55] : memref<125x80xi32, #tpu.memory_space<vmem>> -> memref<1x80xi32, #tpu.memory_space<vmem>>
    %dma_start3A_57 = tpu.memref_squeeze %dma_start3A_56 : memref<1x80xi32, #tpu.memory_space<vmem>> -> memref<80xi32, #tpu.memory_space<vmem>>
    %dma_start3A_58 = arith.constant 0 : i32
    %dma_start3A_59 = arith.constant 0 : i32
    %dma_start3A_60 = tpu.memref_slice %arg3[%dma_start3A_58, %dma_start3A_59] : memref<10000x72xf32, #tpu.memory_space<hbm>> -> memref<10000x72xf32, #tpu.memory_space<hbm>>
    tpu.enqueue_indirect_dma source(%dma_start3A_60 : memref<10000x72xf32, #tpu.memory_space<hbm>>) target(%arg11 : memref<80x72xf32, #tpu.memory_space<vmem>>) offsets(%dma_start3A_57 : memref<80xi32, #tpu.memory_space<vmem>>) semaphore(%arg21 : memref<!tpu.dma_semaphore, #tpu.memory_space<semaphore_mem>>)
    %dma_start3A_61 = arith.constant 4 : i32
    %dma_start3A_62 = arith.constant 0 : i32
    %dma_start3A_63 = tpu.memref_slice %arg6[%dma_start3A_61, %dma_start3A_62] : memref<125x80xi32, #tpu.memory_space<vmem>> -> memref<1x80xi32, #tpu.memory_space<vmem>>
    %dma_start3A_64 = tpu.memref_squeeze %dma_start3A_63 : memref<1x80xi32, #tpu.memory_space<vmem>> -> memref<80xi32, #tpu.memory_space<vmem>>
    %dma_start3A_65 = arith.constant 0 : i32
    %dma_start3A_66 = arith.constant 0 : i32
    %dma_start3A_67 = tpu.memref_slice %arg3[%dma_start3A_65, %dma_start3A_66] : memref<10000x72xf32, #tpu.memory_space<hbm>> -> memref<10000x72xf32, #tpu.memory_space<hbm>>
    tpu.enqueue_indirect_dma source(%dma_start3A_67 : memref<10000x72xf32, #tpu.memory_space<hbm>>) target(%arg12 : memref<80x72xf32, #tpu.memory_space<vmem>>) offsets(%dma_start3A_64 : memref<80xi32, #tpu.memory_space<vmem>>) semaphore(%arg22 : memref<!tpu.dma_semaphore, #tpu.memory_space<semaphore_mem>>)
    %dma_start3A_68 = arith.constant 5 : i32
    %dma_start3A_69 = arith.constant 0 : i32
    %dma_start3A_70 = tpu.memref_slice %arg6[%dma_start3A_68, %dma_start3A_69] : memref<125x80xi32, #tpu.memory_space<vmem>> -> memref<1x80xi32, #tpu.memory_space<vmem>>
    %dma_start3A_71 = tpu.memref_squeeze %dma_start3A_70 : memref<1x80xi32, #tpu.memory_space<vmem>> -> memref<80xi32, #tpu.memory_space<vmem>>
    %dma_start3A_72 = arith.constant 0 : i32
    %dma_start3A_73 = arith.constant 0 : i32
    %dma_start3A_74 = tpu.memref_slice %arg3[%dma_start3A_72, %dma_start3A_73] : memref<10000x72xf32, #tpu.memory_space<hbm>> -> memref<10000x72xf32, #tpu.memory_space<hbm>>
    tpu.enqueue_indirect_dma source(%dma_start3A_74 : memref<10000x72xf32, #tpu.memory_space<hbm>>) target(%arg13 : memref<80x72xf32, #tpu.memory_space<vmem>>) offsets(%dma_start3A_71 : memref<80xi32, #tpu.memory_space<vmem>>) semaphore(%arg23 : memref<!tpu.dma_semaphore, #tpu.memory_space<semaphore_mem>>)
    %dma_start3A_75 = arith.constant 6 : i32
    %dma_start3A_76 = arith.constant 0 : i32
    %dma_start3A_77 = tpu.memref_slice %arg6[%dma_start3A_75, %dma_start3A_76] : memref<125x80xi32, #tpu.memory_space<vmem>> -> memref<1x80xi32, #tpu.memory_space<vmem>>
    %dma_start3A_78 = tpu.memref_squeeze %dma_start3A_77 : memref<1x80xi32, #tpu.memory_space<vmem>> -> memref<80xi32, #tpu.memory_space<vmem>>
    %dma_start3A_79 = arith.constant 0 : i32
    %dma_start3A_80 = arith.constant 0 : i32
    %dma_start3A_81 = tpu.memref_slice %arg3[%dma_start3A_79, %dma_start3A_80] : memref<10000x72xf32, #tpu.memory_space<hbm>> -> memref<10000x72xf32, #tpu.memory_space<hbm>>
    tpu.enqueue_indirect_dma source(%dma_start3A_81 : memref<10000x72xf32, #tpu.memory_space<hbm>>) target(%arg14 : memref<80x72xf32, #tpu.memory_space<vmem>>) offsets(%dma_start3A_78 : memref<80xi32, #tpu.memory_space<vmem>>) semaphore(%arg24 : memref<!tpu.dma_semaphore, #tpu.memory_space<semaphore_mem>>)
    %dma_start3A_82 = arith.constant 7 : i32
    %dma_start3A_83 = arith.constant 0 : i32
    %dma_start3A_84 = tpu.memref_slice %arg6[%dma_start3A_82, %dma_start3A_83] : memref<125x80xi32, #tpu.memory_space<vmem>> -> memref<1x80xi32, #tpu.memory_space<vmem>>
    %dma_start3A_85 = tpu.memref_squeeze %dma_start3A_84 : memref<1x80xi32, #tpu.memory_space<vmem>> -> memref<80xi32, #tpu.memory_space<vmem>>
    %dma_start3A_86 = arith.constant 0 : i32
    %dma_start3A_87 = arith.constant 0 : i32
    %dma_start3A_88 = tpu.memref_slice %arg3[%dma_start3A_86, %dma_start3A_87] : memref<10000x72xf32, #tpu.memory_space<hbm>> -> memref<10000x72xf32, #tpu.memory_space<hbm>>
    tpu.enqueue_indirect_dma source(%dma_start3A_88 : memref<10000x72xf32, #tpu.memory_space<hbm>>) target(%arg15 : memref<80x72xf32, #tpu.memory_space<vmem>>) offsets(%dma_start3A_85 : memref<80xi32, #tpu.memory_space<vmem>>) semaphore(%arg25 : memref<!tpu.dma_semaphore, #tpu.memory_space<semaphore_mem>>)
    %dma_start3A_89 = arith.constant 8 : i32
    %dma_start3A_90 = arith.constant 0 : i32
    %dma_start3A_91 = tpu.memref_slice %arg6[%dma_start3A_89, %dma_start3A_90] : memref<125x80xi32, #tpu.memory_space<vmem>> -> memref<1x80xi32, #tpu.memory_space<vmem>>
    %dma_start3A_92 = tpu.memref_squeeze %dma_start3A_91 : memref<1x80xi32, #tpu.memory_space<vmem>> -> memref<80xi32, #tpu.memory_space<vmem>>
    %dma_start3A_93 = arith.constant 0 : i32
    %dma_start3A_94 = arith.constant 0 : i32
    %dma_start3A_95 = tpu.memref_slice %arg3[%dma_start3A_93, %dma_start3A_94] : memref<10000x72xf32, #tpu.memory_space<hbm>> -> memref<10000x72xf32, #tpu.memory_space<hbm>>
    tpu.enqueue_indirect_dma source(%dma_start3A_95 : memref<10000x72xf32, #tpu.memory_space<hbm>>) target(%arg16 : memref<80x72xf32, #tpu.memory_space<vmem>>) offsets(%dma_start3A_92 : memref<80xi32, #tpu.memory_space<vmem>>) semaphore(%arg26 : memref<!tpu.dma_semaphore, #tpu.memory_space<semaphore_mem>>)
    %scan3A = arith.constant 0 : i32
    %scan3A_96 = arith.constant 12 : i32
    %scan3A_97 = arith.addi %scan3A, %scan3A_96 : i32
    %scan3A_98 = arith.constant 1 : i32
    scf.for %scan3A_356 = %scan3A to %scan3A_97 step %scan3A_98  : i32 {
      %mul3A_357 = arith.constant 9 : i32
      %mul3A_358 = arith.muli %scan3A_356, %mul3A_357 : i32
      %add3A_359 = arith.constant 0 : i32
      %add3A_360 = arith.addi %mul3A_358, %add3A_359 : i32
      %dma_wait3A_361 = arith.constant 0 : i32
      %dma_wait3A_362 = arith.constant 0 : i32
      %dma_wait3A_363 = tpu.memref_slice %arg6[%dma_wait3A_361, %dma_wait3A_362] : memref<125x80xi32, #tpu.memory_space<vmem>> -> memref<1x80xi32, #tpu.memory_space<vmem>>
      %dma_wait3A_364 = tpu.memref_squeeze %dma_wait3A_363 : memref<1x80xi32, #tpu.memory_space<vmem>> -> memref<80xi32, #tpu.memory_space<vmem>>
      %dma_wait3A_365 = arith.constant 0 : i32
      %dma_wait3A_366 = arith.constant 0 : i32
      %dma_wait3A_367 = tpu.memref_slice %arg3[%dma_wait3A_365, %dma_wait3A_366] : memref<10000x72xf32, #tpu.memory_space<hbm>> -> memref<10000x72xf32, #tpu.memory_space<hbm>>
      tpu.wait_indirect_dma semaphore(%arg18 : memref<!tpu.dma_semaphore, #tpu.memory_space<semaphore_mem>>) src(%dma_wait3A_367 : memref<10000x72xf32, #tpu.memory_space<hbm>>) dst(%arg8 : memref<80x72xf32, #tpu.memory_space<vmem>>)
      "tpu.region"() ({
        %run_scoped3A_528 = tpu.sem_alloc : memref<!tpu.dma_semaphore, #tpu.memory_space<semaphore_mem>>
        %dma_start3A_529 = arith.constant 0 : i32
        %dma_start3A_530 = tpu.memref_slice %arg7[%add3A_360, %dma_start3A_529] : memref<125x80xi32, #tpu.memory_space<vmem>> -> memref<1x80xi32, #tpu.memory_space<vmem>>
        %dma_start3A_531 = tpu.memref_squeeze %dma_start3A_530 : memref<1x80xi32, #tpu.memory_space<vmem>> -> memref<80xi32, #tpu.memory_space<vmem>>
        %dma_start3A_532 = arith.constant 0 : i32
        %dma_start3A_533 = arith.constant 0 : i32
        %dma_start3A_534 = tpu.memref_slice %arg17[%dma_start3A_532, %dma_start3A_533] : memref<10240x72xf32, #tpu.memory_space<vmem_shared>> -> memref<10240x72xf32, #tpu.memory_space<vmem_shared>>
        tpu.enqueue_indirect_dma source(%arg8 : memref<80x72xf32, #tpu.memory_space<vmem>>) target(%dma_start3A_534 : memref<10240x72xf32, #tpu.memory_space<vmem_shared>>) offsets(%dma_start3A_531 : memref<80xi32, #tpu.memory_space<vmem>>) semaphore(%run_scoped3A_528 : memref<!tpu.dma_semaphore, #tpu.memory_space<semaphore_mem>>) {add = true}
        %dma_wait3A_535 = arith.constant 0 : i32
        %dma_wait3A_536 = tpu.memref_slice %arg7[%add3A_360, %dma_wait3A_535] : memref<125x80xi32, #tpu.memory_space<vmem>> -> memref<1x80xi32, #tpu.memory_space<vmem>>
        %dma_wait3A_537 = tpu.memref_squeeze %dma_wait3A_536 : memref<1x80xi32, #tpu.memory_space<vmem>> -> memref<80xi32, #tpu.memory_space<vmem>>
        %dma_wait3A_538 = arith.constant 0 : i32
        %dma_wait3A_539 = arith.constant 0 : i32
        %dma_wait3A_540 = tpu.memref_slice %arg17[%dma_wait3A_538, %dma_wait3A_539] : memref<10240x72xf32, #tpu.memory_space<vmem_shared>> -> memref<10240x72xf32, #tpu.memory_space<vmem_shared>>
        tpu.wait_indirect_dma semaphore(%run_scoped3A_528 : memref<!tpu.dma_semaphore, #tpu.memory_space<semaphore_mem>>) src(%arg8 : memref<80x72xf32, #tpu.memory_space<vmem>>) dst(%dma_wait3A_540 : memref<10240x72xf32, #tpu.memory_space<vmem_shared>>)
        tpu.yield
      }) : () -> ()
      %add3A_368 = arith.constant 9 : i32
      %add3A_369 = arith.addi %add3A_360, %add3A_368 : i32
      %dma_start3A_370 = arith.constant 0 : i32
      %dma_start3A_371 = tpu.memref_slice %arg6[%add3A_369, %dma_start3A_370] : memref<125x80xi32, #tpu.memory_space<vmem>> -> memref<1x80xi32, #tpu.memory_space<vmem>>
      %dma_start3A_372 = tpu.memref_squeeze %dma_start3A_371 : memref<1x80xi32, #tpu.memory_space<vmem>> -> memref<80xi32, #tpu.memory_space<vmem>>
      %dma_start3A_373 = arith.constant 0 : i32
      %dma_start3A_374 = arith.constant 0 : i32
      %dma_start3A_375 = tpu.memref_slice %arg3[%dma_start3A_373, %dma_start3A_374] : memref<10000x72xf32, #tpu.memory_space<hbm>> -> memref<10000x72xf32, #tpu.memory_space<hbm>>
      tpu.enqueue_indirect_dma source(%dma_start3A_375 : memref<10000x72xf32, #tpu.memory_space<hbm>>) target(%arg8 : memref<80x72xf32, #tpu.memory_space<vmem>>) offsets(%dma_start3A_372 : memref<80xi32, #tpu.memory_space<vmem>>) semaphore(%arg18 : memref<!tpu.dma_semaphore, #tpu.memory_space<semaphore_mem>>)
      %mul3A_376 = arith.constant 9 : i32
      %mul3A_377 = arith.muli %scan3A_356, %mul3A_376 : i32
      %add3A_378 = arith.constant 1 : i32
      %add3A_379 = arith.addi %mul3A_377, %add3A_378 : i32
      %dma_wait3A_380 = arith.constant 0 : i32
      %dma_wait3A_381 = arith.constant 0 : i32
      %dma_wait3A_382 = tpu.memref_slice %arg6[%dma_wait3A_380, %dma_wait3A_381] : memref<125x80xi32, #tpu.memory_space<vmem>> -> memref<1x80xi32, #tpu.memory_space<vmem>>
      %dma_wait3A_383 = tpu.memref_squeeze %dma_wait3A_382 : memref<1x80xi32, #tpu.memory_space<vmem>> -> memref<80xi32, #tpu.memory_space<vmem>>
      %dma_wait3A_384 = arith.constant 0 : i32
      %dma_wait3A_385 = arith.constant 0 : i32
      %dma_wait3A_386 = tpu.memref_slice %arg3[%dma_wait3A_384, %dma_wait3A_385] : memref<10000x72xf32, #tpu.memory_space<hbm>> -> memref<10000x72xf32, #tpu.memory_space<hbm>>
      tpu.wait_indirect_dma semaphore(%arg19 : memref<!tpu.dma_semaphore, #tpu.memory_space<semaphore_mem>>) src(%dma_wait3A_386 : memref<10000x72xf32, #tpu.memory_space<hbm>>) dst(%arg9 : memref<80x72xf32, #tpu.memory_space<vmem>>)
      "tpu.region"() ({
        %run_scoped3A_528 = tpu.sem_alloc : memref<!tpu.dma_semaphore, #tpu.memory_space<semaphore_mem>>
        %dma_start3A_529 = arith.constant 0 : i32
        %dma_start3A_530 = tpu.memref_slice %arg7[%add3A_379, %dma_start3A_529] : memref<125x80xi32, #tpu.memory_space<vmem>> -> memref<1x80xi32, #tpu.memory_space<vmem>>
        %dma_start3A_531 = tpu.memref_squeeze %dma_start3A_530 : memref<1x80xi32, #tpu.memory_space<vmem>> -> memref<80xi32, #tpu.memory_space<vmem>>
        %dma_start3A_532 = arith.constant 0 : i32
        %dma_start3A_533 = arith.constant 0 : i32
        %dma_start3A_534 = tpu.memref_slice %arg17[%dma_start3A_532, %dma_start3A_533] : memref<10240x72xf32, #tpu.memory_space<vmem_shared>> -> memref<10240x72xf32, #tpu.memory_space<vmem_shared>>
        tpu.enqueue_indirect_dma source(%arg9 : memref<80x72xf32, #tpu.memory_space<vmem>>) target(%dma_start3A_534 : memref<10240x72xf32, #tpu.memory_space<vmem_shared>>) offsets(%dma_start3A_531 : memref<80xi32, #tpu.memory_space<vmem>>) semaphore(%run_scoped3A_528 : memref<!tpu.dma_semaphore, #tpu.memory_space<semaphore_mem>>) {add = true}
        %dma_wait3A_535 = arith.constant 0 : i32
        %dma_wait3A_536 = tpu.memref_slice %arg7[%add3A_379, %dma_wait3A_535] : memref<125x80xi32, #tpu.memory_space<vmem>> -> memref<1x80xi32, #tpu.memory_space<vmem>>
        %dma_wait3A_537 = tpu.memref_squeeze %dma_wait3A_536 : memref<1x80xi32, #tpu.memory_space<vmem>> -> memref<80xi32, #tpu.memory_space<vmem>>
        %dma_wait3A_538 = arith.constant 0 : i32
        %dma_wait3A_539 = arith.constant 0 : i32
        %dma_wait3A_540 = tpu.memref_slice %arg17[%dma_wait3A_538, %dma_wait3A_539] : memref<10240x72xf32, #tpu.memory_space<vmem_shared>> -> memref<10240x72xf32, #tpu.memory_space<vmem_shared>>
        tpu.wait_indirect_dma semaphore(%run_scoped3A_528 : memref<!tpu.dma_semaphore, #tpu.memory_space<semaphore_mem>>) src(%arg9 : memref<80x72xf32, #tpu.memory_space<vmem>>) dst(%dma_wait3A_540 : memref<10240x72xf32, #tpu.memory_space<vmem_shared>>)
        tpu.yield
      }) : () -> ()
      %add3A_387 = arith.constant 9 : i32
      %add3A_388 = arith.addi %add3A_379, %add3A_387 : i32
      %dma_start3A_389 = arith.constant 0 : i32
      %dma_start3A_390 = tpu.memref_slice %arg6[%add3A_388, %dma_start3A_389] : memref<125x80xi32, #tpu.memory_space<vmem>> -> memref<1x80xi32, #tpu.memory_space<vmem>>
      %dma_start3A_391 = tpu.memref_squeeze %dma_start3A_390 : memref<1x80xi32, #tpu.memory_space<vmem>> -> memref<80xi32, #tpu.memory_space<vmem>>
      %dma_start3A_392 = arith.constant 0 : i32
      %dma_start3A_393 = arith.constant 0 : i32
      %dma_start3A_394 = tpu.memref_slice %arg3[%dma_start3A_392, %dma_start3A_393] : memref<10000x72xf32, #tpu.memory_space<hbm>> -> memref<10000x72xf32, #tpu.memory_space<hbm>>
      tpu.enqueue_indirect_dma source(%dma_start3A_394 : memref<10000x72xf32, #tpu.memory_space<hbm>>) target(%arg9 : memref<80x72xf32, #tpu.memory_space<vmem>>) offsets(%dma_start3A_391 : memref<80xi32, #tpu.memory_space<vmem>>) semaphore(%arg19 : memref<!tpu.dma_semaphore, #tpu.memory_space<semaphore_mem>>)
      %mul3A_395 = arith.constant 9 : i32
      %mul3A_396 = arith.muli %scan3A_356, %mul3A_395 : i32
      %add3A_397 = arith.constant 2 : i32
      %add3A_398 = arith.addi %mul3A_396, %add3A_397 : i32
      %dma_wait3A_399 = arith.constant 0 : i32
      %dma_wait3A_400 = arith.constant 0 : i32
      %dma_wait3A_401 = tpu.memref_slice %arg6[%dma_wait3A_399, %dma_wait3A_400] : memref<125x80xi32, #tpu.memory_space<vmem>> -> memref<1x80xi32, #tpu.memory_space<vmem>>
      %dma_wait3A_402 = tpu.memref_squeeze %dma_wait3A_401 : memref<1x80xi32, #tpu.memory_space<vmem>> -> memref<80xi32, #tpu.memory_space<vmem>>
      %dma_wait3A_403 = arith.constant 0 : i32
      %dma_wait3A_404 = arith.constant 0 : i32
      %dma_wait3A_405 = tpu.memref_slice %arg3[%dma_wait3A_403, %dma_wait3A_404] : memref<10000x72xf32, #tpu.memory_space<hbm>> -> memref<10000x72xf32, #tpu.memory_space<hbm>>
      tpu.wait_indirect_dma semaphore(%arg20 : memref<!tpu.dma_semaphore, #tpu.memory_space<semaphore_mem>>) src(%dma_wait3A_405 : memref<10000x72xf32, #tpu.memory_space<hbm>>) dst(%arg10 : memref<80x72xf32, #tpu.memory_space<vmem>>)
      "tpu.region"() ({
        %run_scoped3A_528 = tpu.sem_alloc : memref<!tpu.dma_semaphore, #tpu.memory_space<semaphore_mem>>
        %dma_start3A_529 = arith.constant 0 : i32
        %dma_start3A_530 = tpu.memref_slice %arg7[%add3A_398, %dma_start3A_529] : memref<125x80xi32, #tpu.memory_space<vmem>> -> memref<1x80xi32, #tpu.memory_space<vmem>>
        %dma_start3A_531 = tpu.memref_squeeze %dma_start3A_530 : memref<1x80xi32, #tpu.memory_space<vmem>> -> memref<80xi32, #tpu.memory_space<vmem>>
        %dma_start3A_532 = arith.constant 0 : i32
        %dma_start3A_533 = arith.constant 0 : i32
        %dma_start3A_534 = tpu.memref_slice %arg17[%dma_start3A_532, %dma_start3A_533] : memref<10240x72xf32, #tpu.memory_space<vmem_shared>> -> memref<10240x72xf32, #tpu.memory_space<vmem_shared>>
        tpu.enqueue_indirect_dma source(%arg10 : memref<80x72xf32, #tpu.memory_space<vmem>>) target(%dma_start3A_534 : memref<10240x72xf32, #tpu.memory_space<vmem_shared>>) offsets(%dma_start3A_531 : memref<80xi32, #tpu.memory_space<vmem>>) semaphore(%run_scoped3A_528 : memref<!tpu.dma_semaphore, #tpu.memory_space<semaphore_mem>>) {add = true}
        %dma_wait3A_535 = arith.constant 0 : i32
        %dma_wait3A_536 = tpu.memref_slice %arg7[%add3A_398, %dma_wait3A_535] : memref<125x80xi32, #tpu.memory_space<vmem>> -> memref<1x80xi32, #tpu.memory_space<vmem>>
        %dma_wait3A_537 = tpu.memref_squeeze %dma_wait3A_536 : memref<1x80xi32, #tpu.memory_space<vmem>> -> memref<80xi32, #tpu.memory_space<vmem>>
        %dma_wait3A_538 = arith.constant 0 : i32
        %dma_wait3A_539 = arith.constant 0 : i32
        %dma_wait3A_540 = tpu.memref_slice %arg17[%dma_wait3A_538, %dma_wait3A_539] : memref<10240x72xf32, #tpu.memory_space<vmem_shared>> -> memref<10240x72xf32, #tpu.memory_space<vmem_shared>>
        tpu.wait_indirect_dma semaphore(%run_scoped3A_528 : memref<!tpu.dma_semaphore, #tpu.memory_space<semaphore_mem>>) src(%arg10 : memref<80x72xf32, #tpu.memory_space<vmem>>) dst(%dma_wait3A_540 : memref<10240x72xf32, #tpu.memory_space<vmem_shared>>)
        tpu.yield
      }) : () -> ()
      %add3A_406 = arith.constant 9 : i32
      %add3A_407 = arith.addi %add3A_398, %add3A_406 : i32
      %dma_start3A_408 = arith.constant 0 : i32
      %dma_start3A_409 = tpu.memref_slice %arg6[%add3A_407, %dma_start3A_408] : memref<125x80xi32, #tpu.memory_space<vmem>> -> memref<1x80xi32, #tpu.memory_space<vmem>>
      %dma_start3A_410 = tpu.memref_squeeze %dma_start3A_409 : memref<1x80xi32, #tpu.memory_space<vmem>> -> memref<80xi32, #tpu.memory_space<vmem>>
      %dma_start3A_411 = arith.constant 0 : i32
      %dma_start3A_412 = arith.constant 0 : i32
      %dma_start3A_413 = tpu.memref_slice %arg3[%dma_start3A_411, %dma_start3A_412] : memref<10000x72xf32, #tpu.memory_space<hbm>> -> memref<10000x72xf32, #tpu.memory_space<hbm>>
      tpu.enqueue_indirect_dma source(%dma_start3A_413 : memref<10000x72xf32, #tpu.memory_space<hbm>>) target(%arg10 : memref<80x72xf32, #tpu.memory_space<vmem>>) offsets(%dma_start3A_410 : memref<80xi32, #tpu.memory_space<vmem>>) semaphore(%arg20 : memref<!tpu.dma_semaphore, #tpu.memory_space<semaphore_mem>>)
      %mul3A_414 = arith.constant 9 : i32
      %mul3A_415 = arith.muli %scan3A_356, %mul3A_414 : i32
      %add3A_416 = arith.constant 3 : i32
      %add3A_417 = arith.addi %mul3A_415, %add3A_416 : i32
      %dma_wait3A_418 = arith.constant 0 : i32
      %dma_wait3A_419 = arith.constant 0 : i32
      %dma_wait3A_420 = tpu.memref_slice %arg6[%dma_wait3A_418, %dma_wait3A_419] : memref<125x80xi32, #tpu.memory_space<vmem>> -> memref<1x80xi32, #tpu.memory_space<vmem>>
      %dma_wait3A_421 = tpu.memref_squeeze %dma_wait3A_420 : memref<1x80xi32, #tpu.memory_space<vmem>> -> memref<80xi32, #tpu.memory_space<vmem>>
      %dma_wait3A_422 = arith.constant 0 : i32
      %dma_wait3A_423 = arith.constant 0 : i32
      %dma_wait3A_424 = tpu.memref_slice %arg3[%dma_wait3A_422, %dma_wait3A_423] : memref<10000x72xf32, #tpu.memory_space<hbm>> -> memref<10000x72xf32, #tpu.memory_space<hbm>>
      tpu.wait_indirect_dma semaphore(%arg21 : memref<!tpu.dma_semaphore, #tpu.memory_space<semaphore_mem>>) src(%dma_wait3A_424 : memref<10000x72xf32, #tpu.memory_space<hbm>>) dst(%arg11 : memref<80x72xf32, #tpu.memory_space<vmem>>)
      "tpu.region"() ({
        %run_scoped3A_528 = tpu.sem_alloc : memref<!tpu.dma_semaphore, #tpu.memory_space<semaphore_mem>>
        %dma_start3A_529 = arith.constant 0 : i32
        %dma_start3A_530 = tpu.memref_slice %arg7[%add3A_417, %dma_start3A_529] : memref<125x80xi32, #tpu.memory_space<vmem>> -> memref<1x80xi32, #tpu.memory_space<vmem>>
        %dma_start3A_531 = tpu.memref_squeeze %dma_start3A_530 : memref<1x80xi32, #tpu.memory_space<vmem>> -> memref<80xi32, #tpu.memory_space<vmem>>
        %dma_start3A_532 = arith.constant 0 : i32
        %dma_start3A_533 = arith.constant 0 : i32
        %dma_start3A_534 = tpu.memref_slice %arg17[%dma_start3A_532, %dma_start3A_533] : memref<10240x72xf32, #tpu.memory_space<vmem_shared>> -> memref<10240x72xf32, #tpu.memory_space<vmem_shared>>
        tpu.enqueue_indirect_dma source(%arg11 : memref<80x72xf32, #tpu.memory_space<vmem>>) target(%dma_start3A_534 : memref<10240x72xf32, #tpu.memory_space<vmem_shared>>) offsets(%dma_start3A_531 : memref<80xi32, #tpu.memory_space<vmem>>) semaphore(%run_scoped3A_528 : memref<!tpu.dma_semaphore, #tpu.memory_space<semaphore_mem>>) {add = true}
        %dma_wait3A_535 = arith.constant 0 : i32
        %dma_wait3A_536 = tpu.memref_slice %arg7[%add3A_417, %dma_wait3A_535] : memref<125x80xi32, #tpu.memory_space<vmem>> -> memref<1x80xi32, #tpu.memory_space<vmem>>
        %dma_wait3A_537 = tpu.memref_squeeze %dma_wait3A_536 : memref<1x80xi32, #tpu.memory_space<vmem>> -> memref<80xi32, #tpu.memory_space<vmem>>
        %dma_wait3A_538 = arith.constant 0 : i32
        %dma_wait3A_539 = arith.constant 0 : i32
        %dma_wait3A_540 = tpu.memref_slice %arg17[%dma_wait3A_538, %dma_wait3A_539] : memref<10240x72xf32, #tpu.memory_space<vmem_shared>> -> memref<10240x72xf32, #tpu.memory_space<vmem_shared>>
        tpu.wait_indirect_dma semaphore(%run_scoped3A_528 : memref<!tpu.dma_semaphore, #tpu.memory_space<semaphore_mem>>) src(%arg11 : memref<80x72xf32, #tpu.memory_space<vmem>>) dst(%dma_wait3A_540 : memref<10240x72xf32, #tpu.memory_space<vmem_shared>>)
        tpu.yield
      }) : () -> ()
      %add3A_425 = arith.constant 9 : i32
      %add3A_426 = arith.addi %add3A_417, %add3A_425 : i32
      %dma_start3A_427 = arith.constant 0 : i32
      %dma_start3A_428 = tpu.memref_slice %arg6[%add3A_426, %dma_start3A_427] : memref<125x80xi32, #tpu.memory_space<vmem>> -> memref<1x80xi32, #tpu.memory_space<vmem>>
      %dma_start3A_429 = tpu.memref_squeeze %dma_start3A_428 : memref<1x80xi32, #tpu.memory_space<vmem>> -> memref<80xi32, #tpu.memory_space<vmem>>
      %dma_start3A_430 = arith.constant 0 : i32
      %dma_start3A_431 = arith.constant 0 : i32
      %dma_start3A_432 = tpu.memref_slice %arg3[%dma_start3A_430, %dma_start3A_431] : memref<10000x72xf32, #tpu.memory_space<hbm>> -> memref<10000x72xf32, #tpu.memory_space<hbm>>
      tpu.enqueue_indirect_dma source(%dma_start3A_432 : memref<10000x72xf32, #tpu.memory_space<hbm>>) target(%arg11 : memref<80x72xf32, #tpu.memory_space<vmem>>) offsets(%dma_start3A_429 : memref<80xi32, #tpu.memory_space<vmem>>) semaphore(%arg21 : memref<!tpu.dma_semaphore, #tpu.memory_space<semaphore_mem>>)
      %mul3A_433 = arith.constant 9 : i32
      %mul3A_434 = arith.muli %scan3A_356, %mul3A_433 : i32
      %add3A_435 = arith.constant 4 : i32
      %add3A_436 = arith.addi %mul3A_434, %add3A_435 : i32
      %dma_wait3A_437 = arith.constant 0 : i32
      %dma_wait3A_438 = arith.constant 0 : i32
      %dma_wait3A_439 = tpu.memref_slice %arg6[%dma_wait3A_437, %dma_wait3A_438] : memref<125x80xi32, #tpu.memory_space<vmem>> -> memref<1x80xi32, #tpu.memory_space<vmem>>
      %dma_wait3A_440 = tpu.memref_squeeze %dma_wait3A_439 : memref<1x80xi32, #tpu.memory_space<vmem>> -> memref<80xi32, #tpu.memory_space<vmem>>
      %dma_wait3A_441 = arith.constant 0 : i32
      %dma_wait3A_442 = arith.constant 0 : i32
      %dma_wait3A_443 = tpu.memref_slice %arg3[%dma_wait3A_441, %dma_wait3A_442] : memref<10000x72xf32, #tpu.memory_space<hbm>> -> memref<10000x72xf32, #tpu.memory_space<hbm>>
      tpu.wait_indirect_dma semaphore(%arg22 : memref<!tpu.dma_semaphore, #tpu.memory_space<semaphore_mem>>) src(%dma_wait3A_443 : memref<10000x72xf32, #tpu.memory_space<hbm>>) dst(%arg12 : memref<80x72xf32, #tpu.memory_space<vmem>>)
      "tpu.region"() ({
        %run_scoped3A_528 = tpu.sem_alloc : memref<!tpu.dma_semaphore, #tpu.memory_space<semaphore_mem>>
        %dma_start3A_529 = arith.constant 0 : i32
        %dma_start3A_530 = tpu.memref_slice %arg7[%add3A_436, %dma_start3A_529] : memref<125x80xi32, #tpu.memory_space<vmem>> -> memref<1x80xi32, #tpu.memory_space<vmem>>
        %dma_start3A_531 = tpu.memref_squeeze %dma_start3A_530 : memref<1x80xi32, #tpu.memory_space<vmem>> -> memref<80xi32, #tpu.memory_space<vmem>>
        %dma_start3A_532 = arith.constant 0 : i32
        %dma_start3A_533 = arith.constant 0 : i32
        %dma_start3A_534 = tpu.memref_slice %arg17[%dma_start3A_532, %dma_start3A_533] : memref<10240x72xf32, #tpu.memory_space<vmem_shared>> -> memref<10240x72xf32, #tpu.memory_space<vmem_shared>>
        tpu.enqueue_indirect_dma source(%arg12 : memref<80x72xf32, #tpu.memory_space<vmem>>) target(%dma_start3A_534 : memref<10240x72xf32, #tpu.memory_space<vmem_shared>>) offsets(%dma_start3A_531 : memref<80xi32, #tpu.memory_space<vmem>>) semaphore(%run_scoped3A_528 : memref<!tpu.dma_semaphore, #tpu.memory_space<semaphore_mem>>) {add = true}
        %dma_wait3A_535 = arith.constant 0 : i32
        %dma_wait3A_536 = tpu.memref_slice %arg7[%add3A_436, %dma_wait3A_535] : memref<125x80xi32, #tpu.memory_space<vmem>> -> memref<1x80xi32, #tpu.memory_space<vmem>>
        %dma_wait3A_537 = tpu.memref_squeeze %dma_wait3A_536 : memref<1x80xi32, #tpu.memory_space<vmem>> -> memref<80xi32, #tpu.memory_space<vmem>>
        %dma_wait3A_538 = arith.constant 0 : i32
        %dma_wait3A_539 = arith.constant 0 : i32
        %dma_wait3A_540 = tpu.memref_slice %arg17[%dma_wait3A_538, %dma_wait3A_539] : memref<10240x72xf32, #tpu.memory_space<vmem_shared>> -> memref<10240x72xf32, #tpu.memory_space<vmem_shared>>
        tpu.wait_indirect_dma semaphore(%run_scoped3A_528 : memref<!tpu.dma_semaphore, #tpu.memory_space<semaphore_mem>>) src(%arg12 : memref<80x72xf32, #tpu.memory_space<vmem>>) dst(%dma_wait3A_540 : memref<10240x72xf32, #tpu.memory_space<vmem_shared>>)
        tpu.yield
      }) : () -> ()
      %add3A_444 = arith.constant 9 : i32
      %add3A_445 = arith.addi %add3A_436, %add3A_444 : i32
      %dma_start3A_446 = arith.constant 0 : i32
      %dma_start3A_447 = tpu.memref_slice %arg6[%add3A_445, %dma_start3A_446] : memref<125x80xi32, #tpu.memory_space<vmem>> -> memref<1x80xi32, #tpu.memory_space<vmem>>
      %dma_start3A_448 = tpu.memref_squeeze %dma_start3A_447 : memref<1x80xi32, #tpu.memory_space<vmem>> -> memref<80xi32, #tpu.memory_space<vmem>>
      %dma_start3A_449 = arith.constant 0 : i32
      %dma_start3A_450 = arith.constant 0 : i32
      %dma_start3A_451 = tpu.memref_slice %arg3[%dma_start3A_449, %dma_start3A_450] : memref<10000x72xf32, #tpu.memory_space<hbm>> -> memref<10000x72xf32, #tpu.memory_space<hbm>>
      tpu.enqueue_indirect_dma source(%dma_start3A_451 : memref<10000x72xf32, #tpu.memory_space<hbm>>) target(%arg12 : memref<80x72xf32, #tpu.memory_space<vmem>>) offsets(%dma_start3A_448 : memref<80xi32, #tpu.memory_space<vmem>>) semaphore(%arg22 : memref<!tpu.dma_semaphore, #tpu.memory_space<semaphore_mem>>)
      %mul3A_452 = arith.constant 9 : i32
      %mul3A_453 = arith.muli %scan3A_356, %mul3A_452 : i32
      %add3A_454 = arith.constant 5 : i32
      %add3A_455 = arith.addi %mul3A_453, %add3A_454 : i32
      %dma_wait3A_456 = arith.constant 0 : i32
      %dma_wait3A_457 = arith.constant 0 : i32
      %dma_wait3A_458 = tpu.memref_slice %arg6[%dma_wait3A_456, %dma_wait3A_457] : memref<125x80xi32, #tpu.memory_space<vmem>> -> memref<1x80xi32, #tpu.memory_space<vmem>>
      %dma_wait3A_459 = tpu.memref_squeeze %dma_wait3A_458 : memref<1x80xi32, #tpu.memory_space<vmem>> -> memref<80xi32, #tpu.memory_space<vmem>>
      %dma_wait3A_460 = arith.constant 0 : i32
      %dma_wait3A_461 = arith.constant 0 : i32
      %dma_wait3A_462 = tpu.memref_slice %arg3[%dma_wait3A_460, %dma_wait3A_461] : memref<10000x72xf32, #tpu.memory_space<hbm>> -> memref<10000x72xf32, #tpu.memory_space<hbm>>
      tpu.wait_indirect_dma semaphore(%arg23 : memref<!tpu.dma_semaphore, #tpu.memory_space<semaphore_mem>>) src(%dma_wait3A_462 : memref<10000x72xf32, #tpu.memory_space<hbm>>) dst(%arg13 : memref<80x72xf32, #tpu.memory_space<vmem>>)
      "tpu.region"() ({
        %run_scoped3A_528 = tpu.sem_alloc : memref<!tpu.dma_semaphore, #tpu.memory_space<semaphore_mem>>
        %dma_start3A_529 = arith.constant 0 : i32
        %dma_start3A_530 = tpu.memref_slice %arg7[%add3A_455, %dma_start3A_529] : memref<125x80xi32, #tpu.memory_space<vmem>> -> memref<1x80xi32, #tpu.memory_space<vmem>>
        %dma_start3A_531 = tpu.memref_squeeze %dma_start3A_530 : memref<1x80xi32, #tpu.memory_space<vmem>> -> memref<80xi32, #tpu.memory_space<vmem>>
        %dma_start3A_532 = arith.constant 0 : i32
        %dma_start3A_533 = arith.constant 0 : i32
        %dma_start3A_534 = tpu.memref_slice %arg17[%dma_start3A_532, %dma_start3A_533] : memref<10240x72xf32, #tpu.memory_space<vmem_shared>> -> memref<10240x72xf32, #tpu.memory_space<vmem_shared>>
        tpu.enqueue_indirect_dma source(%arg13 : memref<80x72xf32, #tpu.memory_space<vmem>>) target(%dma_start3A_534 : memref<10240x72xf32, #tpu.memory_space<vmem_shared>>) offsets(%dma_start3A_531 : memref<80xi32, #tpu.memory_space<vmem>>) semaphore(%run_scoped3A_528 : memref<!tpu.dma_semaphore, #tpu.memory_space<semaphore_mem>>) {add = true}
        %dma_wait3A_535 = arith.constant 0 : i32
        %dma_wait3A_536 = tpu.memref_slice %arg7[%add3A_455, %dma_wait3A_535] : memref<125x80xi32, #tpu.memory_space<vmem>> -> memref<1x80xi32, #tpu.memory_space<vmem>>
        %dma_wait3A_537 = tpu.memref_squeeze %dma_wait3A_536 : memref<1x80xi32, #tpu.memory_space<vmem>> -> memref<80xi32, #tpu.memory_space<vmem>>
        %dma_wait3A_538 = arith.constant 0 : i32
        %dma_wait3A_539 = arith.constant 0 : i32
        %dma_wait3A_540 = tpu.memref_slice %arg17[%dma_wait3A_538, %dma_wait3A_539] : memref<10240x72xf32, #tpu.memory_space<vmem_shared>> -> memref<10240x72xf32, #tpu.memory_space<vmem_shared>>
        tpu.wait_indirect_dma semaphore(%run_scoped3A_528 : memref<!tpu.dma_semaphore, #tpu.memory_space<semaphore_mem>>) src(%arg13 : memref<80x72xf32, #tpu.memory_space<vmem>>) dst(%dma_wait3A_540 : memref<10240x72xf32, #tpu.memory_space<vmem_shared>>)
        tpu.yield
      }) : () -> ()
      %add3A_463 = arith.constant 9 : i32
      %add3A_464 = arith.addi %add3A_455, %add3A_463 : i32
      %dma_start3A_465 = arith.constant 0 : i32
      %dma_start3A_466 = tpu.memref_slice %arg6[%add3A_464, %dma_start3A_465] : memref<125x80xi32, #tpu.memory_space<vmem>> -> memref<1x80xi32, #tpu.memory_space<vmem>>
      %dma_start3A_467 = tpu.memref_squeeze %dma_start3A_466 : memref<1x80xi32, #tpu.memory_space<vmem>> -> memref<80xi32, #tpu.memory_space<vmem>>
      %dma_start3A_468 = arith.constant 0 : i32
      %dma_start3A_469 = arith.constant 0 : i32
      %dma_start3A_470 = tpu.memref_slice %arg3[%dma_start3A_468, %dma_start3A_469] : memref<10000x72xf32, #tpu.memory_space<hbm>> -> memref<10000x72xf32, #tpu.memory_space<hbm>>
      tpu.enqueue_indirect_dma source(%dma_start3A_470 : memref<10000x72xf32, #tpu.memory_space<hbm>>) target(%arg13 : memref<80x72xf32, #tpu.memory_space<vmem>>) offsets(%dma_start3A_467 : memref<80xi32, #tpu.memory_space<vmem>>) semaphore(%arg23 : memref<!tpu.dma_semaphore, #tpu.memory_space<semaphore_mem>>)
      %mul3A_471 = arith.constant 9 : i32
      %mul3A_472 = arith.muli %scan3A_356, %mul3A_471 : i32
      %add3A_473 = arith.constant 6 : i32
      %add3A_474 = arith.addi %mul3A_472, %add3A_473 : i32
      %dma_wait3A_475 = arith.constant 0 : i32
      %dma_wait3A_476 = arith.constant 0 : i32
      %dma_wait3A_477 = tpu.memref_slice %arg6[%dma_wait3A_475, %dma_wait3A_476] : memref<125x80xi32, #tpu.memory_space<vmem>> -> memref<1x80xi32, #tpu.memory_space<vmem>>
      %dma_wait3A_478 = tpu.memref_squeeze %dma_wait3A_477 : memref<1x80xi32, #tpu.memory_space<vmem>> -> memref<80xi32, #tpu.memory_space<vmem>>
      %dma_wait3A_479 = arith.constant 0 : i32
      %dma_wait3A_480 = arith.constant 0 : i32
      %dma_wait3A_481 = tpu.memref_slice %arg3[%dma_wait3A_479, %dma_wait3A_480] : memref<10000x72xf32, #tpu.memory_space<hbm>> -> memref<10000x72xf32, #tpu.memory_space<hbm>>
      tpu.wait_indirect_dma semaphore(%arg24 : memref<!tpu.dma_semaphore, #tpu.memory_space<semaphore_mem>>) src(%dma_wait3A_481 : memref<10000x72xf32, #tpu.memory_space<hbm>>) dst(%arg14 : memref<80x72xf32, #tpu.memory_space<vmem>>)
      "tpu.region"() ({
        %run_scoped3A_528 = tpu.sem_alloc : memref<!tpu.dma_semaphore, #tpu.memory_space<semaphore_mem>>
        %dma_start3A_529 = arith.constant 0 : i32
        %dma_start3A_530 = tpu.memref_slice %arg7[%add3A_474, %dma_start3A_529] : memref<125x80xi32, #tpu.memory_space<vmem>> -> memref<1x80xi32, #tpu.memory_space<vmem>>
        %dma_start3A_531 = tpu.memref_squeeze %dma_start3A_530 : memref<1x80xi32, #tpu.memory_space<vmem>> -> memref<80xi32, #tpu.memory_space<vmem>>
        %dma_start3A_532 = arith.constant 0 : i32
        %dma_start3A_533 = arith.constant 0 : i32
        %dma_start3A_534 = tpu.memref_slice %arg17[%dma_start3A_532, %dma_start3A_533] : memref<10240x72xf32, #tpu.memory_space<vmem_shared>> -> memref<10240x72xf32, #tpu.memory_space<vmem_shared>>
        tpu.enqueue_indirect_dma source(%arg14 : memref<80x72xf32, #tpu.memory_space<vmem>>) target(%dma_start3A_534 : memref<10240x72xf32, #tpu.memory_space<vmem_shared>>) offsets(%dma_start3A_531 : memref<80xi32, #tpu.memory_space<vmem>>) semaphore(%run_scoped3A_528 : memref<!tpu.dma_semaphore, #tpu.memory_space<semaphore_mem>>) {add = true}
        %dma_wait3A_535 = arith.constant 0 : i32
        %dma_wait3A_536 = tpu.memref_slice %arg7[%add3A_474, %dma_wait3A_535] : memref<125x80xi32, #tpu.memory_space<vmem>> -> memref<1x80xi32, #tpu.memory_space<vmem>>
        %dma_wait3A_537 = tpu.memref_squeeze %dma_wait3A_536 : memref<1x80xi32, #tpu.memory_space<vmem>> -> memref<80xi32, #tpu.memory_space<vmem>>
        %dma_wait3A_538 = arith.constant 0 : i32
        %dma_wait3A_539 = arith.constant 0 : i32
        %dma_wait3A_540 = tpu.memref_slice %arg17[%dma_wait3A_538, %dma_wait3A_539] : memref<10240x72xf32, #tpu.memory_space<vmem_shared>> -> memref<10240x72xf32, #tpu.memory_space<vmem_shared>>
        tpu.wait_indirect_dma semaphore(%run_scoped3A_528 : memref<!tpu.dma_semaphore, #tpu.memory_space<semaphore_mem>>) src(%arg14 : memref<80x72xf32, #tpu.memory_space<vmem>>) dst(%dma_wait3A_540 : memref<10240x72xf32, #tpu.memory_space<vmem_shared>>)
        tpu.yield
      }) : () -> ()
      %add3A_482 = arith.constant 9 : i32
      %add3A_483 = arith.addi %add3A_474, %add3A_482 : i32
      %dma_start3A_484 = arith.constant 0 : i32
      %dma_start3A_485 = tpu.memref_slice %arg6[%add3A_483, %dma_start3A_484] : memref<125x80xi32, #tpu.memory_space<vmem>> -> memref<1x80xi32, #tpu.memory_space<vmem>>
      %dma_start3A_486 = tpu.memref_squeeze %dma_start3A_485 : memref<1x80xi32, #tpu.memory_space<vmem>> -> memref<80xi32, #tpu.memory_space<vmem>>
      %dma_start3A_487 = arith.constant 0 : i32
      %dma_start3A_488 = arith.constant 0 : i32
      %dma_start3A_489 = tpu.memref_slice %arg3[%dma_start3A_487, %dma_start3A_488] : memref<10000x72xf32, #tpu.memory_space<hbm>> -> memref<10000x72xf32, #tpu.memory_space<hbm>>
      tpu.enqueue_indirect_dma source(%dma_start3A_489 : memref<10000x72xf32, #tpu.memory_space<hbm>>) target(%arg14 : memref<80x72xf32, #tpu.memory_space<vmem>>) offsets(%dma_start3A_486 : memref<80xi32, #tpu.memory_space<vmem>>) semaphore(%arg24 : memref<!tpu.dma_semaphore, #tpu.memory_space<semaphore_mem>>)
      %mul3A_490 = arith.constant 9 : i32
      %mul3A_491 = arith.muli %scan3A_356, %mul3A_490 : i32
      %add3A_492 = arith.constant 7 : i32
      %add3A_493 = arith.addi %mul3A_491, %add3A_492 : i32
      %dma_wait3A_494 = arith.constant 0 : i32
      %dma_wait3A_495 = arith.constant 0 : i32
      %dma_wait3A_496 = tpu.memref_slice %arg6[%dma_wait3A_494, %dma_wait3A_495] : memref<125x80xi32, #tpu.memory_space<vmem>> -> memref<1x80xi32, #tpu.memory_space<vmem>>
      %dma_wait3A_497 = tpu.memref_squeeze %dma_wait3A_496 : memref<1x80xi32, #tpu.memory_space<vmem>> -> memref<80xi32, #tpu.memory_space<vmem>>
      %dma_wait3A_498 = arith.constant 0 : i32
      %dma_wait3A_499 = arith.constant 0 : i32
      %dma_wait3A_500 = tpu.memref_slice %arg3[%dma_wait3A_498, %dma_wait3A_499] : memref<10000x72xf32, #tpu.memory_space<hbm>> -> memref<10000x72xf32, #tpu.memory_space<hbm>>
      tpu.wait_indirect_dma semaphore(%arg25 : memref<!tpu.dma_semaphore, #tpu.memory_space<semaphore_mem>>) src(%dma_wait3A_500 : memref<10000x72xf32, #tpu.memory_space<hbm>>) dst(%arg15 : memref<80x72xf32, #tpu.memory_space<vmem>>)
      "tpu.region"() ({
        %run_scoped3A_528 = tpu.sem_alloc : memref<!tpu.dma_semaphore, #tpu.memory_space<semaphore_mem>>
        %dma_start3A_529 = arith.constant 0 : i32
        %dma_start3A_530 = tpu.memref_slice %arg7[%add3A_493, %dma_start3A_529] : memref<125x80xi32, #tpu.memory_space<vmem>> -> memref<1x80xi32, #tpu.memory_space<vmem>>
        %dma_start3A_531 = tpu.memref_squeeze %dma_start3A_530 : memref<1x80xi32, #tpu.memory_space<vmem>> -> memref<80xi32, #tpu.memory_space<vmem>>
        %dma_start3A_532 = arith.constant 0 : i32
        %dma_start3A_533 = arith.constant 0 : i32
        %dma_start3A_534 = tpu.memref_slice %arg17[%dma_start3A_532, %dma_start3A_533] : memref<10240x72xf32, #tpu.memory_space<vmem_shared>> -> memref<10240x72xf32, #tpu.memory_space<vmem_shared>>
        tpu.enqueue_indirect_dma source(%arg15 : memref<80x72xf32, #tpu.memory_space<vmem>>) target(%dma_start3A_534 : memref<10240x72xf32, #tpu.memory_space<vmem_shared>>) offsets(%dma_start3A_531 : memref<80xi32, #tpu.memory_space<vmem>>) semaphore(%run_scoped3A_528 : memref<!tpu.dma_semaphore, #tpu.memory_space<semaphore_mem>>) {add = true}
        %dma_wait3A_535 = arith.constant 0 : i32
        %dma_wait3A_536 = tpu.memref_slice %arg7[%add3A_493, %dma_wait3A_535] : memref<125x80xi32, #tpu.memory_space<vmem>> -> memref<1x80xi32, #tpu.memory_space<vmem>>
        %dma_wait3A_537 = tpu.memref_squeeze %dma_wait3A_536 : memref<1x80xi32, #tpu.memory_space<vmem>> -> memref<80xi32, #tpu.memory_space<vmem>>
        %dma_wait3A_538 = arith.constant 0 : i32
        %dma_wait3A_539 = arith.constant 0 : i32
        %dma_wait3A_540 = tpu.memref_slice %arg17[%dma_wait3A_538, %dma_wait3A_539] : memref<10240x72xf32, #tpu.memory_space<vmem_shared>> -> memref<10240x72xf32, #tpu.memory_space<vmem_shared>>
        tpu.wait_indirect_dma semaphore(%run_scoped3A_528 : memref<!tpu.dma_semaphore, #tpu.memory_space<semaphore_mem>>) src(%arg15 : memref<80x72xf32, #tpu.memory_space<vmem>>) dst(%dma_wait3A_540 : memref<10240x72xf32, #tpu.memory_space<vmem_shared>>)
        tpu.yield
      }) : () -> ()
      %add3A_501 = arith.constant 9 : i32
      %add3A_502 = arith.addi %add3A_493, %add3A_501 : i32
      %dma_start3A_503 = arith.constant 0 : i32
      %dma_start3A_504 = tpu.memref_slice %arg6[%add3A_502, %dma_start3A_503] : memref<125x80xi32, #tpu.memory_space<vmem>> -> memref<1x80xi32, #tpu.memory_space<vmem>>
      %dma_start3A_505 = tpu.memref_squeeze %dma_start3A_504 : memref<1x80xi32, #tpu.memory_space<vmem>> -> memref<80xi32, #tpu.memory_space<vmem>>
      %dma_start3A_506 = arith.constant 0 : i32
      %dma_start3A_507 = arith.constant 0 : i32
      %dma_start3A_508 = tpu.memref_slice %arg3[%dma_start3A_506, %dma_start3A_507] : memref<10000x72xf32, #tpu.memory_space<hbm>> -> memref<10000x72xf32, #tpu.memory_space<hbm>>
      tpu.enqueue_indirect_dma source(%dma_start3A_508 : memref<10000x72xf32, #tpu.memory_space<hbm>>) target(%arg15 : memref<80x72xf32, #tpu.memory_space<vmem>>) offsets(%dma_start3A_505 : memref<80xi32, #tpu.memory_space<vmem>>) semaphore(%arg25 : memref<!tpu.dma_semaphore, #tpu.memory_space<semaphore_mem>>)
      %mul3A_509 = arith.constant 9 : i32
      %mul3A_510 = arith.muli %scan3A_356, %mul3A_509 : i32
      %add3A_511 = arith.constant 8 : i32
      %add3A_512 = arith.addi %mul3A_510, %add3A_511 : i32
      %dma_wait3A_513 = arith.constant 0 : i32
      %dma_wait3A_514 = arith.constant 0 : i32
      %dma_wait3A_515 = tpu.memref_slice %arg6[%dma_wait3A_513, %dma_wait3A_514] : memref<125x80xi32, #tpu.memory_space<vmem>> -> memref<1x80xi32, #tpu.memory_space<vmem>>
      %dma_wait3A_516 = tpu.memref_squeeze %dma_wait3A_515 : memref<1x80xi32, #tpu.memory_space<vmem>> -> memref<80xi32, #tpu.memory_space<vmem>>
      %dma_wait3A_517 = arith.constant 0 : i32
      %dma_wait3A_518 = arith.constant 0 : i32
      %dma_wait3A_519 = tpu.memref_slice %arg3[%dma_wait3A_517, %dma_wait3A_518] : memref<10000x72xf32, #tpu.memory_space<hbm>> -> memref<10000x72xf32, #tpu.memory_space<hbm>>
      tpu.wait_indirect_dma semaphore(%arg26 : memref<!tpu.dma_semaphore, #tpu.memory_space<semaphore_mem>>) src(%dma_wait3A_519 : memref<10000x72xf32, #tpu.memory_space<hbm>>) dst(%arg16 : memref<80x72xf32, #tpu.memory_space<vmem>>)
      "tpu.region"() ({
        %run_scoped3A_528 = tpu.sem_alloc : memref<!tpu.dma_semaphore, #tpu.memory_space<semaphore_mem>>
        %dma_start3A_529 = arith.constant 0 : i32
        %dma_start3A_530 = tpu.memref_slice %arg7[%add3A_512, %dma_start3A_529] : memref<125x80xi32, #tpu.memory_space<vmem>> -> memref<1x80xi32, #tpu.memory_space<vmem>>
        %dma_start3A_531 = tpu.memref_squeeze %dma_start3A_530 : memref<1x80xi32, #tpu.memory_space<vmem>> -> memref<80xi32, #tpu.memory_space<vmem>>
        %dma_start3A_532 = arith.constant 0 : i32
        %dma_start3A_533 = arith.constant 0 : i32
        %dma_start3A_534 = tpu.memref_slice %arg17[%dma_start3A_532, %dma_start3A_533] : memref<10240x72xf32, #tpu.memory_space<vmem_shared>> -> memref<10240x72xf32, #tpu.memory_space<vmem_shared>>
        tpu.enqueue_indirect_dma source(%arg16 : memref<80x72xf32, #tpu.memory_space<vmem>>) target(%dma_start3A_534 : memref<10240x72xf32, #tpu.memory_space<vmem_shared>>) offsets(%dma_start3A_531 : memref<80xi32, #tpu.memory_space<vmem>>) semaphore(%run_scoped3A_528 : memref<!tpu.dma_semaphore, #tpu.memory_space<semaphore_mem>>) {add = true}
        %dma_wait3A_535 = arith.constant 0 : i32
        %dma_wait3A_536 = tpu.memref_slice %arg7[%add3A_512, %dma_wait3A_535] : memref<125x80xi32, #tpu.memory_space<vmem>> -> memref<1x80xi32, #tpu.memory_space<vmem>>
        %dma_wait3A_537 = tpu.memref_squeeze %dma_wait3A_536 : memref<1x80xi32, #tpu.memory_space<vmem>> -> memref<80xi32, #tpu.memory_space<vmem>>
        %dma_wait3A_538 = arith.constant 0 : i32
        %dma_wait3A_539 = arith.constant 0 : i32
        %dma_wait3A_540 = tpu.memref_slice %arg17[%dma_wait3A_538, %dma_wait3A_539] : memref<10240x72xf32, #tpu.memory_space<vmem_shared>> -> memref<10240x72xf32, #tpu.memory_space<vmem_shared>>
        tpu.wait_indirect_dma semaphore(%run_scoped3A_528 : memref<!tpu.dma_semaphore, #tpu.memory_space<semaphore_mem>>) src(%arg16 : memref<80x72xf32, #tpu.memory_space<vmem>>) dst(%dma_wait3A_540 : memref<10240x72xf32, #tpu.memory_space<vmem_shared>>)
        tpu.yield
      }) : () -> ()
      %add3A_520 = arith.constant 9 : i32
      %add3A_521 = arith.addi %add3A_512, %add3A_520 : i32
      %dma_start3A_522 = arith.constant 0 : i32
      %dma_start3A_523 = tpu.memref_slice %arg6[%add3A_521, %dma_start3A_522] : memref<125x80xi32, #tpu.memory_space<vmem>> -> memref<1x80xi32, #tpu.memory_space<vmem>>
      %dma_start3A_524 = tpu.memref_squeeze %dma_start3A_523 : memref<1x80xi32, #tpu.memory_space<vmem>> -> memref<80xi32, #tpu.memory_space<vmem>>
      %dma_start3A_525 = arith.constant 0 : i32
      %dma_start3A_526 = arith.constant 0 : i32
      %dma_start3A_527 = tpu.memref_slice %arg3[%dma_start3A_525, %dma_start3A_526] : memref<10000x72xf32, #tpu.memory_space<hbm>> -> memref<10000x72xf32, #tpu.memory_space<hbm>>
      tpu.enqueue_indirect_dma source(%dma_start3A_527 : memref<10000x72xf32, #tpu.memory_space<hbm>>) target(%arg16 : memref<80x72xf32, #tpu.memory_space<vmem>>) offsets(%dma_start3A_524 : memref<80xi32, #tpu.memory_space<vmem>>) semaphore(%arg26 : memref<!tpu.dma_semaphore, #tpu.memory_space<semaphore_mem>>)
    }
    %scan3A_99 = arith.constant 12 : i32
    %dma_wait3A = arith.constant 0 : i32
    %dma_wait3A_100 = arith.constant 0 : i32
    %dma_wait3A_101 = tpu.memref_slice %arg6[%dma_wait3A, %dma_wait3A_100] : memref<125x80xi32, #tpu.memory_space<vmem>> -> memref<1x80xi32, #tpu.memory_space<vmem>>
    %dma_wait3A_102 = tpu.memref_squeeze %dma_wait3A_101 : memref<1x80xi32, #tpu.memory_space<vmem>> -> memref<80xi32, #tpu.memory_space<vmem>>
    %dma_wait3A_103 = arith.constant 0 : i32
    %dma_wait3A_104 = arith.constant 0 : i32
    %dma_wait3A_105 = tpu.memref_slice %arg3[%dma_wait3A_103, %dma_wait3A_104] : memref<10000x72xf32, #tpu.memory_space<hbm>> -> memref<10000x72xf32, #tpu.memory_space<hbm>>
    tpu.wait_indirect_dma semaphore(%arg18 : memref<!tpu.dma_semaphore, #tpu.memory_space<semaphore_mem>>) src(%dma_wait3A_105 : memref<10000x72xf32, #tpu.memory_space<hbm>>) dst(%arg8 : memref<80x72xf32, #tpu.memory_space<vmem>>)
    %run_scoped3A_106 = arith.constant 108 : i32
    "tpu.region"() ({
      %run_scoped3A_356 = tpu.sem_alloc : memref<!tpu.dma_semaphore, #tpu.memory_space<semaphore_mem>>
      %dma_start3A_357 = arith.constant 0 : i32
      %dma_start3A_358 = tpu.memref_slice %arg7[%run_scoped3A_106, %dma_start3A_357] : memref<125x80xi32, #tpu.memory_space<vmem>> -> memref<1x80xi32, #tpu.memory_space<vmem>>
      %dma_start3A_359 = tpu.memref_squeeze %dma_start3A_358 : memref<1x80xi32, #tpu.memory_space<vmem>> -> memref<80xi32, #tpu.memory_space<vmem>>
      %dma_start3A_360 = arith.constant 0 : i32
      %dma_start3A_361 = arith.constant 0 : i32
      %dma_start3A_362 = tpu.memref_slice %arg17[%dma_start3A_360, %dma_start3A_361] : memref<10240x72xf32, #tpu.memory_space<vmem_shared>> -> memref<10240x72xf32, #tpu.memory_space<vmem_shared>>
      tpu.enqueue_indirect_dma source(%arg8 : memref<80x72xf32, #tpu.memory_space<vmem>>) target(%dma_start3A_362 : memref<10240x72xf32, #tpu.memory_space<vmem_shared>>) offsets(%dma_start3A_359 : memref<80xi32, #tpu.memory_space<vmem>>) semaphore(%run_scoped3A_356 : memref<!tpu.dma_semaphore, #tpu.memory_space<semaphore_mem>>) {add = true}
      %dma_wait3A_363 = arith.constant 0 : i32
      %dma_wait3A_364 = tpu.memref_slice %arg7[%run_scoped3A_106, %dma_wait3A_363] : memref<125x80xi32, #tpu.memory_space<vmem>> -> memref<1x80xi32, #tpu.memory_space<vmem>>
      %dma_wait3A_365 = tpu.memref_squeeze %dma_wait3A_364 : memref<1x80xi32, #tpu.memory_space<vmem>> -> memref<80xi32, #tpu.memory_space<vmem>>
      %dma_wait3A_366 = arith.constant 0 : i32
      %dma_wait3A_367 = arith.constant 0 : i32
      %dma_wait3A_368 = tpu.memref_slice %arg17[%dma_wait3A_366, %dma_wait3A_367] : memref<10240x72xf32, #tpu.memory_space<vmem_shared>> -> memref<10240x72xf32, #tpu.memory_space<vmem_shared>>
      tpu.wait_indirect_dma semaphore(%run_scoped3A_356 : memref<!tpu.dma_semaphore, #tpu.memory_space<semaphore_mem>>) src(%arg8 : memref<80x72xf32, #tpu.memory_space<vmem>>) dst(%dma_wait3A_368 : memref<10240x72xf32, #tpu.memory_space<vmem_shared>>)
      tpu.yield
    }) : () -> ()
    %dma_start3A_107 = arith.constant 117 : i32
    %dma_start3A_108 = arith.constant 0 : i32
    %dma_start3A_109 = tpu.memref_slice %arg6[%dma_start3A_107, %dma_start3A_108] : memref<125x80xi32, #tpu.memory_space<vmem>> -> memref<1x80xi32, #tpu.memory_space<vmem>>
    %dma_start3A_110 = tpu.memref_squeeze %dma_start3A_109 : memref<1x80xi32, #tpu.memory_space<vmem>> -> memref<80xi32, #tpu.memory_space<vmem>>
    %dma_start3A_111 = arith.constant 0 : i32
    %dma_start3A_112 = arith.constant 0 : i32
    %dma_start3A_113 = tpu.memref_slice %arg3[%dma_start3A_111, %dma_start3A_112] : memref<10000x72xf32, #tpu.memory_space<hbm>> -> memref<10000x72xf32, #tpu.memory_space<hbm>>
    tpu.enqueue_indirect_dma source(%dma_start3A_113 : memref<10000x72xf32, #tpu.memory_space<hbm>>) target(%arg8 : memref<80x72xf32, #tpu.memory_space<vmem>>) offsets(%dma_start3A_110 : memref<80xi32, #tpu.memory_space<vmem>>) semaphore(%arg18 : memref<!tpu.dma_semaphore, #tpu.memory_space<semaphore_mem>>)
    %dma_wait3A_114 = arith.constant 0 : i32
    %dma_wait3A_115 = arith.constant 0 : i32
    %dma_wait3A_116 = tpu.memref_slice %arg6[%dma_wait3A_114, %dma_wait3A_115] : memref<125x80xi32, #tpu.memory_space<vmem>> -> memref<1x80xi32, #tpu.memory_space<vmem>>
    %dma_wait3A_117 = tpu.memref_squeeze %dma_wait3A_116 : memref<1x80xi32, #tpu.memory_space<vmem>> -> memref<80xi32, #tpu.memory_space<vmem>>
    %dma_wait3A_118 = arith.constant 0 : i32
    %dma_wait3A_119 = arith.constant 0 : i32
    %dma_wait3A_120 = tpu.memref_slice %arg3[%dma_wait3A_118, %dma_wait3A_119] : memref<10000x72xf32, #tpu.memory_space<hbm>> -> memref<10000x72xf32, #tpu.memory_space<hbm>>
    tpu.wait_indirect_dma semaphore(%arg19 : memref<!tpu.dma_semaphore, #tpu.memory_space<semaphore_mem>>) src(%dma_wait3A_120 : memref<10000x72xf32, #tpu.memory_space<hbm>>) dst(%arg9 : memref<80x72xf32, #tpu.memory_space<vmem>>)
    %run_scoped3A_121 = arith.constant 109 : i32
    "tpu.region"() ({
      %run_scoped3A_356 = tpu.sem_alloc : memref<!tpu.dma_semaphore, #tpu.memory_space<semaphore_mem>>
      %dma_start3A_357 = arith.constant 0 : i32
      %dma_start3A_358 = tpu.memref_slice %arg7[%run_scoped3A_121, %dma_start3A_357] : memref<125x80xi32, #tpu.memory_space<vmem>> -> memref<1x80xi32, #tpu.memory_space<vmem>>
      %dma_start3A_359 = tpu.memref_squeeze %dma_start3A_358 : memref<1x80xi32, #tpu.memory_space<vmem>> -> memref<80xi32, #tpu.memory_space<vmem>>
      %dma_start3A_360 = arith.constant 0 : i32
      %dma_start3A_361 = arith.constant 0 : i32
      %dma_start3A_362 = tpu.memref_slice %arg17[%dma_start3A_360, %dma_start3A_361] : memref<10240x72xf32, #tpu.memory_space<vmem_shared>> -> memref<10240x72xf32, #tpu.memory_space<vmem_shared>>
      tpu.enqueue_indirect_dma source(%arg9 : memref<80x72xf32, #tpu.memory_space<vmem>>) target(%dma_start3A_362 : memref<10240x72xf32, #tpu.memory_space<vmem_shared>>) offsets(%dma_start3A_359 : memref<80xi32, #tpu.memory_space<vmem>>) semaphore(%run_scoped3A_356 : memref<!tpu.dma_semaphore, #tpu.memory_space<semaphore_mem>>) {add = true}
      %dma_wait3A_363 = arith.constant 0 : i32
      %dma_wait3A_364 = tpu.memref_slice %arg7[%run_scoped3A_121, %dma_wait3A_363] : memref<125x80xi32, #tpu.memory_space<vmem>> -> memref<1x80xi32, #tpu.memory_space<vmem>>
      %dma_wait3A_365 = tpu.memref_squeeze %dma_wait3A_364 : memref<1x80xi32, #tpu.memory_space<vmem>> -> memref<80xi32, #tpu.memory_space<vmem>>
      %dma_wait3A_366 = arith.constant 0 : i32
      %dma_wait3A_367 = arith.constant 0 : i32
      %dma_wait3A_368 = tpu.memref_slice %arg17[%dma_wait3A_366, %dma_wait3A_367] : memref<10240x72xf32, #tpu.memory_space<vmem_shared>> -> memref<10240x72xf32, #tpu.memory_space<vmem_shared>>
      tpu.wait_indirect_dma semaphore(%run_scoped3A_356 : memref<!tpu.dma_semaphore, #tpu.memory_space<semaphore_mem>>) src(%arg9 : memref<80x72xf32, #tpu.memory_space<vmem>>) dst(%dma_wait3A_368 : memref<10240x72xf32, #tpu.memory_space<vmem_shared>>)
      tpu.yield
    }) : () -> ()
    %dma_start3A_122 = arith.constant 118 : i32
    %dma_start3A_123 = arith.constant 0 : i32
    %dma_start3A_124 = tpu.memref_slice %arg6[%dma_start3A_122, %dma_start3A_123] : memref<125x80xi32, #tpu.memory_space<vmem>> -> memref<1x80xi32, #tpu.memory_space<vmem>>
    %dma_start3A_125 = tpu.memref_squeeze %dma_start3A_124 : memref<1x80xi32, #tpu.memory_space<vmem>> -> memref<80xi32, #tpu.memory_space<vmem>>
    %dma_start3A_126 = arith.constant 0 : i32
    %dma_start3A_127 = arith.constant 0 : i32
    %dma_start3A_128 = tpu.memref_slice %arg3[%dma_start3A_126, %dma_start3A_127] : memref<10000x72xf32, #tpu.memory_space<hbm>> -> memref<10000x72xf32, #tpu.memory_space<hbm>>
    tpu.enqueue_indirect_dma source(%dma_start3A_128 : memref<10000x72xf32, #tpu.memory_space<hbm>>) target(%arg9 : memref<80x72xf32, #tpu.memory_space<vmem>>) offsets(%dma_start3A_125 : memref<80xi32, #tpu.memory_space<vmem>>) semaphore(%arg19 : memref<!tpu.dma_semaphore, #tpu.memory_space<semaphore_mem>>)
    %dma_wait3A_129 = arith.constant 0 : i32
    %dma_wait3A_130 = arith.constant 0 : i32
    %dma_wait3A_131 = tpu.memref_slice %arg6[%dma_wait3A_129, %dma_wait3A_130] : memref<125x80xi32, #tpu.memory_space<vmem>> -> memref<1x80xi32, #tpu.memory_space<vmem>>
    %dma_wait3A_132 = tpu.memref_squeeze %dma_wait3A_131 : memref<1x80xi32, #tpu.memory_space<vmem>> -> memref<80xi32, #tpu.memory_space<vmem>>
    %dma_wait3A_133 = arith.constant 0 : i32
    %dma_wait3A_134 = arith.constant 0 : i32
    %dma_wait3A_135 = tpu.memref_slice %arg3[%dma_wait3A_133, %dma_wait3A_134] : memref<10000x72xf32, #tpu.memory_space<hbm>> -> memref<10000x72xf32, #tpu.memory_space<hbm>>
    tpu.wait_indirect_dma semaphore(%arg20 : memref<!tpu.dma_semaphore, #tpu.memory_space<semaphore_mem>>) src(%dma_wait3A_135 : memref<10000x72xf32, #tpu.memory_space<hbm>>) dst(%arg10 : memref<80x72xf32, #tpu.memory_space<vmem>>)
    %run_scoped3A_136 = arith.constant 110 : i32
    "tpu.region"() ({
      %run_scoped3A_356 = tpu.sem_alloc : memref<!tpu.dma_semaphore, #tpu.memory_space<semaphore_mem>>
      %dma_start3A_357 = arith.constant 0 : i32
      %dma_start3A_358 = tpu.memref_slice %arg7[%run_scoped3A_136, %dma_start3A_357] : memref<125x80xi32, #tpu.memory_space<vmem>> -> memref<1x80xi32, #tpu.memory_space<vmem>>
      %dma_start3A_359 = tpu.memref_squeeze %dma_start3A_358 : memref<1x80xi32, #tpu.memory_space<vmem>> -> memref<80xi32, #tpu.memory_space<vmem>>
      %dma_start3A_360 = arith.constant 0 : i32
      %dma_start3A_361 = arith.constant 0 : i32
      %dma_start3A_362 = tpu.memref_slice %arg17[%dma_start3A_360, %dma_start3A_361] : memref<10240x72xf32, #tpu.memory_space<vmem_shared>> -> memref<10240x72xf32, #tpu.memory_space<vmem_shared>>
      tpu.enqueue_indirect_dma source(%arg10 : memref<80x72xf32, #tpu.memory_space<vmem>>) target(%dma_start3A_362 : memref<10240x72xf32, #tpu.memory_space<vmem_shared>>) offsets(%dma_start3A_359 : memref<80xi32, #tpu.memory_space<vmem>>) semaphore(%run_scoped3A_356 : memref<!tpu.dma_semaphore, #tpu.memory_space<semaphore_mem>>) {add = true}
      %dma_wait3A_363 = arith.constant 0 : i32
      %dma_wait3A_364 = tpu.memref_slice %arg7[%run_scoped3A_136, %dma_wait3A_363] : memref<125x80xi32, #tpu.memory_space<vmem>> -> memref<1x80xi32, #tpu.memory_space<vmem>>
      %dma_wait3A_365 = tpu.memref_squeeze %dma_wait3A_364 : memref<1x80xi32, #tpu.memory_space<vmem>> -> memref<80xi32, #tpu.memory_space<vmem>>
      %dma_wait3A_366 = arith.constant 0 : i32
      %dma_wait3A_367 = arith.constant 0 : i32
      %dma_wait3A_368 = tpu.memref_slice %arg17[%dma_wait3A_366, %dma_wait3A_367] : memref<10240x72xf32, #tpu.memory_space<vmem_shared>> -> memref<10240x72xf32, #tpu.memory_space<vmem_shared>>
      tpu.wait_indirect_dma semaphore(%run_scoped3A_356 : memref<!tpu.dma_semaphore, #tpu.memory_space<semaphore_mem>>) src(%arg10 : memref<80x72xf32, #tpu.memory_space<vmem>>) dst(%dma_wait3A_368 : memref<10240x72xf32, #tpu.memory_space<vmem_shared>>)
      tpu.yield
    }) : () -> ()
    %dma_start3A_137 = arith.constant 119 : i32
    %dma_start3A_138 = arith.constant 0 : i32
    %dma_start3A_139 = tpu.memref_slice %arg6[%dma_start3A_137, %dma_start3A_138] : memref<125x80xi32, #tpu.memory_space<vmem>> -> memref<1x80xi32, #tpu.memory_space<vmem>>
    %dma_start3A_140 = tpu.memref_squeeze %dma_start3A_139 : memref<1x80xi32, #tpu.memory_space<vmem>> -> memref<80xi32, #tpu.memory_space<vmem>>
    %dma_start3A_141 = arith.constant 0 : i32
    %dma_start3A_142 = arith.constant 0 : i32
    %dma_start3A_143 = tpu.memref_slice %arg3[%dma_start3A_141, %dma_start3A_142] : memref<10000x72xf32, #tpu.memory_space<hbm>> -> memref<10000x72xf32, #tpu.memory_space<hbm>>
    tpu.enqueue_indirect_dma source(%dma_start3A_143 : memref<10000x72xf32, #tpu.memory_space<hbm>>) target(%arg10 : memref<80x72xf32, #tpu.memory_space<vmem>>) offsets(%dma_start3A_140 : memref<80xi32, #tpu.memory_space<vmem>>) semaphore(%arg20 : memref<!tpu.dma_semaphore, #tpu.memory_space<semaphore_mem>>)
    %dma_wait3A_144 = arith.constant 0 : i32
    %dma_wait3A_145 = arith.constant 0 : i32
    %dma_wait3A_146 = tpu.memref_slice %arg6[%dma_wait3A_144, %dma_wait3A_145] : memref<125x80xi32, #tpu.memory_space<vmem>> -> memref<1x80xi32, #tpu.memory_space<vmem>>
    %dma_wait3A_147 = tpu.memref_squeeze %dma_wait3A_146 : memref<1x80xi32, #tpu.memory_space<vmem>> -> memref<80xi32, #tpu.memory_space<vmem>>
    %dma_wait3A_148 = arith.constant 0 : i32
    %dma_wait3A_149 = arith.constant 0 : i32
    %dma_wait3A_150 = tpu.memref_slice %arg3[%dma_wait3A_148, %dma_wait3A_149] : memref<10000x72xf32, #tpu.memory_space<hbm>> -> memref<10000x72xf32, #tpu.memory_space<hbm>>
    tpu.wait_indirect_dma semaphore(%arg21 : memref<!tpu.dma_semaphore, #tpu.memory_space<semaphore_mem>>) src(%dma_wait3A_150 : memref<10000x72xf32, #tpu.memory_space<hbm>>) dst(%arg11 : memref<80x72xf32, #tpu.memory_space<vmem>>)
    %run_scoped3A_151 = arith.constant 111 : i32
    "tpu.region"() ({
      %run_scoped3A_356 = tpu.sem_alloc : memref<!tpu.dma_semaphore, #tpu.memory_space<semaphore_mem>>
      %dma_start3A_357 = arith.constant 0 : i32
      %dma_start3A_358 = tpu.memref_slice %arg7[%run_scoped3A_151, %dma_start3A_357] : memref<125x80xi32, #tpu.memory_space<vmem>> -> memref<1x80xi32, #tpu.memory_space<vmem>>
      %dma_start3A_359 = tpu.memref_squeeze %dma_start3A_358 : memref<1x80xi32, #tpu.memory_space<vmem>> -> memref<80xi32, #tpu.memory_space<vmem>>
      %dma_start3A_360 = arith.constant 0 : i32
      %dma_start3A_361 = arith.constant 0 : i32
      %dma_start3A_362 = tpu.memref_slice %arg17[%dma_start3A_360, %dma_start3A_361] : memref<10240x72xf32, #tpu.memory_space<vmem_shared>> -> memref<10240x72xf32, #tpu.memory_space<vmem_shared>>
      tpu.enqueue_indirect_dma source(%arg11 : memref<80x72xf32, #tpu.memory_space<vmem>>) target(%dma_start3A_362 : memref<10240x72xf32, #tpu.memory_space<vmem_shared>>) offsets(%dma_start3A_359 : memref<80xi32, #tpu.memory_space<vmem>>) semaphore(%run_scoped3A_356 : memref<!tpu.dma_semaphore, #tpu.memory_space<semaphore_mem>>) {add = true}
      %dma_wait3A_363 = arith.constant 0 : i32
      %dma_wait3A_364 = tpu.memref_slice %arg7[%run_scoped3A_151, %dma_wait3A_363] : memref<125x80xi32, #tpu.memory_space<vmem>> -> memref<1x80xi32, #tpu.memory_space<vmem>>
      %dma_wait3A_365 = tpu.memref_squeeze %dma_wait3A_364 : memref<1x80xi32, #tpu.memory_space<vmem>> -> memref<80xi32, #tpu.memory_space<vmem>>
      %dma_wait3A_366 = arith.constant 0 : i32
      %dma_wait3A_367 = arith.constant 0 : i32
      %dma_wait3A_368 = tpu.memref_slice %arg17[%dma_wait3A_366, %dma_wait3A_367] : memref<10240x72xf32, #tpu.memory_space<vmem_shared>> -> memref<10240x72xf32, #tpu.memory_space<vmem_shared>>
      tpu.wait_indirect_dma semaphore(%run_scoped3A_356 : memref<!tpu.dma_semaphore, #tpu.memory_space<semaphore_mem>>) src(%arg11 : memref<80x72xf32, #tpu.memory_space<vmem>>) dst(%dma_wait3A_368 : memref<10240x72xf32, #tpu.memory_space<vmem_shared>>)
      tpu.yield
    }) : () -> ()
    %dma_start3A_152 = arith.constant 120 : i32
    %dma_start3A_153 = arith.constant 0 : i32
    %dma_start3A_154 = tpu.memref_slice %arg6[%dma_start3A_152, %dma_start3A_153] : memref<125x80xi32, #tpu.memory_space<vmem>> -> memref<1x80xi32, #tpu.memory_space<vmem>>
    %dma_start3A_155 = tpu.memref_squeeze %dma_start3A_154 : memref<1x80xi32, #tpu.memory_space<vmem>> -> memref<80xi32, #tpu.memory_space<vmem>>
    %dma_start3A_156 = arith.constant 0 : i32
    %dma_start3A_157 = arith.constant 0 : i32
    %dma_start3A_158 = tpu.memref_slice %arg3[%dma_start3A_156, %dma_start3A_157] : memref<10000x72xf32, #tpu.memory_space<hbm>> -> memref<10000x72xf32, #tpu.memory_space<hbm>>
    tpu.enqueue_indirect_dma source(%dma_start3A_158 : memref<10000x72xf32, #tpu.memory_space<hbm>>) target(%arg11 : memref<80x72xf32, #tpu.memory_space<vmem>>) offsets(%dma_start3A_155 : memref<80xi32, #tpu.memory_space<vmem>>) semaphore(%arg21 : memref<!tpu.dma_semaphore, #tpu.memory_space<semaphore_mem>>)
    %dma_wait3A_159 = arith.constant 0 : i32
    %dma_wait3A_160 = arith.constant 0 : i32
    %dma_wait3A_161 = tpu.memref_slice %arg6[%dma_wait3A_159, %dma_wait3A_160] : memref<125x80xi32, #tpu.memory_space<vmem>> -> memref<1x80xi32, #tpu.memory_space<vmem>>
    %dma_wait3A_162 = tpu.memref_squeeze %dma_wait3A_161 : memref<1x80xi32, #tpu.memory_space<vmem>> -> memref<80xi32, #tpu.memory_space<vmem>>
    %dma_wait3A_163 = arith.constant 0 : i32
    %dma_wait3A_164 = arith.constant 0 : i32
    %dma_wait3A_165 = tpu.memref_slice %arg3[%dma_wait3A_163, %dma_wait3A_164] : memref<10000x72xf32, #tpu.memory_space<hbm>> -> memref<10000x72xf32, #tpu.memory_space<hbm>>
    tpu.wait_indirect_dma semaphore(%arg22 : memref<!tpu.dma_semaphore, #tpu.memory_space<semaphore_mem>>) src(%dma_wait3A_165 : memref<10000x72xf32, #tpu.memory_space<hbm>>) dst(%arg12 : memref<80x72xf32, #tpu.memory_space<vmem>>)
    %run_scoped3A_166 = arith.constant 112 : i32
    "tpu.region"() ({
      %run_scoped3A_356 = tpu.sem_alloc : memref<!tpu.dma_semaphore, #tpu.memory_space<semaphore_mem>>
      %dma_start3A_357 = arith.constant 0 : i32
      %dma_start3A_358 = tpu.memref_slice %arg7[%run_scoped3A_166, %dma_start3A_357] : memref<125x80xi32, #tpu.memory_space<vmem>> -> memref<1x80xi32, #tpu.memory_space<vmem>>
      %dma_start3A_359 = tpu.memref_squeeze %dma_start3A_358 : memref<1x80xi32, #tpu.memory_space<vmem>> -> memref<80xi32, #tpu.memory_space<vmem>>
      %dma_start3A_360 = arith.constant 0 : i32
      %dma_start3A_361 = arith.constant 0 : i32
      %dma_start3A_362 = tpu.memref_slice %arg17[%dma_start3A_360, %dma_start3A_361] : memref<10240x72xf32, #tpu.memory_space<vmem_shared>> -> memref<10240x72xf32, #tpu.memory_space<vmem_shared>>
      tpu.enqueue_indirect_dma source(%arg12 : memref<80x72xf32, #tpu.memory_space<vmem>>) target(%dma_start3A_362 : memref<10240x72xf32, #tpu.memory_space<vmem_shared>>) offsets(%dma_start3A_359 : memref<80xi32, #tpu.memory_space<vmem>>) semaphore(%run_scoped3A_356 : memref<!tpu.dma_semaphore, #tpu.memory_space<semaphore_mem>>) {add = true}
      %dma_wait3A_363 = arith.constant 0 : i32
      %dma_wait3A_364 = tpu.memref_slice %arg7[%run_scoped3A_166, %dma_wait3A_363] : memref<125x80xi32, #tpu.memory_space<vmem>> -> memref<1x80xi32, #tpu.memory_space<vmem>>
      %dma_wait3A_365 = tpu.memref_squeeze %dma_wait3A_364 : memref<1x80xi32, #tpu.memory_space<vmem>> -> memref<80xi32, #tpu.memory_space<vmem>>
      %dma_wait3A_366 = arith.constant 0 : i32
      %dma_wait3A_367 = arith.constant 0 : i32
      %dma_wait3A_368 = tpu.memref_slice %arg17[%dma_wait3A_366, %dma_wait3A_367] : memref<10240x72xf32, #tpu.memory_space<vmem_shared>> -> memref<10240x72xf32, #tpu.memory_space<vmem_shared>>
      tpu.wait_indirect_dma semaphore(%run_scoped3A_356 : memref<!tpu.dma_semaphore, #tpu.memory_space<semaphore_mem>>) src(%arg12 : memref<80x72xf32, #tpu.memory_space<vmem>>) dst(%dma_wait3A_368 : memref<10240x72xf32, #tpu.memory_space<vmem_shared>>)
      tpu.yield
    }) : () -> ()
    %dma_start3A_167 = arith.constant 121 : i32
    %dma_start3A_168 = arith.constant 0 : i32
    %dma_start3A_169 = tpu.memref_slice %arg6[%dma_start3A_167, %dma_start3A_168] : memref<125x80xi32, #tpu.memory_space<vmem>> -> memref<1x80xi32, #tpu.memory_space<vmem>>
    %dma_start3A_170 = tpu.memref_squeeze %dma_start3A_169 : memref<1x80xi32, #tpu.memory_space<vmem>> -> memref<80xi32, #tpu.memory_space<vmem>>
    %dma_start3A_171 = arith.constant 0 : i32
    %dma_start3A_172 = arith.constant 0 : i32
    %dma_start3A_173 = tpu.memref_slice %arg3[%dma_start3A_171, %dma_start3A_172] : memref<10000x72xf32, #tpu.memory_space<hbm>> -> memref<10000x72xf32, #tpu.memory_space<hbm>>
    tpu.enqueue_indirect_dma source(%dma_start3A_173 : memref<10000x72xf32, #tpu.memory_space<hbm>>) target(%arg12 : memref<80x72xf32, #tpu.memory_space<vmem>>) offsets(%dma_start3A_170 : memref<80xi32, #tpu.memory_space<vmem>>) semaphore(%arg22 : memref<!tpu.dma_semaphore, #tpu.memory_space<semaphore_mem>>)
    %dma_wait3A_174 = arith.constant 0 : i32
    %dma_wait3A_175 = arith.constant 0 : i32
    %dma_wait3A_176 = tpu.memref_slice %arg6[%dma_wait3A_174, %dma_wait3A_175] : memref<125x80xi32, #tpu.memory_space<vmem>> -> memref<1x80xi32, #tpu.memory_space<vmem>>
    %dma_wait3A_177 = tpu.memref_squeeze %dma_wait3A_176 : memref<1x80xi32, #tpu.memory_space<vmem>> -> memref<80xi32, #tpu.memory_space<vmem>>
    %dma_wait3A_178 = arith.constant 0 : i32
    %dma_wait3A_179 = arith.constant 0 : i32
    %dma_wait3A_180 = tpu.memref_slice %arg3[%dma_wait3A_178, %dma_wait3A_179] : memref<10000x72xf32, #tpu.memory_space<hbm>> -> memref<10000x72xf32, #tpu.memory_space<hbm>>
    tpu.wait_indirect_dma semaphore(%arg23 : memref<!tpu.dma_semaphore, #tpu.memory_space<semaphore_mem>>) src(%dma_wait3A_180 : memref<10000x72xf32, #tpu.memory_space<hbm>>) dst(%arg13 : memref<80x72xf32, #tpu.memory_space<vmem>>)
    %run_scoped3A_181 = arith.constant 113 : i32
    "tpu.region"() ({
      %run_scoped3A_356 = tpu.sem_alloc : memref<!tpu.dma_semaphore, #tpu.memory_space<semaphore_mem>>
      %dma_start3A_357 = arith.constant 0 : i32
      %dma_start3A_358 = tpu.memref_slice %arg7[%run_scoped3A_181, %dma_start3A_357] : memref<125x80xi32, #tpu.memory_space<vmem>> -> memref<1x80xi32, #tpu.memory_space<vmem>>
      %dma_start3A_359 = tpu.memref_squeeze %dma_start3A_358 : memref<1x80xi32, #tpu.memory_space<vmem>> -> memref<80xi32, #tpu.memory_space<vmem>>
      %dma_start3A_360 = arith.constant 0 : i32
      %dma_start3A_361 = arith.constant 0 : i32
      %dma_start3A_362 = tpu.memref_slice %arg17[%dma_start3A_360, %dma_start3A_361] : memref<10240x72xf32, #tpu.memory_space<vmem_shared>> -> memref<10240x72xf32, #tpu.memory_space<vmem_shared>>
      tpu.enqueue_indirect_dma source(%arg13 : memref<80x72xf32, #tpu.memory_space<vmem>>) target(%dma_start3A_362 : memref<10240x72xf32, #tpu.memory_space<vmem_shared>>) offsets(%dma_start3A_359 : memref<80xi32, #tpu.memory_space<vmem>>) semaphore(%run_scoped3A_356 : memref<!tpu.dma_semaphore, #tpu.memory_space<semaphore_mem>>) {add = true}
      %dma_wait3A_363 = arith.constant 0 : i32
      %dma_wait3A_364 = tpu.memref_slice %arg7[%run_scoped3A_181, %dma_wait3A_363] : memref<125x80xi32, #tpu.memory_space<vmem>> -> memref<1x80xi32, #tpu.memory_space<vmem>>
      %dma_wait3A_365 = tpu.memref_squeeze %dma_wait3A_364 : memref<1x80xi32, #tpu.memory_space<vmem>> -> memref<80xi32, #tpu.memory_space<vmem>>
      %dma_wait3A_366 = arith.constant 0 : i32
      %dma_wait3A_367 = arith.constant 0 : i32
      %dma_wait3A_368 = tpu.memref_slice %arg17[%dma_wait3A_366, %dma_wait3A_367] : memref<10240x72xf32, #tpu.memory_space<vmem_shared>> -> memref<10240x72xf32, #tpu.memory_space<vmem_shared>>
      tpu.wait_indirect_dma semaphore(%run_scoped3A_356 : memref<!tpu.dma_semaphore, #tpu.memory_space<semaphore_mem>>) src(%arg13 : memref<80x72xf32, #tpu.memory_space<vmem>>) dst(%dma_wait3A_368 : memref<10240x72xf32, #tpu.memory_space<vmem_shared>>)
      tpu.yield
    }) : () -> ()
    %dma_start3A_182 = arith.constant 122 : i32
    %dma_start3A_183 = arith.constant 0 : i32
    %dma_start3A_184 = tpu.memref_slice %arg6[%dma_start3A_182, %dma_start3A_183] : memref<125x80xi32, #tpu.memory_space<vmem>> -> memref<1x80xi32, #tpu.memory_space<vmem>>
    %dma_start3A_185 = tpu.memref_squeeze %dma_start3A_184 : memref<1x80xi32, #tpu.memory_space<vmem>> -> memref<80xi32, #tpu.memory_space<vmem>>
    %dma_start3A_186 = arith.constant 0 : i32
    %dma_start3A_187 = arith.constant 0 : i32
    %dma_start3A_188 = tpu.memref_slice %arg3[%dma_start3A_186, %dma_start3A_187] : memref<10000x72xf32, #tpu.memory_space<hbm>> -> memref<10000x72xf32, #tpu.memory_space<hbm>>
    tpu.enqueue_indirect_dma source(%dma_start3A_188 : memref<10000x72xf32, #tpu.memory_space<hbm>>) target(%arg13 : memref<80x72xf32, #tpu.memory_space<vmem>>) offsets(%dma_start3A_185 : memref<80xi32, #tpu.memory_space<vmem>>) semaphore(%arg23 : memref<!tpu.dma_semaphore, #tpu.memory_space<semaphore_mem>>)
    %dma_wait3A_189 = arith.constant 0 : i32
    %dma_wait3A_190 = arith.constant 0 : i32
    %dma_wait3A_191 = tpu.memref_slice %arg6[%dma_wait3A_189, %dma_wait3A_190] : memref<125x80xi32, #tpu.memory_space<vmem>> -> memref<1x80xi32, #tpu.memory_space<vmem>>
    %dma_wait3A_192 = tpu.memref_squeeze %dma_wait3A_191 : memref<1x80xi32, #tpu.memory_space<vmem>> -> memref<80xi32, #tpu.memory_space<vmem>>
    %dma_wait3A_193 = arith.constant 0 : i32
    %dma_wait3A_194 = arith.constant 0 : i32
    %dma_wait3A_195 = tpu.memref_slice %arg3[%dma_wait3A_193, %dma_wait3A_194] : memref<10000x72xf32, #tpu.memory_space<hbm>> -> memref<10000x72xf32, #tpu.memory_space<hbm>>
    tpu.wait_indirect_dma semaphore(%arg24 : memref<!tpu.dma_semaphore, #tpu.memory_space<semaphore_mem>>) src(%dma_wait3A_195 : memref<10000x72xf32, #tpu.memory_space<hbm>>) dst(%arg14 : memref<80x72xf32, #tpu.memory_space<vmem>>)
    %run_scoped3A_196 = arith.constant 114 : i32
    "tpu.region"() ({
      %run_scoped3A_356 = tpu.sem_alloc : memref<!tpu.dma_semaphore, #tpu.memory_space<semaphore_mem>>
      %dma_start3A_357 = arith.constant 0 : i32
      %dma_start3A_358 = tpu.memref_slice %arg7[%run_scoped3A_196, %dma_start3A_357] : memref<125x80xi32, #tpu.memory_space<vmem>> -> memref<1x80xi32, #tpu.memory_space<vmem>>
      %dma_start3A_359 = tpu.memref_squeeze %dma_start3A_358 : memref<1x80xi32, #tpu.memory_space<vmem>> -> memref<80xi32, #tpu.memory_space<vmem>>
      %dma_start3A_360 = arith.constant 0 : i32
      %dma_start3A_361 = arith.constant 0 : i32
      %dma_start3A_362 = tpu.memref_slice %arg17[%dma_start3A_360, %dma_start3A_361] : memref<10240x72xf32, #tpu.memory_space<vmem_shared>> -> memref<10240x72xf32, #tpu.memory_space<vmem_shared>>
      tpu.enqueue_indirect_dma source(%arg14 : memref<80x72xf32, #tpu.memory_space<vmem>>) target(%dma_start3A_362 : memref<10240x72xf32, #tpu.memory_space<vmem_shared>>) offsets(%dma_start3A_359 : memref<80xi32, #tpu.memory_space<vmem>>) semaphore(%run_scoped3A_356 : memref<!tpu.dma_semaphore, #tpu.memory_space<semaphore_mem>>) {add = true}
      %dma_wait3A_363 = arith.constant 0 : i32
      %dma_wait3A_364 = tpu.memref_slice %arg7[%run_scoped3A_196, %dma_wait3A_363] : memref<125x80xi32, #tpu.memory_space<vmem>> -> memref<1x80xi32, #tpu.memory_space<vmem>>
      %dma_wait3A_365 = tpu.memref_squeeze %dma_wait3A_364 : memref<1x80xi32, #tpu.memory_space<vmem>> -> memref<80xi32, #tpu.memory_space<vmem>>
      %dma_wait3A_366 = arith.constant 0 : i32
      %dma_wait3A_367 = arith.constant 0 : i32
      %dma_wait3A_368 = tpu.memref_slice %arg17[%dma_wait3A_366, %dma_wait3A_367] : memref<10240x72xf32, #tpu.memory_space<vmem_shared>> -> memref<10240x72xf32, #tpu.memory_space<vmem_shared>>
      tpu.wait_indirect_dma semaphore(%run_scoped3A_356 : memref<!tpu.dma_semaphore, #tpu.memory_space<semaphore_mem>>) src(%arg14 : memref<80x72xf32, #tpu.memory_space<vmem>>) dst(%dma_wait3A_368 : memref<10240x72xf32, #tpu.memory_space<vmem_shared>>)
      tpu.yield
    }) : () -> ()
    %dma_start3A_197 = arith.constant 123 : i32
    %dma_start3A_198 = arith.constant 0 : i32
    %dma_start3A_199 = tpu.memref_slice %arg6[%dma_start3A_197, %dma_start3A_198] : memref<125x80xi32, #tpu.memory_space<vmem>> -> memref<1x80xi32, #tpu.memory_space<vmem>>
    %dma_start3A_200 = tpu.memref_squeeze %dma_start3A_199 : memref<1x80xi32, #tpu.memory_space<vmem>> -> memref<80xi32, #tpu.memory_space<vmem>>
    %dma_start3A_201 = arith.constant 0 : i32
    %dma_start3A_202 = arith.constant 0 : i32
    %dma_start3A_203 = tpu.memref_slice %arg3[%dma_start3A_201, %dma_start3A_202] : memref<10000x72xf32, #tpu.memory_space<hbm>> -> memref<10000x72xf32, #tpu.memory_space<hbm>>
    tpu.enqueue_indirect_dma source(%dma_start3A_203 : memref<10000x72xf32, #tpu.memory_space<hbm>>) target(%arg14 : memref<80x72xf32, #tpu.memory_space<vmem>>) offsets(%dma_start3A_200 : memref<80xi32, #tpu.memory_space<vmem>>) semaphore(%arg24 : memref<!tpu.dma_semaphore, #tpu.memory_space<semaphore_mem>>)
    %dma_wait3A_204 = arith.constant 0 : i32
    %dma_wait3A_205 = arith.constant 0 : i32
    %dma_wait3A_206 = tpu.memref_slice %arg6[%dma_wait3A_204, %dma_wait3A_205] : memref<125x80xi32, #tpu.memory_space<vmem>> -> memref<1x80xi32, #tpu.memory_space<vmem>>
    %dma_wait3A_207 = tpu.memref_squeeze %dma_wait3A_206 : memref<1x80xi32, #tpu.memory_space<vmem>> -> memref<80xi32, #tpu.memory_space<vmem>>
    %dma_wait3A_208 = arith.constant 0 : i32
    %dma_wait3A_209 = arith.constant 0 : i32
    %dma_wait3A_210 = tpu.memref_slice %arg3[%dma_wait3A_208, %dma_wait3A_209] : memref<10000x72xf32, #tpu.memory_space<hbm>> -> memref<10000x72xf32, #tpu.memory_space<hbm>>
    tpu.wait_indirect_dma semaphore(%arg25 : memref<!tpu.dma_semaphore, #tpu.memory_space<semaphore_mem>>) src(%dma_wait3A_210 : memref<10000x72xf32, #tpu.memory_space<hbm>>) dst(%arg15 : memref<80x72xf32, #tpu.memory_space<vmem>>)
    %run_scoped3A_211 = arith.constant 115 : i32
    "tpu.region"() ({
      %run_scoped3A_356 = tpu.sem_alloc : memref<!tpu.dma_semaphore, #tpu.memory_space<semaphore_mem>>
      %dma_start3A_357 = arith.constant 0 : i32
      %dma_start3A_358 = tpu.memref_slice %arg7[%run_scoped3A_211, %dma_start3A_357] : memref<125x80xi32, #tpu.memory_space<vmem>> -> memref<1x80xi32, #tpu.memory_space<vmem>>
      %dma_start3A_359 = tpu.memref_squeeze %dma_start3A_358 : memref<1x80xi32, #tpu.memory_space<vmem>> -> memref<80xi32, #tpu.memory_space<vmem>>
      %dma_start3A_360 = arith.constant 0 : i32
      %dma_start3A_361 = arith.constant 0 : i32
      %dma_start3A_362 = tpu.memref_slice %arg17[%dma_start3A_360, %dma_start3A_361] : memref<10240x72xf32, #tpu.memory_space<vmem_shared>> -> memref<10240x72xf32, #tpu.memory_space<vmem_shared>>
      tpu.enqueue_indirect_dma source(%arg15 : memref<80x72xf32, #tpu.memory_space<vmem>>) target(%dma_start3A_362 : memref<10240x72xf32, #tpu.memory_space<vmem_shared>>) offsets(%dma_start3A_359 : memref<80xi32, #tpu.memory_space<vmem>>) semaphore(%run_scoped3A_356 : memref<!tpu.dma_semaphore, #tpu.memory_space<semaphore_mem>>) {add = true}
      %dma_wait3A_363 = arith.constant 0 : i32
      %dma_wait3A_364 = tpu.memref_slice %arg7[%run_scoped3A_211, %dma_wait3A_363] : memref<125x80xi32, #tpu.memory_space<vmem>> -> memref<1x80xi32, #tpu.memory_space<vmem>>
      %dma_wait3A_365 = tpu.memref_squeeze %dma_wait3A_364 : memref<1x80xi32, #tpu.memory_space<vmem>> -> memref<80xi32, #tpu.memory_space<vmem>>
      %dma_wait3A_366 = arith.constant 0 : i32
      %dma_wait3A_367 = arith.constant 0 : i32
      %dma_wait3A_368 = tpu.memref_slice %arg17[%dma_wait3A_366, %dma_wait3A_367] : memref<10240x72xf32, #tpu.memory_space<vmem_shared>> -> memref<10240x72xf32, #tpu.memory_space<vmem_shared>>
      tpu.wait_indirect_dma semaphore(%run_scoped3A_356 : memref<!tpu.dma_semaphore, #tpu.memory_space<semaphore_mem>>) src(%arg15 : memref<80x72xf32, #tpu.memory_space<vmem>>) dst(%dma_wait3A_368 : memref<10240x72xf32, #tpu.memory_space<vmem_shared>>)
      tpu.yield
    }) : () -> ()
    %dma_start3A_212 = arith.constant 124 : i32
    %dma_start3A_213 = arith.constant 0 : i32
    %dma_start3A_214 = tpu.memref_slice %arg6[%dma_start3A_212, %dma_start3A_213] : memref<125x80xi32, #tpu.memory_space<vmem>> -> memref<1x80xi32, #tpu.memory_space<vmem>>
    %dma_start3A_215 = tpu.memref_squeeze %dma_start3A_214 : memref<1x80xi32, #tpu.memory_space<vmem>> -> memref<80xi32, #tpu.memory_space<vmem>>
    %dma_start3A_216 = arith.constant 0 : i32
    %dma_start3A_217 = arith.constant 0 : i32
    %dma_start3A_218 = tpu.memref_slice %arg3[%dma_start3A_216, %dma_start3A_217] : memref<10000x72xf32, #tpu.memory_space<hbm>> -> memref<10000x72xf32, #tpu.memory_space<hbm>>
    tpu.enqueue_indirect_dma source(%dma_start3A_218 : memref<10000x72xf32, #tpu.memory_space<hbm>>) target(%arg15 : memref<80x72xf32, #tpu.memory_space<vmem>>) offsets(%dma_start3A_215 : memref<80xi32, #tpu.memory_space<vmem>>) semaphore(%arg25 : memref<!tpu.dma_semaphore, #tpu.memory_space<semaphore_mem>>)
    %dma_wait3A_219 = arith.constant 0 : i32
    %dma_wait3A_220 = arith.constant 0 : i32
    %dma_wait3A_221 = tpu.memref_slice %arg6[%dma_wait3A_219, %dma_wait3A_220] : memref<125x80xi32, #tpu.memory_space<vmem>> -> memref<1x80xi32, #tpu.memory_space<vmem>>
    %dma_wait3A_222 = tpu.memref_squeeze %dma_wait3A_221 : memref<1x80xi32, #tpu.memory_space<vmem>> -> memref<80xi32, #tpu.memory_space<vmem>>
    %dma_wait3A_223 = arith.constant 0 : i32
    %dma_wait3A_224 = arith.constant 0 : i32
    %dma_wait3A_225 = tpu.memref_slice %arg3[%dma_wait3A_223, %dma_wait3A_224] : memref<10000x72xf32, #tpu.memory_space<hbm>> -> memref<10000x72xf32, #tpu.memory_space<hbm>>
    tpu.wait_indirect_dma semaphore(%arg26 : memref<!tpu.dma_semaphore, #tpu.memory_space<semaphore_mem>>) src(%dma_wait3A_225 : memref<10000x72xf32, #tpu.memory_space<hbm>>) dst(%arg16 : memref<80x72xf32, #tpu.memory_space<vmem>>)
    %run_scoped3A_226 = arith.constant 116 : i32
    "tpu.region"() ({
      %run_scoped3A_356 = tpu.sem_alloc : memref<!tpu.dma_semaphore, #tpu.memory_space<semaphore_mem>>
      %dma_start3A_357 = arith.constant 0 : i32
      %dma_start3A_358 = tpu.memref_slice %arg7[%run_scoped3A_226, %dma_start3A_357] : memref<125x80xi32, #tpu.memory_space<vmem>> -> memref<1x80xi32, #tpu.memory_space<vmem>>
      %dma_start3A_359 = tpu.memref_squeeze %dma_start3A_358 : memref<1x80xi32, #tpu.memory_space<vmem>> -> memref<80xi32, #tpu.memory_space<vmem>>
      %dma_start3A_360 = arith.constant 0 : i32
      %dma_start3A_361 = arith.constant 0 : i32
      %dma_start3A_362 = tpu.memref_slice %arg17[%dma_start3A_360, %dma_start3A_361] : memref<10240x72xf32, #tpu.memory_space<vmem_shared>> -> memref<10240x72xf32, #tpu.memory_space<vmem_shared>>
      tpu.enqueue_indirect_dma source(%arg16 : memref<80x72xf32, #tpu.memory_space<vmem>>) target(%dma_start3A_362 : memref<10240x72xf32, #tpu.memory_space<vmem_shared>>) offsets(%dma_start3A_359 : memref<80xi32, #tpu.memory_space<vmem>>) semaphore(%run_scoped3A_356 : memref<!tpu.dma_semaphore, #tpu.memory_space<semaphore_mem>>) {add = true}
      %dma_wait3A_363 = arith.constant 0 : i32
      %dma_wait3A_364 = tpu.memref_slice %arg7[%run_scoped3A_226, %dma_wait3A_363] : memref<125x80xi32, #tpu.memory_space<vmem>> -> memref<1x80xi32, #tpu.memory_space<vmem>>
      %dma_wait3A_365 = tpu.memref_squeeze %dma_wait3A_364 : memref<1x80xi32, #tpu.memory_space<vmem>> -> memref<80xi32, #tpu.memory_space<vmem>>
      %dma_wait3A_366 = arith.constant 0 : i32
      %dma_wait3A_367 = arith.constant 0 : i32
      %dma_wait3A_368 = tpu.memref_slice %arg17[%dma_wait3A_366, %dma_wait3A_367] : memref<10240x72xf32, #tpu.memory_space<vmem_shared>> -> memref<10240x72xf32, #tpu.memory_space<vmem_shared>>
      tpu.wait_indirect_dma semaphore(%run_scoped3A_356 : memref<!tpu.dma_semaphore, #tpu.memory_space<semaphore_mem>>) src(%arg16 : memref<80x72xf32, #tpu.memory_space<vmem>>) dst(%dma_wait3A_368 : memref<10240x72xf32, #tpu.memory_space<vmem_shared>>)
      tpu.yield
    }) : () -> ()
    %dma_wait3A_227 = arith.constant 0 : i32
    %dma_wait3A_228 = arith.constant 0 : i32
    %dma_wait3A_229 = tpu.memref_slice %arg6[%dma_wait3A_227, %dma_wait3A_228] : memref<125x80xi32, #tpu.memory_space<vmem>> -> memref<1x80xi32, #tpu.memory_space<vmem>>
    %dma_wait3A_230 = tpu.memref_squeeze %dma_wait3A_229 : memref<1x80xi32, #tpu.memory_space<vmem>> -> memref<80xi32, #tpu.memory_space<vmem>>
    %dma_wait3A_231 = arith.constant 0 : i32
    %dma_wait3A_232 = arith.constant 0 : i32
    %dma_wait3A_233 = tpu.memref_slice %arg3[%dma_wait3A_231, %dma_wait3A_232] : memref<10000x72xf32, #tpu.memory_space<hbm>> -> memref<10000x72xf32, #tpu.memory_space<hbm>>
    tpu.wait_indirect_dma semaphore(%arg18 : memref<!tpu.dma_semaphore, #tpu.memory_space<semaphore_mem>>) src(%dma_wait3A_233 : memref<10000x72xf32, #tpu.memory_space<hbm>>) dst(%arg8 : memref<80x72xf32, #tpu.memory_space<vmem>>)
    %run_scoped3A_234 = arith.constant 117 : i32
    "tpu.region"() ({
      %run_scoped3A_356 = tpu.sem_alloc : memref<!tpu.dma_semaphore, #tpu.memory_space<semaphore_mem>>
      %dma_start3A_357 = arith.constant 0 : i32
      %dma_start3A_358 = tpu.memref_slice %arg7[%run_scoped3A_234, %dma_start3A_357] : memref<125x80xi32, #tpu.memory_space<vmem>> -> memref<1x80xi32, #tpu.memory_space<vmem>>
      %dma_start3A_359 = tpu.memref_squeeze %dma_start3A_358 : memref<1x80xi32, #tpu.memory_space<vmem>> -> memref<80xi32, #tpu.memory_space<vmem>>
      %dma_start3A_360 = arith.constant 0 : i32
      %dma_start3A_361 = arith.constant 0 : i32
      %dma_start3A_362 = tpu.memref_slice %arg17[%dma_start3A_360, %dma_start3A_361] : memref<10240x72xf32, #tpu.memory_space<vmem_shared>> -> memref<10240x72xf32, #tpu.memory_space<vmem_shared>>
      tpu.enqueue_indirect_dma source(%arg8 : memref<80x72xf32, #tpu.memory_space<vmem>>) target(%dma_start3A_362 : memref<10240x72xf32, #tpu.memory_space<vmem_shared>>) offsets(%dma_start3A_359 : memref<80xi32, #tpu.memory_space<vmem>>) semaphore(%run_scoped3A_356 : memref<!tpu.dma_semaphore, #tpu.memory_space<semaphore_mem>>) {add = true}
      %dma_wait3A_363 = arith.constant 0 : i32
      %dma_wait3A_364 = tpu.memref_slice %arg7[%run_scoped3A_234, %dma_wait3A_363] : memref<125x80xi32, #tpu.memory_space<vmem>> -> memref<1x80xi32, #tpu.memory_space<vmem>>
      %dma_wait3A_365 = tpu.memref_squeeze %dma_wait3A_364 : memref<1x80xi32, #tpu.memory_space<vmem>> -> memref<80xi32, #tpu.memory_space<vmem>>
      %dma_wait3A_366 = arith.constant 0 : i32
      %dma_wait3A_367 = arith.constant 0 : i32
      %dma_wait3A_368 = tpu.memref_slice %arg17[%dma_wait3A_366, %dma_wait3A_367] : memref<10240x72xf32, #tpu.memory_space<vmem_shared>> -> memref<10240x72xf32, #tpu.memory_space<vmem_shared>>
      tpu.wait_indirect_dma semaphore(%run_scoped3A_356 : memref<!tpu.dma_semaphore, #tpu.memory_space<semaphore_mem>>) src(%arg8 : memref<80x72xf32, #tpu.memory_space<vmem>>) dst(%dma_wait3A_368 : memref<10240x72xf32, #tpu.memory_space<vmem_shared>>)
      tpu.yield
    }) : () -> ()
    %dma_wait3A_235 = arith.constant 0 : i32
    %dma_wait3A_236 = arith.constant 0 : i32
    %dma_wait3A_237 = tpu.memref_slice %arg6[%dma_wait3A_235, %dma_wait3A_236] : memref<125x80xi32, #tpu.memory_space<vmem>> -> memref<1x80xi32, #tpu.memory_space<vmem>>
    %dma_wait3A_238 = tpu.memref_squeeze %dma_wait3A_237 : memref<1x80xi32, #tpu.memory_space<vmem>> -> memref<80xi32, #tpu.memory_space<vmem>>
    %dma_wait3A_239 = arith.constant 0 : i32
    %dma_wait3A_240 = arith.constant 0 : i32
    %dma_wait3A_241 = tpu.memref_slice %arg3[%dma_wait3A_239, %dma_wait3A_240] : memref<10000x72xf32, #tpu.memory_space<hbm>> -> memref<10000x72xf32, #tpu.memory_space<hbm>>
    tpu.wait_indirect_dma semaphore(%arg19 : memref<!tpu.dma_semaphore, #tpu.memory_space<semaphore_mem>>) src(%dma_wait3A_241 : memref<10000x72xf32, #tpu.memory_space<hbm>>) dst(%arg9 : memref<80x72xf32, #tpu.memory_space<vmem>>)
    %run_scoped3A_242 = arith.constant 118 : i32
    "tpu.region"() ({
      %run_scoped3A_356 = tpu.sem_alloc : memref<!tpu.dma_semaphore, #tpu.memory_space<semaphore_mem>>
      %dma_start3A_357 = arith.constant 0 : i32
      %dma_start3A_358 = tpu.memref_slice %arg7[%run_scoped3A_242, %dma_start3A_357] : memref<125x80xi32, #tpu.memory_space<vmem>> -> memref<1x80xi32, #tpu.memory_space<vmem>>
      %dma_start3A_359 = tpu.memref_squeeze %dma_start3A_358 : memref<1x80xi32, #tpu.memory_space<vmem>> -> memref<80xi32, #tpu.memory_space<vmem>>
      %dma_start3A_360 = arith.constant 0 : i32
      %dma_start3A_361 = arith.constant 0 : i32
      %dma_start3A_362 = tpu.memref_slice %arg17[%dma_start3A_360, %dma_start3A_361] : memref<10240x72xf32, #tpu.memory_space<vmem_shared>> -> memref<10240x72xf32, #tpu.memory_space<vmem_shared>>
      tpu.enqueue_indirect_dma source(%arg9 : memref<80x72xf32, #tpu.memory_space<vmem>>) target(%dma_start3A_362 : memref<10240x72xf32, #tpu.memory_space<vmem_shared>>) offsets(%dma_start3A_359 : memref<80xi32, #tpu.memory_space<vmem>>) semaphore(%run_scoped3A_356 : memref<!tpu.dma_semaphore, #tpu.memory_space<semaphore_mem>>) {add = true}
      %dma_wait3A_363 = arith.constant 0 : i32
      %dma_wait3A_364 = tpu.memref_slice %arg7[%run_scoped3A_242, %dma_wait3A_363] : memref<125x80xi32, #tpu.memory_space<vmem>> -> memref<1x80xi32, #tpu.memory_space<vmem>>
      %dma_wait3A_365 = tpu.memref_squeeze %dma_wait3A_364 : memref<1x80xi32, #tpu.memory_space<vmem>> -> memref<80xi32, #tpu.memory_space<vmem>>
      %dma_wait3A_366 = arith.constant 0 : i32
      %dma_wait3A_367 = arith.constant 0 : i32
      %dma_wait3A_368 = tpu.memref_slice %arg17[%dma_wait3A_366, %dma_wait3A_367] : memref<10240x72xf32, #tpu.memory_space<vmem_shared>> -> memref<10240x72xf32, #tpu.memory_space<vmem_shared>>
      tpu.wait_indirect_dma semaphore(%run_scoped3A_356 : memref<!tpu.dma_semaphore, #tpu.memory_space<semaphore_mem>>) src(%arg9 : memref<80x72xf32, #tpu.memory_space<vmem>>) dst(%dma_wait3A_368 : memref<10240x72xf32, #tpu.memory_space<vmem_shared>>)
      tpu.yield
    }) : () -> ()
    %dma_wait3A_243 = arith.constant 0 : i32
    %dma_wait3A_244 = arith.constant 0 : i32
    %dma_wait3A_245 = tpu.memref_slice %arg6[%dma_wait3A_243, %dma_wait3A_244] : memref<125x80xi32, #tpu.memory_space<vmem>> -> memref<1x80xi32, #tpu.memory_space<vmem>>
    %dma_wait3A_246 = tpu.memref_squeeze %dma_wait3A_245 : memref<1x80xi32, #tpu.memory_space<vmem>> -> memref<80xi32, #tpu.memory_space<vmem>>
    %dma_wait3A_247 = arith.constant 0 : i32
    %dma_wait3A_248 = arith.constant 0 : i32
    %dma_wait3A_249 = tpu.memref_slice %arg3[%dma_wait3A_247, %dma_wait3A_248] : memref<10000x72xf32, #tpu.memory_space<hbm>> -> memref<10000x72xf32, #tpu.memory_space<hbm>>
    tpu.wait_indirect_dma semaphore(%arg20 : memref<!tpu.dma_semaphore, #tpu.memory_space<semaphore_mem>>) src(%dma_wait3A_249 : memref<10000x72xf32, #tpu.memory_space<hbm>>) dst(%arg10 : memref<80x72xf32, #tpu.memory_space<vmem>>)
    %run_scoped3A_250 = arith.constant 119 : i32
    "tpu.region"() ({
      %run_scoped3A_356 = tpu.sem_alloc : memref<!tpu.dma_semaphore, #tpu.memory_space<semaphore_mem>>
      %dma_start3A_357 = arith.constant 0 : i32
      %dma_start3A_358 = tpu.memref_slice %arg7[%run_scoped3A_250, %dma_start3A_357] : memref<125x80xi32, #tpu.memory_space<vmem>> -> memref<1x80xi32, #tpu.memory_space<vmem>>
      %dma_start3A_359 = tpu.memref_squeeze %dma_start3A_358 : memref<1x80xi32, #tpu.memory_space<vmem>> -> memref<80xi32, #tpu.memory_space<vmem>>
      %dma_start3A_360 = arith.constant 0 : i32
      %dma_start3A_361 = arith.constant 0 : i32
      %dma_start3A_362 = tpu.memref_slice %arg17[%dma_start3A_360, %dma_start3A_361] : memref<10240x72xf32, #tpu.memory_space<vmem_shared>> -> memref<10240x72xf32, #tpu.memory_space<vmem_shared>>
      tpu.enqueue_indirect_dma source(%arg10 : memref<80x72xf32, #tpu.memory_space<vmem>>) target(%dma_start3A_362 : memref<10240x72xf32, #tpu.memory_space<vmem_shared>>) offsets(%dma_start3A_359 : memref<80xi32, #tpu.memory_space<vmem>>) semaphore(%run_scoped3A_356 : memref<!tpu.dma_semaphore, #tpu.memory_space<semaphore_mem>>) {add = true}
      %dma_wait3A_363 = arith.constant 0 : i32
      %dma_wait3A_364 = tpu.memref_slice %arg7[%run_scoped3A_250, %dma_wait3A_363] : memref<125x80xi32, #tpu.memory_space<vmem>> -> memref<1x80xi32, #tpu.memory_space<vmem>>
      %dma_wait3A_365 = tpu.memref_squeeze %dma_wait3A_364 : memref<1x80xi32, #tpu.memory_space<vmem>> -> memref<80xi32, #tpu.memory_space<vmem>>
      %dma_wait3A_366 = arith.constant 0 : i32
      %dma_wait3A_367 = arith.constant 0 : i32
      %dma_wait3A_368 = tpu.memref_slice %arg17[%dma_wait3A_366, %dma_wait3A_367] : memref<10240x72xf32, #tpu.memory_space<vmem_shared>> -> memref<10240x72xf32, #tpu.memory_space<vmem_shared>>
      tpu.wait_indirect_dma semaphore(%run_scoped3A_356 : memref<!tpu.dma_semaphore, #tpu.memory_space<semaphore_mem>>) src(%arg10 : memref<80x72xf32, #tpu.memory_space<vmem>>) dst(%dma_wait3A_368 : memref<10240x72xf32, #tpu.memory_space<vmem_shared>>)
      tpu.yield
    }) : () -> ()
    %dma_wait3A_251 = arith.constant 0 : i32
    %dma_wait3A_252 = arith.constant 0 : i32
    %dma_wait3A_253 = tpu.memref_slice %arg6[%dma_wait3A_251, %dma_wait3A_252] : memref<125x80xi32, #tpu.memory_space<vmem>> -> memref<1x80xi32, #tpu.memory_space<vmem>>
    %dma_wait3A_254 = tpu.memref_squeeze %dma_wait3A_253 : memref<1x80xi32, #tpu.memory_space<vmem>> -> memref<80xi32, #tpu.memory_space<vmem>>
    %dma_wait3A_255 = arith.constant 0 : i32
    %dma_wait3A_256 = arith.constant 0 : i32
    %dma_wait3A_257 = tpu.memref_slice %arg3[%dma_wait3A_255, %dma_wait3A_256] : memref<10000x72xf32, #tpu.memory_space<hbm>> -> memref<10000x72xf32, #tpu.memory_space<hbm>>
    tpu.wait_indirect_dma semaphore(%arg21 : memref<!tpu.dma_semaphore, #tpu.memory_space<semaphore_mem>>) src(%dma_wait3A_257 : memref<10000x72xf32, #tpu.memory_space<hbm>>) dst(%arg11 : memref<80x72xf32, #tpu.memory_space<vmem>>)
    %run_scoped3A_258 = arith.constant 120 : i32
    "tpu.region"() ({
      %run_scoped3A_356 = tpu.sem_alloc : memref<!tpu.dma_semaphore, #tpu.memory_space<semaphore_mem>>
      %dma_start3A_357 = arith.constant 0 : i32
      %dma_start3A_358 = tpu.memref_slice %arg7[%run_scoped3A_258, %dma_start3A_357] : memref<125x80xi32, #tpu.memory_space<vmem>> -> memref<1x80xi32, #tpu.memory_space<vmem>>
      %dma_start3A_359 = tpu.memref_squeeze %dma_start3A_358 : memref<1x80xi32, #tpu.memory_space<vmem>> -> memref<80xi32, #tpu.memory_space<vmem>>
      %dma_start3A_360 = arith.constant 0 : i32
      %dma_start3A_361 = arith.constant 0 : i32
      %dma_start3A_362 = tpu.memref_slice %arg17[%dma_start3A_360, %dma_start3A_361] : memref<10240x72xf32, #tpu.memory_space<vmem_shared>> -> memref<10240x72xf32, #tpu.memory_space<vmem_shared>>
      tpu.enqueue_indirect_dma source(%arg11 : memref<80x72xf32, #tpu.memory_space<vmem>>) target(%dma_start3A_362 : memref<10240x72xf32, #tpu.memory_space<vmem_shared>>) offsets(%dma_start3A_359 : memref<80xi32, #tpu.memory_space<vmem>>) semaphore(%run_scoped3A_356 : memref<!tpu.dma_semaphore, #tpu.memory_space<semaphore_mem>>) {add = true}
      %dma_wait3A_363 = arith.constant 0 : i32
      %dma_wait3A_364 = tpu.memref_slice %arg7[%run_scoped3A_258, %dma_wait3A_363] : memref<125x80xi32, #tpu.memory_space<vmem>> -> memref<1x80xi32, #tpu.memory_space<vmem>>
      %dma_wait3A_365 = tpu.memref_squeeze %dma_wait3A_364 : memref<1x80xi32, #tpu.memory_space<vmem>> -> memref<80xi32, #tpu.memory_space<vmem>>
      %dma_wait3A_366 = arith.constant 0 : i32
      %dma_wait3A_367 = arith.constant 0 : i32
      %dma_wait3A_368 = tpu.memref_slice %arg17[%dma_wait3A_366, %dma_wait3A_367] : memref<10240x72xf32, #tpu.memory_space<vmem_shared>> -> memref<10240x72xf32, #tpu.memory_space<vmem_shared>>
      tpu.wait_indirect_dma semaphore(%run_scoped3A_356 : memref<!tpu.dma_semaphore, #tpu.memory_space<semaphore_mem>>) src(%arg11 : memref<80x72xf32, #tpu.memory_space<vmem>>) dst(%dma_wait3A_368 : memref<10240x72xf32, #tpu.memory_space<vmem_shared>>)
      tpu.yield
    }) : () -> ()
    %dma_wait3A_259 = arith.constant 0 : i32
    %dma_wait3A_260 = arith.constant 0 : i32
    %dma_wait3A_261 = tpu.memref_slice %arg6[%dma_wait3A_259, %dma_wait3A_260] : memref<125x80xi32, #tpu.memory_space<vmem>> -> memref<1x80xi32, #tpu.memory_space<vmem>>
    %dma_wait3A_262 = tpu.memref_squeeze %dma_wait3A_261 : memref<1x80xi32, #tpu.memory_space<vmem>> -> memref<80xi32, #tpu.memory_space<vmem>>
    %dma_wait3A_263 = arith.constant 0 : i32
    %dma_wait3A_264 = arith.constant 0 : i32
    %dma_wait3A_265 = tpu.memref_slice %arg3[%dma_wait3A_263, %dma_wait3A_264] : memref<10000x72xf32, #tpu.memory_space<hbm>> -> memref<10000x72xf32, #tpu.memory_space<hbm>>
    tpu.wait_indirect_dma semaphore(%arg22 : memref<!tpu.dma_semaphore, #tpu.memory_space<semaphore_mem>>) src(%dma_wait3A_265 : memref<10000x72xf32, #tpu.memory_space<hbm>>) dst(%arg12 : memref<80x72xf32, #tpu.memory_space<vmem>>)
    %run_scoped3A_266 = arith.constant 121 : i32
    "tpu.region"() ({
      %run_scoped3A_356 = tpu.sem_alloc : memref<!tpu.dma_semaphore, #tpu.memory_space<semaphore_mem>>
      %dma_start3A_357 = arith.constant 0 : i32
      %dma_start3A_358 = tpu.memref_slice %arg7[%run_scoped3A_266, %dma_start3A_357] : memref<125x80xi32, #tpu.memory_space<vmem>> -> memref<1x80xi32, #tpu.memory_space<vmem>>
      %dma_start3A_359 = tpu.memref_squeeze %dma_start3A_358 : memref<1x80xi32, #tpu.memory_space<vmem>> -> memref<80xi32, #tpu.memory_space<vmem>>
      %dma_start3A_360 = arith.constant 0 : i32
      %dma_start3A_361 = arith.constant 0 : i32
      %dma_start3A_362 = tpu.memref_slice %arg17[%dma_start3A_360, %dma_start3A_361] : memref<10240x72xf32, #tpu.memory_space<vmem_shared>> -> memref<10240x72xf32, #tpu.memory_space<vmem_shared>>
      tpu.enqueue_indirect_dma source(%arg12 : memref<80x72xf32, #tpu.memory_space<vmem>>) target(%dma_start3A_362 : memref<10240x72xf32, #tpu.memory_space<vmem_shared>>) offsets(%dma_start3A_359 : memref<80xi32, #tpu.memory_space<vmem>>) semaphore(%run_scoped3A_356 : memref<!tpu.dma_semaphore, #tpu.memory_space<semaphore_mem>>) {add = true}
      %dma_wait3A_363 = arith.constant 0 : i32
      %dma_wait3A_364 = tpu.memref_slice %arg7[%run_scoped3A_266, %dma_wait3A_363] : memref<125x80xi32, #tpu.memory_space<vmem>> -> memref<1x80xi32, #tpu.memory_space<vmem>>
      %dma_wait3A_365 = tpu.memref_squeeze %dma_wait3A_364 : memref<1x80xi32, #tpu.memory_space<vmem>> -> memref<80xi32, #tpu.memory_space<vmem>>
      %dma_wait3A_366 = arith.constant 0 : i32
      %dma_wait3A_367 = arith.constant 0 : i32
      %dma_wait3A_368 = tpu.memref_slice %arg17[%dma_wait3A_366, %dma_wait3A_367] : memref<10240x72xf32, #tpu.memory_space<vmem_shared>> -> memref<10240x72xf32, #tpu.memory_space<vmem_shared>>
      tpu.wait_indirect_dma semaphore(%run_scoped3A_356 : memref<!tpu.dma_semaphore, #tpu.memory_space<semaphore_mem>>) src(%arg12 : memref<80x72xf32, #tpu.memory_space<vmem>>) dst(%dma_wait3A_368 : memref<10240x72xf32, #tpu.memory_space<vmem_shared>>)
      tpu.yield
    }) : () -> ()
    %dma_wait3A_267 = arith.constant 0 : i32
    %dma_wait3A_268 = arith.constant 0 : i32
    %dma_wait3A_269 = tpu.memref_slice %arg6[%dma_wait3A_267, %dma_wait3A_268] : memref<125x80xi32, #tpu.memory_space<vmem>> -> memref<1x80xi32, #tpu.memory_space<vmem>>
    %dma_wait3A_270 = tpu.memref_squeeze %dma_wait3A_269 : memref<1x80xi32, #tpu.memory_space<vmem>> -> memref<80xi32, #tpu.memory_space<vmem>>
    %dma_wait3A_271 = arith.constant 0 : i32
    %dma_wait3A_272 = arith.constant 0 : i32
    %dma_wait3A_273 = tpu.memref_slice %arg3[%dma_wait3A_271, %dma_wait3A_272] : memref<10000x72xf32, #tpu.memory_space<hbm>> -> memref<10000x72xf32, #tpu.memory_space<hbm>>
    tpu.wait_indirect_dma semaphore(%arg23 : memref<!tpu.dma_semaphore, #tpu.memory_space<semaphore_mem>>) src(%dma_wait3A_273 : memref<10000x72xf32, #tpu.memory_space<hbm>>) dst(%arg13 : memref<80x72xf32, #tpu.memory_space<vmem>>)
    %run_scoped3A_274 = arith.constant 122 : i32
    "tpu.region"() ({
      %run_scoped3A_356 = tpu.sem_alloc : memref<!tpu.dma_semaphore, #tpu.memory_space<semaphore_mem>>
      %dma_start3A_357 = arith.constant 0 : i32
      %dma_start3A_358 = tpu.memref_slice %arg7[%run_scoped3A_274, %dma_start3A_357] : memref<125x80xi32, #tpu.memory_space<vmem>> -> memref<1x80xi32, #tpu.memory_space<vmem>>
      %dma_start3A_359 = tpu.memref_squeeze %dma_start3A_358 : memref<1x80xi32, #tpu.memory_space<vmem>> -> memref<80xi32, #tpu.memory_space<vmem>>
      %dma_start3A_360 = arith.constant 0 : i32
      %dma_start3A_361 = arith.constant 0 : i32
      %dma_start3A_362 = tpu.memref_slice %arg17[%dma_start3A_360, %dma_start3A_361] : memref<10240x72xf32, #tpu.memory_space<vmem_shared>> -> memref<10240x72xf32, #tpu.memory_space<vmem_shared>>
      tpu.enqueue_indirect_dma source(%arg13 : memref<80x72xf32, #tpu.memory_space<vmem>>) target(%dma_start3A_362 : memref<10240x72xf32, #tpu.memory_space<vmem_shared>>) offsets(%dma_start3A_359 : memref<80xi32, #tpu.memory_space<vmem>>) semaphore(%run_scoped3A_356 : memref<!tpu.dma_semaphore, #tpu.memory_space<semaphore_mem>>) {add = true}
      %dma_wait3A_363 = arith.constant 0 : i32
      %dma_wait3A_364 = tpu.memref_slice %arg7[%run_scoped3A_274, %dma_wait3A_363] : memref<125x80xi32, #tpu.memory_space<vmem>> -> memref<1x80xi32, #tpu.memory_space<vmem>>
      %dma_wait3A_365 = tpu.memref_squeeze %dma_wait3A_364 : memref<1x80xi32, #tpu.memory_space<vmem>> -> memref<80xi32, #tpu.memory_space<vmem>>
      %dma_wait3A_366 = arith.constant 0 : i32
      %dma_wait3A_367 = arith.constant 0 : i32
      %dma_wait3A_368 = tpu.memref_slice %arg17[%dma_wait3A_366, %dma_wait3A_367] : memref<10240x72xf32, #tpu.memory_space<vmem_shared>> -> memref<10240x72xf32, #tpu.memory_space<vmem_shared>>
      tpu.wait_indirect_dma semaphore(%run_scoped3A_356 : memref<!tpu.dma_semaphore, #tpu.memory_space<semaphore_mem>>) src(%arg13 : memref<80x72xf32, #tpu.memory_space<vmem>>) dst(%dma_wait3A_368 : memref<10240x72xf32, #tpu.memory_space<vmem_shared>>)
      tpu.yield
    }) : () -> ()
    %dma_wait3A_275 = arith.constant 0 : i32
    %dma_wait3A_276 = arith.constant 0 : i32
    %dma_wait3A_277 = tpu.memref_slice %arg6[%dma_wait3A_275, %dma_wait3A_276] : memref<125x80xi32, #tpu.memory_space<vmem>> -> memref<1x80xi32, #tpu.memory_space<vmem>>
    %dma_wait3A_278 = tpu.memref_squeeze %dma_wait3A_277 : memref<1x80xi32, #tpu.memory_space<vmem>> -> memref<80xi32, #tpu.memory_space<vmem>>
    %dma_wait3A_279 = arith.constant 0 : i32
    %dma_wait3A_280 = arith.constant 0 : i32
    %dma_wait3A_281 = tpu.memref_slice %arg3[%dma_wait3A_279, %dma_wait3A_280] : memref<10000x72xf32, #tpu.memory_space<hbm>> -> memref<10000x72xf32, #tpu.memory_space<hbm>>
    tpu.wait_indirect_dma semaphore(%arg24 : memref<!tpu.dma_semaphore, #tpu.memory_space<semaphore_mem>>) src(%dma_wait3A_281 : memref<10000x72xf32, #tpu.memory_space<hbm>>) dst(%arg14 : memref<80x72xf32, #tpu.memory_space<vmem>>)
    %run_scoped3A_282 = arith.constant 123 : i32
    "tpu.region"() ({
      %run_scoped3A_356 = tpu.sem_alloc : memref<!tpu.dma_semaphore, #tpu.memory_space<semaphore_mem>>
      %dma_start3A_357 = arith.constant 0 : i32
      %dma_start3A_358 = tpu.memref_slice %arg7[%run_scoped3A_282, %dma_start3A_357] : memref<125x80xi32, #tpu.memory_space<vmem>> -> memref<1x80xi32, #tpu.memory_space<vmem>>
      %dma_start3A_359 = tpu.memref_squeeze %dma_start3A_358 : memref<1x80xi32, #tpu.memory_space<vmem>> -> memref<80xi32, #tpu.memory_space<vmem>>
      %dma_start3A_360 = arith.constant 0 : i32
      %dma_start3A_361 = arith.constant 0 : i32
      %dma_start3A_362 = tpu.memref_slice %arg17[%dma_start3A_360, %dma_start3A_361] : memref<10240x72xf32, #tpu.memory_space<vmem_shared>> -> memref<10240x72xf32, #tpu.memory_space<vmem_shared>>
      tpu.enqueue_indirect_dma source(%arg14 : memref<80x72xf32, #tpu.memory_space<vmem>>) target(%dma_start3A_362 : memref<10240x72xf32, #tpu.memory_space<vmem_shared>>) offsets(%dma_start3A_359 : memref<80xi32, #tpu.memory_space<vmem>>) semaphore(%run_scoped3A_356 : memref<!tpu.dma_semaphore, #tpu.memory_space<semaphore_mem>>) {add = true}
      %dma_wait3A_363 = arith.constant 0 : i32
      %dma_wait3A_364 = tpu.memref_slice %arg7[%run_scoped3A_282, %dma_wait3A_363] : memref<125x80xi32, #tpu.memory_space<vmem>> -> memref<1x80xi32, #tpu.memory_space<vmem>>
      %dma_wait3A_365 = tpu.memref_squeeze %dma_wait3A_364 : memref<1x80xi32, #tpu.memory_space<vmem>> -> memref<80xi32, #tpu.memory_space<vmem>>
      %dma_wait3A_366 = arith.constant 0 : i32
      %dma_wait3A_367 = arith.constant 0 : i32
      %dma_wait3A_368 = tpu.memref_slice %arg17[%dma_wait3A_366, %dma_wait3A_367] : memref<10240x72xf32, #tpu.memory_space<vmem_shared>> -> memref<10240x72xf32, #tpu.memory_space<vmem_shared>>
      tpu.wait_indirect_dma semaphore(%run_scoped3A_356 : memref<!tpu.dma_semaphore, #tpu.memory_space<semaphore_mem>>) src(%arg14 : memref<80x72xf32, #tpu.memory_space<vmem>>) dst(%dma_wait3A_368 : memref<10240x72xf32, #tpu.memory_space<vmem_shared>>)
      tpu.yield
    }) : () -> ()
    %dma_wait3A_283 = arith.constant 0 : i32
    %dma_wait3A_284 = arith.constant 0 : i32
    %dma_wait3A_285 = tpu.memref_slice %arg6[%dma_wait3A_283, %dma_wait3A_284] : memref<125x80xi32, #tpu.memory_space<vmem>> -> memref<1x80xi32, #tpu.memory_space<vmem>>
    %dma_wait3A_286 = tpu.memref_squeeze %dma_wait3A_285 : memref<1x80xi32, #tpu.memory_space<vmem>> -> memref<80xi32, #tpu.memory_space<vmem>>
    %dma_wait3A_287 = arith.constant 0 : i32
    %dma_wait3A_288 = arith.constant 0 : i32
    %dma_wait3A_289 = tpu.memref_slice %arg3[%dma_wait3A_287, %dma_wait3A_288] : memref<10000x72xf32, #tpu.memory_space<hbm>> -> memref<10000x72xf32, #tpu.memory_space<hbm>>
    tpu.wait_indirect_dma semaphore(%arg25 : memref<!tpu.dma_semaphore, #tpu.memory_space<semaphore_mem>>) src(%dma_wait3A_289 : memref<10000x72xf32, #tpu.memory_space<hbm>>) dst(%arg15 : memref<80x72xf32, #tpu.memory_space<vmem>>)
    %run_scoped3A_290 = arith.constant 124 : i32
    "tpu.region"() ({
      %run_scoped3A_356 = tpu.sem_alloc : memref<!tpu.dma_semaphore, #tpu.memory_space<semaphore_mem>>
      %dma_start3A_357 = arith.constant 0 : i32
      %dma_start3A_358 = tpu.memref_slice %arg7[%run_scoped3A_290, %dma_start3A_357] : memref<125x80xi32, #tpu.memory_space<vmem>> -> memref<1x80xi32, #tpu.memory_space<vmem>>
      %dma_start3A_359 = tpu.memref_squeeze %dma_start3A_358 : memref<1x80xi32, #tpu.memory_space<vmem>> -> memref<80xi32, #tpu.memory_space<vmem>>
      %dma_start3A_360 = arith.constant 0 : i32
      %dma_start3A_361 = arith.constant 0 : i32
      %dma_start3A_362 = tpu.memref_slice %arg17[%dma_start3A_360, %dma_start3A_361] : memref<10240x72xf32, #tpu.memory_space<vmem_shared>> -> memref<10240x72xf32, #tpu.memory_space<vmem_shared>>
      tpu.enqueue_indirect_dma source(%arg15 : memref<80x72xf32, #tpu.memory_space<vmem>>) target(%dma_start3A_362 : memref<10240x72xf32, #tpu.memory_space<vmem_shared>>) offsets(%dma_start3A_359 : memref<80xi32, #tpu.memory_space<vmem>>) semaphore(%run_scoped3A_356 : memref<!tpu.dma_semaphore, #tpu.memory_space<semaphore_mem>>) {add = true}
      %dma_wait3A_363 = arith.constant 0 : i32
      %dma_wait3A_364 = tpu.memref_slice %arg7[%run_scoped3A_290, %dma_wait3A_363] : memref<125x80xi32, #tpu.memory_space<vmem>> -> memref<1x80xi32, #tpu.memory_space<vmem>>
      %dma_wait3A_365 = tpu.memref_squeeze %dma_wait3A_364 : memref<1x80xi32, #tpu.memory_space<vmem>> -> memref<80xi32, #tpu.memory_space<vmem>>
      %dma_wait3A_366 = arith.constant 0 : i32
      %dma_wait3A_367 = arith.constant 0 : i32
      %dma_wait3A_368 = tpu.memref_slice %arg17[%dma_wait3A_366, %dma_wait3A_367] : memref<10240x72xf32, #tpu.memory_space<vmem_shared>> -> memref<10240x72xf32, #tpu.memory_space<vmem_shared>>
      tpu.wait_indirect_dma semaphore(%run_scoped3A_356 : memref<!tpu.dma_semaphore, #tpu.memory_space<semaphore_mem>>) src(%arg15 : memref<80x72xf32, #tpu.memory_space<vmem>>) dst(%dma_wait3A_368 : memref<10240x72xf32, #tpu.memory_space<vmem_shared>>)
      tpu.yield
    }) : () -> ()
    %barrier3A_291 = arith.constant 0 : index
    tpu.barrier barrier_id(%barrier3A_291)
    %mul3A_292 = arith.constant 640 : i32
    %mul3A_293 = arith.muli %arg1, %mul3A_292 : i32
    %add3A_294 = arith.constant 0 : i32
    %add3A_295 = arith.addi %mul3A_293, %add3A_294 : i32
    "tpu.region"() ({
      %run_scoped3A_356 = tpu.sem_alloc : memref<!tpu.dma_semaphore, #tpu.memory_space<semaphore_mem>>
      %dma_start3A_357 = arith.constant 0 : i32
      %dma_start3A_358 = tpu.memref_slice %arg17[%add3A_295, %dma_start3A_357] : memref<10240x72xf32, #tpu.memory_space<vmem_shared>> -> memref<80x72xf32, #tpu.memory_space<vmem_shared>>
      %dma_start3A_359 = arith.constant 0 : i32
      %dma_start3A_360 = tpu.memref_slice %arg17[%add3A_295, %dma_start3A_359] : memref<10240x72xf32, #tpu.memory_space<vmem_shared>> -> memref<80x72xf32, #tpu.memory_space<vmem_shared>>
      tpu.enqueue_dma source(%dma_start3A_360 : memref<80x72xf32, #tpu.memory_space<vmem_shared>>) target(%arg8 : memref<80x72xf32, #tpu.memory_space<vmem>>) target_semaphore(%run_scoped3A_356 : memref<!tpu.dma_semaphore, #tpu.memory_space<semaphore_mem>>)
      %dma_wait3A_361 = arith.constant 0 : i32
      %dma_wait3A_362 = tpu.memref_slice %arg17[%add3A_295, %dma_wait3A_361] : memref<10240x72xf32, #tpu.memory_space<vmem_shared>> -> memref<80x72xf32, #tpu.memory_space<vmem_shared>>
      %dma_wait3A_363 = arith.constant 0 : i32
      %dma_wait3A_364 = tpu.memref_slice %arg17[%add3A_295, %dma_wait3A_363] : memref<10240x72xf32, #tpu.memory_space<vmem_shared>> -> memref<80x72xf32, #tpu.memory_space<vmem_shared>>
      tpu.wait_dma2 semaphore(%run_scoped3A_356 : memref<!tpu.dma_semaphore, #tpu.memory_space<semaphore_mem>>) src(%dma_wait3A_364 : memref<80x72xf32, #tpu.memory_space<vmem_shared>>) dst(%arg8 : memref<80x72xf32, #tpu.memory_space<vmem>>)
      tpu.yield
    }) : () -> ()
    %mul3A_296 = arith.constant 640 : i32
    %mul3A_297 = arith.muli %arg1, %mul3A_296 : i32
    %add3A_298 = arith.constant 0 : i32
    %add3A_299 = arith.addi %mul3A_297, %add3A_298 : i32
    "tpu.region"() ({
      %run_scoped3A_356 = tpu.sem_alloc : memref<!tpu.dma_semaphore, #tpu.memory_space<semaphore_mem>>
      %dma_start3A_357 = arith.constant 0 : i32
      %dma_start3A_358 = tpu.memref_slice %arg5[%arg0, %add3A_299, %dma_start3A_357] : memref<2x10240x72xf32, #tpu.memory_space<hbm>> -> memref<1x80x72xf32, #tpu.memory_space<hbm>>
      %dma_start3A_359 = tpu.memref_squeeze %dma_start3A_358 : memref<1x80x72xf32, #tpu.memory_space<hbm>> -> memref<80x72xf32, #tpu.memory_space<hbm>>
      %dma_start3A_360 = arith.constant 0 : i32
      %dma_start3A_361 = tpu.memref_slice %arg5[%arg0, %add3A_299, %dma_start3A_360] : memref<2x10240x72xf32, #tpu.memory_space<hbm>> -> memref<1x80x72xf32, #tpu.memory_space<hbm>>
      %dma_start3A_362 = tpu.memref_squeeze %dma_start3A_361 : memref<1x80x72xf32, #tpu.memory_space<hbm>> -> memref<80x72xf32, #tpu.memory_space<hbm>>
      tpu.enqueue_dma source(%arg8 : memref<80x72xf32, #tpu.memory_space<vmem>>) target(%dma_start3A_362 : memref<80x72xf32, #tpu.memory_space<hbm>>) target_semaphore(%run_scoped3A_356 : memref<!tpu.dma_semaphore, #tpu.memory_space<semaphore_mem>>)
      %dma_wait3A_363 = arith.constant 0 : i32
      %dma_wait3A_364 = tpu.memref_slice %arg5[%arg0, %add3A_299, %dma_wait3A_363] : memref<2x10240x72xf32, #tpu.memory_space<hbm>> -> memref<1x80x72xf32, #tpu.memory_space<hbm>>
      %dma_wait3A_365 = tpu.memref_squeeze %dma_wait3A_364 : memref<1x80x72xf32, #tpu.memory_space<hbm>> -> memref<80x72xf32, #tpu.memory_space<hbm>>
      %dma_wait3A_366 = arith.constant 0 : i32
      %dma_wait3A_367 = tpu.memref_slice %arg5[%arg0, %add3A_299, %dma_wait3A_366] : memref<2x10240x72xf32, #tpu.memory_space<hbm>> -> memref<1x80x72xf32, #tpu.memory_space<hbm>>
      %dma_wait3A_368 = tpu.memref_squeeze %dma_wait3A_367 : memref<1x80x72xf32, #tpu.memory_space<hbm>> -> memref<80x72xf32, #tpu.memory_space<hbm>>
      tpu.wait_dma2 semaphore(%run_scoped3A_356 : memref<!tpu.dma_semaphore, #tpu.memory_space<semaphore_mem>>) src(%arg8 : memref<80x72xf32, #tpu.memory_space<vmem>>) dst(%dma_wait3A_368 : memref<80x72xf32, #tpu.memory_space<hbm>>)
      tpu.yield
    }) : () -> ()
    %mul3A_300 = arith.constant 640 : i32
    %mul3A_301 = arith.muli %arg1, %mul3A_300 : i32
    %add3A_302 = arith.constant 80 : i32
    %add3A_303 = arith.addi %mul3A_301, %add3A_302 : i32
    "tpu.region"() ({
      %run_scoped3A_356 = tpu.sem_alloc : memref<!tpu.dma_semaphore, #tpu.memory_space<semaphore_mem>>
      %dma_start3A_357 = arith.constant 0 : i32
      %dma_start3A_358 = tpu.memref_slice %arg17[%add3A_303, %dma_start3A_357] : memref<10240x72xf32, #tpu.memory_space<vmem_shared>> -> memref<80x72xf32, #tpu.memory_space<vmem_shared>>
      %dma_start3A_359 = arith.constant 0 : i32
      %dma_start3A_360 = tpu.memref_slice %arg17[%add3A_303, %dma_start3A_359] : memref<10240x72xf32, #tpu.memory_space<vmem_shared>> -> memref<80x72xf32, #tpu.memory_space<vmem_shared>>
      tpu.enqueue_dma source(%dma_start3A_360 : memref<80x72xf32, #tpu.memory_space<vmem_shared>>) target(%arg8 : memref<80x72xf32, #tpu.memory_space<vmem>>) target_semaphore(%run_scoped3A_356 : memref<!tpu.dma_semaphore, #tpu.memory_space<semaphore_mem>>)
      %dma_wait3A_361 = arith.constant 0 : i32
      %dma_wait3A_362 = tpu.memref_slice %arg17[%add3A_303, %dma_wait3A_361] : memref<10240x72xf32, #tpu.memory_space<vmem_shared>> -> memref<80x72xf32, #tpu.memory_space<vmem_shared>>
      %dma_wait3A_363 = arith.constant 0 : i32
      %dma_wait3A_364 = tpu.memref_slice %arg17[%add3A_303, %dma_wait3A_363] : memref<10240x72xf32, #tpu.memory_space<vmem_shared>> -> memref<80x72xf32, #tpu.memory_space<vmem_shared>>
      tpu.wait_dma2 semaphore(%run_scoped3A_356 : memref<!tpu.dma_semaphore, #tpu.memory_space<semaphore_mem>>) src(%dma_wait3A_364 : memref<80x72xf32, #tpu.memory_space<vmem_shared>>) dst(%arg8 : memref<80x72xf32, #tpu.memory_space<vmem>>)
      tpu.yield
    }) : () -> ()
    %mul3A_304 = arith.constant 640 : i32
    %mul3A_305 = arith.muli %arg1, %mul3A_304 : i32
    %add3A_306 = arith.constant 80 : i32
    %add3A_307 = arith.addi %mul3A_305, %add3A_306 : i32
    "tpu.region"() ({
      %run_scoped3A_356 = tpu.sem_alloc : memref<!tpu.dma_semaphore, #tpu.memory_space<semaphore_mem>>
      %dma_start3A_357 = arith.constant 0 : i32
      %dma_start3A_358 = tpu.memref_slice %arg5[%arg0, %add3A_307, %dma_start3A_357] : memref<2x10240x72xf32, #tpu.memory_space<hbm>> -> memref<1x80x72xf32, #tpu.memory_space<hbm>>
      %dma_start3A_359 = tpu.memref_squeeze %dma_start3A_358 : memref<1x80x72xf32, #tpu.memory_space<hbm>> -> memref<80x72xf32, #tpu.memory_space<hbm>>
      %dma_start3A_360 = arith.constant 0 : i32
      %dma_start3A_361 = tpu.memref_slice %arg5[%arg0, %add3A_307, %dma_start3A_360] : memref<2x10240x72xf32, #tpu.memory_space<hbm>> -> memref<1x80x72xf32, #tpu.memory_space<hbm>>
      %dma_start3A_362 = tpu.memref_squeeze %dma_start3A_361 : memref<1x80x72xf32, #tpu.memory_space<hbm>> -> memref<80x72xf32, #tpu.memory_space<hbm>>
      tpu.enqueue_dma source(%arg8 : memref<80x72xf32, #tpu.memory_space<vmem>>) target(%dma_start3A_362 : memref<80x72xf32, #tpu.memory_space<hbm>>) target_semaphore(%run_scoped3A_356 : memref<!tpu.dma_semaphore, #tpu.memory_space<semaphore_mem>>)
      %dma_wait3A_363 = arith.constant 0 : i32
      %dma_wait3A_364 = tpu.memref_slice %arg5[%arg0, %add3A_307, %dma_wait3A_363] : memref<2x10240x72xf32, #tpu.memory_space<hbm>> -> memref<1x80x72xf32, #tpu.memory_space<hbm>>
      %dma_wait3A_365 = tpu.memref_squeeze %dma_wait3A_364 : memref<1x80x72xf32, #tpu.memory_space<hbm>> -> memref<80x72xf32, #tpu.memory_space<hbm>>
      %dma_wait3A_366 = arith.constant 0 : i32
      %dma_wait3A_367 = tpu.memref_slice %arg5[%arg0, %add3A_307, %dma_wait3A_366] : memref<2x10240x72xf32, #tpu.memory_space<hbm>> -> memref<1x80x72xf32, #tpu.memory_space<hbm>>
      %dma_wait3A_368 = tpu.memref_squeeze %dma_wait3A_367 : memref<1x80x72xf32, #tpu.memory_space<hbm>> -> memref<80x72xf32, #tpu.memory_space<hbm>>
      tpu.wait_dma2 semaphore(%run_scoped3A_356 : memref<!tpu.dma_semaphore, #tpu.memory_space<semaphore_mem>>) src(%arg8 : memref<80x72xf32, #tpu.memory_space<vmem>>) dst(%dma_wait3A_368 : memref<80x72xf32, #tpu.memory_space<hbm>>)
      tpu.yield
    }) : () -> ()
    %mul3A_308 = arith.constant 640 : i32
    %mul3A_309 = arith.muli %arg1, %mul3A_308 : i32
    %add3A_310 = arith.constant 160 : i32
    %add3A_311 = arith.addi %mul3A_309, %add3A_310 : i32
    "tpu.region"() ({
      %run_scoped3A_356 = tpu.sem_alloc : memref<!tpu.dma_semaphore, #tpu.memory_space<semaphore_mem>>
      %dma_start3A_357 = arith.constant 0 : i32
      %dma_start3A_358 = tpu.memref_slice %arg17[%add3A_311, %dma_start3A_357] : memref<10240x72xf32, #tpu.memory_space<vmem_shared>> -> memref<80x72xf32, #tpu.memory_space<vmem_shared>>
      %dma_start3A_359 = arith.constant 0 : i32
      %dma_start3A_360 = tpu.memref_slice %arg17[%add3A_311, %dma_start3A_359] : memref<10240x72xf32, #tpu.memory_space<vmem_shared>> -> memref<80x72xf32, #tpu.memory_space<vmem_shared>>
      tpu.enqueue_dma source(%dma_start3A_360 : memref<80x72xf32, #tpu.memory_space<vmem_shared>>) target(%arg8 : memref<80x72xf32, #tpu.memory_space<vmem>>) target_semaphore(%run_scoped3A_356 : memref<!tpu.dma_semaphore, #tpu.memory_space<semaphore_mem>>)
      %dma_wait3A_361 = arith.constant 0 : i32
      %dma_wait3A_362 = tpu.memref_slice %arg17[%add3A_311, %dma_wait3A_361] : memref<10240x72xf32, #tpu.memory_space<vmem_shared>> -> memref<80x72xf32, #tpu.memory_space<vmem_shared>>
      %dma_wait3A_363 = arith.constant 0 : i32
      %dma_wait3A_364 = tpu.memref_slice %arg17[%add3A_311, %dma_wait3A_363] : memref<10240x72xf32, #tpu.memory_space<vmem_shared>> -> memref<80x72xf32, #tpu.memory_space<vmem_shared>>
      tpu.wait_dma2 semaphore(%run_scoped3A_356 : memref<!tpu.dma_semaphore, #tpu.memory_space<semaphore_mem>>) src(%dma_wait3A_364 : memref<80x72xf32, #tpu.memory_space<vmem_shared>>) dst(%arg8 : memref<80x72xf32, #tpu.memory_space<vmem>>)
      tpu.yield
    }) : () -> ()
    %mul3A_312 = arith.constant 640 : i32
    %mul3A_313 = arith.muli %arg1, %mul3A_312 : i32
    %add3A_314 = arith.constant 160 : i32
    %add3A_315 = arith.addi %mul3A_313, %add3A_314 : i32
    "tpu.region"() ({
      %run_scoped3A_356 = tpu.sem_alloc : memref<!tpu.dma_semaphore, #tpu.memory_space<semaphore_mem>>
      %dma_start3A_357 = arith.constant 0 : i32
      %dma_start3A_358 = tpu.memref_slice %arg5[%arg0, %add3A_315, %dma_start3A_357] : memref<2x10240x72xf32, #tpu.memory_space<hbm>> -> memref<1x80x72xf32, #tpu.memory_space<hbm>>
      %dma_start3A_359 = tpu.memref_squeeze %dma_start3A_358 : memref<1x80x72xf32, #tpu.memory_space<hbm>> -> memref<80x72xf32, #tpu.memory_space<hbm>>
      %dma_start3A_360 = arith.constant 0 : i32
      %dma_start3A_361 = tpu.memref_slice %arg5[%arg0, %add3A_315, %dma_start3A_360] : memref<2x10240x72xf32, #tpu.memory_space<hbm>> -> memref<1x80x72xf32, #tpu.memory_space<hbm>>
      %dma_start3A_362 = tpu.memref_squeeze %dma_start3A_361 : memref<1x80x72xf32, #tpu.memory_space<hbm>> -> memref<80x72xf32, #tpu.memory_space<hbm>>
      tpu.enqueue_dma source(%arg8 : memref<80x72xf32, #tpu.memory_space<vmem>>) target(%dma_start3A_362 : memref<80x72xf32, #tpu.memory_space<hbm>>) target_semaphore(%run_scoped3A_356 : memref<!tpu.dma_semaphore, #tpu.memory_space<semaphore_mem>>)
      %dma_wait3A_363 = arith.constant 0 : i32
      %dma_wait3A_364 = tpu.memref_slice %arg5[%arg0, %add3A_315, %dma_wait3A_363] : memref<2x10240x72xf32, #tpu.memory_space<hbm>> -> memref<1x80x72xf32, #tpu.memory_space<hbm>>
      %dma_wait3A_365 = tpu.memref_squeeze %dma_wait3A_364 : memref<1x80x72xf32, #tpu.memory_space<hbm>> -> memref<80x72xf32, #tpu.memory_space<hbm>>
      %dma_wait3A_366 = arith.constant 0 : i32
      %dma_wait3A_367 = tpu.memref_slice %arg5[%arg0, %add3A_315, %dma_wait3A_366] : memref<2x10240x72xf32, #tpu.memory_space<hbm>> -> memref<1x80x72xf32, #tpu.memory_space<hbm>>
      %dma_wait3A_368 = tpu.memref_squeeze %dma_wait3A_367 : memref<1x80x72xf32, #tpu.memory_space<hbm>> -> memref<80x72xf32, #tpu.memory_space<hbm>>
      tpu.wait_dma2 semaphore(%run_scoped3A_356 : memref<!tpu.dma_semaphore, #tpu.memory_space<semaphore_mem>>) src(%arg8 : memref<80x72xf32, #tpu.memory_space<vmem>>) dst(%dma_wait3A_368 : memref<80x72xf32, #tpu.memory_space<hbm>>)
      tpu.yield
    }) : () -> ()
    %mul3A_316 = arith.constant 640 : i32
    %mul3A_317 = arith.muli %arg1, %mul3A_316 : i32
    %add3A_318 = arith.constant 240 : i32
    %add3A_319 = arith.addi %mul3A_317, %add3A_318 : i32
    "tpu.region"() ({
      %run_scoped3A_356 = tpu.sem_alloc : memref<!tpu.dma_semaphore, #tpu.memory_space<semaphore_mem>>
      %dma_start3A_357 = arith.constant 0 : i32
      %dma_start3A_358 = tpu.memref_slice %arg17[%add3A_319, %dma_start3A_357] : memref<10240x72xf32, #tpu.memory_space<vmem_shared>> -> memref<80x72xf32, #tpu.memory_space<vmem_shared>>
      %dma_start3A_359 = arith.constant 0 : i32
      %dma_start3A_360 = tpu.memref_slice %arg17[%add3A_319, %dma_start3A_359] : memref<10240x72xf32, #tpu.memory_space<vmem_shared>> -> memref<80x72xf32, #tpu.memory_space<vmem_shared>>
      tpu.enqueue_dma source(%dma_start3A_360 : memref<80x72xf32, #tpu.memory_space<vmem_shared>>) target(%arg8 : memref<80x72xf32, #tpu.memory_space<vmem>>) target_semaphore(%run_scoped3A_356 : memref<!tpu.dma_semaphore, #tpu.memory_space<semaphore_mem>>)
      %dma_wait3A_361 = arith.constant 0 : i32
      %dma_wait3A_362 = tpu.memref_slice %arg17[%add3A_319, %dma_wait3A_361] : memref<10240x72xf32, #tpu.memory_space<vmem_shared>> -> memref<80x72xf32, #tpu.memory_space<vmem_shared>>
      %dma_wait3A_363 = arith.constant 0 : i32
      %dma_wait3A_364 = tpu.memref_slice %arg17[%add3A_319, %dma_wait3A_363] : memref<10240x72xf32, #tpu.memory_space<vmem_shared>> -> memref<80x72xf32, #tpu.memory_space<vmem_shared>>
      tpu.wait_dma2 semaphore(%run_scoped3A_356 : memref<!tpu.dma_semaphore, #tpu.memory_space<semaphore_mem>>) src(%dma_wait3A_364 : memref<80x72xf32, #tpu.memory_space<vmem_shared>>) dst(%arg8 : memref<80x72xf32, #tpu.memory_space<vmem>>)
      tpu.yield
    }) : () -> ()
    %mul3A_320 = arith.constant 640 : i32
    %mul3A_321 = arith.muli %arg1, %mul3A_320 : i32
    %add3A_322 = arith.constant 240 : i32
    %add3A_323 = arith.addi %mul3A_321, %add3A_322 : i32
    "tpu.region"() ({
      %run_scoped3A_356 = tpu.sem_alloc : memref<!tpu.dma_semaphore, #tpu.memory_space<semaphore_mem>>
      %dma_start3A_357 = arith.constant 0 : i32
      %dma_start3A_358 = tpu.memref_slice %arg5[%arg0, %add3A_323, %dma_start3A_357] : memref<2x10240x72xf32, #tpu.memory_space<hbm>> -> memref<1x80x72xf32, #tpu.memory_space<hbm>>
      %dma_start3A_359 = tpu.memref_squeeze %dma_start3A_358 : memref<1x80x72xf32, #tpu.memory_space<hbm>> -> memref<80x72xf32, #tpu.memory_space<hbm>>
      %dma_start3A_360 = arith.constant 0 : i32
      %dma_start3A_361 = tpu.memref_slice %arg5[%arg0, %add3A_323, %dma_start3A_360] : memref<2x10240x72xf32, #tpu.memory_space<hbm>> -> memref<1x80x72xf32, #tpu.memory_space<hbm>>
      %dma_start3A_362 = tpu.memref_squeeze %dma_start3A_361 : memref<1x80x72xf32, #tpu.memory_space<hbm>> -> memref<80x72xf32, #tpu.memory_space<hbm>>
      tpu.enqueue_dma source(%arg8 : memref<80x72xf32, #tpu.memory_space<vmem>>) target(%dma_start3A_362 : memref<80x72xf32, #tpu.memory_space<hbm>>) target_semaphore(%run_scoped3A_356 : memref<!tpu.dma_semaphore, #tpu.memory_space<semaphore_mem>>)
      %dma_wait3A_363 = arith.constant 0 : i32
      %dma_wait3A_364 = tpu.memref_slice %arg5[%arg0, %add3A_323, %dma_wait3A_363] : memref<2x10240x72xf32, #tpu.memory_space<hbm>> -> memref<1x80x72xf32, #tpu.memory_space<hbm>>
      %dma_wait3A_365 = tpu.memref_squeeze %dma_wait3A_364 : memref<1x80x72xf32, #tpu.memory_space<hbm>> -> memref<80x72xf32, #tpu.memory_space<hbm>>
      %dma_wait3A_366 = arith.constant 0 : i32
      %dma_wait3A_367 = tpu.memref_slice %arg5[%arg0, %add3A_323, %dma_wait3A_366] : memref<2x10240x72xf32, #tpu.memory_space<hbm>> -> memref<1x80x72xf32, #tpu.memory_space<hbm>>
      %dma_wait3A_368 = tpu.memref_squeeze %dma_wait3A_367 : memref<1x80x72xf32, #tpu.memory_space<hbm>> -> memref<80x72xf32, #tpu.memory_space<hbm>>
      tpu.wait_dma2 semaphore(%run_scoped3A_356 : memref<!tpu.dma_semaphore, #tpu.memory_space<semaphore_mem>>) src(%arg8 : memref<80x72xf32, #tpu.memory_space<vmem>>) dst(%dma_wait3A_368 : memref<80x72xf32, #tpu.memory_space<hbm>>)
      tpu.yield
    }) : () -> ()
    %mul3A_324 = arith.constant 640 : i32
    %mul3A_325 = arith.muli %arg1, %mul3A_324 : i32
    %add3A_326 = arith.constant 320 : i32
    %add3A_327 = arith.addi %mul3A_325, %add3A_326 : i32
    "tpu.region"() ({
      %run_scoped3A_356 = tpu.sem_alloc : memref<!tpu.dma_semaphore, #tpu.memory_space<semaphore_mem>>
      %dma_start3A_357 = arith.constant 0 : i32
      %dma_start3A_358 = tpu.memref_slice %arg17[%add3A_327, %dma_start3A_357] : memref<10240x72xf32, #tpu.memory_space<vmem_shared>> -> memref<80x72xf32, #tpu.memory_space<vmem_shared>>
      %dma_start3A_359 = arith.constant 0 : i32
      %dma_start3A_360 = tpu.memref_slice %arg17[%add3A_327, %dma_start3A_359] : memref<10240x72xf32, #tpu.memory_space<vmem_shared>> -> memref<80x72xf32, #tpu.memory_space<vmem_shared>>
      tpu.enqueue_dma source(%dma_start3A_360 : memref<80x72xf32, #tpu.memory_space<vmem_shared>>) target(%arg8 : memref<80x72xf32, #tpu.memory_space<vmem>>) target_semaphore(%run_scoped3A_356 : memref<!tpu.dma_semaphore, #tpu.memory_space<semaphore_mem>>)
      %dma_wait3A_361 = arith.constant 0 : i32
      %dma_wait3A_362 = tpu.memref_slice %arg17[%add3A_327, %dma_wait3A_361] : memref<10240x72xf32, #tpu.memory_space<vmem_shared>> -> memref<80x72xf32, #tpu.memory_space<vmem_shared>>
      %dma_wait3A_363 = arith.constant 0 : i32
      %dma_wait3A_364 = tpu.memref_slice %arg17[%add3A_327, %dma_wait3A_363] : memref<10240x72xf32, #tpu.memory_space<vmem_shared>> -> memref<80x72xf32, #tpu.memory_space<vmem_shared>>
      tpu.wait_dma2 semaphore(%run_scoped3A_356 : memref<!tpu.dma_semaphore, #tpu.memory_space<semaphore_mem>>) src(%dma_wait3A_364 : memref<80x72xf32, #tpu.memory_space<vmem_shared>>) dst(%arg8 : memref<80x72xf32, #tpu.memory_space<vmem>>)
      tpu.yield
    }) : () -> ()
    %mul3A_328 = arith.constant 640 : i32
    %mul3A_329 = arith.muli %arg1, %mul3A_328 : i32
    %add3A_330 = arith.constant 320 : i32
    %add3A_331 = arith.addi %mul3A_329, %add3A_330 : i32
    "tpu.region"() ({
      %run_scoped3A_356 = tpu.sem_alloc : memref<!tpu.dma_semaphore, #tpu.memory_space<semaphore_mem>>
      %dma_start3A_357 = arith.constant 0 : i32
      %dma_start3A_358 = tpu.memref_slice %arg5[%arg0, %add3A_331, %dma_start3A_357] : memref<2x10240x72xf32, #tpu.memory_space<hbm>> -> memref<1x80x72xf32, #tpu.memory_space<hbm>>
      %dma_start3A_359 = tpu.memref_squeeze %dma_start3A_358 : memref<1x80x72xf32, #tpu.memory_space<hbm>> -> memref<80x72xf32, #tpu.memory_space<hbm>>
      %dma_start3A_360 = arith.constant 0 : i32
      %dma_start3A_361 = tpu.memref_slice %arg5[%arg0, %add3A_331, %dma_start3A_360] : memref<2x10240x72xf32, #tpu.memory_space<hbm>> -> memref<1x80x72xf32, #tpu.memory_space<hbm>>
      %dma_start3A_362 = tpu.memref_squeeze %dma_start3A_361 : memref<1x80x72xf32, #tpu.memory_space<hbm>> -> memref<80x72xf32, #tpu.memory_space<hbm>>
      tpu.enqueue_dma source(%arg8 : memref<80x72xf32, #tpu.memory_space<vmem>>) target(%dma_start3A_362 : memref<80x72xf32, #tpu.memory_space<hbm>>) target_semaphore(%run_scoped3A_356 : memref<!tpu.dma_semaphore, #tpu.memory_space<semaphore_mem>>)
      %dma_wait3A_363 = arith.constant 0 : i32
      %dma_wait3A_364 = tpu.memref_slice %arg5[%arg0, %add3A_331, %dma_wait3A_363] : memref<2x10240x72xf32, #tpu.memory_space<hbm>> -> memref<1x80x72xf32, #tpu.memory_space<hbm>>
      %dma_wait3A_365 = tpu.memref_squeeze %dma_wait3A_364 : memref<1x80x72xf32, #tpu.memory_space<hbm>> -> memref<80x72xf32, #tpu.memory_space<hbm>>
      %dma_wait3A_366 = arith.constant 0 : i32
      %dma_wait3A_367 = tpu.memref_slice %arg5[%arg0, %add3A_331, %dma_wait3A_366] : memref<2x10240x72xf32, #tpu.memory_space<hbm>> -> memref<1x80x72xf32, #tpu.memory_space<hbm>>
      %dma_wait3A_368 = tpu.memref_squeeze %dma_wait3A_367 : memref<1x80x72xf32, #tpu.memory_space<hbm>> -> memref<80x72xf32, #tpu.memory_space<hbm>>
      tpu.wait_dma2 semaphore(%run_scoped3A_356 : memref<!tpu.dma_semaphore, #tpu.memory_space<semaphore_mem>>) src(%arg8 : memref<80x72xf32, #tpu.memory_space<vmem>>) dst(%dma_wait3A_368 : memref<80x72xf32, #tpu.memory_space<hbm>>)
      tpu.yield
    }) : () -> ()
    %mul3A_332 = arith.constant 640 : i32
    %mul3A_333 = arith.muli %arg1, %mul3A_332 : i32
    %add3A_334 = arith.constant 400 : i32
    %add3A_335 = arith.addi %mul3A_333, %add3A_334 : i32
    "tpu.region"() ({
      %run_scoped3A_356 = tpu.sem_alloc : memref<!tpu.dma_semaphore, #tpu.memory_space<semaphore_mem>>
      %dma_start3A_357 = arith.constant 0 : i32
      %dma_start3A_358 = tpu.memref_slice %arg17[%add3A_335, %dma_start3A_357] : memref<10240x72xf32, #tpu.memory_space<vmem_shared>> -> memref<80x72xf32, #tpu.memory_space<vmem_shared>>
      %dma_start3A_359 = arith.constant 0 : i32
      %dma_start3A_360 = tpu.memref_slice %arg17[%add3A_335, %dma_start3A_359] : memref<10240x72xf32, #tpu.memory_space<vmem_shared>> -> memref<80x72xf32, #tpu.memory_space<vmem_shared>>
      tpu.enqueue_dma source(%dma_start3A_360 : memref<80x72xf32, #tpu.memory_space<vmem_shared>>) target(%arg8 : memref<80x72xf32, #tpu.memory_space<vmem>>) target_semaphore(%run_scoped3A_356 : memref<!tpu.dma_semaphore, #tpu.memory_space<semaphore_mem>>)
      %dma_wait3A_361 = arith.constant 0 : i32
      %dma_wait3A_362 = tpu.memref_slice %arg17[%add3A_335, %dma_wait3A_361] : memref<10240x72xf32, #tpu.memory_space<vmem_shared>> -> memref<80x72xf32, #tpu.memory_space<vmem_shared>>
      %dma_wait3A_363 = arith.constant 0 : i32
      %dma_wait3A_364 = tpu.memref_slice %arg17[%add3A_335, %dma_wait3A_363] : memref<10240x72xf32, #tpu.memory_space<vmem_shared>> -> memref<80x72xf32, #tpu.memory_space<vmem_shared>>
      tpu.wait_dma2 semaphore(%run_scoped3A_356 : memref<!tpu.dma_semaphore, #tpu.memory_space<semaphore_mem>>) src(%dma_wait3A_364 : memref<80x72xf32, #tpu.memory_space<vmem_shared>>) dst(%arg8 : memref<80x72xf32, #tpu.memory_space<vmem>>)
      tpu.yield
    }) : () -> ()
    %mul3A_336 = arith.constant 640 : i32
    %mul3A_337 = arith.muli %arg1, %mul3A_336 : i32
    %add3A_338 = arith.constant 400 : i32
    %add3A_339 = arith.addi %mul3A_337, %add3A_338 : i32
    "tpu.region"() ({
      %run_scoped3A_356 = tpu.sem_alloc : memref<!tpu.dma_semaphore, #tpu.memory_space<semaphore_mem>>
      %dma_start3A_357 = arith.constant 0 : i32
      %dma_start3A_358 = tpu.memref_slice %arg5[%arg0, %add3A_339, %dma_start3A_357] : memref<2x10240x72xf32, #tpu.memory_space<hbm>> -> memref<1x80x72xf32, #tpu.memory_space<hbm>>
      %dma_start3A_359 = tpu.memref_squeeze %dma_start3A_358 : memref<1x80x72xf32, #tpu.memory_space<hbm>> -> memref<80x72xf32, #tpu.memory_space<hbm>>
      %dma_start3A_360 = arith.constant 0 : i32
      %dma_start3A_361 = tpu.memref_slice %arg5[%arg0, %add3A_339, %dma_start3A_360] : memref<2x10240x72xf32, #tpu.memory_space<hbm>> -> memref<1x80x72xf32, #tpu.memory_space<hbm>>
      %dma_start3A_362 = tpu.memref_squeeze %dma_start3A_361 : memref<1x80x72xf32, #tpu.memory_space<hbm>> -> memref<80x72xf32, #tpu.memory_space<hbm>>
      tpu.enqueue_dma source(%arg8 : memref<80x72xf32, #tpu.memory_space<vmem>>) target(%dma_start3A_362 : memref<80x72xf32, #tpu.memory_space<hbm>>) target_semaphore(%run_scoped3A_356 : memref<!tpu.dma_semaphore, #tpu.memory_space<semaphore_mem>>)
      %dma_wait3A_363 = arith.constant 0 : i32
      %dma_wait3A_364 = tpu.memref_slice %arg5[%arg0, %add3A_339, %dma_wait3A_363] : memref<2x10240x72xf32, #tpu.memory_space<hbm>> -> memref<1x80x72xf32, #tpu.memory_space<hbm>>
      %dma_wait3A_365 = tpu.memref_squeeze %dma_wait3A_364 : memref<1x80x72xf32, #tpu.memory_space<hbm>> -> memref<80x72xf32, #tpu.memory_space<hbm>>
      %dma_wait3A_366 = arith.constant 0 : i32
      %dma_wait3A_367 = tpu.memref_slice %arg5[%arg0, %add3A_339, %dma_wait3A_366] : memref<2x10240x72xf32, #tpu.memory_space<hbm>> -> memref<1x80x72xf32, #tpu.memory_space<hbm>>
      %dma_wait3A_368 = tpu.memref_squeeze %dma_wait3A_367 : memref<1x80x72xf32, #tpu.memory_space<hbm>> -> memref<80x72xf32, #tpu.memory_space<hbm>>
      tpu.wait_dma2 semaphore(%run_scoped3A_356 : memref<!tpu.dma_semaphore, #tpu.memory_space<semaphore_mem>>) src(%arg8 : memref<80x72xf32, #tpu.memory_space<vmem>>) dst(%dma_wait3A_368 : memref<80x72xf32, #tpu.memory_space<hbm>>)
      tpu.yield
    }) : () -> ()
    %mul3A_340 = arith.constant 640 : i32
    %mul3A_341 = arith.muli %arg1, %mul3A_340 : i32
    %add3A_342 = arith.constant 480 : i32
    %add3A_343 = arith.addi %mul3A_341, %add3A_342 : i32
    "tpu.region"() ({
      %run_scoped3A_356 = tpu.sem_alloc : memref<!tpu.dma_semaphore, #tpu.memory_space<semaphore_mem>>
      %dma_start3A_357 = arith.constant 0 : i32
      %dma_start3A_358 = tpu.memref_slice %arg17[%add3A_343, %dma_start3A_357] : memref<10240x72xf32, #tpu.memory_space<vmem_shared>> -> memref<80x72xf32, #tpu.memory_space<vmem_shared>>
      %dma_start3A_359 = arith.constant 0 : i32
      %dma_start3A_360 = tpu.memref_slice %arg17[%add3A_343, %dma_start3A_359] : memref<10240x72xf32, #tpu.memory_space<vmem_shared>> -> memref<80x72xf32, #tpu.memory_space<vmem_shared>>
      tpu.enqueue_dma source(%dma_start3A_360 : memref<80x72xf32, #tpu.memory_space<vmem_shared>>) target(%arg8 : memref<80x72xf32, #tpu.memory_space<vmem>>) target_semaphore(%run_scoped3A_356 : memref<!tpu.dma_semaphore, #tpu.memory_space<semaphore_mem>>)
      %dma_wait3A_361 = arith.constant 0 : i32
      %dma_wait3A_362 = tpu.memref_slice %arg17[%add3A_343, %dma_wait3A_361] : memref<10240x72xf32, #tpu.memory_space<vmem_shared>> -> memref<80x72xf32, #tpu.memory_space<vmem_shared>>
      %dma_wait3A_363 = arith.constant 0 : i32
      %dma_wait3A_364 = tpu.memref_slice %arg17[%add3A_343, %dma_wait3A_363] : memref<10240x72xf32, #tpu.memory_space<vmem_shared>> -> memref<80x72xf32, #tpu.memory_space<vmem_shared>>
      tpu.wait_dma2 semaphore(%run_scoped3A_356 : memref<!tpu.dma_semaphore, #tpu.memory_space<semaphore_mem>>) src(%dma_wait3A_364 : memref<80x72xf32, #tpu.memory_space<vmem_shared>>) dst(%arg8 : memref<80x72xf32, #tpu.memory_space<vmem>>)
      tpu.yield
    }) : () -> ()
    %mul3A_344 = arith.constant 640 : i32
    %mul3A_345 = arith.muli %arg1, %mul3A_344 : i32
    %add3A_346 = arith.constant 480 : i32
    %add3A_347 = arith.addi %mul3A_345, %add3A_346 : i32
    "tpu.region"() ({
      %run_scoped3A_356 = tpu.sem_alloc : memref<!tpu.dma_semaphore, #tpu.memory_space<semaphore_mem>>
      %dma_start3A_357 = arith.constant 0 : i32
      %dma_start3A_358 = tpu.memref_slice %arg5[%arg0, %add3A_347, %dma_start3A_357] : memref<2x10240x72xf32, #tpu.memory_space<hbm>> -> memref<1x80x72xf32, #tpu.memory_space<hbm>>
      %dma_start3A_359 = tpu.memref_squeeze %dma_start3A_358 : memref<1x80x72xf32, #tpu.memory_space<hbm>> -> memref<80x72xf32, #tpu.memory_space<hbm>>
      %dma_start3A_360 = arith.constant 0 : i32
      %dma_start3A_361 = tpu.memref_slice %arg5[%arg0, %add3A_347, %dma_start3A_360] : memref<2x10240x72xf32, #tpu.memory_space<hbm>> -> memref<1x80x72xf32, #tpu.memory_space<hbm>>
      %dma_start3A_362 = tpu.memref_squeeze %dma_start3A_361 : memref<1x80x72xf32, #tpu.memory_space<hbm>> -> memref<80x72xf32, #tpu.memory_space<hbm>>
      tpu.enqueue_dma source(%arg8 : memref<80x72xf32, #tpu.memory_space<vmem>>) target(%dma_start3A_362 : memref<80x72xf32, #tpu.memory_space<hbm>>) target_semaphore(%run_scoped3A_356 : memref<!tpu.dma_semaphore, #tpu.memory_space<semaphore_mem>>)
      %dma_wait3A_363 = arith.constant 0 : i32
      %dma_wait3A_364 = tpu.memref_slice %arg5[%arg0, %add3A_347, %dma_wait3A_363] : memref<2x10240x72xf32, #tpu.memory_space<hbm>> -> memref<1x80x72xf32, #tpu.memory_space<hbm>>
      %dma_wait3A_365 = tpu.memref_squeeze %dma_wait3A_364 : memref<1x80x72xf32, #tpu.memory_space<hbm>> -> memref<80x72xf32, #tpu.memory_space<hbm>>
      %dma_wait3A_366 = arith.constant 0 : i32
      %dma_wait3A_367 = tpu.memref_slice %arg5[%arg0, %add3A_347, %dma_wait3A_366] : memref<2x10240x72xf32, #tpu.memory_space<hbm>> -> memref<1x80x72xf32, #tpu.memory_space<hbm>>
      %dma_wait3A_368 = tpu.memref_squeeze %dma_wait3A_367 : memref<1x80x72xf32, #tpu.memory_space<hbm>> -> memref<80x72xf32, #tpu.memory_space<hbm>>
      tpu.wait_dma2 semaphore(%run_scoped3A_356 : memref<!tpu.dma_semaphore, #tpu.memory_space<semaphore_mem>>) src(%arg8 : memref<80x72xf32, #tpu.memory_space<vmem>>) dst(%dma_wait3A_368 : memref<80x72xf32, #tpu.memory_space<hbm>>)
      tpu.yield
    }) : () -> ()
    %mul3A_348 = arith.constant 640 : i32
    %mul3A_349 = arith.muli %arg1, %mul3A_348 : i32
    %add3A_350 = arith.constant 560 : i32
    %add3A_351 = arith.addi %mul3A_349, %add3A_350 : i32
    "tpu.region"() ({
      %run_scoped3A_356 = tpu.sem_alloc : memref<!tpu.dma_semaphore, #tpu.memory_space<semaphore_mem>>
      %dma_start3A_357 = arith.constant 0 : i32
      %dma_start3A_358 = tpu.memref_slice %arg17[%add3A_351, %dma_start3A_357] : memref<10240x72xf32, #tpu.memory_space<vmem_shared>> -> memref<80x72xf32, #tpu.memory_space<vmem_shared>>
      %dma_start3A_359 = arith.constant 0 : i32
      %dma_start3A_360 = tpu.memref_slice %arg17[%add3A_351, %dma_start3A_359] : memref<10240x72xf32, #tpu.memory_space<vmem_shared>> -> memref<80x72xf32, #tpu.memory_space<vmem_shared>>
      tpu.enqueue_dma source(%dma_start3A_360 : memref<80x72xf32, #tpu.memory_space<vmem_shared>>) target(%arg8 : memref<80x72xf32, #tpu.memory_space<vmem>>) target_semaphore(%run_scoped3A_356 : memref<!tpu.dma_semaphore, #tpu.memory_space<semaphore_mem>>)
      %dma_wait3A_361 = arith.constant 0 : i32
      %dma_wait3A_362 = tpu.memref_slice %arg17[%add3A_351, %dma_wait3A_361] : memref<10240x72xf32, #tpu.memory_space<vmem_shared>> -> memref<80x72xf32, #tpu.memory_space<vmem_shared>>
      %dma_wait3A_363 = arith.constant 0 : i32
      %dma_wait3A_364 = tpu.memref_slice %arg17[%add3A_351, %dma_wait3A_363] : memref<10240x72xf32, #tpu.memory_space<vmem_shared>> -> memref<80x72xf32, #tpu.memory_space<vmem_shared>>
      tpu.wait_dma2 semaphore(%run_scoped3A_356 : memref<!tpu.dma_semaphore, #tpu.memory_space<semaphore_mem>>) src(%dma_wait3A_364 : memref<80x72xf32, #tpu.memory_space<vmem_shared>>) dst(%arg8 : memref<80x72xf32, #tpu.memory_space<vmem>>)
      tpu.yield
    }) : () -> ()
    %mul3A_352 = arith.constant 640 : i32
    %mul3A_353 = arith.muli %arg1, %mul3A_352 : i32
    %add3A_354 = arith.constant 560 : i32
    %add3A_355 = arith.addi %mul3A_353, %add3A_354 : i32
    "tpu.region"() ({
      %run_scoped3A_356 = tpu.sem_alloc : memref<!tpu.dma_semaphore, #tpu.memory_space<semaphore_mem>>
      %dma_start3A_357 = arith.constant 0 : i32
      %dma_start3A_358 = tpu.memref_slice %arg5[%arg0, %add3A_355, %dma_start3A_357] : memref<2x10240x72xf32, #tpu.memory_space<hbm>> -> memref<1x80x72xf32, #tpu.memory_space<hbm>>
      %dma_start3A_359 = tpu.memref_squeeze %dma_start3A_358 : memref<1x80x72xf32, #tpu.memory_space<hbm>> -> memref<80x72xf32, #tpu.memory_space<hbm>>
      %dma_start3A_360 = arith.constant 0 : i32
      %dma_start3A_361 = tpu.memref_slice %arg5[%arg0, %add3A_355, %dma_start3A_360] : memref<2x10240x72xf32, #tpu.memory_space<hbm>> -> memref<1x80x72xf32, #tpu.memory_space<hbm>>
      %dma_start3A_362 = tpu.memref_squeeze %dma_start3A_361 : memref<1x80x72xf32, #tpu.memory_space<hbm>> -> memref<80x72xf32, #tpu.memory_space<hbm>>
      tpu.enqueue_dma source(%arg8 : memref<80x72xf32, #tpu.memory_space<vmem>>) target(%dma_start3A_362 : memref<80x72xf32, #tpu.memory_space<hbm>>) target_semaphore(%run_scoped3A_356 : memref<!tpu.dma_semaphore, #tpu.memory_space<semaphore_mem>>)
      %dma_wait3A_363 = arith.constant 0 : i32
      %dma_wait3A_364 = tpu.memref_slice %arg5[%arg0, %add3A_355, %dma_wait3A_363] : memref<2x10240x72xf32, #tpu.memory_space<hbm>> -> memref<1x80x72xf32, #tpu.memory_space<hbm>>
      %dma_wait3A_365 = tpu.memref_squeeze %dma_wait3A_364 : memref<1x80x72xf32, #tpu.memory_space<hbm>> -> memref<80x72xf32, #tpu.memory_space<hbm>>
      %dma_wait3A_366 = arith.constant 0 : i32
      %dma_wait3A_367 = tpu.memref_slice %arg5[%arg0, %add3A_355, %dma_wait3A_366] : memref<2x10240x72xf32, #tpu.memory_space<hbm>> -> memref<1x80x72xf32, #tpu.memory_space<hbm>>
      %dma_wait3A_368 = tpu.memref_squeeze %dma_wait3A_367 : memref<1x80x72xf32, #tpu.memory_space<hbm>> -> memref<80x72xf32, #tpu.memory_space<hbm>>
      tpu.wait_dma2 semaphore(%run_scoped3A_356 : memref<!tpu.dma_semaphore, #tpu.memory_space<semaphore_mem>>) src(%arg8 : memref<80x72xf32, #tpu.memory_space<vmem>>) dst(%dma_wait3A_368 : memref<80x72xf32, #tpu.memory_space<hbm>>)
      tpu.yield
    }) : () -> ()
    return
  }
}

#map = affine_map<(d0, d1) -> (0, 0, 0, 0)>
#map1 = affine_map<(d0, d1) -> (0)>
module attributes {stable_mosaic.version = 14 : i64} {
  func.func @deg_kernel(%arg0: i32, %arg1: i32, %arg2: memref<2x16x250x80xi32, #tpu.memory_space<hbm>>, %arg3: memref<20480xf32, #tpu.memory_space<hbm>>, %arg4: memref<250x80xi32, #tpu.memory_space<vmem>>, %arg5: memref<80xf32, #tpu.memory_space<vmem>>, %arg6: memref<640xf32, #tpu.memory_space<vmem>>, %arg7: memref<10240xf32, #tpu.memory_space<vmem_shared>>, %arg8: memref<!tpu.dma_semaphore, #tpu.memory_space<semaphore_mem>>) attributes {dimension_semantics = [#tpu.dimension_semantics<core_parallel>, #tpu.dimension_semantics<subcore_parallel>], iteration_bounds = array<i64: 2, 16>, scalar_prefetch = 0 : i64, scratch_operands = 5 : i64, tpu.core_type = #tpu.core_type<sc_vector_subcore>, window_params = [{transform_indices = #map}, {transform_indices = #map1}]} {
    %broadcast_in_dim3A = arith.constant 0.000000e+00 : f32
    %broadcast_in_dim3A_0 = vector.broadcast %broadcast_in_dim3A : f32 to vector<16xf32>
    %swap3A = arith.constant 0 : index
    %swap3A_1 = tpu.vector_load %arg6[%swap3A] {strides = array<i32>} : memref<640xf32, #tpu.memory_space<vmem>>, vector<16xf32>,
    %swap3A_2 = vector.shape_cast %swap3A_1 : vector<16xf32> to vector<16xf32>
    %swap3A_3 = vector.shape_cast %broadcast_in_dim3A_0 : vector<16xf32> to vector<16xf32>
    tpu.vector_store %arg6[%swap3A], %swap3A_3 {strides = array<i32>} : memref<640xf32, #tpu.memory_space<vmem>>, vector<16xf32>,
    %broadcast_in_dim3A_4 = arith.constant 0.000000e+00 : f32
    %broadcast_in_dim3A_5 = vector.broadcast %broadcast_in_dim3A_4 : f32 to vector<16xf32>
    %swap3A_6 = arith.constant 16 : index
    %swap3A_7 = tpu.vector_load %arg6[%swap3A_6] {strides = array<i32>} : memref<640xf32, #tpu.memory_space<vmem>>, vector<16xf32>,
    %swap3A_8 = vector.shape_cast %swap3A_7 : vector<16xf32> to vector<16xf32>
    %swap3A_9 = vector.shape_cast %broadcast_in_dim3A_5 : vector<16xf32> to vector<16xf32>
    tpu.vector_store %arg6[%swap3A_6], %swap3A_9 {strides = array<i32>} : memref<640xf32, #tpu.memory_space<vmem>>, vector<16xf32>,
    %broadcast_in_dim3A_10 = arith.constant 0.000000e+00 : f32
    %broadcast_in_dim3A_11 = vector.broadcast %broadcast_in_dim3A_10 : f32 to vector<16xf32>
    %swap3A_12 = arith.constant 32 : index
    %swap3A_13 = tpu.vector_load %arg6[%swap3A_12] {strides = array<i32>} : memref<640xf32, #tpu.memory_space<vmem>>, vector<16xf32>,
    %swap3A_14 = vector.shape_cast %swap3A_13 : vector<16xf32> to vector<16xf32>
    %swap3A_15 = vector.shape_cast %broadcast_in_dim3A_11 : vector<16xf32> to vector<16xf32>
    tpu.vector_store %arg6[%swap3A_12], %swap3A_15 {strides = array<i32>} : memref<640xf32, #tpu.memory_space<vmem>>, vector<16xf32>,
    %broadcast_in_dim3A_16 = arith.constant 0.000000e+00 : f32
    %broadcast_in_dim3A_17 = vector.broadcast %broadcast_in_dim3A_16 : f32 to vector<16xf32>
    %swap3A_18 = arith.constant 48 : index
    %swap3A_19 = tpu.vector_load %arg6[%swap3A_18] {strides = array<i32>} : memref<640xf32, #tpu.memory_space<vmem>>, vector<16xf32>,
    %swap3A_20 = vector.shape_cast %swap3A_19 : vector<16xf32> to vector<16xf32>
    %swap3A_21 = vector.shape_cast %broadcast_in_dim3A_17 : vector<16xf32> to vector<16xf32>
    tpu.vector_store %arg6[%swap3A_18], %swap3A_21 {strides = array<i32>} : memref<640xf32, #tpu.memory_space<vmem>>, vector<16xf32>,
    %broadcast_in_dim3A_22 = arith.constant 0.000000e+00 : f32
    %broadcast_in_dim3A_23 = vector.broadcast %broadcast_in_dim3A_22 : f32 to vector<16xf32>
    %swap3A_24 = arith.constant 64 : index
    %swap3A_25 = tpu.vector_load %arg6[%swap3A_24] {strides = array<i32>} : memref<640xf32, #tpu.memory_space<vmem>>, vector<16xf32>,
    %swap3A_26 = vector.shape_cast %swap3A_25 : vector<16xf32> to vector<16xf32>
    %swap3A_27 = vector.shape_cast %broadcast_in_dim3A_23 : vector<16xf32> to vector<16xf32>
    tpu.vector_store %arg6[%swap3A_24], %swap3A_27 {strides = array<i32>} : memref<640xf32, #tpu.memory_space<vmem>>, vector<16xf32>,
    %broadcast_in_dim3A_28 = arith.constant 0.000000e+00 : f32
    %broadcast_in_dim3A_29 = vector.broadcast %broadcast_in_dim3A_28 : f32 to vector<16xf32>
    %swap3A_30 = arith.constant 80 : index
    %swap3A_31 = tpu.vector_load %arg6[%swap3A_30] {strides = array<i32>} : memref<640xf32, #tpu.memory_space<vmem>>, vector<16xf32>,
    %swap3A_32 = vector.shape_cast %swap3A_31 : vector<16xf32> to vector<16xf32>
    %swap3A_33 = vector.shape_cast %broadcast_in_dim3A_29 : vector<16xf32> to vector<16xf32>
    tpu.vector_store %arg6[%swap3A_30], %swap3A_33 {strides = array<i32>} : memref<640xf32, #tpu.memory_space<vmem>>, vector<16xf32>,
    %broadcast_in_dim3A_34 = arith.constant 0.000000e+00 : f32
    %broadcast_in_dim3A_35 = vector.broadcast %broadcast_in_dim3A_34 : f32 to vector<16xf32>
    %swap3A_36 = arith.constant 96 : index
    %swap3A_37 = tpu.vector_load %arg6[%swap3A_36] {strides = array<i32>} : memref<640xf32, #tpu.memory_space<vmem>>, vector<16xf32>,
    %swap3A_38 = vector.shape_cast %swap3A_37 : vector<16xf32> to vector<16xf32>
    %swap3A_39 = vector.shape_cast %broadcast_in_dim3A_35 : vector<16xf32> to vector<16xf32>
    tpu.vector_store %arg6[%swap3A_36], %swap3A_39 {strides = array<i32>} : memref<640xf32, #tpu.memory_space<vmem>>, vector<16xf32>,
    %broadcast_in_dim3A_40 = arith.constant 0.000000e+00 : f32
    %broadcast_in_dim3A_41 = vector.broadcast %broadcast_in_dim3A_40 : f32 to vector<16xf32>
    %swap3A_42 = arith.constant 112 : index
    %swap3A_43 = tpu.vector_load %arg6[%swap3A_42] {strides = array<i32>} : memref<640xf32, #tpu.memory_space<vmem>>, vector<16xf32>,
    %swap3A_44 = vector.shape_cast %swap3A_43 : vector<16xf32> to vector<16xf32>
    %swap3A_45 = vector.shape_cast %broadcast_in_dim3A_41 : vector<16xf32> to vector<16xf32>
    tpu.vector_store %arg6[%swap3A_42], %swap3A_45 {strides = array<i32>} : memref<640xf32, #tpu.memory_space<vmem>>, vector<16xf32>,
    %broadcast_in_dim3A_46 = arith.constant 0.000000e+00 : f32
    %broadcast_in_dim3A_47 = vector.broadcast %broadcast_in_dim3A_46 : f32 to vector<16xf32>
    %swap3A_48 = arith.constant 128 : index
    %swap3A_49 = tpu.vector_load %arg6[%swap3A_48] {strides = array<i32>} : memref<640xf32, #tpu.memory_space<vmem>>, vector<16xf32>,
    %swap3A_50 = vector.shape_cast %swap3A_49 : vector<16xf32> to vector<16xf32>
    %swap3A_51 = vector.shape_cast %broadcast_in_dim3A_47 : vector<16xf32> to vector<16xf32>
    tpu.vector_store %arg6[%swap3A_48], %swap3A_51 {strides = array<i32>} : memref<640xf32, #tpu.memory_space<vmem>>, vector<16xf32>,
    %broadcast_in_dim3A_52 = arith.constant 0.000000e+00 : f32
    %broadcast_in_dim3A_53 = vector.broadcast %broadcast_in_dim3A_52 : f32 to vector<16xf32>
    %swap3A_54 = arith.constant 144 : index
    %swap3A_55 = tpu.vector_load %arg6[%swap3A_54] {strides = array<i32>} : memref<640xf32, #tpu.memory_space<vmem>>, vector<16xf32>,
    %swap3A_56 = vector.shape_cast %swap3A_55 : vector<16xf32> to vector<16xf32>
    %swap3A_57 = vector.shape_cast %broadcast_in_dim3A_53 : vector<16xf32> to vector<16xf32>
    tpu.vector_store %arg6[%swap3A_54], %swap3A_57 {strides = array<i32>} : memref<640xf32, #tpu.memory_space<vmem>>, vector<16xf32>,
    %broadcast_in_dim3A_58 = arith.constant 0.000000e+00 : f32
    %broadcast_in_dim3A_59 = vector.broadcast %broadcast_in_dim3A_58 : f32 to vector<16xf32>
    %swap3A_60 = arith.constant 160 : index
    %swap3A_61 = tpu.vector_load %arg6[%swap3A_60] {strides = array<i32>} : memref<640xf32, #tpu.memory_space<vmem>>, vector<16xf32>,
    %swap3A_62 = vector.shape_cast %swap3A_61 : vector<16xf32> to vector<16xf32>
    %swap3A_63 = vector.shape_cast %broadcast_in_dim3A_59 : vector<16xf32> to vector<16xf32>
    tpu.vector_store %arg6[%swap3A_60], %swap3A_63 {strides = array<i32>} : memref<640xf32, #tpu.memory_space<vmem>>, vector<16xf32>,
    %broadcast_in_dim3A_64 = arith.constant 0.000000e+00 : f32
    %broadcast_in_dim3A_65 = vector.broadcast %broadcast_in_dim3A_64 : f32 to vector<16xf32>
    %swap3A_66 = arith.constant 176 : index
    %swap3A_67 = tpu.vector_load %arg6[%swap3A_66] {strides = array<i32>} : memref<640xf32, #tpu.memory_space<vmem>>, vector<16xf32>,
    %swap3A_68 = vector.shape_cast %swap3A_67 : vector<16xf32> to vector<16xf32>
    %swap3A_69 = vector.shape_cast %broadcast_in_dim3A_65 : vector<16xf32> to vector<16xf32>
    tpu.vector_store %arg6[%swap3A_66], %swap3A_69 {strides = array<i32>} : memref<640xf32, #tpu.memory_space<vmem>>, vector<16xf32>,
    %broadcast_in_dim3A_70 = arith.constant 0.000000e+00 : f32
    %broadcast_in_dim3A_71 = vector.broadcast %broadcast_in_dim3A_70 : f32 to vector<16xf32>
    %swap3A_72 = arith.constant 192 : index
    %swap3A_73 = tpu.vector_load %arg6[%swap3A_72] {strides = array<i32>} : memref<640xf32, #tpu.memory_space<vmem>>, vector<16xf32>,
    %swap3A_74 = vector.shape_cast %swap3A_73 : vector<16xf32> to vector<16xf32>
    %swap3A_75 = vector.shape_cast %broadcast_in_dim3A_71 : vector<16xf32> to vector<16xf32>
    tpu.vector_store %arg6[%swap3A_72], %swap3A_75 {strides = array<i32>} : memref<640xf32, #tpu.memory_space<vmem>>, vector<16xf32>,
    %broadcast_in_dim3A_76 = arith.constant 0.000000e+00 : f32
    %broadcast_in_dim3A_77 = vector.broadcast %broadcast_in_dim3A_76 : f32 to vector<16xf32>
    %swap3A_78 = arith.constant 208 : index
    %swap3A_79 = tpu.vector_load %arg6[%swap3A_78] {strides = array<i32>} : memref<640xf32, #tpu.memory_space<vmem>>, vector<16xf32>,
    %swap3A_80 = vector.shape_cast %swap3A_79 : vector<16xf32> to vector<16xf32>
    %swap3A_81 = vector.shape_cast %broadcast_in_dim3A_77 : vector<16xf32> to vector<16xf32>
    tpu.vector_store %arg6[%swap3A_78], %swap3A_81 {strides = array<i32>} : memref<640xf32, #tpu.memory_space<vmem>>, vector<16xf32>,
    %broadcast_in_dim3A_82 = arith.constant 0.000000e+00 : f32
    %broadcast_in_dim3A_83 = vector.broadcast %broadcast_in_dim3A_82 : f32 to vector<16xf32>
    %swap3A_84 = arith.constant 224 : index
    %swap3A_85 = tpu.vector_load %arg6[%swap3A_84] {strides = array<i32>} : memref<640xf32, #tpu.memory_space<vmem>>, vector<16xf32>,
    %swap3A_86 = vector.shape_cast %swap3A_85 : vector<16xf32> to vector<16xf32>
    %swap3A_87 = vector.shape_cast %broadcast_in_dim3A_83 : vector<16xf32> to vector<16xf32>
    tpu.vector_store %arg6[%swap3A_84], %swap3A_87 {strides = array<i32>} : memref<640xf32, #tpu.memory_space<vmem>>, vector<16xf32>,
    %broadcast_in_dim3A_88 = arith.constant 0.000000e+00 : f32
    %broadcast_in_dim3A_89 = vector.broadcast %broadcast_in_dim3A_88 : f32 to vector<16xf32>
    %swap3A_90 = arith.constant 240 : index
    %swap3A_91 = tpu.vector_load %arg6[%swap3A_90] {strides = array<i32>} : memref<640xf32, #tpu.memory_space<vmem>>, vector<16xf32>,
    %swap3A_92 = vector.shape_cast %swap3A_91 : vector<16xf32> to vector<16xf32>
    %swap3A_93 = vector.shape_cast %broadcast_in_dim3A_89 : vector<16xf32> to vector<16xf32>
    tpu.vector_store %arg6[%swap3A_90], %swap3A_93 {strides = array<i32>} : memref<640xf32, #tpu.memory_space<vmem>>, vector<16xf32>,
    %broadcast_in_dim3A_94 = arith.constant 0.000000e+00 : f32
    %broadcast_in_dim3A_95 = vector.broadcast %broadcast_in_dim3A_94 : f32 to vector<16xf32>
    %swap3A_96 = arith.constant 256 : index
    %swap3A_97 = tpu.vector_load %arg6[%swap3A_96] {strides = array<i32>} : memref<640xf32, #tpu.memory_space<vmem>>, vector<16xf32>,
    %swap3A_98 = vector.shape_cast %swap3A_97 : vector<16xf32> to vector<16xf32>
    %swap3A_99 = vector.shape_cast %broadcast_in_dim3A_95 : vector<16xf32> to vector<16xf32>
    tpu.vector_store %arg6[%swap3A_96], %swap3A_99 {strides = array<i32>} : memref<640xf32, #tpu.memory_space<vmem>>, vector<16xf32>,
    %broadcast_in_dim3A_100 = arith.constant 0.000000e+00 : f32
    %broadcast_in_dim3A_101 = vector.broadcast %broadcast_in_dim3A_100 : f32 to vector<16xf32>
    %swap3A_102 = arith.constant 272 : index
    %swap3A_103 = tpu.vector_load %arg6[%swap3A_102] {strides = array<i32>} : memref<640xf32, #tpu.memory_space<vmem>>, vector<16xf32>,
    %swap3A_104 = vector.shape_cast %swap3A_103 : vector<16xf32> to vector<16xf32>
    %swap3A_105 = vector.shape_cast %broadcast_in_dim3A_101 : vector<16xf32> to vector<16xf32>
    tpu.vector_store %arg6[%swap3A_102], %swap3A_105 {strides = array<i32>} : memref<640xf32, #tpu.memory_space<vmem>>, vector<16xf32>,
    %broadcast_in_dim3A_106 = arith.constant 0.000000e+00 : f32
    %broadcast_in_dim3A_107 = vector.broadcast %broadcast_in_dim3A_106 : f32 to vector<16xf32>
    %swap3A_108 = arith.constant 288 : index
    %swap3A_109 = tpu.vector_load %arg6[%swap3A_108] {strides = array<i32>} : memref<640xf32, #tpu.memory_space<vmem>>, vector<16xf32>,
    %swap3A_110 = vector.shape_cast %swap3A_109 : vector<16xf32> to vector<16xf32>
    %swap3A_111 = vector.shape_cast %broadcast_in_dim3A_107 : vector<16xf32> to vector<16xf32>
    tpu.vector_store %arg6[%swap3A_108], %swap3A_111 {strides = array<i32>} : memref<640xf32, #tpu.memory_space<vmem>>, vector<16xf32>,
    %broadcast_in_dim3A_112 = arith.constant 0.000000e+00 : f32
    %broadcast_in_dim3A_113 = vector.broadcast %broadcast_in_dim3A_112 : f32 to vector<16xf32>
    %swap3A_114 = arith.constant 304 : index
    %swap3A_115 = tpu.vector_load %arg6[%swap3A_114] {strides = array<i32>} : memref<640xf32, #tpu.memory_space<vmem>>, vector<16xf32>,
    %swap3A_116 = vector.shape_cast %swap3A_115 : vector<16xf32> to vector<16xf32>
    %swap3A_117 = vector.shape_cast %broadcast_in_dim3A_113 : vector<16xf32> to vector<16xf32>
    tpu.vector_store %arg6[%swap3A_114], %swap3A_117 {strides = array<i32>} : memref<640xf32, #tpu.memory_space<vmem>>, vector<16xf32>,
    %broadcast_in_dim3A_118 = arith.constant 0.000000e+00 : f32
    %broadcast_in_dim3A_119 = vector.broadcast %broadcast_in_dim3A_118 : f32 to vector<16xf32>
    %swap3A_120 = arith.constant 320 : index
    %swap3A_121 = tpu.vector_load %arg6[%swap3A_120] {strides = array<i32>} : memref<640xf32, #tpu.memory_space<vmem>>, vector<16xf32>,
    %swap3A_122 = vector.shape_cast %swap3A_121 : vector<16xf32> to vector<16xf32>
    %swap3A_123 = vector.shape_cast %broadcast_in_dim3A_119 : vector<16xf32> to vector<16xf32>
    tpu.vector_store %arg6[%swap3A_120], %swap3A_123 {strides = array<i32>} : memref<640xf32, #tpu.memory_space<vmem>>, vector<16xf32>,
    %broadcast_in_dim3A_124 = arith.constant 0.000000e+00 : f32
    %broadcast_in_dim3A_125 = vector.broadcast %broadcast_in_dim3A_124 : f32 to vector<16xf32>
    %swap3A_126 = arith.constant 336 : index
    %swap3A_127 = tpu.vector_load %arg6[%swap3A_126] {strides = array<i32>} : memref<640xf32, #tpu.memory_space<vmem>>, vector<16xf32>,
    %swap3A_128 = vector.shape_cast %swap3A_127 : vector<16xf32> to vector<16xf32>
    %swap3A_129 = vector.shape_cast %broadcast_in_dim3A_125 : vector<16xf32> to vector<16xf32>
    tpu.vector_store %arg6[%swap3A_126], %swap3A_129 {strides = array<i32>} : memref<640xf32, #tpu.memory_space<vmem>>, vector<16xf32>,
    %broadcast_in_dim3A_130 = arith.constant 0.000000e+00 : f32
    %broadcast_in_dim3A_131 = vector.broadcast %broadcast_in_dim3A_130 : f32 to vector<16xf32>
    %swap3A_132 = arith.constant 352 : index
    %swap3A_133 = tpu.vector_load %arg6[%swap3A_132] {strides = array<i32>} : memref<640xf32, #tpu.memory_space<vmem>>, vector<16xf32>,
    %swap3A_134 = vector.shape_cast %swap3A_133 : vector<16xf32> to vector<16xf32>
    %swap3A_135 = vector.shape_cast %broadcast_in_dim3A_131 : vector<16xf32> to vector<16xf32>
    tpu.vector_store %arg6[%swap3A_132], %swap3A_135 {strides = array<i32>} : memref<640xf32, #tpu.memory_space<vmem>>, vector<16xf32>,
    %broadcast_in_dim3A_136 = arith.constant 0.000000e+00 : f32
    %broadcast_in_dim3A_137 = vector.broadcast %broadcast_in_dim3A_136 : f32 to vector<16xf32>
    %swap3A_138 = arith.constant 368 : index
    %swap3A_139 = tpu.vector_load %arg6[%swap3A_138] {strides = array<i32>} : memref<640xf32, #tpu.memory_space<vmem>>, vector<16xf32>,
    %swap3A_140 = vector.shape_cast %swap3A_139 : vector<16xf32> to vector<16xf32>
    %swap3A_141 = vector.shape_cast %broadcast_in_dim3A_137 : vector<16xf32> to vector<16xf32>
    tpu.vector_store %arg6[%swap3A_138], %swap3A_141 {strides = array<i32>} : memref<640xf32, #tpu.memory_space<vmem>>, vector<16xf32>,
    %broadcast_in_dim3A_142 = arith.constant 0.000000e+00 : f32
    %broadcast_in_dim3A_143 = vector.broadcast %broadcast_in_dim3A_142 : f32 to vector<16xf32>
    %swap3A_144 = arith.constant 384 : index
    %swap3A_145 = tpu.vector_load %arg6[%swap3A_144] {strides = array<i32>} : memref<640xf32, #tpu.memory_space<vmem>>, vector<16xf32>,
    %swap3A_146 = vector.shape_cast %swap3A_145 : vector<16xf32> to vector<16xf32>
    %swap3A_147 = vector.shape_cast %broadcast_in_dim3A_143 : vector<16xf32> to vector<16xf32>
    tpu.vector_store %arg6[%swap3A_144], %swap3A_147 {strides = array<i32>} : memref<640xf32, #tpu.memory_space<vmem>>, vector<16xf32>,
    %broadcast_in_dim3A_148 = arith.constant 0.000000e+00 : f32
    %broadcast_in_dim3A_149 = vector.broadcast %broadcast_in_dim3A_148 : f32 to vector<16xf32>
    %swap3A_150 = arith.constant 400 : index
    %swap3A_151 = tpu.vector_load %arg6[%swap3A_150] {strides = array<i32>} : memref<640xf32, #tpu.memory_space<vmem>>, vector<16xf32>,
    %swap3A_152 = vector.shape_cast %swap3A_151 : vector<16xf32> to vector<16xf32>
    %swap3A_153 = vector.shape_cast %broadcast_in_dim3A_149 : vector<16xf32> to vector<16xf32>
    tpu.vector_store %arg6[%swap3A_150], %swap3A_153 {strides = array<i32>} : memref<640xf32, #tpu.memory_space<vmem>>, vector<16xf32>,
    %broadcast_in_dim3A_154 = arith.constant 0.000000e+00 : f32
    %broadcast_in_dim3A_155 = vector.broadcast %broadcast_in_dim3A_154 : f32 to vector<16xf32>
    %swap3A_156 = arith.constant 416 : index
    %swap3A_157 = tpu.vector_load %arg6[%swap3A_156] {strides = array<i32>} : memref<640xf32, #tpu.memory_space<vmem>>, vector<16xf32>,
    %swap3A_158 = vector.shape_cast %swap3A_157 : vector<16xf32> to vector<16xf32>
    %swap3A_159 = vector.shape_cast %broadcast_in_dim3A_155 : vector<16xf32> to vector<16xf32>
    tpu.vector_store %arg6[%swap3A_156], %swap3A_159 {strides = array<i32>} : memref<640xf32, #tpu.memory_space<vmem>>, vector<16xf32>,
    %broadcast_in_dim3A_160 = arith.constant 0.000000e+00 : f32
    %broadcast_in_dim3A_161 = vector.broadcast %broadcast_in_dim3A_160 : f32 to vector<16xf32>
    %swap3A_162 = arith.constant 432 : index
    %swap3A_163 = tpu.vector_load %arg6[%swap3A_162] {strides = array<i32>} : memref<640xf32, #tpu.memory_space<vmem>>, vector<16xf32>,
    %swap3A_164 = vector.shape_cast %swap3A_163 : vector<16xf32> to vector<16xf32>
    %swap3A_165 = vector.shape_cast %broadcast_in_dim3A_161 : vector<16xf32> to vector<16xf32>
    tpu.vector_store %arg6[%swap3A_162], %swap3A_165 {strides = array<i32>} : memref<640xf32, #tpu.memory_space<vmem>>, vector<16xf32>,
    %broadcast_in_dim3A_166 = arith.constant 0.000000e+00 : f32
    %broadcast_in_dim3A_167 = vector.broadcast %broadcast_in_dim3A_166 : f32 to vector<16xf32>
    %swap3A_168 = arith.constant 448 : index
    %swap3A_169 = tpu.vector_load %arg6[%swap3A_168] {strides = array<i32>} : memref<640xf32, #tpu.memory_space<vmem>>, vector<16xf32>,
    %swap3A_170 = vector.shape_cast %swap3A_169 : vector<16xf32> to vector<16xf32>
    %swap3A_171 = vector.shape_cast %broadcast_in_dim3A_167 : vector<16xf32> to vector<16xf32>
    tpu.vector_store %arg6[%swap3A_168], %swap3A_171 {strides = array<i32>} : memref<640xf32, #tpu.memory_space<vmem>>, vector<16xf32>,
    %broadcast_in_dim3A_172 = arith.constant 0.000000e+00 : f32
    %broadcast_in_dim3A_173 = vector.broadcast %broadcast_in_dim3A_172 : f32 to vector<16xf32>
    %swap3A_174 = arith.constant 464 : index
    %swap3A_175 = tpu.vector_load %arg6[%swap3A_174] {strides = array<i32>} : memref<640xf32, #tpu.memory_space<vmem>>, vector<16xf32>,
    %swap3A_176 = vector.shape_cast %swap3A_175 : vector<16xf32> to vector<16xf32>
    %swap3A_177 = vector.shape_cast %broadcast_in_dim3A_173 : vector<16xf32> to vector<16xf32>
    tpu.vector_store %arg6[%swap3A_174], %swap3A_177 {strides = array<i32>} : memref<640xf32, #tpu.memory_space<vmem>>, vector<16xf32>,
    %broadcast_in_dim3A_178 = arith.constant 0.000000e+00 : f32
    %broadcast_in_dim3A_179 = vector.broadcast %broadcast_in_dim3A_178 : f32 to vector<16xf32>
    %swap3A_180 = arith.constant 480 : index
    %swap3A_181 = tpu.vector_load %arg6[%swap3A_180] {strides = array<i32>} : memref<640xf32, #tpu.memory_space<vmem>>, vector<16xf32>,
    %swap3A_182 = vector.shape_cast %swap3A_181 : vector<16xf32> to vector<16xf32>
    %swap3A_183 = vector.shape_cast %broadcast_in_dim3A_179 : vector<16xf32> to vector<16xf32>
    tpu.vector_store %arg6[%swap3A_180], %swap3A_183 {strides = array<i32>} : memref<640xf32, #tpu.memory_space<vmem>>, vector<16xf32>,
    %broadcast_in_dim3A_184 = arith.constant 0.000000e+00 : f32
    %broadcast_in_dim3A_185 = vector.broadcast %broadcast_in_dim3A_184 : f32 to vector<16xf32>
    %swap3A_186 = arith.constant 496 : index
    %swap3A_187 = tpu.vector_load %arg6[%swap3A_186] {strides = array<i32>} : memref<640xf32, #tpu.memory_space<vmem>>, vector<16xf32>,
    %swap3A_188 = vector.shape_cast %swap3A_187 : vector<16xf32> to vector<16xf32>
    %swap3A_189 = vector.shape_cast %broadcast_in_dim3A_185 : vector<16xf32> to vector<16xf32>
    tpu.vector_store %arg6[%swap3A_186], %swap3A_189 {strides = array<i32>} : memref<640xf32, #tpu.memory_space<vmem>>, vector<16xf32>,
    %broadcast_in_dim3A_190 = arith.constant 0.000000e+00 : f32
    %broadcast_in_dim3A_191 = vector.broadcast %broadcast_in_dim3A_190 : f32 to vector<16xf32>
    %swap3A_192 = arith.constant 512 : index
    %swap3A_193 = tpu.vector_load %arg6[%swap3A_192] {strides = array<i32>} : memref<640xf32, #tpu.memory_space<vmem>>, vector<16xf32>,
    %swap3A_194 = vector.shape_cast %swap3A_193 : vector<16xf32> to vector<16xf32>
    %swap3A_195 = vector.shape_cast %broadcast_in_dim3A_191 : vector<16xf32> to vector<16xf32>
    tpu.vector_store %arg6[%swap3A_192], %swap3A_195 {strides = array<i32>} : memref<640xf32, #tpu.memory_space<vmem>>, vector<16xf32>,
    %broadcast_in_dim3A_196 = arith.constant 0.000000e+00 : f32
    %broadcast_in_dim3A_197 = vector.broadcast %broadcast_in_dim3A_196 : f32 to vector<16xf32>
    %swap3A_198 = arith.constant 528 : index
    %swap3A_199 = tpu.vector_load %arg6[%swap3A_198] {strides = array<i32>} : memref<640xf32, #tpu.memory_space<vmem>>, vector<16xf32>,
    %swap3A_200 = vector.shape_cast %swap3A_199 : vector<16xf32> to vector<16xf32>
    %swap3A_201 = vector.shape_cast %broadcast_in_dim3A_197 : vector<16xf32> to vector<16xf32>
    tpu.vector_store %arg6[%swap3A_198], %swap3A_201 {strides = array<i32>} : memref<640xf32, #tpu.memory_space<vmem>>, vector<16xf32>,
    %broadcast_in_dim3A_202 = arith.constant 0.000000e+00 : f32
    %broadcast_in_dim3A_203 = vector.broadcast %broadcast_in_dim3A_202 : f32 to vector<16xf32>
    %swap3A_204 = arith.constant 544 : index
    %swap3A_205 = tpu.vector_load %arg6[%swap3A_204] {strides = array<i32>} : memref<640xf32, #tpu.memory_space<vmem>>, vector<16xf32>,
    %swap3A_206 = vector.shape_cast %swap3A_205 : vector<16xf32> to vector<16xf32>
    %swap3A_207 = vector.shape_cast %broadcast_in_dim3A_203 : vector<16xf32> to vector<16xf32>
    tpu.vector_store %arg6[%swap3A_204], %swap3A_207 {strides = array<i32>} : memref<640xf32, #tpu.memory_space<vmem>>, vector<16xf32>,
    %broadcast_in_dim3A_208 = arith.constant 0.000000e+00 : f32
    %broadcast_in_dim3A_209 = vector.broadcast %broadcast_in_dim3A_208 : f32 to vector<16xf32>
    %swap3A_210 = arith.constant 560 : index
    %swap3A_211 = tpu.vector_load %arg6[%swap3A_210] {strides = array<i32>} : memref<640xf32, #tpu.memory_space<vmem>>, vector<16xf32>,
    %swap3A_212 = vector.shape_cast %swap3A_211 : vector<16xf32> to vector<16xf32>
    %swap3A_213 = vector.shape_cast %broadcast_in_dim3A_209 : vector<16xf32> to vector<16xf32>
    tpu.vector_store %arg6[%swap3A_210], %swap3A_213 {strides = array<i32>} : memref<640xf32, #tpu.memory_space<vmem>>, vector<16xf32>,
    %broadcast_in_dim3A_214 = arith.constant 0.000000e+00 : f32
    %broadcast_in_dim3A_215 = vector.broadcast %broadcast_in_dim3A_214 : f32 to vector<16xf32>
    %swap3A_216 = arith.constant 576 : index
    %swap3A_217 = tpu.vector_load %arg6[%swap3A_216] {strides = array<i32>} : memref<640xf32, #tpu.memory_space<vmem>>, vector<16xf32>,
    %swap3A_218 = vector.shape_cast %swap3A_217 : vector<16xf32> to vector<16xf32>
    %swap3A_219 = vector.shape_cast %broadcast_in_dim3A_215 : vector<16xf32> to vector<16xf32>
    tpu.vector_store %arg6[%swap3A_216], %swap3A_219 {strides = array<i32>} : memref<640xf32, #tpu.memory_space<vmem>>, vector<16xf32>,
    %broadcast_in_dim3A_220 = arith.constant 0.000000e+00 : f32
    %broadcast_in_dim3A_221 = vector.broadcast %broadcast_in_dim3A_220 : f32 to vector<16xf32>
    %swap3A_222 = arith.constant 592 : index
    %swap3A_223 = tpu.vector_load %arg6[%swap3A_222] {strides = array<i32>} : memref<640xf32, #tpu.memory_space<vmem>>, vector<16xf32>,
    %swap3A_224 = vector.shape_cast %swap3A_223 : vector<16xf32> to vector<16xf32>
    %swap3A_225 = vector.shape_cast %broadcast_in_dim3A_221 : vector<16xf32> to vector<16xf32>
    tpu.vector_store %arg6[%swap3A_222], %swap3A_225 {strides = array<i32>} : memref<640xf32, #tpu.memory_space<vmem>>, vector<16xf32>,
    %broadcast_in_dim3A_226 = arith.constant 0.000000e+00 : f32
    %broadcast_in_dim3A_227 = vector.broadcast %broadcast_in_dim3A_226 : f32 to vector<16xf32>
    %swap3A_228 = arith.constant 608 : index
    %swap3A_229 = tpu.vector_load %arg6[%swap3A_228] {strides = array<i32>} : memref<640xf32, #tpu.memory_space<vmem>>, vector<16xf32>,
    %swap3A_230 = vector.shape_cast %swap3A_229 : vector<16xf32> to vector<16xf32>
    %swap3A_231 = vector.shape_cast %broadcast_in_dim3A_227 : vector<16xf32> to vector<16xf32>
    tpu.vector_store %arg6[%swap3A_228], %swap3A_231 {strides = array<i32>} : memref<640xf32, #tpu.memory_space<vmem>>, vector<16xf32>,
    %broadcast_in_dim3A_232 = arith.constant 0.000000e+00 : f32
    %broadcast_in_dim3A_233 = vector.broadcast %broadcast_in_dim3A_232 : f32 to vector<16xf32>
    %swap3A_234 = arith.constant 624 : index
    %swap3A_235 = tpu.vector_load %arg6[%swap3A_234] {strides = array<i32>} : memref<640xf32, #tpu.memory_space<vmem>>, vector<16xf32>,
    %swap3A_236 = vector.shape_cast %swap3A_235 : vector<16xf32> to vector<16xf32>
    %swap3A_237 = vector.shape_cast %broadcast_in_dim3A_233 : vector<16xf32> to vector<16xf32>
    tpu.vector_store %arg6[%swap3A_234], %swap3A_237 {strides = array<i32>} : memref<640xf32, #tpu.memory_space<vmem>>, vector<16xf32>,
    %mul3A = arith.constant 640 : i32
    %mul3A_238 = arith.muli %arg1, %mul3A : i32
    "tpu.region"() ({
      %run_scoped3A = tpu.sem_alloc : memref<!tpu.dma_semaphore, #tpu.memory_space<semaphore_mem>>
      %dma_start3A = tpu.memref_slice %arg7[%mul3A_238] : memref<10240xf32, #tpu.memory_space<vmem_shared>> -> memref<640xf32, #tpu.memory_space<vmem_shared>>
      %dma_start3A_285 = tpu.memref_slice %arg7[%mul3A_238] : memref<10240xf32, #tpu.memory_space<vmem_shared>> -> memref<640xf32, #tpu.memory_space<vmem_shared>>
      tpu.enqueue_dma source(%arg6 : memref<640xf32, #tpu.memory_space<vmem>>) target(%dma_start3A_285 : memref<640xf32, #tpu.memory_space<vmem_shared>>) target_semaphore(%run_scoped3A : memref<!tpu.dma_semaphore, #tpu.memory_space<semaphore_mem>>)
      %dma_wait3A = tpu.memref_slice %arg7[%mul3A_238] : memref<10240xf32, #tpu.memory_space<vmem_shared>> -> memref<640xf32, #tpu.memory_space<vmem_shared>>
      %dma_wait3A_286 = tpu.memref_slice %arg7[%mul3A_238] : memref<10240xf32, #tpu.memory_space<vmem_shared>> -> memref<640xf32, #tpu.memory_space<vmem_shared>>
      tpu.wait_dma2 semaphore(%run_scoped3A : memref<!tpu.dma_semaphore, #tpu.memory_space<semaphore_mem>>) src(%arg6 : memref<640xf32, #tpu.memory_space<vmem>>) dst(%dma_wait3A_286 : memref<640xf32, #tpu.memory_space<vmem_shared>>)
      tpu.yield
    }) : () -> ()
    "tpu.region"() ({
      %run_scoped3A = tpu.sem_alloc : memref<!tpu.dma_semaphore, #tpu.memory_space<semaphore_mem>>
      %dma_start3A = arith.constant 0 : i32
      %dma_start3A_285 = arith.constant 0 : i32
      %dma_start3A_286 = tpu.memref_slice %arg2[%arg0, %arg1, %dma_start3A, %dma_start3A_285] : memref<2x16x250x80xi32, #tpu.memory_space<hbm>> -> memref<1x1x250x80xi32, #tpu.memory_space<hbm>>
      %dma_start3A_287 = tpu.memref_squeeze %dma_start3A_286 : memref<1x1x250x80xi32, #tpu.memory_space<hbm>> -> memref<250x80xi32, #tpu.memory_space<hbm>>
      %dma_start3A_288 = arith.constant 0 : i32
      %dma_start3A_289 = arith.constant 0 : i32
      %dma_start3A_290 = tpu.memref_slice %arg2[%arg0, %arg1, %dma_start3A_288, %dma_start3A_289] : memref<2x16x250x80xi32, #tpu.memory_space<hbm>> -> memref<1x1x250x80xi32, #tpu.memory_space<hbm>>
      %dma_start3A_291 = tpu.memref_squeeze %dma_start3A_290 : memref<1x1x250x80xi32, #tpu.memory_space<hbm>> -> memref<250x80xi32, #tpu.memory_space<hbm>>
      tpu.enqueue_dma source(%dma_start3A_291 : memref<250x80xi32, #tpu.memory_space<hbm>>) target(%arg4 : memref<250x80xi32, #tpu.memory_space<vmem>>) target_semaphore(%run_scoped3A : memref<!tpu.dma_semaphore, #tpu.memory_space<semaphore_mem>>)
      %dma_wait3A = arith.constant 0 : i32
      %dma_wait3A_292 = arith.constant 0 : i32
      %dma_wait3A_293 = tpu.memref_slice %arg2[%arg0, %arg1, %dma_wait3A, %dma_wait3A_292] : memref<2x16x250x80xi32, #tpu.memory_space<hbm>> -> memref<1x1x250x80xi32, #tpu.memory_space<hbm>>
      %dma_wait3A_294 = tpu.memref_squeeze %dma_wait3A_293 : memref<1x1x250x80xi32, #tpu.memory_space<hbm>> -> memref<250x80xi32, #tpu.memory_space<hbm>>
      %dma_wait3A_295 = arith.constant 0 : i32
      %dma_wait3A_296 = arith.constant 0 : i32
      %dma_wait3A_297 = tpu.memref_slice %arg2[%arg0, %arg1, %dma_wait3A_295, %dma_wait3A_296] : memref<2x16x250x80xi32, #tpu.memory_space<hbm>> -> memref<1x1x250x80xi32, #tpu.memory_space<hbm>>
      %dma_wait3A_298 = tpu.memref_squeeze %dma_wait3A_297 : memref<1x1x250x80xi32, #tpu.memory_space<hbm>> -> memref<250x80xi32, #tpu.memory_space<hbm>>
      tpu.wait_dma2 semaphore(%run_scoped3A : memref<!tpu.dma_semaphore, #tpu.memory_space<semaphore_mem>>) src(%dma_wait3A_298 : memref<250x80xi32, #tpu.memory_space<hbm>>) dst(%arg4 : memref<250x80xi32, #tpu.memory_space<vmem>>)
      tpu.yield
    }) : () -> ()
    %broadcast_in_dim3A_239 = arith.constant 1.000000e+00 : f32
    %broadcast_in_dim3A_240 = vector.broadcast %broadcast_in_dim3A_239 : f32 to vector<16xf32>
    %swap3A_241 = arith.constant 0 : index
    %swap3A_242 = tpu.vector_load %arg5[%swap3A_241] {strides = array<i32>} : memref<80xf32, #tpu.memory_space<vmem>>, vector<16xf32>,
    %swap3A_243 = vector.shape_cast %swap3A_242 : vector<16xf32> to vector<16xf32>
    %swap3A_244 = vector.shape_cast %broadcast_in_dim3A_240 : vector<16xf32> to vector<16xf32>
    tpu.vector_store %arg5[%swap3A_241], %swap3A_244 {strides = array<i32>} : memref<80xf32, #tpu.memory_space<vmem>>, vector<16xf32>,
    %broadcast_in_dim3A_245 = arith.constant 1.000000e+00 : f32
    %broadcast_in_dim3A_246 = vector.broadcast %broadcast_in_dim3A_245 : f32 to vector<16xf32>
    %swap3A_247 = arith.constant 16 : index
    %swap3A_248 = tpu.vector_load %arg5[%swap3A_247] {strides = array<i32>} : memref<80xf32, #tpu.memory_space<vmem>>, vector<16xf32>,
    %swap3A_249 = vector.shape_cast %swap3A_248 : vector<16xf32> to vector<16xf32>
    %swap3A_250 = vector.shape_cast %broadcast_in_dim3A_246 : vector<16xf32> to vector<16xf32>
    tpu.vector_store %arg5[%swap3A_247], %swap3A_250 {strides = array<i32>} : memref<80xf32, #tpu.memory_space<vmem>>, vector<16xf32>,
    %broadcast_in_dim3A_251 = arith.constant 1.000000e+00 : f32
    %broadcast_in_dim3A_252 = vector.broadcast %broadcast_in_dim3A_251 : f32 to vector<16xf32>
    %swap3A_253 = arith.constant 32 : index
    %swap3A_254 = tpu.vector_load %arg5[%swap3A_253] {strides = array<i32>} : memref<80xf32, #tpu.memory_space<vmem>>, vector<16xf32>,
    %swap3A_255 = vector.shape_cast %swap3A_254 : vector<16xf32> to vector<16xf32>
    %swap3A_256 = vector.shape_cast %broadcast_in_dim3A_252 : vector<16xf32> to vector<16xf32>
    tpu.vector_store %arg5[%swap3A_253], %swap3A_256 {strides = array<i32>} : memref<80xf32, #tpu.memory_space<vmem>>, vector<16xf32>,
    %broadcast_in_dim3A_257 = arith.constant 1.000000e+00 : f32
    %broadcast_in_dim3A_258 = vector.broadcast %broadcast_in_dim3A_257 : f32 to vector<16xf32>
    %swap3A_259 = arith.constant 48 : index
    %swap3A_260 = tpu.vector_load %arg5[%swap3A_259] {strides = array<i32>} : memref<80xf32, #tpu.memory_space<vmem>>, vector<16xf32>,
    %swap3A_261 = vector.shape_cast %swap3A_260 : vector<16xf32> to vector<16xf32>
    %swap3A_262 = vector.shape_cast %broadcast_in_dim3A_258 : vector<16xf32> to vector<16xf32>
    tpu.vector_store %arg5[%swap3A_259], %swap3A_262 {strides = array<i32>} : memref<80xf32, #tpu.memory_space<vmem>>, vector<16xf32>,
    %broadcast_in_dim3A_263 = arith.constant 1.000000e+00 : f32
    %broadcast_in_dim3A_264 = vector.broadcast %broadcast_in_dim3A_263 : f32 to vector<16xf32>
    %swap3A_265 = arith.constant 64 : index
    %swap3A_266 = tpu.vector_load %arg5[%swap3A_265] {strides = array<i32>} : memref<80xf32, #tpu.memory_space<vmem>>, vector<16xf32>,
    %swap3A_267 = vector.shape_cast %swap3A_266 : vector<16xf32> to vector<16xf32>
    %swap3A_268 = vector.shape_cast %broadcast_in_dim3A_264 : vector<16xf32> to vector<16xf32>
    tpu.vector_store %arg5[%swap3A_265], %swap3A_268 {strides = array<i32>} : memref<80xf32, #tpu.memory_space<vmem>>, vector<16xf32>,
    %barrier3A = arith.constant 0 : index
    tpu.barrier barrier_id(%barrier3A)
    %scan3A = arith.constant 0 : i32
    %scan3A_269 = arith.constant 250 : i32
    %scan3A_270 = arith.addi %scan3A, %scan3A_269 : i32
    %scan3A_271 = arith.constant 1 : i32
    scf.for %scan3A_285 = %scan3A to %scan3A_270 step %scan3A_271  : i32 {
      %dma_start3A = arith.constant 0 : i32
      %dma_start3A_286 = tpu.memref_slice %arg4[%scan3A_285, %dma_start3A] : memref<250x80xi32, #tpu.memory_space<vmem>> -> memref<1x80xi32, #tpu.memory_space<vmem>>
      %dma_start3A_287 = tpu.memref_squeeze %dma_start3A_286 : memref<1x80xi32, #tpu.memory_space<vmem>> -> memref<80xi32, #tpu.memory_space<vmem>>
      %dma_start3A_288 = arith.constant 0 : i32
      %dma_start3A_289 = tpu.memref_slice %arg7[%dma_start3A_288] : memref<10240xf32, #tpu.memory_space<vmem_shared>> -> memref<10240xf32, #tpu.memory_space<vmem_shared>>
      tpu.enqueue_indirect_dma source(%arg5 : memref<80xf32, #tpu.memory_space<vmem>>) target(%dma_start3A_289 : memref<10240xf32, #tpu.memory_space<vmem_shared>>) offsets(%dma_start3A_287 : memref<80xi32, #tpu.memory_space<vmem>>) semaphore(%arg8 : memref<!tpu.dma_semaphore, #tpu.memory_space<semaphore_mem>>) {add = true}
    }
    %scan3A_272 = arith.constant 250 : i32
    %scan3A_273 = arith.constant 0 : i32
    %scan3A_274 = arith.constant 250 : i32
    %scan3A_275 = arith.addi %scan3A_273, %scan3A_274 : i32
    %scan3A_276 = arith.constant 1 : i32
    scf.for %scan3A_285 = %scan3A_273 to %scan3A_275 step %scan3A_276  : i32 {
      %dma_wait3A = arith.constant 0 : i32
      %dma_wait3A_286 = arith.constant 0 : i32
      %dma_wait3A_287 = tpu.memref_slice %arg4[%dma_wait3A, %dma_wait3A_286] : memref<250x80xi32, #tpu.memory_space<vmem>> -> memref<1x80xi32, #tpu.memory_space<vmem>>
      %dma_wait3A_288 = tpu.memref_squeeze %dma_wait3A_287 : memref<1x80xi32, #tpu.memory_space<vmem>> -> memref<80xi32, #tpu.memory_space<vmem>>
      %dma_wait3A_289 = arith.constant 0 : i32
      %dma_wait3A_290 = tpu.memref_slice %arg7[%dma_wait3A_289] : memref<10240xf32, #tpu.memory_space<vmem_shared>> -> memref<10240xf32, #tpu.memory_space<vmem_shared>>
      tpu.wait_indirect_dma semaphore(%arg8 : memref<!tpu.dma_semaphore, #tpu.memory_space<semaphore_mem>>) src(%arg5 : memref<80xf32, #tpu.memory_space<vmem>>) dst(%dma_wait3A_290 : memref<10240xf32, #tpu.memory_space<vmem_shared>>)
    }
    %scan3A_277 = arith.constant 250 : i32
    %barrier3A_278 = arith.constant 0 : index
    tpu.barrier barrier_id(%barrier3A_278)
    %mul3A_279 = arith.constant 640 : i32
    %mul3A_280 = arith.muli %arg1, %mul3A_279 : i32
    "tpu.region"() ({
      %run_scoped3A = tpu.sem_alloc : memref<!tpu.dma_semaphore, #tpu.memory_space<semaphore_mem>>
      %dma_start3A = tpu.memref_slice %arg7[%mul3A_280] : memref<10240xf32, #tpu.memory_space<vmem_shared>> -> memref<640xf32, #tpu.memory_space<vmem_shared>>
      %dma_start3A_285 = tpu.memref_slice %arg7[%mul3A_280] : memref<10240xf32, #tpu.memory_space<vmem_shared>> -> memref<640xf32, #tpu.memory_space<vmem_shared>>
      tpu.enqueue_dma source(%dma_start3A_285 : memref<640xf32, #tpu.memory_space<vmem_shared>>) target(%arg6 : memref<640xf32, #tpu.memory_space<vmem>>) target_semaphore(%run_scoped3A : memref<!tpu.dma_semaphore, #tpu.memory_space<semaphore_mem>>)
      %dma_wait3A = tpu.memref_slice %arg7[%mul3A_280] : memref<10240xf32, #tpu.memory_space<vmem_shared>> -> memref<640xf32, #tpu.memory_space<vmem_shared>>
      %dma_wait3A_286 = tpu.memref_slice %arg7[%mul3A_280] : memref<10240xf32, #tpu.memory_space<vmem_shared>> -> memref<640xf32, #tpu.memory_space<vmem_shared>>
      tpu.wait_dma2 semaphore(%run_scoped3A : memref<!tpu.dma_semaphore, #tpu.memory_space<semaphore_mem>>) src(%dma_wait3A_286 : memref<640xf32, #tpu.memory_space<vmem_shared>>) dst(%arg6 : memref<640xf32, #tpu.memory_space<vmem>>)
      tpu.yield
    }) : () -> ()
    %mul3A_281 = arith.constant 10240 : i32
    %mul3A_282 = arith.muli %arg0, %mul3A_281 : i32
    %mul3A_283 = arith.constant 640 : i32
    %mul3A_284 = arith.muli %arg1, %mul3A_283 : i32
    %add3A = arith.addi %mul3A_282, %mul3A_284 : i32
    "tpu.region"() ({
      %run_scoped3A = tpu.sem_alloc : memref<!tpu.dma_semaphore, #tpu.memory_space<semaphore_mem>>
      %dma_start3A = tpu.memref_slice %arg3[%add3A] : memref<20480xf32, #tpu.memory_space<hbm>> -> memref<640xf32, #tpu.memory_space<hbm>>
      %dma_start3A_285 = tpu.memref_slice %arg3[%add3A] : memref<20480xf32, #tpu.memory_space<hbm>> -> memref<640xf32, #tpu.memory_space<hbm>>
      tpu.enqueue_dma source(%arg6 : memref<640xf32, #tpu.memory_space<vmem>>) target(%dma_start3A_285 : memref<640xf32, #tpu.memory_space<hbm>>) target_semaphore(%run_scoped3A : memref<!tpu.dma_semaphore, #tpu.memory_space<semaphore_mem>>)
      %dma_wait3A = tpu.memref_slice %arg3[%add3A] : memref<20480xf32, #tpu.memory_space<hbm>> -> memref<640xf32, #tpu.memory_space<hbm>>
      %dma_wait3A_286 = tpu.memref_slice %arg3[%add3A] : memref<20480xf32, #tpu.memory_space<hbm>> -> memref<640xf32, #tpu.memory_space<hbm>>
      tpu.wait_dma2 semaphore(%run_scoped3A : memref<!tpu.dma_semaphore, #tpu.memory_space<semaphore_mem>>) src(%arg6 : memref<640xf32, #tpu.memory_space<vmem>>) dst(%dma_wait3A_286 : memref<640xf32, #tpu.memory_space<hbm>>)
      tpu.yield
    }) : () -> ()
    return
  }
}

#map = affine_map<(d0, d1) -> (0, 0, 0, 0)>
#map1 = affine_map<(d0, d1) -> (0, 0)>
#map2 = affine_map<(d0, d1) -> (0, 0, 0)>
module attributes {stable_mosaic.version = 14 : i64} {
  func.func @scatter_sc(%arg0: i32, %arg1: i32, %arg2: memref<2x32x125x80xi32, #tpu.memory_space<hbm>>, %arg3: memref<10000x64xf32, #tpu.memory_space<hbm>>, %arg4: memref<80x64xf32, #tpu.memory_space<hbm>>, %arg5: memref<2x10240x64xf32, #tpu.memory_space<hbm>>, %arg6: memref<125x80xi32, #tpu.memory_space<vmem>>, %arg7: memref<125x80xi32, #tpu.memory_space<vmem>>, %arg8: memref<80x64xf32, #tpu.memory_space<vmem>>, %arg9: memref<80x64xf32, #tpu.memory_space<vmem>>, %arg10: memref<80x64xf32, #tpu.memory_space<vmem>>, %arg11: memref<80x64xf32, #tpu.memory_space<vmem>>, %arg12: memref<80x64xf32, #tpu.memory_space<vmem>>, %arg13: memref<80x64xf32, #tpu.memory_space<vmem>>, %arg14: memref<80x64xf32, #tpu.memory_space<vmem>>, %arg15: memref<80x64xf32, #tpu.memory_space<vmem>>, %arg16: memref<80x64xf32, #tpu.memory_space<vmem>>, %arg17: memref<80x64xf32, #tpu.memory_space<vmem>>, %arg18: memref<10240x64xf32, #tpu.memory_space<vmem_shared>>, %arg19: memref<!tpu.dma_semaphore, #tpu.memory_space<semaphore_mem>>, %arg20: memref<!tpu.dma_semaphore, #tpu.memory_space<semaphore_mem>>, %arg21: memref<!tpu.dma_semaphore, #tpu.memory_space<semaphore_mem>>, %arg22: memref<!tpu.dma_semaphore, #tpu.memory_space<semaphore_mem>>, %arg23: memref<!tpu.dma_semaphore, #tpu.memory_space<semaphore_mem>>, %arg24: memref<!tpu.dma_semaphore, #tpu.memory_space<semaphore_mem>>, %arg25: memref<!tpu.dma_semaphore, #tpu.memory_space<semaphore_mem>>, %arg26: memref<!tpu.dma_semaphore, #tpu.memory_space<semaphore_mem>>, %arg27: memref<!tpu.dma_semaphore, #tpu.memory_space<semaphore_mem>>, %arg28: memref<!tpu.dma_semaphore, #tpu.memory_space<semaphore_mem>>) attributes {dimension_semantics = [#tpu.dimension_semantics<core_parallel>, #tpu.dimension_semantics<subcore_parallel>], iteration_bounds = array<i64: 2, 16>, scalar_prefetch = 0 : i64, scratch_operands = 23 : i64, tpu.core_type = #tpu.core_type<sc_vector_subcore>, window_params = [{transform_indices = #map}, {transform_indices = #map1}, {transform_indices = #map1}, {transform_indices = #map2}]} {
    %mul3A = arith.constant 16 : i32
    %mul3A_0 = arith.muli %arg0, %mul3A : i32
    %add3A = arith.addi %mul3A_0, %arg1 : i32
    "tpu.region"() ({
      %run_scoped3A_326 = tpu.sem_alloc : memref<!tpu.dma_semaphore, #tpu.memory_space<semaphore_mem>>
      tpu.enqueue_dma source(%arg4 : memref<80x64xf32, #tpu.memory_space<hbm>>) target(%arg8 : memref<80x64xf32, #tpu.memory_space<vmem>>) target_semaphore(%run_scoped3A_326 : memref<!tpu.dma_semaphore, #tpu.memory_space<semaphore_mem>>)
      tpu.wait_dma2 semaphore(%run_scoped3A_326 : memref<!tpu.dma_semaphore, #tpu.memory_space<semaphore_mem>>) src(%arg4 : memref<80x64xf32, #tpu.memory_space<hbm>>) dst(%arg8 : memref<80x64xf32, #tpu.memory_space<vmem>>)
      tpu.yield
    }) : () -> ()
    %mul3A_1 = arith.constant 640 : i32
    %mul3A_2 = arith.muli %arg1, %mul3A_1 : i32
    %add3A_3 = arith.constant 0 : i32
    %add3A_4 = arith.addi %mul3A_2, %add3A_3 : i32
    "tpu.region"() ({
      %run_scoped3A_326 = tpu.sem_alloc : memref<!tpu.dma_semaphore, #tpu.memory_space<semaphore_mem>>
      %dma_start3A_327 = arith.constant 0 : i32
      %dma_start3A_328 = tpu.memref_slice %arg18[%add3A_4, %dma_start3A_327] : memref<10240x64xf32, #tpu.memory_space<vmem_shared>> -> memref<80x64xf32, #tpu.memory_space<vmem_shared>>
      %dma_start3A_329 = arith.constant 0 : i32
      %dma_start3A_330 = tpu.memref_slice %arg18[%add3A_4, %dma_start3A_329] : memref<10240x64xf32, #tpu.memory_space<vmem_shared>> -> memref<80x64xf32, #tpu.memory_space<vmem_shared>>
      tpu.enqueue_dma source(%arg8 : memref<80x64xf32, #tpu.memory_space<vmem>>) target(%dma_start3A_330 : memref<80x64xf32, #tpu.memory_space<vmem_shared>>) target_semaphore(%run_scoped3A_326 : memref<!tpu.dma_semaphore, #tpu.memory_space<semaphore_mem>>)
      %dma_wait3A_331 = arith.constant 0 : i32
      %dma_wait3A_332 = tpu.memref_slice %arg18[%add3A_4, %dma_wait3A_331] : memref<10240x64xf32, #tpu.memory_space<vmem_shared>> -> memref<80x64xf32, #tpu.memory_space<vmem_shared>>
      %dma_wait3A_333 = arith.constant 0 : i32
      %dma_wait3A_334 = tpu.memref_slice %arg18[%add3A_4, %dma_wait3A_333] : memref<10240x64xf32, #tpu.memory_space<vmem_shared>> -> memref<80x64xf32, #tpu.memory_space<vmem_shared>>
      tpu.wait_dma2 semaphore(%run_scoped3A_326 : memref<!tpu.dma_semaphore, #tpu.memory_space<semaphore_mem>>) src(%arg8 : memref<80x64xf32, #tpu.memory_space<vmem>>) dst(%dma_wait3A_334 : memref<80x64xf32, #tpu.memory_space<vmem_shared>>)
      tpu.yield
    }) : () -> ()
    %mul3A_5 = arith.constant 640 : i32
    %mul3A_6 = arith.muli %arg1, %mul3A_5 : i32
    %add3A_7 = arith.constant 80 : i32
    %add3A_8 = arith.addi %mul3A_6, %add3A_7 : i32
    "tpu.region"() ({
      %run_scoped3A_326 = tpu.sem_alloc : memref<!tpu.dma_semaphore, #tpu.memory_space<semaphore_mem>>
      %dma_start3A_327 = arith.constant 0 : i32
      %dma_start3A_328 = tpu.memref_slice %arg18[%add3A_8, %dma_start3A_327] : memref<10240x64xf32, #tpu.memory_space<vmem_shared>> -> memref<80x64xf32, #tpu.memory_space<vmem_shared>>
      %dma_start3A_329 = arith.constant 0 : i32
      %dma_start3A_330 = tpu.memref_slice %arg18[%add3A_8, %dma_start3A_329] : memref<10240x64xf32, #tpu.memory_space<vmem_shared>> -> memref<80x64xf32, #tpu.memory_space<vmem_shared>>
      tpu.enqueue_dma source(%arg8 : memref<80x64xf32, #tpu.memory_space<vmem>>) target(%dma_start3A_330 : memref<80x64xf32, #tpu.memory_space<vmem_shared>>) target_semaphore(%run_scoped3A_326 : memref<!tpu.dma_semaphore, #tpu.memory_space<semaphore_mem>>)
      %dma_wait3A_331 = arith.constant 0 : i32
      %dma_wait3A_332 = tpu.memref_slice %arg18[%add3A_8, %dma_wait3A_331] : memref<10240x64xf32, #tpu.memory_space<vmem_shared>> -> memref<80x64xf32, #tpu.memory_space<vmem_shared>>
      %dma_wait3A_333 = arith.constant 0 : i32
      %dma_wait3A_334 = tpu.memref_slice %arg18[%add3A_8, %dma_wait3A_333] : memref<10240x64xf32, #tpu.memory_space<vmem_shared>> -> memref<80x64xf32, #tpu.memory_space<vmem_shared>>
      tpu.wait_dma2 semaphore(%run_scoped3A_326 : memref<!tpu.dma_semaphore, #tpu.memory_space<semaphore_mem>>) src(%arg8 : memref<80x64xf32, #tpu.memory_space<vmem>>) dst(%dma_wait3A_334 : memref<80x64xf32, #tpu.memory_space<vmem_shared>>)
      tpu.yield
    }) : () -> ()
    %mul3A_9 = arith.constant 640 : i32
    %mul3A_10 = arith.muli %arg1, %mul3A_9 : i32
    %add3A_11 = arith.constant 160 : i32
    %add3A_12 = arith.addi %mul3A_10, %add3A_11 : i32
    "tpu.region"() ({
      %run_scoped3A_326 = tpu.sem_alloc : memref<!tpu.dma_semaphore, #tpu.memory_space<semaphore_mem>>
      %dma_start3A_327 = arith.constant 0 : i32
      %dma_start3A_328 = tpu.memref_slice %arg18[%add3A_12, %dma_start3A_327] : memref<10240x64xf32, #tpu.memory_space<vmem_shared>> -> memref<80x64xf32, #tpu.memory_space<vmem_shared>>
      %dma_start3A_329 = arith.constant 0 : i32
      %dma_start3A_330 = tpu.memref_slice %arg18[%add3A_12, %dma_start3A_329] : memref<10240x64xf32, #tpu.memory_space<vmem_shared>> -> memref<80x64xf32, #tpu.memory_space<vmem_shared>>
      tpu.enqueue_dma source(%arg8 : memref<80x64xf32, #tpu.memory_space<vmem>>) target(%dma_start3A_330 : memref<80x64xf32, #tpu.memory_space<vmem_shared>>) target_semaphore(%run_scoped3A_326 : memref<!tpu.dma_semaphore, #tpu.memory_space<semaphore_mem>>)
      %dma_wait3A_331 = arith.constant 0 : i32
      %dma_wait3A_332 = tpu.memref_slice %arg18[%add3A_12, %dma_wait3A_331] : memref<10240x64xf32, #tpu.memory_space<vmem_shared>> -> memref<80x64xf32, #tpu.memory_space<vmem_shared>>
      %dma_wait3A_333 = arith.constant 0 : i32
      %dma_wait3A_334 = tpu.memref_slice %arg18[%add3A_12, %dma_wait3A_333] : memref<10240x64xf32, #tpu.memory_space<vmem_shared>> -> memref<80x64xf32, #tpu.memory_space<vmem_shared>>
      tpu.wait_dma2 semaphore(%run_scoped3A_326 : memref<!tpu.dma_semaphore, #tpu.memory_space<semaphore_mem>>) src(%arg8 : memref<80x64xf32, #tpu.memory_space<vmem>>) dst(%dma_wait3A_334 : memref<80x64xf32, #tpu.memory_space<vmem_shared>>)
      tpu.yield
    }) : () -> ()
    %mul3A_13 = arith.constant 640 : i32
    %mul3A_14 = arith.muli %arg1, %mul3A_13 : i32
    %add3A_15 = arith.constant 240 : i32
    %add3A_16 = arith.addi %mul3A_14, %add3A_15 : i32
    "tpu.region"() ({
      %run_scoped3A_326 = tpu.sem_alloc : memref<!tpu.dma_semaphore, #tpu.memory_space<semaphore_mem>>
      %dma_start3A_327 = arith.constant 0 : i32
      %dma_start3A_328 = tpu.memref_slice %arg18[%add3A_16, %dma_start3A_327] : memref<10240x64xf32, #tpu.memory_space<vmem_shared>> -> memref<80x64xf32, #tpu.memory_space<vmem_shared>>
      %dma_start3A_329 = arith.constant 0 : i32
      %dma_start3A_330 = tpu.memref_slice %arg18[%add3A_16, %dma_start3A_329] : memref<10240x64xf32, #tpu.memory_space<vmem_shared>> -> memref<80x64xf32, #tpu.memory_space<vmem_shared>>
      tpu.enqueue_dma source(%arg8 : memref<80x64xf32, #tpu.memory_space<vmem>>) target(%dma_start3A_330 : memref<80x64xf32, #tpu.memory_space<vmem_shared>>) target_semaphore(%run_scoped3A_326 : memref<!tpu.dma_semaphore, #tpu.memory_space<semaphore_mem>>)
      %dma_wait3A_331 = arith.constant 0 : i32
      %dma_wait3A_332 = tpu.memref_slice %arg18[%add3A_16, %dma_wait3A_331] : memref<10240x64xf32, #tpu.memory_space<vmem_shared>> -> memref<80x64xf32, #tpu.memory_space<vmem_shared>>
      %dma_wait3A_333 = arith.constant 0 : i32
      %dma_wait3A_334 = tpu.memref_slice %arg18[%add3A_16, %dma_wait3A_333] : memref<10240x64xf32, #tpu.memory_space<vmem_shared>> -> memref<80x64xf32, #tpu.memory_space<vmem_shared>>
      tpu.wait_dma2 semaphore(%run_scoped3A_326 : memref<!tpu.dma_semaphore, #tpu.memory_space<semaphore_mem>>) src(%arg8 : memref<80x64xf32, #tpu.memory_space<vmem>>) dst(%dma_wait3A_334 : memref<80x64xf32, #tpu.memory_space<vmem_shared>>)
      tpu.yield
    }) : () -> ()
    %mul3A_17 = arith.constant 640 : i32
    %mul3A_18 = arith.muli %arg1, %mul3A_17 : i32
    %add3A_19 = arith.constant 320 : i32
    %add3A_20 = arith.addi %mul3A_18, %add3A_19 : i32
    "tpu.region"() ({
      %run_scoped3A_326 = tpu.sem_alloc : memref<!tpu.dma_semaphore, #tpu.memory_space<semaphore_mem>>
      %dma_start3A_327 = arith.constant 0 : i32
      %dma_start3A_328 = tpu.memref_slice %arg18[%add3A_20, %dma_start3A_327] : memref<10240x64xf32, #tpu.memory_space<vmem_shared>> -> memref<80x64xf32, #tpu.memory_space<vmem_shared>>
      %dma_start3A_329 = arith.constant 0 : i32
      %dma_start3A_330 = tpu.memref_slice %arg18[%add3A_20, %dma_start3A_329] : memref<10240x64xf32, #tpu.memory_space<vmem_shared>> -> memref<80x64xf32, #tpu.memory_space<vmem_shared>>
      tpu.enqueue_dma source(%arg8 : memref<80x64xf32, #tpu.memory_space<vmem>>) target(%dma_start3A_330 : memref<80x64xf32, #tpu.memory_space<vmem_shared>>) target_semaphore(%run_scoped3A_326 : memref<!tpu.dma_semaphore, #tpu.memory_space<semaphore_mem>>)
      %dma_wait3A_331 = arith.constant 0 : i32
      %dma_wait3A_332 = tpu.memref_slice %arg18[%add3A_20, %dma_wait3A_331] : memref<10240x64xf32, #tpu.memory_space<vmem_shared>> -> memref<80x64xf32, #tpu.memory_space<vmem_shared>>
      %dma_wait3A_333 = arith.constant 0 : i32
      %dma_wait3A_334 = tpu.memref_slice %arg18[%add3A_20, %dma_wait3A_333] : memref<10240x64xf32, #tpu.memory_space<vmem_shared>> -> memref<80x64xf32, #tpu.memory_space<vmem_shared>>
      tpu.wait_dma2 semaphore(%run_scoped3A_326 : memref<!tpu.dma_semaphore, #tpu.memory_space<semaphore_mem>>) src(%arg8 : memref<80x64xf32, #tpu.memory_space<vmem>>) dst(%dma_wait3A_334 : memref<80x64xf32, #tpu.memory_space<vmem_shared>>)
      tpu.yield
    }) : () -> ()
    %mul3A_21 = arith.constant 640 : i32
    %mul3A_22 = arith.muli %arg1, %mul3A_21 : i32
    %add3A_23 = arith.constant 400 : i32
    %add3A_24 = arith.addi %mul3A_22, %add3A_23 : i32
    "tpu.region"() ({
      %run_scoped3A_326 = tpu.sem_alloc : memref<!tpu.dma_semaphore, #tpu.memory_space<semaphore_mem>>
      %dma_start3A_327 = arith.constant 0 : i32
      %dma_start3A_328 = tpu.memref_slice %arg18[%add3A_24, %dma_start3A_327] : memref<10240x64xf32, #tpu.memory_space<vmem_shared>> -> memref<80x64xf32, #tpu.memory_space<vmem_shared>>
      %dma_start3A_329 = arith.constant 0 : i32
      %dma_start3A_330 = tpu.memref_slice %arg18[%add3A_24, %dma_start3A_329] : memref<10240x64xf32, #tpu.memory_space<vmem_shared>> -> memref<80x64xf32, #tpu.memory_space<vmem_shared>>
      tpu.enqueue_dma source(%arg8 : memref<80x64xf32, #tpu.memory_space<vmem>>) target(%dma_start3A_330 : memref<80x64xf32, #tpu.memory_space<vmem_shared>>) target_semaphore(%run_scoped3A_326 : memref<!tpu.dma_semaphore, #tpu.memory_space<semaphore_mem>>)
      %dma_wait3A_331 = arith.constant 0 : i32
      %dma_wait3A_332 = tpu.memref_slice %arg18[%add3A_24, %dma_wait3A_331] : memref<10240x64xf32, #tpu.memory_space<vmem_shared>> -> memref<80x64xf32, #tpu.memory_space<vmem_shared>>
      %dma_wait3A_333 = arith.constant 0 : i32
      %dma_wait3A_334 = tpu.memref_slice %arg18[%add3A_24, %dma_wait3A_333] : memref<10240x64xf32, #tpu.memory_space<vmem_shared>> -> memref<80x64xf32, #tpu.memory_space<vmem_shared>>
      tpu.wait_dma2 semaphore(%run_scoped3A_326 : memref<!tpu.dma_semaphore, #tpu.memory_space<semaphore_mem>>) src(%arg8 : memref<80x64xf32, #tpu.memory_space<vmem>>) dst(%dma_wait3A_334 : memref<80x64xf32, #tpu.memory_space<vmem_shared>>)
      tpu.yield
    }) : () -> ()
    %mul3A_25 = arith.constant 640 : i32
    %mul3A_26 = arith.muli %arg1, %mul3A_25 : i32
    %add3A_27 = arith.constant 480 : i32
    %add3A_28 = arith.addi %mul3A_26, %add3A_27 : i32
    "tpu.region"() ({
      %run_scoped3A_326 = tpu.sem_alloc : memref<!tpu.dma_semaphore, #tpu.memory_space<semaphore_mem>>
      %dma_start3A_327 = arith.constant 0 : i32
      %dma_start3A_328 = tpu.memref_slice %arg18[%add3A_28, %dma_start3A_327] : memref<10240x64xf32, #tpu.memory_space<vmem_shared>> -> memref<80x64xf32, #tpu.memory_space<vmem_shared>>
      %dma_start3A_329 = arith.constant 0 : i32
      %dma_start3A_330 = tpu.memref_slice %arg18[%add3A_28, %dma_start3A_329] : memref<10240x64xf32, #tpu.memory_space<vmem_shared>> -> memref<80x64xf32, #tpu.memory_space<vmem_shared>>
      tpu.enqueue_dma source(%arg8 : memref<80x64xf32, #tpu.memory_space<vmem>>) target(%dma_start3A_330 : memref<80x64xf32, #tpu.memory_space<vmem_shared>>) target_semaphore(%run_scoped3A_326 : memref<!tpu.dma_semaphore, #tpu.memory_space<semaphore_mem>>)
      %dma_wait3A_331 = arith.constant 0 : i32
      %dma_wait3A_332 = tpu.memref_slice %arg18[%add3A_28, %dma_wait3A_331] : memref<10240x64xf32, #tpu.memory_space<vmem_shared>> -> memref<80x64xf32, #tpu.memory_space<vmem_shared>>
      %dma_wait3A_333 = arith.constant 0 : i32
      %dma_wait3A_334 = tpu.memref_slice %arg18[%add3A_28, %dma_wait3A_333] : memref<10240x64xf32, #tpu.memory_space<vmem_shared>> -> memref<80x64xf32, #tpu.memory_space<vmem_shared>>
      tpu.wait_dma2 semaphore(%run_scoped3A_326 : memref<!tpu.dma_semaphore, #tpu.memory_space<semaphore_mem>>) src(%arg8 : memref<80x64xf32, #tpu.memory_space<vmem>>) dst(%dma_wait3A_334 : memref<80x64xf32, #tpu.memory_space<vmem_shared>>)
      tpu.yield
    }) : () -> ()
    %mul3A_29 = arith.constant 640 : i32
    %mul3A_30 = arith.muli %arg1, %mul3A_29 : i32
    %add3A_31 = arith.constant 560 : i32
    %add3A_32 = arith.addi %mul3A_30, %add3A_31 : i32
    "tpu.region"() ({
      %run_scoped3A_326 = tpu.sem_alloc : memref<!tpu.dma_semaphore, #tpu.memory_space<semaphore_mem>>
      %dma_start3A_327 = arith.constant 0 : i32
      %dma_start3A_328 = tpu.memref_slice %arg18[%add3A_32, %dma_start3A_327] : memref<10240x64xf32, #tpu.memory_space<vmem_shared>> -> memref<80x64xf32, #tpu.memory_space<vmem_shared>>
      %dma_start3A_329 = arith.constant 0 : i32
      %dma_start3A_330 = tpu.memref_slice %arg18[%add3A_32, %dma_start3A_329] : memref<10240x64xf32, #tpu.memory_space<vmem_shared>> -> memref<80x64xf32, #tpu.memory_space<vmem_shared>>
      tpu.enqueue_dma source(%arg8 : memref<80x64xf32, #tpu.memory_space<vmem>>) target(%dma_start3A_330 : memref<80x64xf32, #tpu.memory_space<vmem_shared>>) target_semaphore(%run_scoped3A_326 : memref<!tpu.dma_semaphore, #tpu.memory_space<semaphore_mem>>)
      %dma_wait3A_331 = arith.constant 0 : i32
      %dma_wait3A_332 = tpu.memref_slice %arg18[%add3A_32, %dma_wait3A_331] : memref<10240x64xf32, #tpu.memory_space<vmem_shared>> -> memref<80x64xf32, #tpu.memory_space<vmem_shared>>
      %dma_wait3A_333 = arith.constant 0 : i32
      %dma_wait3A_334 = tpu.memref_slice %arg18[%add3A_32, %dma_wait3A_333] : memref<10240x64xf32, #tpu.memory_space<vmem_shared>> -> memref<80x64xf32, #tpu.memory_space<vmem_shared>>
      tpu.wait_dma2 semaphore(%run_scoped3A_326 : memref<!tpu.dma_semaphore, #tpu.memory_space<semaphore_mem>>) src(%arg8 : memref<80x64xf32, #tpu.memory_space<vmem>>) dst(%dma_wait3A_334 : memref<80x64xf32, #tpu.memory_space<vmem_shared>>)
      tpu.yield
    }) : () -> ()
    %run_scoped3A = arith.constant 0 : i32
    "tpu.region"() ({
      %run_scoped3A_326 = tpu.sem_alloc : memref<!tpu.dma_semaphore, #tpu.memory_space<semaphore_mem>>
      %dma_start3A_327 = arith.constant 0 : i32
      %dma_start3A_328 = arith.constant 0 : i32
      %dma_start3A_329 = tpu.memref_slice %arg2[%run_scoped3A, %add3A, %dma_start3A_327, %dma_start3A_328] : memref<2x32x125x80xi32, #tpu.memory_space<hbm>> -> memref<1x1x125x80xi32, #tpu.memory_space<hbm>>
      %dma_start3A_330 = tpu.memref_squeeze %dma_start3A_329 : memref<1x1x125x80xi32, #tpu.memory_space<hbm>> -> memref<125x80xi32, #tpu.memory_space<hbm>>
      %dma_start3A_331 = arith.constant 0 : i32
      %dma_start3A_332 = arith.constant 0 : i32
      %dma_start3A_333 = tpu.memref_slice %arg2[%run_scoped3A, %add3A, %dma_start3A_331, %dma_start3A_332] : memref<2x32x125x80xi32, #tpu.memory_space<hbm>> -> memref<1x1x125x80xi32, #tpu.memory_space<hbm>>
      %dma_start3A_334 = tpu.memref_squeeze %dma_start3A_333 : memref<1x1x125x80xi32, #tpu.memory_space<hbm>> -> memref<125x80xi32, #tpu.memory_space<hbm>>
      tpu.enqueue_dma source(%dma_start3A_334 : memref<125x80xi32, #tpu.memory_space<hbm>>) target(%arg6 : memref<125x80xi32, #tpu.memory_space<vmem>>) target_semaphore(%run_scoped3A_326 : memref<!tpu.dma_semaphore, #tpu.memory_space<semaphore_mem>>)
      %dma_wait3A_335 = arith.constant 0 : i32
      %dma_wait3A_336 = arith.constant 0 : i32
      %dma_wait3A_337 = tpu.memref_slice %arg2[%run_scoped3A, %add3A, %dma_wait3A_335, %dma_wait3A_336] : memref<2x32x125x80xi32, #tpu.memory_space<hbm>> -> memref<1x1x125x80xi32, #tpu.memory_space<hbm>>
      %dma_wait3A_338 = tpu.memref_squeeze %dma_wait3A_337 : memref<1x1x125x80xi32, #tpu.memory_space<hbm>> -> memref<125x80xi32, #tpu.memory_space<hbm>>
      %dma_wait3A_339 = arith.constant 0 : i32
      %dma_wait3A_340 = arith.constant 0 : i32
      %dma_wait3A_341 = tpu.memref_slice %arg2[%run_scoped3A, %add3A, %dma_wait3A_339, %dma_wait3A_340] : memref<2x32x125x80xi32, #tpu.memory_space<hbm>> -> memref<1x1x125x80xi32, #tpu.memory_space<hbm>>
      %dma_wait3A_342 = tpu.memref_squeeze %dma_wait3A_341 : memref<1x1x125x80xi32, #tpu.memory_space<hbm>> -> memref<125x80xi32, #tpu.memory_space<hbm>>
      tpu.wait_dma2 semaphore(%run_scoped3A_326 : memref<!tpu.dma_semaphore, #tpu.memory_space<semaphore_mem>>) src(%dma_wait3A_342 : memref<125x80xi32, #tpu.memory_space<hbm>>) dst(%arg6 : memref<125x80xi32, #tpu.memory_space<vmem>>)
      tpu.yield
    }) : () -> ()
    %run_scoped3A_33 = arith.constant 1 : i32
    "tpu.region"() ({
      %run_scoped3A_326 = tpu.sem_alloc : memref<!tpu.dma_semaphore, #tpu.memory_space<semaphore_mem>>
      %dma_start3A_327 = arith.constant 0 : i32
      %dma_start3A_328 = arith.constant 0 : i32
      %dma_start3A_329 = tpu.memref_slice %arg2[%run_scoped3A_33, %add3A, %dma_start3A_327, %dma_start3A_328] : memref<2x32x125x80xi32, #tpu.memory_space<hbm>> -> memref<1x1x125x80xi32, #tpu.memory_space<hbm>>
      %dma_start3A_330 = tpu.memref_squeeze %dma_start3A_329 : memref<1x1x125x80xi32, #tpu.memory_space<hbm>> -> memref<125x80xi32, #tpu.memory_space<hbm>>
      %dma_start3A_331 = arith.constant 0 : i32
      %dma_start3A_332 = arith.constant 0 : i32
      %dma_start3A_333 = tpu.memref_slice %arg2[%run_scoped3A_33, %add3A, %dma_start3A_331, %dma_start3A_332] : memref<2x32x125x80xi32, #tpu.memory_space<hbm>> -> memref<1x1x125x80xi32, #tpu.memory_space<hbm>>
      %dma_start3A_334 = tpu.memref_squeeze %dma_start3A_333 : memref<1x1x125x80xi32, #tpu.memory_space<hbm>> -> memref<125x80xi32, #tpu.memory_space<hbm>>
      tpu.enqueue_dma source(%dma_start3A_334 : memref<125x80xi32, #tpu.memory_space<hbm>>) target(%arg7 : memref<125x80xi32, #tpu.memory_space<vmem>>) target_semaphore(%run_scoped3A_326 : memref<!tpu.dma_semaphore, #tpu.memory_space<semaphore_mem>>)
      %dma_wait3A_335 = arith.constant 0 : i32
      %dma_wait3A_336 = arith.constant 0 : i32
      %dma_wait3A_337 = tpu.memref_slice %arg2[%run_scoped3A_33, %add3A, %dma_wait3A_335, %dma_wait3A_336] : memref<2x32x125x80xi32, #tpu.memory_space<hbm>> -> memref<1x1x125x80xi32, #tpu.memory_space<hbm>>
      %dma_wait3A_338 = tpu.memref_squeeze %dma_wait3A_337 : memref<1x1x125x80xi32, #tpu.memory_space<hbm>> -> memref<125x80xi32, #tpu.memory_space<hbm>>
      %dma_wait3A_339 = arith.constant 0 : i32
      %dma_wait3A_340 = arith.constant 0 : i32
      %dma_wait3A_341 = tpu.memref_slice %arg2[%run_scoped3A_33, %add3A, %dma_wait3A_339, %dma_wait3A_340] : memref<2x32x125x80xi32, #tpu.memory_space<hbm>> -> memref<1x1x125x80xi32, #tpu.memory_space<hbm>>
      %dma_wait3A_342 = tpu.memref_squeeze %dma_wait3A_341 : memref<1x1x125x80xi32, #tpu.memory_space<hbm>> -> memref<125x80xi32, #tpu.memory_space<hbm>>
      tpu.wait_dma2 semaphore(%run_scoped3A_326 : memref<!tpu.dma_semaphore, #tpu.memory_space<semaphore_mem>>) src(%dma_wait3A_342 : memref<125x80xi32, #tpu.memory_space<hbm>>) dst(%arg7 : memref<125x80xi32, #tpu.memory_space<vmem>>)
      tpu.yield
    }) : () -> ()
    %barrier3A = arith.constant 0 : index
    tpu.barrier barrier_id(%barrier3A)
    %dma_start3A = arith.constant 0 : i32
    %dma_start3A_34 = arith.constant 0 : i32
    %dma_start3A_35 = tpu.memref_slice %arg6[%dma_start3A, %dma_start3A_34] : memref<125x80xi32, #tpu.memory_space<vmem>> -> memref<1x80xi32, #tpu.memory_space<vmem>>
    %dma_start3A_36 = tpu.memref_squeeze %dma_start3A_35 : memref<1x80xi32, #tpu.memory_space<vmem>> -> memref<80xi32, #tpu.memory_space<vmem>>
    %dma_start3A_37 = arith.constant 0 : i32
    %dma_start3A_38 = arith.constant 0 : i32
    %dma_start3A_39 = tpu.memref_slice %arg3[%dma_start3A_37, %dma_start3A_38] : memref<10000x64xf32, #tpu.memory_space<hbm>> -> memref<10000x64xf32, #tpu.memory_space<hbm>>
    tpu.enqueue_indirect_dma source(%dma_start3A_39 : memref<10000x64xf32, #tpu.memory_space<hbm>>) target(%arg8 : memref<80x64xf32, #tpu.memory_space<vmem>>) offsets(%dma_start3A_36 : memref<80xi32, #tpu.memory_space<vmem>>) semaphore(%arg19 : memref<!tpu.dma_semaphore, #tpu.memory_space<semaphore_mem>>)
    %dma_start3A_40 = arith.constant 1 : i32
    %dma_start3A_41 = arith.constant 0 : i32
    %dma_start3A_42 = tpu.memref_slice %arg6[%dma_start3A_40, %dma_start3A_41] : memref<125x80xi32, #tpu.memory_space<vmem>> -> memref<1x80xi32, #tpu.memory_space<vmem>>
    %dma_start3A_43 = tpu.memref_squeeze %dma_start3A_42 : memref<1x80xi32, #tpu.memory_space<vmem>> -> memref<80xi32, #tpu.memory_space<vmem>>
    %dma_start3A_44 = arith.constant 0 : i32
    %dma_start3A_45 = arith.constant 0 : i32
    %dma_start3A_46 = tpu.memref_slice %arg3[%dma_start3A_44, %dma_start3A_45] : memref<10000x64xf32, #tpu.memory_space<hbm>> -> memref<10000x64xf32, #tpu.memory_space<hbm>>
    tpu.enqueue_indirect_dma source(%dma_start3A_46 : memref<10000x64xf32, #tpu.memory_space<hbm>>) target(%arg9 : memref<80x64xf32, #tpu.memory_space<vmem>>) offsets(%dma_start3A_43 : memref<80xi32, #tpu.memory_space<vmem>>) semaphore(%arg20 : memref<!tpu.dma_semaphore, #tpu.memory_space<semaphore_mem>>)
    %dma_start3A_47 = arith.constant 2 : i32
    %dma_start3A_48 = arith.constant 0 : i32
    %dma_start3A_49 = tpu.memref_slice %arg6[%dma_start3A_47, %dma_start3A_48] : memref<125x80xi32, #tpu.memory_space<vmem>> -> memref<1x80xi32, #tpu.memory_space<vmem>>
    %dma_start3A_50 = tpu.memref_squeeze %dma_start3A_49 : memref<1x80xi32, #tpu.memory_space<vmem>> -> memref<80xi32, #tpu.memory_space<vmem>>
    %dma_start3A_51 = arith.constant 0 : i32
    %dma_start3A_52 = arith.constant 0 : i32
    %dma_start3A_53 = tpu.memref_slice %arg3[%dma_start3A_51, %dma_start3A_52] : memref<10000x64xf32, #tpu.memory_space<hbm>> -> memref<10000x64xf32, #tpu.memory_space<hbm>>
    tpu.enqueue_indirect_dma source(%dma_start3A_53 : memref<10000x64xf32, #tpu.memory_space<hbm>>) target(%arg10 : memref<80x64xf32, #tpu.memory_space<vmem>>) offsets(%dma_start3A_50 : memref<80xi32, #tpu.memory_space<vmem>>) semaphore(%arg21 : memref<!tpu.dma_semaphore, #tpu.memory_space<semaphore_mem>>)
    %dma_start3A_54 = arith.constant 3 : i32
    %dma_start3A_55 = arith.constant 0 : i32
    %dma_start3A_56 = tpu.memref_slice %arg6[%dma_start3A_54, %dma_start3A_55] : memref<125x80xi32, #tpu.memory_space<vmem>> -> memref<1x80xi32, #tpu.memory_space<vmem>>
    %dma_start3A_57 = tpu.memref_squeeze %dma_start3A_56 : memref<1x80xi32, #tpu.memory_space<vmem>> -> memref<80xi32, #tpu.memory_space<vmem>>
    %dma_start3A_58 = arith.constant 0 : i32
    %dma_start3A_59 = arith.constant 0 : i32
    %dma_start3A_60 = tpu.memref_slice %arg3[%dma_start3A_58, %dma_start3A_59] : memref<10000x64xf32, #tpu.memory_space<hbm>> -> memref<10000x64xf32, #tpu.memory_space<hbm>>
    tpu.enqueue_indirect_dma source(%dma_start3A_60 : memref<10000x64xf32, #tpu.memory_space<hbm>>) target(%arg11 : memref<80x64xf32, #tpu.memory_space<vmem>>) offsets(%dma_start3A_57 : memref<80xi32, #tpu.memory_space<vmem>>) semaphore(%arg22 : memref<!tpu.dma_semaphore, #tpu.memory_space<semaphore_mem>>)
    %dma_start3A_61 = arith.constant 4 : i32
    %dma_start3A_62 = arith.constant 0 : i32
    %dma_start3A_63 = tpu.memref_slice %arg6[%dma_start3A_61, %dma_start3A_62] : memref<125x80xi32, #tpu.memory_space<vmem>> -> memref<1x80xi32, #tpu.memory_space<vmem>>
    %dma_start3A_64 = tpu.memref_squeeze %dma_start3A_63 : memref<1x80xi32, #tpu.memory_space<vmem>> -> memref<80xi32, #tpu.memory_space<vmem>>
    %dma_start3A_65 = arith.constant 0 : i32
    %dma_start3A_66 = arith.constant 0 : i32
    %dma_start3A_67 = tpu.memref_slice %arg3[%dma_start3A_65, %dma_start3A_66] : memref<10000x64xf32, #tpu.memory_space<hbm>> -> memref<10000x64xf32, #tpu.memory_space<hbm>>
    tpu.enqueue_indirect_dma source(%dma_start3A_67 : memref<10000x64xf32, #tpu.memory_space<hbm>>) target(%arg12 : memref<80x64xf32, #tpu.memory_space<vmem>>) offsets(%dma_start3A_64 : memref<80xi32, #tpu.memory_space<vmem>>) semaphore(%arg23 : memref<!tpu.dma_semaphore, #tpu.memory_space<semaphore_mem>>)
    %dma_start3A_68 = arith.constant 5 : i32
    %dma_start3A_69 = arith.constant 0 : i32
    %dma_start3A_70 = tpu.memref_slice %arg6[%dma_start3A_68, %dma_start3A_69] : memref<125x80xi32, #tpu.memory_space<vmem>> -> memref<1x80xi32, #tpu.memory_space<vmem>>
    %dma_start3A_71 = tpu.memref_squeeze %dma_start3A_70 : memref<1x80xi32, #tpu.memory_space<vmem>> -> memref<80xi32, #tpu.memory_space<vmem>>
    %dma_start3A_72 = arith.constant 0 : i32
    %dma_start3A_73 = arith.constant 0 : i32
    %dma_start3A_74 = tpu.memref_slice %arg3[%dma_start3A_72, %dma_start3A_73] : memref<10000x64xf32, #tpu.memory_space<hbm>> -> memref<10000x64xf32, #tpu.memory_space<hbm>>
    tpu.enqueue_indirect_dma source(%dma_start3A_74 : memref<10000x64xf32, #tpu.memory_space<hbm>>) target(%arg13 : memref<80x64xf32, #tpu.memory_space<vmem>>) offsets(%dma_start3A_71 : memref<80xi32, #tpu.memory_space<vmem>>) semaphore(%arg24 : memref<!tpu.dma_semaphore, #tpu.memory_space<semaphore_mem>>)
    %dma_start3A_75 = arith.constant 6 : i32
    %dma_start3A_76 = arith.constant 0 : i32
    %dma_start3A_77 = tpu.memref_slice %arg6[%dma_start3A_75, %dma_start3A_76] : memref<125x80xi32, #tpu.memory_space<vmem>> -> memref<1x80xi32, #tpu.memory_space<vmem>>
    %dma_start3A_78 = tpu.memref_squeeze %dma_start3A_77 : memref<1x80xi32, #tpu.memory_space<vmem>> -> memref<80xi32, #tpu.memory_space<vmem>>
    %dma_start3A_79 = arith.constant 0 : i32
    %dma_start3A_80 = arith.constant 0 : i32
    %dma_start3A_81 = tpu.memref_slice %arg3[%dma_start3A_79, %dma_start3A_80] : memref<10000x64xf32, #tpu.memory_space<hbm>> -> memref<10000x64xf32, #tpu.memory_space<hbm>>
    tpu.enqueue_indirect_dma source(%dma_start3A_81 : memref<10000x64xf32, #tpu.memory_space<hbm>>) target(%arg14 : memref<80x64xf32, #tpu.memory_space<vmem>>) offsets(%dma_start3A_78 : memref<80xi32, #tpu.memory_space<vmem>>) semaphore(%arg25 : memref<!tpu.dma_semaphore, #tpu.memory_space<semaphore_mem>>)
    %dma_start3A_82 = arith.constant 7 : i32
    %dma_start3A_83 = arith.constant 0 : i32
    %dma_start3A_84 = tpu.memref_slice %arg6[%dma_start3A_82, %dma_start3A_83] : memref<125x80xi32, #tpu.memory_space<vmem>> -> memref<1x80xi32, #tpu.memory_space<vmem>>
    %dma_start3A_85 = tpu.memref_squeeze %dma_start3A_84 : memref<1x80xi32, #tpu.memory_space<vmem>> -> memref<80xi32, #tpu.memory_space<vmem>>
    %dma_start3A_86 = arith.constant 0 : i32
    %dma_start3A_87 = arith.constant 0 : i32
    %dma_start3A_88 = tpu.memref_slice %arg3[%dma_start3A_86, %dma_start3A_87] : memref<10000x64xf32, #tpu.memory_space<hbm>> -> memref<10000x64xf32, #tpu.memory_space<hbm>>
    tpu.enqueue_indirect_dma source(%dma_start3A_88 : memref<10000x64xf32, #tpu.memory_space<hbm>>) target(%arg15 : memref<80x64xf32, #tpu.memory_space<vmem>>) offsets(%dma_start3A_85 : memref<80xi32, #tpu.memory_space<vmem>>) semaphore(%arg26 : memref<!tpu.dma_semaphore, #tpu.memory_space<semaphore_mem>>)
    %dma_start3A_89 = arith.constant 8 : i32
    %dma_start3A_90 = arith.constant 0 : i32
    %dma_start3A_91 = tpu.memref_slice %arg6[%dma_start3A_89, %dma_start3A_90] : memref<125x80xi32, #tpu.memory_space<vmem>> -> memref<1x80xi32, #tpu.memory_space<vmem>>
    %dma_start3A_92 = tpu.memref_squeeze %dma_start3A_91 : memref<1x80xi32, #tpu.memory_space<vmem>> -> memref<80xi32, #tpu.memory_space<vmem>>
    %dma_start3A_93 = arith.constant 0 : i32
    %dma_start3A_94 = arith.constant 0 : i32
    %dma_start3A_95 = tpu.memref_slice %arg3[%dma_start3A_93, %dma_start3A_94] : memref<10000x64xf32, #tpu.memory_space<hbm>> -> memref<10000x64xf32, #tpu.memory_space<hbm>>
    tpu.enqueue_indirect_dma source(%dma_start3A_95 : memref<10000x64xf32, #tpu.memory_space<hbm>>) target(%arg16 : memref<80x64xf32, #tpu.memory_space<vmem>>) offsets(%dma_start3A_92 : memref<80xi32, #tpu.memory_space<vmem>>) semaphore(%arg27 : memref<!tpu.dma_semaphore, #tpu.memory_space<semaphore_mem>>)
    %dma_start3A_96 = arith.constant 9 : i32
    %dma_start3A_97 = arith.constant 0 : i32
    %dma_start3A_98 = tpu.memref_slice %arg6[%dma_start3A_96, %dma_start3A_97] : memref<125x80xi32, #tpu.memory_space<vmem>> -> memref<1x80xi32, #tpu.memory_space<vmem>>
    %dma_start3A_99 = tpu.memref_squeeze %dma_start3A_98 : memref<1x80xi32, #tpu.memory_space<vmem>> -> memref<80xi32, #tpu.memory_space<vmem>>
    %dma_start3A_100 = arith.constant 0 : i32
    %dma_start3A_101 = arith.constant 0 : i32
    %dma_start3A_102 = tpu.memref_slice %arg3[%dma_start3A_100, %dma_start3A_101] : memref<10000x64xf32, #tpu.memory_space<hbm>> -> memref<10000x64xf32, #tpu.memory_space<hbm>>
    tpu.enqueue_indirect_dma source(%dma_start3A_102 : memref<10000x64xf32, #tpu.memory_space<hbm>>) target(%arg17 : memref<80x64xf32, #tpu.memory_space<vmem>>) offsets(%dma_start3A_99 : memref<80xi32, #tpu.memory_space<vmem>>) semaphore(%arg28 : memref<!tpu.dma_semaphore, #tpu.memory_space<semaphore_mem>>)
    %scan3A = arith.constant 0 : i32
    %scan3A_103 = arith.constant 11 : i32
    %scan3A_104 = arith.addi %scan3A, %scan3A_103 : i32
    %scan3A_105 = arith.constant 1 : i32
    scf.for %scan3A_326 = %scan3A to %scan3A_104 step %scan3A_105  : i32 {
      %mul3A_327 = arith.constant 10 : i32
      %mul3A_328 = arith.muli %scan3A_326, %mul3A_327 : i32
      %add3A_329 = arith.constant 0 : i32
      %add3A_330 = arith.addi %mul3A_328, %add3A_329 : i32
      %dma_wait3A_331 = arith.constant 0 : i32
      %dma_wait3A_332 = arith.constant 0 : i32
      %dma_wait3A_333 = tpu.memref_slice %arg6[%dma_wait3A_331, %dma_wait3A_332] : memref<125x80xi32, #tpu.memory_space<vmem>> -> memref<1x80xi32, #tpu.memory_space<vmem>>
      %dma_wait3A_334 = tpu.memref_squeeze %dma_wait3A_333 : memref<1x80xi32, #tpu.memory_space<vmem>> -> memref<80xi32, #tpu.memory_space<vmem>>
      %dma_wait3A_335 = arith.constant 0 : i32
      %dma_wait3A_336 = arith.constant 0 : i32
      %dma_wait3A_337 = tpu.memref_slice %arg3[%dma_wait3A_335, %dma_wait3A_336] : memref<10000x64xf32, #tpu.memory_space<hbm>> -> memref<10000x64xf32, #tpu.memory_space<hbm>>
      tpu.wait_indirect_dma semaphore(%arg19 : memref<!tpu.dma_semaphore, #tpu.memory_space<semaphore_mem>>) src(%dma_wait3A_337 : memref<10000x64xf32, #tpu.memory_space<hbm>>) dst(%arg8 : memref<80x64xf32, #tpu.memory_space<vmem>>)
      "tpu.region"() ({
        %run_scoped3A_517 = tpu.sem_alloc : memref<!tpu.dma_semaphore, #tpu.memory_space<semaphore_mem>>
        %dma_start3A_518 = arith.constant 0 : i32
        %dma_start3A_519 = tpu.memref_slice %arg7[%add3A_330, %dma_start3A_518] : memref<125x80xi32, #tpu.memory_space<vmem>> -> memref<1x80xi32, #tpu.memory_space<vmem>>
        %dma_start3A_520 = tpu.memref_squeeze %dma_start3A_519 : memref<1x80xi32, #tpu.memory_space<vmem>> -> memref<80xi32, #tpu.memory_space<vmem>>
        %dma_start3A_521 = arith.constant 0 : i32
        %dma_start3A_522 = arith.constant 0 : i32
        %dma_start3A_523 = tpu.memref_slice %arg18[%dma_start3A_521, %dma_start3A_522] : memref<10240x64xf32, #tpu.memory_space<vmem_shared>> -> memref<10240x64xf32, #tpu.memory_space<vmem_shared>>
        tpu.enqueue_indirect_dma source(%arg8 : memref<80x64xf32, #tpu.memory_space<vmem>>) target(%dma_start3A_523 : memref<10240x64xf32, #tpu.memory_space<vmem_shared>>) offsets(%dma_start3A_520 : memref<80xi32, #tpu.memory_space<vmem>>) semaphore(%run_scoped3A_517 : memref<!tpu.dma_semaphore, #tpu.memory_space<semaphore_mem>>) {add = true}
        %dma_wait3A_524 = arith.constant 0 : i32
        %dma_wait3A_525 = tpu.memref_slice %arg7[%add3A_330, %dma_wait3A_524] : memref<125x80xi32, #tpu.memory_space<vmem>> -> memref<1x80xi32, #tpu.memory_space<vmem>>
        %dma_wait3A_526 = tpu.memref_squeeze %dma_wait3A_525 : memref<1x80xi32, #tpu.memory_space<vmem>> -> memref<80xi32, #tpu.memory_space<vmem>>
        %dma_wait3A_527 = arith.constant 0 : i32
        %dma_wait3A_528 = arith.constant 0 : i32
        %dma_wait3A_529 = tpu.memref_slice %arg18[%dma_wait3A_527, %dma_wait3A_528] : memref<10240x64xf32, #tpu.memory_space<vmem_shared>> -> memref<10240x64xf32, #tpu.memory_space<vmem_shared>>
        tpu.wait_indirect_dma semaphore(%run_scoped3A_517 : memref<!tpu.dma_semaphore, #tpu.memory_space<semaphore_mem>>) src(%arg8 : memref<80x64xf32, #tpu.memory_space<vmem>>) dst(%dma_wait3A_529 : memref<10240x64xf32, #tpu.memory_space<vmem_shared>>)
        tpu.yield
      }) : () -> ()
      %add3A_338 = arith.constant 10 : i32
      %add3A_339 = arith.addi %add3A_330, %add3A_338 : i32
      %dma_start3A_340 = arith.constant 0 : i32
      %dma_start3A_341 = tpu.memref_slice %arg6[%add3A_339, %dma_start3A_340] : memref<125x80xi32, #tpu.memory_space<vmem>> -> memref<1x80xi32, #tpu.memory_space<vmem>>
      %dma_start3A_342 = tpu.memref_squeeze %dma_start3A_341 : memref<1x80xi32, #tpu.memory_space<vmem>> -> memref<80xi32, #tpu.memory_space<vmem>>
      %dma_start3A_343 = arith.constant 0 : i32
      %dma_start3A_344 = arith.constant 0 : i32
      %dma_start3A_345 = tpu.memref_slice %arg3[%dma_start3A_343, %dma_start3A_344] : memref<10000x64xf32, #tpu.memory_space<hbm>> -> memref<10000x64xf32, #tpu.memory_space<hbm>>
      tpu.enqueue_indirect_dma source(%dma_start3A_345 : memref<10000x64xf32, #tpu.memory_space<hbm>>) target(%arg8 : memref<80x64xf32, #tpu.memory_space<vmem>>) offsets(%dma_start3A_342 : memref<80xi32, #tpu.memory_space<vmem>>) semaphore(%arg19 : memref<!tpu.dma_semaphore, #tpu.memory_space<semaphore_mem>>)
      %mul3A_346 = arith.constant 10 : i32
      %mul3A_347 = arith.muli %scan3A_326, %mul3A_346 : i32
      %add3A_348 = arith.constant 1 : i32
      %add3A_349 = arith.addi %mul3A_347, %add3A_348 : i32
      %dma_wait3A_350 = arith.constant 0 : i32
      %dma_wait3A_351 = arith.constant 0 : i32
      %dma_wait3A_352 = tpu.memref_slice %arg6[%dma_wait3A_350, %dma_wait3A_351] : memref<125x80xi32, #tpu.memory_space<vmem>> -> memref<1x80xi32, #tpu.memory_space<vmem>>
      %dma_wait3A_353 = tpu.memref_squeeze %dma_wait3A_352 : memref<1x80xi32, #tpu.memory_space<vmem>> -> memref<80xi32, #tpu.memory_space<vmem>>
      %dma_wait3A_354 = arith.constant 0 : i32
      %dma_wait3A_355 = arith.constant 0 : i32
      %dma_wait3A_356 = tpu.memref_slice %arg3[%dma_wait3A_354, %dma_wait3A_355] : memref<10000x64xf32, #tpu.memory_space<hbm>> -> memref<10000x64xf32, #tpu.memory_space<hbm>>
      tpu.wait_indirect_dma semaphore(%arg20 : memref<!tpu.dma_semaphore, #tpu.memory_space<semaphore_mem>>) src(%dma_wait3A_356 : memref<10000x64xf32, #tpu.memory_space<hbm>>) dst(%arg9 : memref<80x64xf32, #tpu.memory_space<vmem>>)
      "tpu.region"() ({
        %run_scoped3A_517 = tpu.sem_alloc : memref<!tpu.dma_semaphore, #tpu.memory_space<semaphore_mem>>
        %dma_start3A_518 = arith.constant 0 : i32
        %dma_start3A_519 = tpu.memref_slice %arg7[%add3A_349, %dma_start3A_518] : memref<125x80xi32, #tpu.memory_space<vmem>> -> memref<1x80xi32, #tpu.memory_space<vmem>>
        %dma_start3A_520 = tpu.memref_squeeze %dma_start3A_519 : memref<1x80xi32, #tpu.memory_space<vmem>> -> memref<80xi32, #tpu.memory_space<vmem>>
        %dma_start3A_521 = arith.constant 0 : i32
        %dma_start3A_522 = arith.constant 0 : i32
        %dma_start3A_523 = tpu.memref_slice %arg18[%dma_start3A_521, %dma_start3A_522] : memref<10240x64xf32, #tpu.memory_space<vmem_shared>> -> memref<10240x64xf32, #tpu.memory_space<vmem_shared>>
        tpu.enqueue_indirect_dma source(%arg9 : memref<80x64xf32, #tpu.memory_space<vmem>>) target(%dma_start3A_523 : memref<10240x64xf32, #tpu.memory_space<vmem_shared>>) offsets(%dma_start3A_520 : memref<80xi32, #tpu.memory_space<vmem>>) semaphore(%run_scoped3A_517 : memref<!tpu.dma_semaphore, #tpu.memory_space<semaphore_mem>>) {add = true}
        %dma_wait3A_524 = arith.constant 0 : i32
        %dma_wait3A_525 = tpu.memref_slice %arg7[%add3A_349, %dma_wait3A_524] : memref<125x80xi32, #tpu.memory_space<vmem>> -> memref<1x80xi32, #tpu.memory_space<vmem>>
        %dma_wait3A_526 = tpu.memref_squeeze %dma_wait3A_525 : memref<1x80xi32, #tpu.memory_space<vmem>> -> memref<80xi32, #tpu.memory_space<vmem>>
        %dma_wait3A_527 = arith.constant 0 : i32
        %dma_wait3A_528 = arith.constant 0 : i32
        %dma_wait3A_529 = tpu.memref_slice %arg18[%dma_wait3A_527, %dma_wait3A_528] : memref<10240x64xf32, #tpu.memory_space<vmem_shared>> -> memref<10240x64xf32, #tpu.memory_space<vmem_shared>>
        tpu.wait_indirect_dma semaphore(%run_scoped3A_517 : memref<!tpu.dma_semaphore, #tpu.memory_space<semaphore_mem>>) src(%arg9 : memref<80x64xf32, #tpu.memory_space<vmem>>) dst(%dma_wait3A_529 : memref<10240x64xf32, #tpu.memory_space<vmem_shared>>)
        tpu.yield
      }) : () -> ()
      %add3A_357 = arith.constant 10 : i32
      %add3A_358 = arith.addi %add3A_349, %add3A_357 : i32
      %dma_start3A_359 = arith.constant 0 : i32
      %dma_start3A_360 = tpu.memref_slice %arg6[%add3A_358, %dma_start3A_359] : memref<125x80xi32, #tpu.memory_space<vmem>> -> memref<1x80xi32, #tpu.memory_space<vmem>>
      %dma_start3A_361 = tpu.memref_squeeze %dma_start3A_360 : memref<1x80xi32, #tpu.memory_space<vmem>> -> memref<80xi32, #tpu.memory_space<vmem>>
      %dma_start3A_362 = arith.constant 0 : i32
      %dma_start3A_363 = arith.constant 0 : i32
      %dma_start3A_364 = tpu.memref_slice %arg3[%dma_start3A_362, %dma_start3A_363] : memref<10000x64xf32, #tpu.memory_space<hbm>> -> memref<10000x64xf32, #tpu.memory_space<hbm>>
      tpu.enqueue_indirect_dma source(%dma_start3A_364 : memref<10000x64xf32, #tpu.memory_space<hbm>>) target(%arg9 : memref<80x64xf32, #tpu.memory_space<vmem>>) offsets(%dma_start3A_361 : memref<80xi32, #tpu.memory_space<vmem>>) semaphore(%arg20 : memref<!tpu.dma_semaphore, #tpu.memory_space<semaphore_mem>>)
      %mul3A_365 = arith.constant 10 : i32
      %mul3A_366 = arith.muli %scan3A_326, %mul3A_365 : i32
      %add3A_367 = arith.constant 2 : i32
      %add3A_368 = arith.addi %mul3A_366, %add3A_367 : i32
      %dma_wait3A_369 = arith.constant 0 : i32
      %dma_wait3A_370 = arith.constant 0 : i32
      %dma_wait3A_371 = tpu.memref_slice %arg6[%dma_wait3A_369, %dma_wait3A_370] : memref<125x80xi32, #tpu.memory_space<vmem>> -> memref<1x80xi32, #tpu.memory_space<vmem>>
      %dma_wait3A_372 = tpu.memref_squeeze %dma_wait3A_371 : memref<1x80xi32, #tpu.memory_space<vmem>> -> memref<80xi32, #tpu.memory_space<vmem>>
      %dma_wait3A_373 = arith.constant 0 : i32
      %dma_wait3A_374 = arith.constant 0 : i32
      %dma_wait3A_375 = tpu.memref_slice %arg3[%dma_wait3A_373, %dma_wait3A_374] : memref<10000x64xf32, #tpu.memory_space<hbm>> -> memref<10000x64xf32, #tpu.memory_space<hbm>>
      tpu.wait_indirect_dma semaphore(%arg21 : memref<!tpu.dma_semaphore, #tpu.memory_space<semaphore_mem>>) src(%dma_wait3A_375 : memref<10000x64xf32, #tpu.memory_space<hbm>>) dst(%arg10 : memref<80x64xf32, #tpu.memory_space<vmem>>)
      "tpu.region"() ({
        %run_scoped3A_517 = tpu.sem_alloc : memref<!tpu.dma_semaphore, #tpu.memory_space<semaphore_mem>>
        %dma_start3A_518 = arith.constant 0 : i32
        %dma_start3A_519 = tpu.memref_slice %arg7[%add3A_368, %dma_start3A_518] : memref<125x80xi32, #tpu.memory_space<vmem>> -> memref<1x80xi32, #tpu.memory_space<vmem>>
        %dma_start3A_520 = tpu.memref_squeeze %dma_start3A_519 : memref<1x80xi32, #tpu.memory_space<vmem>> -> memref<80xi32, #tpu.memory_space<vmem>>
        %dma_start3A_521 = arith.constant 0 : i32
        %dma_start3A_522 = arith.constant 0 : i32
        %dma_start3A_523 = tpu.memref_slice %arg18[%dma_start3A_521, %dma_start3A_522] : memref<10240x64xf32, #tpu.memory_space<vmem_shared>> -> memref<10240x64xf32, #tpu.memory_space<vmem_shared>>
        tpu.enqueue_indirect_dma source(%arg10 : memref<80x64xf32, #tpu.memory_space<vmem>>) target(%dma_start3A_523 : memref<10240x64xf32, #tpu.memory_space<vmem_shared>>) offsets(%dma_start3A_520 : memref<80xi32, #tpu.memory_space<vmem>>) semaphore(%run_scoped3A_517 : memref<!tpu.dma_semaphore, #tpu.memory_space<semaphore_mem>>) {add = true}
        %dma_wait3A_524 = arith.constant 0 : i32
        %dma_wait3A_525 = tpu.memref_slice %arg7[%add3A_368, %dma_wait3A_524] : memref<125x80xi32, #tpu.memory_space<vmem>> -> memref<1x80xi32, #tpu.memory_space<vmem>>
        %dma_wait3A_526 = tpu.memref_squeeze %dma_wait3A_525 : memref<1x80xi32, #tpu.memory_space<vmem>> -> memref<80xi32, #tpu.memory_space<vmem>>
        %dma_wait3A_527 = arith.constant 0 : i32
        %dma_wait3A_528 = arith.constant 0 : i32
        %dma_wait3A_529 = tpu.memref_slice %arg18[%dma_wait3A_527, %dma_wait3A_528] : memref<10240x64xf32, #tpu.memory_space<vmem_shared>> -> memref<10240x64xf32, #tpu.memory_space<vmem_shared>>
        tpu.wait_indirect_dma semaphore(%run_scoped3A_517 : memref<!tpu.dma_semaphore, #tpu.memory_space<semaphore_mem>>) src(%arg10 : memref<80x64xf32, #tpu.memory_space<vmem>>) dst(%dma_wait3A_529 : memref<10240x64xf32, #tpu.memory_space<vmem_shared>>)
        tpu.yield
      }) : () -> ()
      %add3A_376 = arith.constant 10 : i32
      %add3A_377 = arith.addi %add3A_368, %add3A_376 : i32
      %dma_start3A_378 = arith.constant 0 : i32
      %dma_start3A_379 = tpu.memref_slice %arg6[%add3A_377, %dma_start3A_378] : memref<125x80xi32, #tpu.memory_space<vmem>> -> memref<1x80xi32, #tpu.memory_space<vmem>>
      %dma_start3A_380 = tpu.memref_squeeze %dma_start3A_379 : memref<1x80xi32, #tpu.memory_space<vmem>> -> memref<80xi32, #tpu.memory_space<vmem>>
      %dma_start3A_381 = arith.constant 0 : i32
      %dma_start3A_382 = arith.constant 0 : i32
      %dma_start3A_383 = tpu.memref_slice %arg3[%dma_start3A_381, %dma_start3A_382] : memref<10000x64xf32, #tpu.memory_space<hbm>> -> memref<10000x64xf32, #tpu.memory_space<hbm>>
      tpu.enqueue_indirect_dma source(%dma_start3A_383 : memref<10000x64xf32, #tpu.memory_space<hbm>>) target(%arg10 : memref<80x64xf32, #tpu.memory_space<vmem>>) offsets(%dma_start3A_380 : memref<80xi32, #tpu.memory_space<vmem>>) semaphore(%arg21 : memref<!tpu.dma_semaphore, #tpu.memory_space<semaphore_mem>>)
      %mul3A_384 = arith.constant 10 : i32
      %mul3A_385 = arith.muli %scan3A_326, %mul3A_384 : i32
      %add3A_386 = arith.constant 3 : i32
      %add3A_387 = arith.addi %mul3A_385, %add3A_386 : i32
      %dma_wait3A_388 = arith.constant 0 : i32
      %dma_wait3A_389 = arith.constant 0 : i32
      %dma_wait3A_390 = tpu.memref_slice %arg6[%dma_wait3A_388, %dma_wait3A_389] : memref<125x80xi32, #tpu.memory_space<vmem>> -> memref<1x80xi32, #tpu.memory_space<vmem>>
      %dma_wait3A_391 = tpu.memref_squeeze %dma_wait3A_390 : memref<1x80xi32, #tpu.memory_space<vmem>> -> memref<80xi32, #tpu.memory_space<vmem>>
      %dma_wait3A_392 = arith.constant 0 : i32
      %dma_wait3A_393 = arith.constant 0 : i32
      %dma_wait3A_394 = tpu.memref_slice %arg3[%dma_wait3A_392, %dma_wait3A_393] : memref<10000x64xf32, #tpu.memory_space<hbm>> -> memref<10000x64xf32, #tpu.memory_space<hbm>>
      tpu.wait_indirect_dma semaphore(%arg22 : memref<!tpu.dma_semaphore, #tpu.memory_space<semaphore_mem>>) src(%dma_wait3A_394 : memref<10000x64xf32, #tpu.memory_space<hbm>>) dst(%arg11 : memref<80x64xf32, #tpu.memory_space<vmem>>)
      "tpu.region"() ({
        %run_scoped3A_517 = tpu.sem_alloc : memref<!tpu.dma_semaphore, #tpu.memory_space<semaphore_mem>>
        %dma_start3A_518 = arith.constant 0 : i32
        %dma_start3A_519 = tpu.memref_slice %arg7[%add3A_387, %dma_start3A_518] : memref<125x80xi32, #tpu.memory_space<vmem>> -> memref<1x80xi32, #tpu.memory_space<vmem>>
        %dma_start3A_520 = tpu.memref_squeeze %dma_start3A_519 : memref<1x80xi32, #tpu.memory_space<vmem>> -> memref<80xi32, #tpu.memory_space<vmem>>
        %dma_start3A_521 = arith.constant 0 : i32
        %dma_start3A_522 = arith.constant 0 : i32
        %dma_start3A_523 = tpu.memref_slice %arg18[%dma_start3A_521, %dma_start3A_522] : memref<10240x64xf32, #tpu.memory_space<vmem_shared>> -> memref<10240x64xf32, #tpu.memory_space<vmem_shared>>
        tpu.enqueue_indirect_dma source(%arg11 : memref<80x64xf32, #tpu.memory_space<vmem>>) target(%dma_start3A_523 : memref<10240x64xf32, #tpu.memory_space<vmem_shared>>) offsets(%dma_start3A_520 : memref<80xi32, #tpu.memory_space<vmem>>) semaphore(%run_scoped3A_517 : memref<!tpu.dma_semaphore, #tpu.memory_space<semaphore_mem>>) {add = true}
        %dma_wait3A_524 = arith.constant 0 : i32
        %dma_wait3A_525 = tpu.memref_slice %arg7[%add3A_387, %dma_wait3A_524] : memref<125x80xi32, #tpu.memory_space<vmem>> -> memref<1x80xi32, #tpu.memory_space<vmem>>
        %dma_wait3A_526 = tpu.memref_squeeze %dma_wait3A_525 : memref<1x80xi32, #tpu.memory_space<vmem>> -> memref<80xi32, #tpu.memory_space<vmem>>
        %dma_wait3A_527 = arith.constant 0 : i32
        %dma_wait3A_528 = arith.constant 0 : i32
        %dma_wait3A_529 = tpu.memref_slice %arg18[%dma_wait3A_527, %dma_wait3A_528] : memref<10240x64xf32, #tpu.memory_space<vmem_shared>> -> memref<10240x64xf32, #tpu.memory_space<vmem_shared>>
        tpu.wait_indirect_dma semaphore(%run_scoped3A_517 : memref<!tpu.dma_semaphore, #tpu.memory_space<semaphore_mem>>) src(%arg11 : memref<80x64xf32, #tpu.memory_space<vmem>>) dst(%dma_wait3A_529 : memref<10240x64xf32, #tpu.memory_space<vmem_shared>>)
        tpu.yield
      }) : () -> ()
      %add3A_395 = arith.constant 10 : i32
      %add3A_396 = arith.addi %add3A_387, %add3A_395 : i32
      %dma_start3A_397 = arith.constant 0 : i32
      %dma_start3A_398 = tpu.memref_slice %arg6[%add3A_396, %dma_start3A_397] : memref<125x80xi32, #tpu.memory_space<vmem>> -> memref<1x80xi32, #tpu.memory_space<vmem>>
      %dma_start3A_399 = tpu.memref_squeeze %dma_start3A_398 : memref<1x80xi32, #tpu.memory_space<vmem>> -> memref<80xi32, #tpu.memory_space<vmem>>
      %dma_start3A_400 = arith.constant 0 : i32
      %dma_start3A_401 = arith.constant 0 : i32
      %dma_start3A_402 = tpu.memref_slice %arg3[%dma_start3A_400, %dma_start3A_401] : memref<10000x64xf32, #tpu.memory_space<hbm>> -> memref<10000x64xf32, #tpu.memory_space<hbm>>
      tpu.enqueue_indirect_dma source(%dma_start3A_402 : memref<10000x64xf32, #tpu.memory_space<hbm>>) target(%arg11 : memref<80x64xf32, #tpu.memory_space<vmem>>) offsets(%dma_start3A_399 : memref<80xi32, #tpu.memory_space<vmem>>) semaphore(%arg22 : memref<!tpu.dma_semaphore, #tpu.memory_space<semaphore_mem>>)
      %mul3A_403 = arith.constant 10 : i32
      %mul3A_404 = arith.muli %scan3A_326, %mul3A_403 : i32
      %add3A_405 = arith.constant 4 : i32
      %add3A_406 = arith.addi %mul3A_404, %add3A_405 : i32
      %dma_wait3A_407 = arith.constant 0 : i32
      %dma_wait3A_408 = arith.constant 0 : i32
      %dma_wait3A_409 = tpu.memref_slice %arg6[%dma_wait3A_407, %dma_wait3A_408] : memref<125x80xi32, #tpu.memory_space<vmem>> -> memref<1x80xi32, #tpu.memory_space<vmem>>
      %dma_wait3A_410 = tpu.memref_squeeze %dma_wait3A_409 : memref<1x80xi32, #tpu.memory_space<vmem>> -> memref<80xi32, #tpu.memory_space<vmem>>
      %dma_wait3A_411 = arith.constant 0 : i32
      %dma_wait3A_412 = arith.constant 0 : i32
      %dma_wait3A_413 = tpu.memref_slice %arg3[%dma_wait3A_411, %dma_wait3A_412] : memref<10000x64xf32, #tpu.memory_space<hbm>> -> memref<10000x64xf32, #tpu.memory_space<hbm>>
      tpu.wait_indirect_dma semaphore(%arg23 : memref<!tpu.dma_semaphore, #tpu.memory_space<semaphore_mem>>) src(%dma_wait3A_413 : memref<10000x64xf32, #tpu.memory_space<hbm>>) dst(%arg12 : memref<80x64xf32, #tpu.memory_space<vmem>>)
      "tpu.region"() ({
        %run_scoped3A_517 = tpu.sem_alloc : memref<!tpu.dma_semaphore, #tpu.memory_space<semaphore_mem>>
        %dma_start3A_518 = arith.constant 0 : i32
        %dma_start3A_519 = tpu.memref_slice %arg7[%add3A_406, %dma_start3A_518] : memref<125x80xi32, #tpu.memory_space<vmem>> -> memref<1x80xi32, #tpu.memory_space<vmem>>
        %dma_start3A_520 = tpu.memref_squeeze %dma_start3A_519 : memref<1x80xi32, #tpu.memory_space<vmem>> -> memref<80xi32, #tpu.memory_space<vmem>>
        %dma_start3A_521 = arith.constant 0 : i32
        %dma_start3A_522 = arith.constant 0 : i32
        %dma_start3A_523 = tpu.memref_slice %arg18[%dma_start3A_521, %dma_start3A_522] : memref<10240x64xf32, #tpu.memory_space<vmem_shared>> -> memref<10240x64xf32, #tpu.memory_space<vmem_shared>>
        tpu.enqueue_indirect_dma source(%arg12 : memref<80x64xf32, #tpu.memory_space<vmem>>) target(%dma_start3A_523 : memref<10240x64xf32, #tpu.memory_space<vmem_shared>>) offsets(%dma_start3A_520 : memref<80xi32, #tpu.memory_space<vmem>>) semaphore(%run_scoped3A_517 : memref<!tpu.dma_semaphore, #tpu.memory_space<semaphore_mem>>) {add = true}
        %dma_wait3A_524 = arith.constant 0 : i32
        %dma_wait3A_525 = tpu.memref_slice %arg7[%add3A_406, %dma_wait3A_524] : memref<125x80xi32, #tpu.memory_space<vmem>> -> memref<1x80xi32, #tpu.memory_space<vmem>>
        %dma_wait3A_526 = tpu.memref_squeeze %dma_wait3A_525 : memref<1x80xi32, #tpu.memory_space<vmem>> -> memref<80xi32, #tpu.memory_space<vmem>>
        %dma_wait3A_527 = arith.constant 0 : i32
        %dma_wait3A_528 = arith.constant 0 : i32
        %dma_wait3A_529 = tpu.memref_slice %arg18[%dma_wait3A_527, %dma_wait3A_528] : memref<10240x64xf32, #tpu.memory_space<vmem_shared>> -> memref<10240x64xf32, #tpu.memory_space<vmem_shared>>
        tpu.wait_indirect_dma semaphore(%run_scoped3A_517 : memref<!tpu.dma_semaphore, #tpu.memory_space<semaphore_mem>>) src(%arg12 : memref<80x64xf32, #tpu.memory_space<vmem>>) dst(%dma_wait3A_529 : memref<10240x64xf32, #tpu.memory_space<vmem_shared>>)
        tpu.yield
      }) : () -> ()
      %add3A_414 = arith.constant 10 : i32
      %add3A_415 = arith.addi %add3A_406, %add3A_414 : i32
      %dma_start3A_416 = arith.constant 0 : i32
      %dma_start3A_417 = tpu.memref_slice %arg6[%add3A_415, %dma_start3A_416] : memref<125x80xi32, #tpu.memory_space<vmem>> -> memref<1x80xi32, #tpu.memory_space<vmem>>
      %dma_start3A_418 = tpu.memref_squeeze %dma_start3A_417 : memref<1x80xi32, #tpu.memory_space<vmem>> -> memref<80xi32, #tpu.memory_space<vmem>>
      %dma_start3A_419 = arith.constant 0 : i32
      %dma_start3A_420 = arith.constant 0 : i32
      %dma_start3A_421 = tpu.memref_slice %arg3[%dma_start3A_419, %dma_start3A_420] : memref<10000x64xf32, #tpu.memory_space<hbm>> -> memref<10000x64xf32, #tpu.memory_space<hbm>>
      tpu.enqueue_indirect_dma source(%dma_start3A_421 : memref<10000x64xf32, #tpu.memory_space<hbm>>) target(%arg12 : memref<80x64xf32, #tpu.memory_space<vmem>>) offsets(%dma_start3A_418 : memref<80xi32, #tpu.memory_space<vmem>>) semaphore(%arg23 : memref<!tpu.dma_semaphore, #tpu.memory_space<semaphore_mem>>)
      %mul3A_422 = arith.constant 10 : i32
      %mul3A_423 = arith.muli %scan3A_326, %mul3A_422 : i32
      %add3A_424 = arith.constant 5 : i32
      %add3A_425 = arith.addi %mul3A_423, %add3A_424 : i32
      %dma_wait3A_426 = arith.constant 0 : i32
      %dma_wait3A_427 = arith.constant 0 : i32
      %dma_wait3A_428 = tpu.memref_slice %arg6[%dma_wait3A_426, %dma_wait3A_427] : memref<125x80xi32, #tpu.memory_space<vmem>> -> memref<1x80xi32, #tpu.memory_space<vmem>>
      %dma_wait3A_429 = tpu.memref_squeeze %dma_wait3A_428 : memref<1x80xi32, #tpu.memory_space<vmem>> -> memref<80xi32, #tpu.memory_space<vmem>>
      %dma_wait3A_430 = arith.constant 0 : i32
      %dma_wait3A_431 = arith.constant 0 : i32
      %dma_wait3A_432 = tpu.memref_slice %arg3[%dma_wait3A_430, %dma_wait3A_431] : memref<10000x64xf32, #tpu.memory_space<hbm>> -> memref<10000x64xf32, #tpu.memory_space<hbm>>
      tpu.wait_indirect_dma semaphore(%arg24 : memref<!tpu.dma_semaphore, #tpu.memory_space<semaphore_mem>>) src(%dma_wait3A_432 : memref<10000x64xf32, #tpu.memory_space<hbm>>) dst(%arg13 : memref<80x64xf32, #tpu.memory_space<vmem>>)
      "tpu.region"() ({
        %run_scoped3A_517 = tpu.sem_alloc : memref<!tpu.dma_semaphore, #tpu.memory_space<semaphore_mem>>
        %dma_start3A_518 = arith.constant 0 : i32
        %dma_start3A_519 = tpu.memref_slice %arg7[%add3A_425, %dma_start3A_518] : memref<125x80xi32, #tpu.memory_space<vmem>> -> memref<1x80xi32, #tpu.memory_space<vmem>>
        %dma_start3A_520 = tpu.memref_squeeze %dma_start3A_519 : memref<1x80xi32, #tpu.memory_space<vmem>> -> memref<80xi32, #tpu.memory_space<vmem>>
        %dma_start3A_521 = arith.constant 0 : i32
        %dma_start3A_522 = arith.constant 0 : i32
        %dma_start3A_523 = tpu.memref_slice %arg18[%dma_start3A_521, %dma_start3A_522] : memref<10240x64xf32, #tpu.memory_space<vmem_shared>> -> memref<10240x64xf32, #tpu.memory_space<vmem_shared>>
        tpu.enqueue_indirect_dma source(%arg13 : memref<80x64xf32, #tpu.memory_space<vmem>>) target(%dma_start3A_523 : memref<10240x64xf32, #tpu.memory_space<vmem_shared>>) offsets(%dma_start3A_520 : memref<80xi32, #tpu.memory_space<vmem>>) semaphore(%run_scoped3A_517 : memref<!tpu.dma_semaphore, #tpu.memory_space<semaphore_mem>>) {add = true}
        %dma_wait3A_524 = arith.constant 0 : i32
        %dma_wait3A_525 = tpu.memref_slice %arg7[%add3A_425, %dma_wait3A_524] : memref<125x80xi32, #tpu.memory_space<vmem>> -> memref<1x80xi32, #tpu.memory_space<vmem>>
        %dma_wait3A_526 = tpu.memref_squeeze %dma_wait3A_525 : memref<1x80xi32, #tpu.memory_space<vmem>> -> memref<80xi32, #tpu.memory_space<vmem>>
        %dma_wait3A_527 = arith.constant 0 : i32
        %dma_wait3A_528 = arith.constant 0 : i32
        %dma_wait3A_529 = tpu.memref_slice %arg18[%dma_wait3A_527, %dma_wait3A_528] : memref<10240x64xf32, #tpu.memory_space<vmem_shared>> -> memref<10240x64xf32, #tpu.memory_space<vmem_shared>>
        tpu.wait_indirect_dma semaphore(%run_scoped3A_517 : memref<!tpu.dma_semaphore, #tpu.memory_space<semaphore_mem>>) src(%arg13 : memref<80x64xf32, #tpu.memory_space<vmem>>) dst(%dma_wait3A_529 : memref<10240x64xf32, #tpu.memory_space<vmem_shared>>)
        tpu.yield
      }) : () -> ()
      %add3A_433 = arith.constant 10 : i32
      %add3A_434 = arith.addi %add3A_425, %add3A_433 : i32
      %dma_start3A_435 = arith.constant 0 : i32
      %dma_start3A_436 = tpu.memref_slice %arg6[%add3A_434, %dma_start3A_435] : memref<125x80xi32, #tpu.memory_space<vmem>> -> memref<1x80xi32, #tpu.memory_space<vmem>>
      %dma_start3A_437 = tpu.memref_squeeze %dma_start3A_436 : memref<1x80xi32, #tpu.memory_space<vmem>> -> memref<80xi32, #tpu.memory_space<vmem>>
      %dma_start3A_438 = arith.constant 0 : i32
      %dma_start3A_439 = arith.constant 0 : i32
      %dma_start3A_440 = tpu.memref_slice %arg3[%dma_start3A_438, %dma_start3A_439] : memref<10000x64xf32, #tpu.memory_space<hbm>> -> memref<10000x64xf32, #tpu.memory_space<hbm>>
      tpu.enqueue_indirect_dma source(%dma_start3A_440 : memref<10000x64xf32, #tpu.memory_space<hbm>>) target(%arg13 : memref<80x64xf32, #tpu.memory_space<vmem>>) offsets(%dma_start3A_437 : memref<80xi32, #tpu.memory_space<vmem>>) semaphore(%arg24 : memref<!tpu.dma_semaphore, #tpu.memory_space<semaphore_mem>>)
      %mul3A_441 = arith.constant 10 : i32
      %mul3A_442 = arith.muli %scan3A_326, %mul3A_441 : i32
      %add3A_443 = arith.constant 6 : i32
      %add3A_444 = arith.addi %mul3A_442, %add3A_443 : i32
      %dma_wait3A_445 = arith.constant 0 : i32
      %dma_wait3A_446 = arith.constant 0 : i32
      %dma_wait3A_447 = tpu.memref_slice %arg6[%dma_wait3A_445, %dma_wait3A_446] : memref<125x80xi32, #tpu.memory_space<vmem>> -> memref<1x80xi32, #tpu.memory_space<vmem>>
      %dma_wait3A_448 = tpu.memref_squeeze %dma_wait3A_447 : memref<1x80xi32, #tpu.memory_space<vmem>> -> memref<80xi32, #tpu.memory_space<vmem>>
      %dma_wait3A_449 = arith.constant 0 : i32
      %dma_wait3A_450 = arith.constant 0 : i32
      %dma_wait3A_451 = tpu.memref_slice %arg3[%dma_wait3A_449, %dma_wait3A_450] : memref<10000x64xf32, #tpu.memory_space<hbm>> -> memref<10000x64xf32, #tpu.memory_space<hbm>>
      tpu.wait_indirect_dma semaphore(%arg25 : memref<!tpu.dma_semaphore, #tpu.memory_space<semaphore_mem>>) src(%dma_wait3A_451 : memref<10000x64xf32, #tpu.memory_space<hbm>>) dst(%arg14 : memref<80x64xf32, #tpu.memory_space<vmem>>)
      "tpu.region"() ({
        %run_scoped3A_517 = tpu.sem_alloc : memref<!tpu.dma_semaphore, #tpu.memory_space<semaphore_mem>>
        %dma_start3A_518 = arith.constant 0 : i32
        %dma_start3A_519 = tpu.memref_slice %arg7[%add3A_444, %dma_start3A_518] : memref<125x80xi32, #tpu.memory_space<vmem>> -> memref<1x80xi32, #tpu.memory_space<vmem>>
        %dma_start3A_520 = tpu.memref_squeeze %dma_start3A_519 : memref<1x80xi32, #tpu.memory_space<vmem>> -> memref<80xi32, #tpu.memory_space<vmem>>
        %dma_start3A_521 = arith.constant 0 : i32
        %dma_start3A_522 = arith.constant 0 : i32
        %dma_start3A_523 = tpu.memref_slice %arg18[%dma_start3A_521, %dma_start3A_522] : memref<10240x64xf32, #tpu.memory_space<vmem_shared>> -> memref<10240x64xf32, #tpu.memory_space<vmem_shared>>
        tpu.enqueue_indirect_dma source(%arg14 : memref<80x64xf32, #tpu.memory_space<vmem>>) target(%dma_start3A_523 : memref<10240x64xf32, #tpu.memory_space<vmem_shared>>) offsets(%dma_start3A_520 : memref<80xi32, #tpu.memory_space<vmem>>) semaphore(%run_scoped3A_517 : memref<!tpu.dma_semaphore, #tpu.memory_space<semaphore_mem>>) {add = true}
        %dma_wait3A_524 = arith.constant 0 : i32
        %dma_wait3A_525 = tpu.memref_slice %arg7[%add3A_444, %dma_wait3A_524] : memref<125x80xi32, #tpu.memory_space<vmem>> -> memref<1x80xi32, #tpu.memory_space<vmem>>
        %dma_wait3A_526 = tpu.memref_squeeze %dma_wait3A_525 : memref<1x80xi32, #tpu.memory_space<vmem>> -> memref<80xi32, #tpu.memory_space<vmem>>
        %dma_wait3A_527 = arith.constant 0 : i32
        %dma_wait3A_528 = arith.constant 0 : i32
        %dma_wait3A_529 = tpu.memref_slice %arg18[%dma_wait3A_527, %dma_wait3A_528] : memref<10240x64xf32, #tpu.memory_space<vmem_shared>> -> memref<10240x64xf32, #tpu.memory_space<vmem_shared>>
        tpu.wait_indirect_dma semaphore(%run_scoped3A_517 : memref<!tpu.dma_semaphore, #tpu.memory_space<semaphore_mem>>) src(%arg14 : memref<80x64xf32, #tpu.memory_space<vmem>>) dst(%dma_wait3A_529 : memref<10240x64xf32, #tpu.memory_space<vmem_shared>>)
        tpu.yield
      }) : () -> ()
      %add3A_452 = arith.constant 10 : i32
      %add3A_453 = arith.addi %add3A_444, %add3A_452 : i32
      %dma_start3A_454 = arith.constant 0 : i32
      %dma_start3A_455 = tpu.memref_slice %arg6[%add3A_453, %dma_start3A_454] : memref<125x80xi32, #tpu.memory_space<vmem>> -> memref<1x80xi32, #tpu.memory_space<vmem>>
      %dma_start3A_456 = tpu.memref_squeeze %dma_start3A_455 : memref<1x80xi32, #tpu.memory_space<vmem>> -> memref<80xi32, #tpu.memory_space<vmem>>
      %dma_start3A_457 = arith.constant 0 : i32
      %dma_start3A_458 = arith.constant 0 : i32
      %dma_start3A_459 = tpu.memref_slice %arg3[%dma_start3A_457, %dma_start3A_458] : memref<10000x64xf32, #tpu.memory_space<hbm>> -> memref<10000x64xf32, #tpu.memory_space<hbm>>
      tpu.enqueue_indirect_dma source(%dma_start3A_459 : memref<10000x64xf32, #tpu.memory_space<hbm>>) target(%arg14 : memref<80x64xf32, #tpu.memory_space<vmem>>) offsets(%dma_start3A_456 : memref<80xi32, #tpu.memory_space<vmem>>) semaphore(%arg25 : memref<!tpu.dma_semaphore, #tpu.memory_space<semaphore_mem>>)
      %mul3A_460 = arith.constant 10 : i32
      %mul3A_461 = arith.muli %scan3A_326, %mul3A_460 : i32
      %add3A_462 = arith.constant 7 : i32
      %add3A_463 = arith.addi %mul3A_461, %add3A_462 : i32
      %dma_wait3A_464 = arith.constant 0 : i32
      %dma_wait3A_465 = arith.constant 0 : i32
      %dma_wait3A_466 = tpu.memref_slice %arg6[%dma_wait3A_464, %dma_wait3A_465] : memref<125x80xi32, #tpu.memory_space<vmem>> -> memref<1x80xi32, #tpu.memory_space<vmem>>
      %dma_wait3A_467 = tpu.memref_squeeze %dma_wait3A_466 : memref<1x80xi32, #tpu.memory_space<vmem>> -> memref<80xi32, #tpu.memory_space<vmem>>
      %dma_wait3A_468 = arith.constant 0 : i32
      %dma_wait3A_469 = arith.constant 0 : i32
      %dma_wait3A_470 = tpu.memref_slice %arg3[%dma_wait3A_468, %dma_wait3A_469] : memref<10000x64xf32, #tpu.memory_space<hbm>> -> memref<10000x64xf32, #tpu.memory_space<hbm>>
      tpu.wait_indirect_dma semaphore(%arg26 : memref<!tpu.dma_semaphore, #tpu.memory_space<semaphore_mem>>) src(%dma_wait3A_470 : memref<10000x64xf32, #tpu.memory_space<hbm>>) dst(%arg15 : memref<80x64xf32, #tpu.memory_space<vmem>>)
      "tpu.region"() ({
        %run_scoped3A_517 = tpu.sem_alloc : memref<!tpu.dma_semaphore, #tpu.memory_space<semaphore_mem>>
        %dma_start3A_518 = arith.constant 0 : i32
        %dma_start3A_519 = tpu.memref_slice %arg7[%add3A_463, %dma_start3A_518] : memref<125x80xi32, #tpu.memory_space<vmem>> -> memref<1x80xi32, #tpu.memory_space<vmem>>
        %dma_start3A_520 = tpu.memref_squeeze %dma_start3A_519 : memref<1x80xi32, #tpu.memory_space<vmem>> -> memref<80xi32, #tpu.memory_space<vmem>>
        %dma_start3A_521 = arith.constant 0 : i32
        %dma_start3A_522 = arith.constant 0 : i32
        %dma_start3A_523 = tpu.memref_slice %arg18[%dma_start3A_521, %dma_start3A_522] : memref<10240x64xf32, #tpu.memory_space<vmem_shared>> -> memref<10240x64xf32, #tpu.memory_space<vmem_shared>>
        tpu.enqueue_indirect_dma source(%arg15 : memref<80x64xf32, #tpu.memory_space<vmem>>) target(%dma_start3A_523 : memref<10240x64xf32, #tpu.memory_space<vmem_shared>>) offsets(%dma_start3A_520 : memref<80xi32, #tpu.memory_space<vmem>>) semaphore(%run_scoped3A_517 : memref<!tpu.dma_semaphore, #tpu.memory_space<semaphore_mem>>) {add = true}
        %dma_wait3A_524 = arith.constant 0 : i32
        %dma_wait3A_525 = tpu.memref_slice %arg7[%add3A_463, %dma_wait3A_524] : memref<125x80xi32, #tpu.memory_space<vmem>> -> memref<1x80xi32, #tpu.memory_space<vmem>>
        %dma_wait3A_526 = tpu.memref_squeeze %dma_wait3A_525 : memref<1x80xi32, #tpu.memory_space<vmem>> -> memref<80xi32, #tpu.memory_space<vmem>>
        %dma_wait3A_527 = arith.constant 0 : i32
        %dma_wait3A_528 = arith.constant 0 : i32
        %dma_wait3A_529 = tpu.memref_slice %arg18[%dma_wait3A_527, %dma_wait3A_528] : memref<10240x64xf32, #tpu.memory_space<vmem_shared>> -> memref<10240x64xf32, #tpu.memory_space<vmem_shared>>
        tpu.wait_indirect_dma semaphore(%run_scoped3A_517 : memref<!tpu.dma_semaphore, #tpu.memory_space<semaphore_mem>>) src(%arg15 : memref<80x64xf32, #tpu.memory_space<vmem>>) dst(%dma_wait3A_529 : memref<10240x64xf32, #tpu.memory_space<vmem_shared>>)
        tpu.yield
      }) : () -> ()
      %add3A_471 = arith.constant 10 : i32
      %add3A_472 = arith.addi %add3A_463, %add3A_471 : i32
      %dma_start3A_473 = arith.constant 0 : i32
      %dma_start3A_474 = tpu.memref_slice %arg6[%add3A_472, %dma_start3A_473] : memref<125x80xi32, #tpu.memory_space<vmem>> -> memref<1x80xi32, #tpu.memory_space<vmem>>
      %dma_start3A_475 = tpu.memref_squeeze %dma_start3A_474 : memref<1x80xi32, #tpu.memory_space<vmem>> -> memref<80xi32, #tpu.memory_space<vmem>>
      %dma_start3A_476 = arith.constant 0 : i32
      %dma_start3A_477 = arith.constant 0 : i32
      %dma_start3A_478 = tpu.memref_slice %arg3[%dma_start3A_476, %dma_start3A_477] : memref<10000x64xf32, #tpu.memory_space<hbm>> -> memref<10000x64xf32, #tpu.memory_space<hbm>>
      tpu.enqueue_indirect_dma source(%dma_start3A_478 : memref<10000x64xf32, #tpu.memory_space<hbm>>) target(%arg15 : memref<80x64xf32, #tpu.memory_space<vmem>>) offsets(%dma_start3A_475 : memref<80xi32, #tpu.memory_space<vmem>>) semaphore(%arg26 : memref<!tpu.dma_semaphore, #tpu.memory_space<semaphore_mem>>)
      %mul3A_479 = arith.constant 10 : i32
      %mul3A_480 = arith.muli %scan3A_326, %mul3A_479 : i32
      %add3A_481 = arith.constant 8 : i32
      %add3A_482 = arith.addi %mul3A_480, %add3A_481 : i32
      %dma_wait3A_483 = arith.constant 0 : i32
      %dma_wait3A_484 = arith.constant 0 : i32
      %dma_wait3A_485 = tpu.memref_slice %arg6[%dma_wait3A_483, %dma_wait3A_484] : memref<125x80xi32, #tpu.memory_space<vmem>> -> memref<1x80xi32, #tpu.memory_space<vmem>>
      %dma_wait3A_486 = tpu.memref_squeeze %dma_wait3A_485 : memref<1x80xi32, #tpu.memory_space<vmem>> -> memref<80xi32, #tpu.memory_space<vmem>>
      %dma_wait3A_487 = arith.constant 0 : i32
      %dma_wait3A_488 = arith.constant 0 : i32
      %dma_wait3A_489 = tpu.memref_slice %arg3[%dma_wait3A_487, %dma_wait3A_488] : memref<10000x64xf32, #tpu.memory_space<hbm>> -> memref<10000x64xf32, #tpu.memory_space<hbm>>
      tpu.wait_indirect_dma semaphore(%arg27 : memref<!tpu.dma_semaphore, #tpu.memory_space<semaphore_mem>>) src(%dma_wait3A_489 : memref<10000x64xf32, #tpu.memory_space<hbm>>) dst(%arg16 : memref<80x64xf32, #tpu.memory_space<vmem>>)
      "tpu.region"() ({
        %run_scoped3A_517 = tpu.sem_alloc : memref<!tpu.dma_semaphore, #tpu.memory_space<semaphore_mem>>
        %dma_start3A_518 = arith.constant 0 : i32
        %dma_start3A_519 = tpu.memref_slice %arg7[%add3A_482, %dma_start3A_518] : memref<125x80xi32, #tpu.memory_space<vmem>> -> memref<1x80xi32, #tpu.memory_space<vmem>>
        %dma_start3A_520 = tpu.memref_squeeze %dma_start3A_519 : memref<1x80xi32, #tpu.memory_space<vmem>> -> memref<80xi32, #tpu.memory_space<vmem>>
        %dma_start3A_521 = arith.constant 0 : i32
        %dma_start3A_522 = arith.constant 0 : i32
        %dma_start3A_523 = tpu.memref_slice %arg18[%dma_start3A_521, %dma_start3A_522] : memref<10240x64xf32, #tpu.memory_space<vmem_shared>> -> memref<10240x64xf32, #tpu.memory_space<vmem_shared>>
        tpu.enqueue_indirect_dma source(%arg16 : memref<80x64xf32, #tpu.memory_space<vmem>>) target(%dma_start3A_523 : memref<10240x64xf32, #tpu.memory_space<vmem_shared>>) offsets(%dma_start3A_520 : memref<80xi32, #tpu.memory_space<vmem>>) semaphore(%run_scoped3A_517 : memref<!tpu.dma_semaphore, #tpu.memory_space<semaphore_mem>>) {add = true}
        %dma_wait3A_524 = arith.constant 0 : i32
        %dma_wait3A_525 = tpu.memref_slice %arg7[%add3A_482, %dma_wait3A_524] : memref<125x80xi32, #tpu.memory_space<vmem>> -> memref<1x80xi32, #tpu.memory_space<vmem>>
        %dma_wait3A_526 = tpu.memref_squeeze %dma_wait3A_525 : memref<1x80xi32, #tpu.memory_space<vmem>> -> memref<80xi32, #tpu.memory_space<vmem>>
        %dma_wait3A_527 = arith.constant 0 : i32
        %dma_wait3A_528 = arith.constant 0 : i32
        %dma_wait3A_529 = tpu.memref_slice %arg18[%dma_wait3A_527, %dma_wait3A_528] : memref<10240x64xf32, #tpu.memory_space<vmem_shared>> -> memref<10240x64xf32, #tpu.memory_space<vmem_shared>>
        tpu.wait_indirect_dma semaphore(%run_scoped3A_517 : memref<!tpu.dma_semaphore, #tpu.memory_space<semaphore_mem>>) src(%arg16 : memref<80x64xf32, #tpu.memory_space<vmem>>) dst(%dma_wait3A_529 : memref<10240x64xf32, #tpu.memory_space<vmem_shared>>)
        tpu.yield
      }) : () -> ()
      %add3A_490 = arith.constant 10 : i32
      %add3A_491 = arith.addi %add3A_482, %add3A_490 : i32
      %dma_start3A_492 = arith.constant 0 : i32
      %dma_start3A_493 = tpu.memref_slice %arg6[%add3A_491, %dma_start3A_492] : memref<125x80xi32, #tpu.memory_space<vmem>> -> memref<1x80xi32, #tpu.memory_space<vmem>>
      %dma_start3A_494 = tpu.memref_squeeze %dma_start3A_493 : memref<1x80xi32, #tpu.memory_space<vmem>> -> memref<80xi32, #tpu.memory_space<vmem>>
      %dma_start3A_495 = arith.constant 0 : i32
      %dma_start3A_496 = arith.constant 0 : i32
      %dma_start3A_497 = tpu.memref_slice %arg3[%dma_start3A_495, %dma_start3A_496] : memref<10000x64xf32, #tpu.memory_space<hbm>> -> memref<10000x64xf32, #tpu.memory_space<hbm>>
      tpu.enqueue_indirect_dma source(%dma_start3A_497 : memref<10000x64xf32, #tpu.memory_space<hbm>>) target(%arg16 : memref<80x64xf32, #tpu.memory_space<vmem>>) offsets(%dma_start3A_494 : memref<80xi32, #tpu.memory_space<vmem>>) semaphore(%arg27 : memref<!tpu.dma_semaphore, #tpu.memory_space<semaphore_mem>>)
      %mul3A_498 = arith.constant 10 : i32
      %mul3A_499 = arith.muli %scan3A_326, %mul3A_498 : i32
      %add3A_500 = arith.constant 9 : i32
      %add3A_501 = arith.addi %mul3A_499, %add3A_500 : i32
      %dma_wait3A_502 = arith.constant 0 : i32
      %dma_wait3A_503 = arith.constant 0 : i32
      %dma_wait3A_504 = tpu.memref_slice %arg6[%dma_wait3A_502, %dma_wait3A_503] : memref<125x80xi32, #tpu.memory_space<vmem>> -> memref<1x80xi32, #tpu.memory_space<vmem>>
      %dma_wait3A_505 = tpu.memref_squeeze %dma_wait3A_504 : memref<1x80xi32, #tpu.memory_space<vmem>> -> memref<80xi32, #tpu.memory_space<vmem>>
      %dma_wait3A_506 = arith.constant 0 : i32
      %dma_wait3A_507 = arith.constant 0 : i32
      %dma_wait3A_508 = tpu.memref_slice %arg3[%dma_wait3A_506, %dma_wait3A_507] : memref<10000x64xf32, #tpu.memory_space<hbm>> -> memref<10000x64xf32, #tpu.memory_space<hbm>>
      tpu.wait_indirect_dma semaphore(%arg28 : memref<!tpu.dma_semaphore, #tpu.memory_space<semaphore_mem>>) src(%dma_wait3A_508 : memref<10000x64xf32, #tpu.memory_space<hbm>>) dst(%arg17 : memref<80x64xf32, #tpu.memory_space<vmem>>)
      "tpu.region"() ({
        %run_scoped3A_517 = tpu.sem_alloc : memref<!tpu.dma_semaphore, #tpu.memory_space<semaphore_mem>>
        %dma_start3A_518 = arith.constant 0 : i32
        %dma_start3A_519 = tpu.memref_slice %arg7[%add3A_501, %dma_start3A_518] : memref<125x80xi32, #tpu.memory_space<vmem>> -> memref<1x80xi32, #tpu.memory_space<vmem>>
        %dma_start3A_520 = tpu.memref_squeeze %dma_start3A_519 : memref<1x80xi32, #tpu.memory_space<vmem>> -> memref<80xi32, #tpu.memory_space<vmem>>
        %dma_start3A_521 = arith.constant 0 : i32
        %dma_start3A_522 = arith.constant 0 : i32
        %dma_start3A_523 = tpu.memref_slice %arg18[%dma_start3A_521, %dma_start3A_522] : memref<10240x64xf32, #tpu.memory_space<vmem_shared>> -> memref<10240x64xf32, #tpu.memory_space<vmem_shared>>
        tpu.enqueue_indirect_dma source(%arg17 : memref<80x64xf32, #tpu.memory_space<vmem>>) target(%dma_start3A_523 : memref<10240x64xf32, #tpu.memory_space<vmem_shared>>) offsets(%dma_start3A_520 : memref<80xi32, #tpu.memory_space<vmem>>) semaphore(%run_scoped3A_517 : memref<!tpu.dma_semaphore, #tpu.memory_space<semaphore_mem>>) {add = true}
        %dma_wait3A_524 = arith.constant 0 : i32
        %dma_wait3A_525 = tpu.memref_slice %arg7[%add3A_501, %dma_wait3A_524] : memref<125x80xi32, #tpu.memory_space<vmem>> -> memref<1x80xi32, #tpu.memory_space<vmem>>
        %dma_wait3A_526 = tpu.memref_squeeze %dma_wait3A_525 : memref<1x80xi32, #tpu.memory_space<vmem>> -> memref<80xi32, #tpu.memory_space<vmem>>
        %dma_wait3A_527 = arith.constant 0 : i32
        %dma_wait3A_528 = arith.constant 0 : i32
        %dma_wait3A_529 = tpu.memref_slice %arg18[%dma_wait3A_527, %dma_wait3A_528] : memref<10240x64xf32, #tpu.memory_space<vmem_shared>> -> memref<10240x64xf32, #tpu.memory_space<vmem_shared>>
        tpu.wait_indirect_dma semaphore(%run_scoped3A_517 : memref<!tpu.dma_semaphore, #tpu.memory_space<semaphore_mem>>) src(%arg17 : memref<80x64xf32, #tpu.memory_space<vmem>>) dst(%dma_wait3A_529 : memref<10240x64xf32, #tpu.memory_space<vmem_shared>>)
        tpu.yield
      }) : () -> ()
      %add3A_509 = arith.constant 10 : i32
      %add3A_510 = arith.addi %add3A_501, %add3A_509 : i32
      %dma_start3A_511 = arith.constant 0 : i32
      %dma_start3A_512 = tpu.memref_slice %arg6[%add3A_510, %dma_start3A_511] : memref<125x80xi32, #tpu.memory_space<vmem>> -> memref<1x80xi32, #tpu.memory_space<vmem>>
      %dma_start3A_513 = tpu.memref_squeeze %dma_start3A_512 : memref<1x80xi32, #tpu.memory_space<vmem>> -> memref<80xi32, #tpu.memory_space<vmem>>
      %dma_start3A_514 = arith.constant 0 : i32
      %dma_start3A_515 = arith.constant 0 : i32
      %dma_start3A_516 = tpu.memref_slice %arg3[%dma_start3A_514, %dma_start3A_515] : memref<10000x64xf32, #tpu.memory_space<hbm>> -> memref<10000x64xf32, #tpu.memory_space<hbm>>
      tpu.enqueue_indirect_dma source(%dma_start3A_516 : memref<10000x64xf32, #tpu.memory_space<hbm>>) target(%arg17 : memref<80x64xf32, #tpu.memory_space<vmem>>) offsets(%dma_start3A_513 : memref<80xi32, #tpu.memory_space<vmem>>) semaphore(%arg28 : memref<!tpu.dma_semaphore, #tpu.memory_space<semaphore_mem>>)
    }
    %scan3A_106 = arith.constant 11 : i32
    %dma_wait3A = arith.constant 0 : i32
    %dma_wait3A_107 = arith.constant 0 : i32
    %dma_wait3A_108 = tpu.memref_slice %arg6[%dma_wait3A, %dma_wait3A_107] : memref<125x80xi32, #tpu.memory_space<vmem>> -> memref<1x80xi32, #tpu.memory_space<vmem>>
    %dma_wait3A_109 = tpu.memref_squeeze %dma_wait3A_108 : memref<1x80xi32, #tpu.memory_space<vmem>> -> memref<80xi32, #tpu.memory_space<vmem>>
    %dma_wait3A_110 = arith.constant 0 : i32
    %dma_wait3A_111 = arith.constant 0 : i32
    %dma_wait3A_112 = tpu.memref_slice %arg3[%dma_wait3A_110, %dma_wait3A_111] : memref<10000x64xf32, #tpu.memory_space<hbm>> -> memref<10000x64xf32, #tpu.memory_space<hbm>>
    tpu.wait_indirect_dma semaphore(%arg19 : memref<!tpu.dma_semaphore, #tpu.memory_space<semaphore_mem>>) src(%dma_wait3A_112 : memref<10000x64xf32, #tpu.memory_space<hbm>>) dst(%arg8 : memref<80x64xf32, #tpu.memory_space<vmem>>)
    %run_scoped3A_113 = arith.constant 110 : i32
    "tpu.region"() ({
      %run_scoped3A_326 = tpu.sem_alloc : memref<!tpu.dma_semaphore, #tpu.memory_space<semaphore_mem>>
      %dma_start3A_327 = arith.constant 0 : i32
      %dma_start3A_328 = tpu.memref_slice %arg7[%run_scoped3A_113, %dma_start3A_327] : memref<125x80xi32, #tpu.memory_space<vmem>> -> memref<1x80xi32, #tpu.memory_space<vmem>>
      %dma_start3A_329 = tpu.memref_squeeze %dma_start3A_328 : memref<1x80xi32, #tpu.memory_space<vmem>> -> memref<80xi32, #tpu.memory_space<vmem>>
      %dma_start3A_330 = arith.constant 0 : i32
      %dma_start3A_331 = arith.constant 0 : i32
      %dma_start3A_332 = tpu.memref_slice %arg18[%dma_start3A_330, %dma_start3A_331] : memref<10240x64xf32, #tpu.memory_space<vmem_shared>> -> memref<10240x64xf32, #tpu.memory_space<vmem_shared>>
      tpu.enqueue_indirect_dma source(%arg8 : memref<80x64xf32, #tpu.memory_space<vmem>>) target(%dma_start3A_332 : memref<10240x64xf32, #tpu.memory_space<vmem_shared>>) offsets(%dma_start3A_329 : memref<80xi32, #tpu.memory_space<vmem>>) semaphore(%run_scoped3A_326 : memref<!tpu.dma_semaphore, #tpu.memory_space<semaphore_mem>>) {add = true}
      %dma_wait3A_333 = arith.constant 0 : i32
      %dma_wait3A_334 = tpu.memref_slice %arg7[%run_scoped3A_113, %dma_wait3A_333] : memref<125x80xi32, #tpu.memory_space<vmem>> -> memref<1x80xi32, #tpu.memory_space<vmem>>
      %dma_wait3A_335 = tpu.memref_squeeze %dma_wait3A_334 : memref<1x80xi32, #tpu.memory_space<vmem>> -> memref<80xi32, #tpu.memory_space<vmem>>
      %dma_wait3A_336 = arith.constant 0 : i32
      %dma_wait3A_337 = arith.constant 0 : i32
      %dma_wait3A_338 = tpu.memref_slice %arg18[%dma_wait3A_336, %dma_wait3A_337] : memref<10240x64xf32, #tpu.memory_space<vmem_shared>> -> memref<10240x64xf32, #tpu.memory_space<vmem_shared>>
      tpu.wait_indirect_dma semaphore(%run_scoped3A_326 : memref<!tpu.dma_semaphore, #tpu.memory_space<semaphore_mem>>) src(%arg8 : memref<80x64xf32, #tpu.memory_space<vmem>>) dst(%dma_wait3A_338 : memref<10240x64xf32, #tpu.memory_space<vmem_shared>>)
      tpu.yield
    }) : () -> ()
    %dma_start3A_114 = arith.constant 120 : i32
    %dma_start3A_115 = arith.constant 0 : i32
    %dma_start3A_116 = tpu.memref_slice %arg6[%dma_start3A_114, %dma_start3A_115] : memref<125x80xi32, #tpu.memory_space<vmem>> -> memref<1x80xi32, #tpu.memory_space<vmem>>
    %dma_start3A_117 = tpu.memref_squeeze %dma_start3A_116 : memref<1x80xi32, #tpu.memory_space<vmem>> -> memref<80xi32, #tpu.memory_space<vmem>>
    %dma_start3A_118 = arith.constant 0 : i32
    %dma_start3A_119 = arith.constant 0 : i32
    %dma_start3A_120 = tpu.memref_slice %arg3[%dma_start3A_118, %dma_start3A_119] : memref<10000x64xf32, #tpu.memory_space<hbm>> -> memref<10000x64xf32, #tpu.memory_space<hbm>>
    tpu.enqueue_indirect_dma source(%dma_start3A_120 : memref<10000x64xf32, #tpu.memory_space<hbm>>) target(%arg8 : memref<80x64xf32, #tpu.memory_space<vmem>>) offsets(%dma_start3A_117 : memref<80xi32, #tpu.memory_space<vmem>>) semaphore(%arg19 : memref<!tpu.dma_semaphore, #tpu.memory_space<semaphore_mem>>)
    %dma_wait3A_121 = arith.constant 0 : i32
    %dma_wait3A_122 = arith.constant 0 : i32
    %dma_wait3A_123 = tpu.memref_slice %arg6[%dma_wait3A_121, %dma_wait3A_122] : memref<125x80xi32, #tpu.memory_space<vmem>> -> memref<1x80xi32, #tpu.memory_space<vmem>>
    %dma_wait3A_124 = tpu.memref_squeeze %dma_wait3A_123 : memref<1x80xi32, #tpu.memory_space<vmem>> -> memref<80xi32, #tpu.memory_space<vmem>>
    %dma_wait3A_125 = arith.constant 0 : i32
    %dma_wait3A_126 = arith.constant 0 : i32
    %dma_wait3A_127 = tpu.memref_slice %arg3[%dma_wait3A_125, %dma_wait3A_126] : memref<10000x64xf32, #tpu.memory_space<hbm>> -> memref<10000x64xf32, #tpu.memory_space<hbm>>
    tpu.wait_indirect_dma semaphore(%arg20 : memref<!tpu.dma_semaphore, #tpu.memory_space<semaphore_mem>>) src(%dma_wait3A_127 : memref<10000x64xf32, #tpu.memory_space<hbm>>) dst(%arg9 : memref<80x64xf32, #tpu.memory_space<vmem>>)
    %run_scoped3A_128 = arith.constant 111 : i32
    "tpu.region"() ({
      %run_scoped3A_326 = tpu.sem_alloc : memref<!tpu.dma_semaphore, #tpu.memory_space<semaphore_mem>>
      %dma_start3A_327 = arith.constant 0 : i32
      %dma_start3A_328 = tpu.memref_slice %arg7[%run_scoped3A_128, %dma_start3A_327] : memref<125x80xi32, #tpu.memory_space<vmem>> -> memref<1x80xi32, #tpu.memory_space<vmem>>
      %dma_start3A_329 = tpu.memref_squeeze %dma_start3A_328 : memref<1x80xi32, #tpu.memory_space<vmem>> -> memref<80xi32, #tpu.memory_space<vmem>>
      %dma_start3A_330 = arith.constant 0 : i32
      %dma_start3A_331 = arith.constant 0 : i32
      %dma_start3A_332 = tpu.memref_slice %arg18[%dma_start3A_330, %dma_start3A_331] : memref<10240x64xf32, #tpu.memory_space<vmem_shared>> -> memref<10240x64xf32, #tpu.memory_space<vmem_shared>>
      tpu.enqueue_indirect_dma source(%arg9 : memref<80x64xf32, #tpu.memory_space<vmem>>) target(%dma_start3A_332 : memref<10240x64xf32, #tpu.memory_space<vmem_shared>>) offsets(%dma_start3A_329 : memref<80xi32, #tpu.memory_space<vmem>>) semaphore(%run_scoped3A_326 : memref<!tpu.dma_semaphore, #tpu.memory_space<semaphore_mem>>) {add = true}
      %dma_wait3A_333 = arith.constant 0 : i32
      %dma_wait3A_334 = tpu.memref_slice %arg7[%run_scoped3A_128, %dma_wait3A_333] : memref<125x80xi32, #tpu.memory_space<vmem>> -> memref<1x80xi32, #tpu.memory_space<vmem>>
      %dma_wait3A_335 = tpu.memref_squeeze %dma_wait3A_334 : memref<1x80xi32, #tpu.memory_space<vmem>> -> memref<80xi32, #tpu.memory_space<vmem>>
      %dma_wait3A_336 = arith.constant 0 : i32
      %dma_wait3A_337 = arith.constant 0 : i32
      %dma_wait3A_338 = tpu.memref_slice %arg18[%dma_wait3A_336, %dma_wait3A_337] : memref<10240x64xf32, #tpu.memory_space<vmem_shared>> -> memref<10240x64xf32, #tpu.memory_space<vmem_shared>>
      tpu.wait_indirect_dma semaphore(%run_scoped3A_326 : memref<!tpu.dma_semaphore, #tpu.memory_space<semaphore_mem>>) src(%arg9 : memref<80x64xf32, #tpu.memory_space<vmem>>) dst(%dma_wait3A_338 : memref<10240x64xf32, #tpu.memory_space<vmem_shared>>)
      tpu.yield
    }) : () -> ()
    %dma_start3A_129 = arith.constant 121 : i32
    %dma_start3A_130 = arith.constant 0 : i32
    %dma_start3A_131 = tpu.memref_slice %arg6[%dma_start3A_129, %dma_start3A_130] : memref<125x80xi32, #tpu.memory_space<vmem>> -> memref<1x80xi32, #tpu.memory_space<vmem>>
    %dma_start3A_132 = tpu.memref_squeeze %dma_start3A_131 : memref<1x80xi32, #tpu.memory_space<vmem>> -> memref<80xi32, #tpu.memory_space<vmem>>
    %dma_start3A_133 = arith.constant 0 : i32
    %dma_start3A_134 = arith.constant 0 : i32
    %dma_start3A_135 = tpu.memref_slice %arg3[%dma_start3A_133, %dma_start3A_134] : memref<10000x64xf32, #tpu.memory_space<hbm>> -> memref<10000x64xf32, #tpu.memory_space<hbm>>
    tpu.enqueue_indirect_dma source(%dma_start3A_135 : memref<10000x64xf32, #tpu.memory_space<hbm>>) target(%arg9 : memref<80x64xf32, #tpu.memory_space<vmem>>) offsets(%dma_start3A_132 : memref<80xi32, #tpu.memory_space<vmem>>) semaphore(%arg20 : memref<!tpu.dma_semaphore, #tpu.memory_space<semaphore_mem>>)
    %dma_wait3A_136 = arith.constant 0 : i32
    %dma_wait3A_137 = arith.constant 0 : i32
    %dma_wait3A_138 = tpu.memref_slice %arg6[%dma_wait3A_136, %dma_wait3A_137] : memref<125x80xi32, #tpu.memory_space<vmem>> -> memref<1x80xi32, #tpu.memory_space<vmem>>
    %dma_wait3A_139 = tpu.memref_squeeze %dma_wait3A_138 : memref<1x80xi32, #tpu.memory_space<vmem>> -> memref<80xi32, #tpu.memory_space<vmem>>
    %dma_wait3A_140 = arith.constant 0 : i32
    %dma_wait3A_141 = arith.constant 0 : i32
    %dma_wait3A_142 = tpu.memref_slice %arg3[%dma_wait3A_140, %dma_wait3A_141] : memref<10000x64xf32, #tpu.memory_space<hbm>> -> memref<10000x64xf32, #tpu.memory_space<hbm>>
    tpu.wait_indirect_dma semaphore(%arg21 : memref<!tpu.dma_semaphore, #tpu.memory_space<semaphore_mem>>) src(%dma_wait3A_142 : memref<10000x64xf32, #tpu.memory_space<hbm>>) dst(%arg10 : memref<80x64xf32, #tpu.memory_space<vmem>>)
    %run_scoped3A_143 = arith.constant 112 : i32
    "tpu.region"() ({
      %run_scoped3A_326 = tpu.sem_alloc : memref<!tpu.dma_semaphore, #tpu.memory_space<semaphore_mem>>
      %dma_start3A_327 = arith.constant 0 : i32
      %dma_start3A_328 = tpu.memref_slice %arg7[%run_scoped3A_143, %dma_start3A_327] : memref<125x80xi32, #tpu.memory_space<vmem>> -> memref<1x80xi32, #tpu.memory_space<vmem>>
      %dma_start3A_329 = tpu.memref_squeeze %dma_start3A_328 : memref<1x80xi32, #tpu.memory_space<vmem>> -> memref<80xi32, #tpu.memory_space<vmem>>
      %dma_start3A_330 = arith.constant 0 : i32
      %dma_start3A_331 = arith.constant 0 : i32
      %dma_start3A_332 = tpu.memref_slice %arg18[%dma_start3A_330, %dma_start3A_331] : memref<10240x64xf32, #tpu.memory_space<vmem_shared>> -> memref<10240x64xf32, #tpu.memory_space<vmem_shared>>
      tpu.enqueue_indirect_dma source(%arg10 : memref<80x64xf32, #tpu.memory_space<vmem>>) target(%dma_start3A_332 : memref<10240x64xf32, #tpu.memory_space<vmem_shared>>) offsets(%dma_start3A_329 : memref<80xi32, #tpu.memory_space<vmem>>) semaphore(%run_scoped3A_326 : memref<!tpu.dma_semaphore, #tpu.memory_space<semaphore_mem>>) {add = true}
      %dma_wait3A_333 = arith.constant 0 : i32
      %dma_wait3A_334 = tpu.memref_slice %arg7[%run_scoped3A_143, %dma_wait3A_333] : memref<125x80xi32, #tpu.memory_space<vmem>> -> memref<1x80xi32, #tpu.memory_space<vmem>>
      %dma_wait3A_335 = tpu.memref_squeeze %dma_wait3A_334 : memref<1x80xi32, #tpu.memory_space<vmem>> -> memref<80xi32, #tpu.memory_space<vmem>>
      %dma_wait3A_336 = arith.constant 0 : i32
      %dma_wait3A_337 = arith.constant 0 : i32
      %dma_wait3A_338 = tpu.memref_slice %arg18[%dma_wait3A_336, %dma_wait3A_337] : memref<10240x64xf32, #tpu.memory_space<vmem_shared>> -> memref<10240x64xf32, #tpu.memory_space<vmem_shared>>
      tpu.wait_indirect_dma semaphore(%run_scoped3A_326 : memref<!tpu.dma_semaphore, #tpu.memory_space<semaphore_mem>>) src(%arg10 : memref<80x64xf32, #tpu.memory_space<vmem>>) dst(%dma_wait3A_338 : memref<10240x64xf32, #tpu.memory_space<vmem_shared>>)
      tpu.yield
    }) : () -> ()
    %dma_start3A_144 = arith.constant 122 : i32
    %dma_start3A_145 = arith.constant 0 : i32
    %dma_start3A_146 = tpu.memref_slice %arg6[%dma_start3A_144, %dma_start3A_145] : memref<125x80xi32, #tpu.memory_space<vmem>> -> memref<1x80xi32, #tpu.memory_space<vmem>>
    %dma_start3A_147 = tpu.memref_squeeze %dma_start3A_146 : memref<1x80xi32, #tpu.memory_space<vmem>> -> memref<80xi32, #tpu.memory_space<vmem>>
    %dma_start3A_148 = arith.constant 0 : i32
    %dma_start3A_149 = arith.constant 0 : i32
    %dma_start3A_150 = tpu.memref_slice %arg3[%dma_start3A_148, %dma_start3A_149] : memref<10000x64xf32, #tpu.memory_space<hbm>> -> memref<10000x64xf32, #tpu.memory_space<hbm>>
    tpu.enqueue_indirect_dma source(%dma_start3A_150 : memref<10000x64xf32, #tpu.memory_space<hbm>>) target(%arg10 : memref<80x64xf32, #tpu.memory_space<vmem>>) offsets(%dma_start3A_147 : memref<80xi32, #tpu.memory_space<vmem>>) semaphore(%arg21 : memref<!tpu.dma_semaphore, #tpu.memory_space<semaphore_mem>>)
    %dma_wait3A_151 = arith.constant 0 : i32
    %dma_wait3A_152 = arith.constant 0 : i32
    %dma_wait3A_153 = tpu.memref_slice %arg6[%dma_wait3A_151, %dma_wait3A_152] : memref<125x80xi32, #tpu.memory_space<vmem>> -> memref<1x80xi32, #tpu.memory_space<vmem>>
    %dma_wait3A_154 = tpu.memref_squeeze %dma_wait3A_153 : memref<1x80xi32, #tpu.memory_space<vmem>> -> memref<80xi32, #tpu.memory_space<vmem>>
    %dma_wait3A_155 = arith.constant 0 : i32
    %dma_wait3A_156 = arith.constant 0 : i32
    %dma_wait3A_157 = tpu.memref_slice %arg3[%dma_wait3A_155, %dma_wait3A_156] : memref<10000x64xf32, #tpu.memory_space<hbm>> -> memref<10000x64xf32, #tpu.memory_space<hbm>>
    tpu.wait_indirect_dma semaphore(%arg22 : memref<!tpu.dma_semaphore, #tpu.memory_space<semaphore_mem>>) src(%dma_wait3A_157 : memref<10000x64xf32, #tpu.memory_space<hbm>>) dst(%arg11 : memref<80x64xf32, #tpu.memory_space<vmem>>)
    %run_scoped3A_158 = arith.constant 113 : i32
    "tpu.region"() ({
      %run_scoped3A_326 = tpu.sem_alloc : memref<!tpu.dma_semaphore, #tpu.memory_space<semaphore_mem>>
      %dma_start3A_327 = arith.constant 0 : i32
      %dma_start3A_328 = tpu.memref_slice %arg7[%run_scoped3A_158, %dma_start3A_327] : memref<125x80xi32, #tpu.memory_space<vmem>> -> memref<1x80xi32, #tpu.memory_space<vmem>>
      %dma_start3A_329 = tpu.memref_squeeze %dma_start3A_328 : memref<1x80xi32, #tpu.memory_space<vmem>> -> memref<80xi32, #tpu.memory_space<vmem>>
      %dma_start3A_330 = arith.constant 0 : i32
      %dma_start3A_331 = arith.constant 0 : i32
      %dma_start3A_332 = tpu.memref_slice %arg18[%dma_start3A_330, %dma_start3A_331] : memref<10240x64xf32, #tpu.memory_space<vmem_shared>> -> memref<10240x64xf32, #tpu.memory_space<vmem_shared>>
      tpu.enqueue_indirect_dma source(%arg11 : memref<80x64xf32, #tpu.memory_space<vmem>>) target(%dma_start3A_332 : memref<10240x64xf32, #tpu.memory_space<vmem_shared>>) offsets(%dma_start3A_329 : memref<80xi32, #tpu.memory_space<vmem>>) semaphore(%run_scoped3A_326 : memref<!tpu.dma_semaphore, #tpu.memory_space<semaphore_mem>>) {add = true}
      %dma_wait3A_333 = arith.constant 0 : i32
      %dma_wait3A_334 = tpu.memref_slice %arg7[%run_scoped3A_158, %dma_wait3A_333] : memref<125x80xi32, #tpu.memory_space<vmem>> -> memref<1x80xi32, #tpu.memory_space<vmem>>
      %dma_wait3A_335 = tpu.memref_squeeze %dma_wait3A_334 : memref<1x80xi32, #tpu.memory_space<vmem>> -> memref<80xi32, #tpu.memory_space<vmem>>
      %dma_wait3A_336 = arith.constant 0 : i32
      %dma_wait3A_337 = arith.constant 0 : i32
      %dma_wait3A_338 = tpu.memref_slice %arg18[%dma_wait3A_336, %dma_wait3A_337] : memref<10240x64xf32, #tpu.memory_space<vmem_shared>> -> memref<10240x64xf32, #tpu.memory_space<vmem_shared>>
      tpu.wait_indirect_dma semaphore(%run_scoped3A_326 : memref<!tpu.dma_semaphore, #tpu.memory_space<semaphore_mem>>) src(%arg11 : memref<80x64xf32, #tpu.memory_space<vmem>>) dst(%dma_wait3A_338 : memref<10240x64xf32, #tpu.memory_space<vmem_shared>>)
      tpu.yield
    }) : () -> ()
    %dma_start3A_159 = arith.constant 123 : i32
    %dma_start3A_160 = arith.constant 0 : i32
    %dma_start3A_161 = tpu.memref_slice %arg6[%dma_start3A_159, %dma_start3A_160] : memref<125x80xi32, #tpu.memory_space<vmem>> -> memref<1x80xi32, #tpu.memory_space<vmem>>
    %dma_start3A_162 = tpu.memref_squeeze %dma_start3A_161 : memref<1x80xi32, #tpu.memory_space<vmem>> -> memref<80xi32, #tpu.memory_space<vmem>>
    %dma_start3A_163 = arith.constant 0 : i32
    %dma_start3A_164 = arith.constant 0 : i32
    %dma_start3A_165 = tpu.memref_slice %arg3[%dma_start3A_163, %dma_start3A_164] : memref<10000x64xf32, #tpu.memory_space<hbm>> -> memref<10000x64xf32, #tpu.memory_space<hbm>>
    tpu.enqueue_indirect_dma source(%dma_start3A_165 : memref<10000x64xf32, #tpu.memory_space<hbm>>) target(%arg11 : memref<80x64xf32, #tpu.memory_space<vmem>>) offsets(%dma_start3A_162 : memref<80xi32, #tpu.memory_space<vmem>>) semaphore(%arg22 : memref<!tpu.dma_semaphore, #tpu.memory_space<semaphore_mem>>)
    %dma_wait3A_166 = arith.constant 0 : i32
    %dma_wait3A_167 = arith.constant 0 : i32
    %dma_wait3A_168 = tpu.memref_slice %arg6[%dma_wait3A_166, %dma_wait3A_167] : memref<125x80xi32, #tpu.memory_space<vmem>> -> memref<1x80xi32, #tpu.memory_space<vmem>>
    %dma_wait3A_169 = tpu.memref_squeeze %dma_wait3A_168 : memref<1x80xi32, #tpu.memory_space<vmem>> -> memref<80xi32, #tpu.memory_space<vmem>>
    %dma_wait3A_170 = arith.constant 0 : i32
    %dma_wait3A_171 = arith.constant 0 : i32
    %dma_wait3A_172 = tpu.memref_slice %arg3[%dma_wait3A_170, %dma_wait3A_171] : memref<10000x64xf32, #tpu.memory_space<hbm>> -> memref<10000x64xf32, #tpu.memory_space<hbm>>
    tpu.wait_indirect_dma semaphore(%arg23 : memref<!tpu.dma_semaphore, #tpu.memory_space<semaphore_mem>>) src(%dma_wait3A_172 : memref<10000x64xf32, #tpu.memory_space<hbm>>) dst(%arg12 : memref<80x64xf32, #tpu.memory_space<vmem>>)
    %run_scoped3A_173 = arith.constant 114 : i32
    "tpu.region"() ({
      %run_scoped3A_326 = tpu.sem_alloc : memref<!tpu.dma_semaphore, #tpu.memory_space<semaphore_mem>>
      %dma_start3A_327 = arith.constant 0 : i32
      %dma_start3A_328 = tpu.memref_slice %arg7[%run_scoped3A_173, %dma_start3A_327] : memref<125x80xi32, #tpu.memory_space<vmem>> -> memref<1x80xi32, #tpu.memory_space<vmem>>
      %dma_start3A_329 = tpu.memref_squeeze %dma_start3A_328 : memref<1x80xi32, #tpu.memory_space<vmem>> -> memref<80xi32, #tpu.memory_space<vmem>>
      %dma_start3A_330 = arith.constant 0 : i32
      %dma_start3A_331 = arith.constant 0 : i32
      %dma_start3A_332 = tpu.memref_slice %arg18[%dma_start3A_330, %dma_start3A_331] : memref<10240x64xf32, #tpu.memory_space<vmem_shared>> -> memref<10240x64xf32, #tpu.memory_space<vmem_shared>>
      tpu.enqueue_indirect_dma source(%arg12 : memref<80x64xf32, #tpu.memory_space<vmem>>) target(%dma_start3A_332 : memref<10240x64xf32, #tpu.memory_space<vmem_shared>>) offsets(%dma_start3A_329 : memref<80xi32, #tpu.memory_space<vmem>>) semaphore(%run_scoped3A_326 : memref<!tpu.dma_semaphore, #tpu.memory_space<semaphore_mem>>) {add = true}
      %dma_wait3A_333 = arith.constant 0 : i32
      %dma_wait3A_334 = tpu.memref_slice %arg7[%run_scoped3A_173, %dma_wait3A_333] : memref<125x80xi32, #tpu.memory_space<vmem>> -> memref<1x80xi32, #tpu.memory_space<vmem>>
      %dma_wait3A_335 = tpu.memref_squeeze %dma_wait3A_334 : memref<1x80xi32, #tpu.memory_space<vmem>> -> memref<80xi32, #tpu.memory_space<vmem>>
      %dma_wait3A_336 = arith.constant 0 : i32
      %dma_wait3A_337 = arith.constant 0 : i32
      %dma_wait3A_338 = tpu.memref_slice %arg18[%dma_wait3A_336, %dma_wait3A_337] : memref<10240x64xf32, #tpu.memory_space<vmem_shared>> -> memref<10240x64xf32, #tpu.memory_space<vmem_shared>>
      tpu.wait_indirect_dma semaphore(%run_scoped3A_326 : memref<!tpu.dma_semaphore, #tpu.memory_space<semaphore_mem>>) src(%arg12 : memref<80x64xf32, #tpu.memory_space<vmem>>) dst(%dma_wait3A_338 : memref<10240x64xf32, #tpu.memory_space<vmem_shared>>)
      tpu.yield
    }) : () -> ()
    %dma_start3A_174 = arith.constant 124 : i32
    %dma_start3A_175 = arith.constant 0 : i32
    %dma_start3A_176 = tpu.memref_slice %arg6[%dma_start3A_174, %dma_start3A_175] : memref<125x80xi32, #tpu.memory_space<vmem>> -> memref<1x80xi32, #tpu.memory_space<vmem>>
    %dma_start3A_177 = tpu.memref_squeeze %dma_start3A_176 : memref<1x80xi32, #tpu.memory_space<vmem>> -> memref<80xi32, #tpu.memory_space<vmem>>
    %dma_start3A_178 = arith.constant 0 : i32
    %dma_start3A_179 = arith.constant 0 : i32
    %dma_start3A_180 = tpu.memref_slice %arg3[%dma_start3A_178, %dma_start3A_179] : memref<10000x64xf32, #tpu.memory_space<hbm>> -> memref<10000x64xf32, #tpu.memory_space<hbm>>
    tpu.enqueue_indirect_dma source(%dma_start3A_180 : memref<10000x64xf32, #tpu.memory_space<hbm>>) target(%arg12 : memref<80x64xf32, #tpu.memory_space<vmem>>) offsets(%dma_start3A_177 : memref<80xi32, #tpu.memory_space<vmem>>) semaphore(%arg23 : memref<!tpu.dma_semaphore, #tpu.memory_space<semaphore_mem>>)
    %dma_wait3A_181 = arith.constant 0 : i32
    %dma_wait3A_182 = arith.constant 0 : i32
    %dma_wait3A_183 = tpu.memref_slice %arg6[%dma_wait3A_181, %dma_wait3A_182] : memref<125x80xi32, #tpu.memory_space<vmem>> -> memref<1x80xi32, #tpu.memory_space<vmem>>
    %dma_wait3A_184 = tpu.memref_squeeze %dma_wait3A_183 : memref<1x80xi32, #tpu.memory_space<vmem>> -> memref<80xi32, #tpu.memory_space<vmem>>
    %dma_wait3A_185 = arith.constant 0 : i32
    %dma_wait3A_186 = arith.constant 0 : i32
    %dma_wait3A_187 = tpu.memref_slice %arg3[%dma_wait3A_185, %dma_wait3A_186] : memref<10000x64xf32, #tpu.memory_space<hbm>> -> memref<10000x64xf32, #tpu.memory_space<hbm>>
    tpu.wait_indirect_dma semaphore(%arg24 : memref<!tpu.dma_semaphore, #tpu.memory_space<semaphore_mem>>) src(%dma_wait3A_187 : memref<10000x64xf32, #tpu.memory_space<hbm>>) dst(%arg13 : memref<80x64xf32, #tpu.memory_space<vmem>>)
    %run_scoped3A_188 = arith.constant 115 : i32
    "tpu.region"() ({
      %run_scoped3A_326 = tpu.sem_alloc : memref<!tpu.dma_semaphore, #tpu.memory_space<semaphore_mem>>
      %dma_start3A_327 = arith.constant 0 : i32
      %dma_start3A_328 = tpu.memref_slice %arg7[%run_scoped3A_188, %dma_start3A_327] : memref<125x80xi32, #tpu.memory_space<vmem>> -> memref<1x80xi32, #tpu.memory_space<vmem>>
      %dma_start3A_329 = tpu.memref_squeeze %dma_start3A_328 : memref<1x80xi32, #tpu.memory_space<vmem>> -> memref<80xi32, #tpu.memory_space<vmem>>
      %dma_start3A_330 = arith.constant 0 : i32
      %dma_start3A_331 = arith.constant 0 : i32
      %dma_start3A_332 = tpu.memref_slice %arg18[%dma_start3A_330, %dma_start3A_331] : memref<10240x64xf32, #tpu.memory_space<vmem_shared>> -> memref<10240x64xf32, #tpu.memory_space<vmem_shared>>
      tpu.enqueue_indirect_dma source(%arg13 : memref<80x64xf32, #tpu.memory_space<vmem>>) target(%dma_start3A_332 : memref<10240x64xf32, #tpu.memory_space<vmem_shared>>) offsets(%dma_start3A_329 : memref<80xi32, #tpu.memory_space<vmem>>) semaphore(%run_scoped3A_326 : memref<!tpu.dma_semaphore, #tpu.memory_space<semaphore_mem>>) {add = true}
      %dma_wait3A_333 = arith.constant 0 : i32
      %dma_wait3A_334 = tpu.memref_slice %arg7[%run_scoped3A_188, %dma_wait3A_333] : memref<125x80xi32, #tpu.memory_space<vmem>> -> memref<1x80xi32, #tpu.memory_space<vmem>>
      %dma_wait3A_335 = tpu.memref_squeeze %dma_wait3A_334 : memref<1x80xi32, #tpu.memory_space<vmem>> -> memref<80xi32, #tpu.memory_space<vmem>>
      %dma_wait3A_336 = arith.constant 0 : i32
      %dma_wait3A_337 = arith.constant 0 : i32
      %dma_wait3A_338 = tpu.memref_slice %arg18[%dma_wait3A_336, %dma_wait3A_337] : memref<10240x64xf32, #tpu.memory_space<vmem_shared>> -> memref<10240x64xf32, #tpu.memory_space<vmem_shared>>
      tpu.wait_indirect_dma semaphore(%run_scoped3A_326 : memref<!tpu.dma_semaphore, #tpu.memory_space<semaphore_mem>>) src(%arg13 : memref<80x64xf32, #tpu.memory_space<vmem>>) dst(%dma_wait3A_338 : memref<10240x64xf32, #tpu.memory_space<vmem_shared>>)
      tpu.yield
    }) : () -> ()
    %dma_wait3A_189 = arith.constant 0 : i32
    %dma_wait3A_190 = arith.constant 0 : i32
    %dma_wait3A_191 = tpu.memref_slice %arg6[%dma_wait3A_189, %dma_wait3A_190] : memref<125x80xi32, #tpu.memory_space<vmem>> -> memref<1x80xi32, #tpu.memory_space<vmem>>
    %dma_wait3A_192 = tpu.memref_squeeze %dma_wait3A_191 : memref<1x80xi32, #tpu.memory_space<vmem>> -> memref<80xi32, #tpu.memory_space<vmem>>
    %dma_wait3A_193 = arith.constant 0 : i32
    %dma_wait3A_194 = arith.constant 0 : i32
    %dma_wait3A_195 = tpu.memref_slice %arg3[%dma_wait3A_193, %dma_wait3A_194] : memref<10000x64xf32, #tpu.memory_space<hbm>> -> memref<10000x64xf32, #tpu.memory_space<hbm>>
    tpu.wait_indirect_dma semaphore(%arg25 : memref<!tpu.dma_semaphore, #tpu.memory_space<semaphore_mem>>) src(%dma_wait3A_195 : memref<10000x64xf32, #tpu.memory_space<hbm>>) dst(%arg14 : memref<80x64xf32, #tpu.memory_space<vmem>>)
    %run_scoped3A_196 = arith.constant 116 : i32
    "tpu.region"() ({
      %run_scoped3A_326 = tpu.sem_alloc : memref<!tpu.dma_semaphore, #tpu.memory_space<semaphore_mem>>
      %dma_start3A_327 = arith.constant 0 : i32
      %dma_start3A_328 = tpu.memref_slice %arg7[%run_scoped3A_196, %dma_start3A_327] : memref<125x80xi32, #tpu.memory_space<vmem>> -> memref<1x80xi32, #tpu.memory_space<vmem>>
      %dma_start3A_329 = tpu.memref_squeeze %dma_start3A_328 : memref<1x80xi32, #tpu.memory_space<vmem>> -> memref<80xi32, #tpu.memory_space<vmem>>
      %dma_start3A_330 = arith.constant 0 : i32
      %dma_start3A_331 = arith.constant 0 : i32
      %dma_start3A_332 = tpu.memref_slice %arg18[%dma_start3A_330, %dma_start3A_331] : memref<10240x64xf32, #tpu.memory_space<vmem_shared>> -> memref<10240x64xf32, #tpu.memory_space<vmem_shared>>
      tpu.enqueue_indirect_dma source(%arg14 : memref<80x64xf32, #tpu.memory_space<vmem>>) target(%dma_start3A_332 : memref<10240x64xf32, #tpu.memory_space<vmem_shared>>) offsets(%dma_start3A_329 : memref<80xi32, #tpu.memory_space<vmem>>) semaphore(%run_scoped3A_326 : memref<!tpu.dma_semaphore, #tpu.memory_space<semaphore_mem>>) {add = true}
      %dma_wait3A_333 = arith.constant 0 : i32
      %dma_wait3A_334 = tpu.memref_slice %arg7[%run_scoped3A_196, %dma_wait3A_333] : memref<125x80xi32, #tpu.memory_space<vmem>> -> memref<1x80xi32, #tpu.memory_space<vmem>>
      %dma_wait3A_335 = tpu.memref_squeeze %dma_wait3A_334 : memref<1x80xi32, #tpu.memory_space<vmem>> -> memref<80xi32, #tpu.memory_space<vmem>>
      %dma_wait3A_336 = arith.constant 0 : i32
      %dma_wait3A_337 = arith.constant 0 : i32
      %dma_wait3A_338 = tpu.memref_slice %arg18[%dma_wait3A_336, %dma_wait3A_337] : memref<10240x64xf32, #tpu.memory_space<vmem_shared>> -> memref<10240x64xf32, #tpu.memory_space<vmem_shared>>
      tpu.wait_indirect_dma semaphore(%run_scoped3A_326 : memref<!tpu.dma_semaphore, #tpu.memory_space<semaphore_mem>>) src(%arg14 : memref<80x64xf32, #tpu.memory_space<vmem>>) dst(%dma_wait3A_338 : memref<10240x64xf32, #tpu.memory_space<vmem_shared>>)
      tpu.yield
    }) : () -> ()
    %dma_wait3A_197 = arith.constant 0 : i32
    %dma_wait3A_198 = arith.constant 0 : i32
    %dma_wait3A_199 = tpu.memref_slice %arg6[%dma_wait3A_197, %dma_wait3A_198] : memref<125x80xi32, #tpu.memory_space<vmem>> -> memref<1x80xi32, #tpu.memory_space<vmem>>
    %dma_wait3A_200 = tpu.memref_squeeze %dma_wait3A_199 : memref<1x80xi32, #tpu.memory_space<vmem>> -> memref<80xi32, #tpu.memory_space<vmem>>
    %dma_wait3A_201 = arith.constant 0 : i32
    %dma_wait3A_202 = arith.constant 0 : i32
    %dma_wait3A_203 = tpu.memref_slice %arg3[%dma_wait3A_201, %dma_wait3A_202] : memref<10000x64xf32, #tpu.memory_space<hbm>> -> memref<10000x64xf32, #tpu.memory_space<hbm>>
    tpu.wait_indirect_dma semaphore(%arg26 : memref<!tpu.dma_semaphore, #tpu.memory_space<semaphore_mem>>) src(%dma_wait3A_203 : memref<10000x64xf32, #tpu.memory_space<hbm>>) dst(%arg15 : memref<80x64xf32, #tpu.memory_space<vmem>>)
    %run_scoped3A_204 = arith.constant 117 : i32
    "tpu.region"() ({
      %run_scoped3A_326 = tpu.sem_alloc : memref<!tpu.dma_semaphore, #tpu.memory_space<semaphore_mem>>
      %dma_start3A_327 = arith.constant 0 : i32
      %dma_start3A_328 = tpu.memref_slice %arg7[%run_scoped3A_204, %dma_start3A_327] : memref<125x80xi32, #tpu.memory_space<vmem>> -> memref<1x80xi32, #tpu.memory_space<vmem>>
      %dma_start3A_329 = tpu.memref_squeeze %dma_start3A_328 : memref<1x80xi32, #tpu.memory_space<vmem>> -> memref<80xi32, #tpu.memory_space<vmem>>
      %dma_start3A_330 = arith.constant 0 : i32
      %dma_start3A_331 = arith.constant 0 : i32
      %dma_start3A_332 = tpu.memref_slice %arg18[%dma_start3A_330, %dma_start3A_331] : memref<10240x64xf32, #tpu.memory_space<vmem_shared>> -> memref<10240x64xf32, #tpu.memory_space<vmem_shared>>
      tpu.enqueue_indirect_dma source(%arg15 : memref<80x64xf32, #tpu.memory_space<vmem>>) target(%dma_start3A_332 : memref<10240x64xf32, #tpu.memory_space<vmem_shared>>) offsets(%dma_start3A_329 : memref<80xi32, #tpu.memory_space<vmem>>) semaphore(%run_scoped3A_326 : memref<!tpu.dma_semaphore, #tpu.memory_space<semaphore_mem>>) {add = true}
      %dma_wait3A_333 = arith.constant 0 : i32
      %dma_wait3A_334 = tpu.memref_slice %arg7[%run_scoped3A_204, %dma_wait3A_333] : memref<125x80xi32, #tpu.memory_space<vmem>> -> memref<1x80xi32, #tpu.memory_space<vmem>>
      %dma_wait3A_335 = tpu.memref_squeeze %dma_wait3A_334 : memref<1x80xi32, #tpu.memory_space<vmem>> -> memref<80xi32, #tpu.memory_space<vmem>>
      %dma_wait3A_336 = arith.constant 0 : i32
      %dma_wait3A_337 = arith.constant 0 : i32
      %dma_wait3A_338 = tpu.memref_slice %arg18[%dma_wait3A_336, %dma_wait3A_337] : memref<10240x64xf32, #tpu.memory_space<vmem_shared>> -> memref<10240x64xf32, #tpu.memory_space<vmem_shared>>
      tpu.wait_indirect_dma semaphore(%run_scoped3A_326 : memref<!tpu.dma_semaphore, #tpu.memory_space<semaphore_mem>>) src(%arg15 : memref<80x64xf32, #tpu.memory_space<vmem>>) dst(%dma_wait3A_338 : memref<10240x64xf32, #tpu.memory_space<vmem_shared>>)
      tpu.yield
    }) : () -> ()
    %dma_wait3A_205 = arith.constant 0 : i32
    %dma_wait3A_206 = arith.constant 0 : i32
    %dma_wait3A_207 = tpu.memref_slice %arg6[%dma_wait3A_205, %dma_wait3A_206] : memref<125x80xi32, #tpu.memory_space<vmem>> -> memref<1x80xi32, #tpu.memory_space<vmem>>
    %dma_wait3A_208 = tpu.memref_squeeze %dma_wait3A_207 : memref<1x80xi32, #tpu.memory_space<vmem>> -> memref<80xi32, #tpu.memory_space<vmem>>
    %dma_wait3A_209 = arith.constant 0 : i32
    %dma_wait3A_210 = arith.constant 0 : i32
    %dma_wait3A_211 = tpu.memref_slice %arg3[%dma_wait3A_209, %dma_wait3A_210] : memref<10000x64xf32, #tpu.memory_space<hbm>> -> memref<10000x64xf32, #tpu.memory_space<hbm>>
    tpu.wait_indirect_dma semaphore(%arg27 : memref<!tpu.dma_semaphore, #tpu.memory_space<semaphore_mem>>) src(%dma_wait3A_211 : memref<10000x64xf32, #tpu.memory_space<hbm>>) dst(%arg16 : memref<80x64xf32, #tpu.memory_space<vmem>>)
    %run_scoped3A_212 = arith.constant 118 : i32
    "tpu.region"() ({
      %run_scoped3A_326 = tpu.sem_alloc : memref<!tpu.dma_semaphore, #tpu.memory_space<semaphore_mem>>
      %dma_start3A_327 = arith.constant 0 : i32
      %dma_start3A_328 = tpu.memref_slice %arg7[%run_scoped3A_212, %dma_start3A_327] : memref<125x80xi32, #tpu.memory_space<vmem>> -> memref<1x80xi32, #tpu.memory_space<vmem>>
      %dma_start3A_329 = tpu.memref_squeeze %dma_start3A_328 : memref<1x80xi32, #tpu.memory_space<vmem>> -> memref<80xi32, #tpu.memory_space<vmem>>
      %dma_start3A_330 = arith.constant 0 : i32
      %dma_start3A_331 = arith.constant 0 : i32
      %dma_start3A_332 = tpu.memref_slice %arg18[%dma_start3A_330, %dma_start3A_331] : memref<10240x64xf32, #tpu.memory_space<vmem_shared>> -> memref<10240x64xf32, #tpu.memory_space<vmem_shared>>
      tpu.enqueue_indirect_dma source(%arg16 : memref<80x64xf32, #tpu.memory_space<vmem>>) target(%dma_start3A_332 : memref<10240x64xf32, #tpu.memory_space<vmem_shared>>) offsets(%dma_start3A_329 : memref<80xi32, #tpu.memory_space<vmem>>) semaphore(%run_scoped3A_326 : memref<!tpu.dma_semaphore, #tpu.memory_space<semaphore_mem>>) {add = true}
      %dma_wait3A_333 = arith.constant 0 : i32
      %dma_wait3A_334 = tpu.memref_slice %arg7[%run_scoped3A_212, %dma_wait3A_333] : memref<125x80xi32, #tpu.memory_space<vmem>> -> memref<1x80xi32, #tpu.memory_space<vmem>>
      %dma_wait3A_335 = tpu.memref_squeeze %dma_wait3A_334 : memref<1x80xi32, #tpu.memory_space<vmem>> -> memref<80xi32, #tpu.memory_space<vmem>>
      %dma_wait3A_336 = arith.constant 0 : i32
      %dma_wait3A_337 = arith.constant 0 : i32
      %dma_wait3A_338 = tpu.memref_slice %arg18[%dma_wait3A_336, %dma_wait3A_337] : memref<10240x64xf32, #tpu.memory_space<vmem_shared>> -> memref<10240x64xf32, #tpu.memory_space<vmem_shared>>
      tpu.wait_indirect_dma semaphore(%run_scoped3A_326 : memref<!tpu.dma_semaphore, #tpu.memory_space<semaphore_mem>>) src(%arg16 : memref<80x64xf32, #tpu.memory_space<vmem>>) dst(%dma_wait3A_338 : memref<10240x64xf32, #tpu.memory_space<vmem_shared>>)
      tpu.yield
    }) : () -> ()
    %dma_wait3A_213 = arith.constant 0 : i32
    %dma_wait3A_214 = arith.constant 0 : i32
    %dma_wait3A_215 = tpu.memref_slice %arg6[%dma_wait3A_213, %dma_wait3A_214] : memref<125x80xi32, #tpu.memory_space<vmem>> -> memref<1x80xi32, #tpu.memory_space<vmem>>
    %dma_wait3A_216 = tpu.memref_squeeze %dma_wait3A_215 : memref<1x80xi32, #tpu.memory_space<vmem>> -> memref<80xi32, #tpu.memory_space<vmem>>
    %dma_wait3A_217 = arith.constant 0 : i32
    %dma_wait3A_218 = arith.constant 0 : i32
    %dma_wait3A_219 = tpu.memref_slice %arg3[%dma_wait3A_217, %dma_wait3A_218] : memref<10000x64xf32, #tpu.memory_space<hbm>> -> memref<10000x64xf32, #tpu.memory_space<hbm>>
    tpu.wait_indirect_dma semaphore(%arg28 : memref<!tpu.dma_semaphore, #tpu.memory_space<semaphore_mem>>) src(%dma_wait3A_219 : memref<10000x64xf32, #tpu.memory_space<hbm>>) dst(%arg17 : memref<80x64xf32, #tpu.memory_space<vmem>>)
    %run_scoped3A_220 = arith.constant 119 : i32
    "tpu.region"() ({
      %run_scoped3A_326 = tpu.sem_alloc : memref<!tpu.dma_semaphore, #tpu.memory_space<semaphore_mem>>
      %dma_start3A_327 = arith.constant 0 : i32
      %dma_start3A_328 = tpu.memref_slice %arg7[%run_scoped3A_220, %dma_start3A_327] : memref<125x80xi32, #tpu.memory_space<vmem>> -> memref<1x80xi32, #tpu.memory_space<vmem>>
      %dma_start3A_329 = tpu.memref_squeeze %dma_start3A_328 : memref<1x80xi32, #tpu.memory_space<vmem>> -> memref<80xi32, #tpu.memory_space<vmem>>
      %dma_start3A_330 = arith.constant 0 : i32
      %dma_start3A_331 = arith.constant 0 : i32
      %dma_start3A_332 = tpu.memref_slice %arg18[%dma_start3A_330, %dma_start3A_331] : memref<10240x64xf32, #tpu.memory_space<vmem_shared>> -> memref<10240x64xf32, #tpu.memory_space<vmem_shared>>
      tpu.enqueue_indirect_dma source(%arg17 : memref<80x64xf32, #tpu.memory_space<vmem>>) target(%dma_start3A_332 : memref<10240x64xf32, #tpu.memory_space<vmem_shared>>) offsets(%dma_start3A_329 : memref<80xi32, #tpu.memory_space<vmem>>) semaphore(%run_scoped3A_326 : memref<!tpu.dma_semaphore, #tpu.memory_space<semaphore_mem>>) {add = true}
      %dma_wait3A_333 = arith.constant 0 : i32
      %dma_wait3A_334 = tpu.memref_slice %arg7[%run_scoped3A_220, %dma_wait3A_333] : memref<125x80xi32, #tpu.memory_space<vmem>> -> memref<1x80xi32, #tpu.memory_space<vmem>>
      %dma_wait3A_335 = tpu.memref_squeeze %dma_wait3A_334 : memref<1x80xi32, #tpu.memory_space<vmem>> -> memref<80xi32, #tpu.memory_space<vmem>>
      %dma_wait3A_336 = arith.constant 0 : i32
      %dma_wait3A_337 = arith.constant 0 : i32
      %dma_wait3A_338 = tpu.memref_slice %arg18[%dma_wait3A_336, %dma_wait3A_337] : memref<10240x64xf32, #tpu.memory_space<vmem_shared>> -> memref<10240x64xf32, #tpu.memory_space<vmem_shared>>
      tpu.wait_indirect_dma semaphore(%run_scoped3A_326 : memref<!tpu.dma_semaphore, #tpu.memory_space<semaphore_mem>>) src(%arg17 : memref<80x64xf32, #tpu.memory_space<vmem>>) dst(%dma_wait3A_338 : memref<10240x64xf32, #tpu.memory_space<vmem_shared>>)
      tpu.yield
    }) : () -> ()
    %dma_wait3A_221 = arith.constant 0 : i32
    %dma_wait3A_222 = arith.constant 0 : i32
    %dma_wait3A_223 = tpu.memref_slice %arg6[%dma_wait3A_221, %dma_wait3A_222] : memref<125x80xi32, #tpu.memory_space<vmem>> -> memref<1x80xi32, #tpu.memory_space<vmem>>
    %dma_wait3A_224 = tpu.memref_squeeze %dma_wait3A_223 : memref<1x80xi32, #tpu.memory_space<vmem>> -> memref<80xi32, #tpu.memory_space<vmem>>
    %dma_wait3A_225 = arith.constant 0 : i32
    %dma_wait3A_226 = arith.constant 0 : i32
    %dma_wait3A_227 = tpu.memref_slice %arg3[%dma_wait3A_225, %dma_wait3A_226] : memref<10000x64xf32, #tpu.memory_space<hbm>> -> memref<10000x64xf32, #tpu.memory_space<hbm>>
    tpu.wait_indirect_dma semaphore(%arg19 : memref<!tpu.dma_semaphore, #tpu.memory_space<semaphore_mem>>) src(%dma_wait3A_227 : memref<10000x64xf32, #tpu.memory_space<hbm>>) dst(%arg8 : memref<80x64xf32, #tpu.memory_space<vmem>>)
    %run_scoped3A_228 = arith.constant 120 : i32
    "tpu.region"() ({
      %run_scoped3A_326 = tpu.sem_alloc : memref<!tpu.dma_semaphore, #tpu.memory_space<semaphore_mem>>
      %dma_start3A_327 = arith.constant 0 : i32
      %dma_start3A_328 = tpu.memref_slice %arg7[%run_scoped3A_228, %dma_start3A_327] : memref<125x80xi32, #tpu.memory_space<vmem>> -> memref<1x80xi32, #tpu.memory_space<vmem>>
      %dma_start3A_329 = tpu.memref_squeeze %dma_start3A_328 : memref<1x80xi32, #tpu.memory_space<vmem>> -> memref<80xi32, #tpu.memory_space<vmem>>
      %dma_start3A_330 = arith.constant 0 : i32
      %dma_start3A_331 = arith.constant 0 : i32
      %dma_start3A_332 = tpu.memref_slice %arg18[%dma_start3A_330, %dma_start3A_331] : memref<10240x64xf32, #tpu.memory_space<vmem_shared>> -> memref<10240x64xf32, #tpu.memory_space<vmem_shared>>
      tpu.enqueue_indirect_dma source(%arg8 : memref<80x64xf32, #tpu.memory_space<vmem>>) target(%dma_start3A_332 : memref<10240x64xf32, #tpu.memory_space<vmem_shared>>) offsets(%dma_start3A_329 : memref<80xi32, #tpu.memory_space<vmem>>) semaphore(%run_scoped3A_326 : memref<!tpu.dma_semaphore, #tpu.memory_space<semaphore_mem>>) {add = true}
      %dma_wait3A_333 = arith.constant 0 : i32
      %dma_wait3A_334 = tpu.memref_slice %arg7[%run_scoped3A_228, %dma_wait3A_333] : memref<125x80xi32, #tpu.memory_space<vmem>> -> memref<1x80xi32, #tpu.memory_space<vmem>>
      %dma_wait3A_335 = tpu.memref_squeeze %dma_wait3A_334 : memref<1x80xi32, #tpu.memory_space<vmem>> -> memref<80xi32, #tpu.memory_space<vmem>>
      %dma_wait3A_336 = arith.constant 0 : i32
      %dma_wait3A_337 = arith.constant 0 : i32
      %dma_wait3A_338 = tpu.memref_slice %arg18[%dma_wait3A_336, %dma_wait3A_337] : memref<10240x64xf32, #tpu.memory_space<vmem_shared>> -> memref<10240x64xf32, #tpu.memory_space<vmem_shared>>
      tpu.wait_indirect_dma semaphore(%run_scoped3A_326 : memref<!tpu.dma_semaphore, #tpu.memory_space<semaphore_mem>>) src(%arg8 : memref<80x64xf32, #tpu.memory_space<vmem>>) dst(%dma_wait3A_338 : memref<10240x64xf32, #tpu.memory_space<vmem_shared>>)
      tpu.yield
    }) : () -> ()
    %dma_wait3A_229 = arith.constant 0 : i32
    %dma_wait3A_230 = arith.constant 0 : i32
    %dma_wait3A_231 = tpu.memref_slice %arg6[%dma_wait3A_229, %dma_wait3A_230] : memref<125x80xi32, #tpu.memory_space<vmem>> -> memref<1x80xi32, #tpu.memory_space<vmem>>
    %dma_wait3A_232 = tpu.memref_squeeze %dma_wait3A_231 : memref<1x80xi32, #tpu.memory_space<vmem>> -> memref<80xi32, #tpu.memory_space<vmem>>
    %dma_wait3A_233 = arith.constant 0 : i32
    %dma_wait3A_234 = arith.constant 0 : i32
    %dma_wait3A_235 = tpu.memref_slice %arg3[%dma_wait3A_233, %dma_wait3A_234] : memref<10000x64xf32, #tpu.memory_space<hbm>> -> memref<10000x64xf32, #tpu.memory_space<hbm>>
    tpu.wait_indirect_dma semaphore(%arg20 : memref<!tpu.dma_semaphore, #tpu.memory_space<semaphore_mem>>) src(%dma_wait3A_235 : memref<10000x64xf32, #tpu.memory_space<hbm>>) dst(%arg9 : memref<80x64xf32, #tpu.memory_space<vmem>>)
    %run_scoped3A_236 = arith.constant 121 : i32
    "tpu.region"() ({
      %run_scoped3A_326 = tpu.sem_alloc : memref<!tpu.dma_semaphore, #tpu.memory_space<semaphore_mem>>
      %dma_start3A_327 = arith.constant 0 : i32
      %dma_start3A_328 = tpu.memref_slice %arg7[%run_scoped3A_236, %dma_start3A_327] : memref<125x80xi32, #tpu.memory_space<vmem>> -> memref<1x80xi32, #tpu.memory_space<vmem>>
      %dma_start3A_329 = tpu.memref_squeeze %dma_start3A_328 : memref<1x80xi32, #tpu.memory_space<vmem>> -> memref<80xi32, #tpu.memory_space<vmem>>
      %dma_start3A_330 = arith.constant 0 : i32
      %dma_start3A_331 = arith.constant 0 : i32
      %dma_start3A_332 = tpu.memref_slice %arg18[%dma_start3A_330, %dma_start3A_331] : memref<10240x64xf32, #tpu.memory_space<vmem_shared>> -> memref<10240x64xf32, #tpu.memory_space<vmem_shared>>
      tpu.enqueue_indirect_dma source(%arg9 : memref<80x64xf32, #tpu.memory_space<vmem>>) target(%dma_start3A_332 : memref<10240x64xf32, #tpu.memory_space<vmem_shared>>) offsets(%dma_start3A_329 : memref<80xi32, #tpu.memory_space<vmem>>) semaphore(%run_scoped3A_326 : memref<!tpu.dma_semaphore, #tpu.memory_space<semaphore_mem>>) {add = true}
      %dma_wait3A_333 = arith.constant 0 : i32
      %dma_wait3A_334 = tpu.memref_slice %arg7[%run_scoped3A_236, %dma_wait3A_333] : memref<125x80xi32, #tpu.memory_space<vmem>> -> memref<1x80xi32, #tpu.memory_space<vmem>>
      %dma_wait3A_335 = tpu.memref_squeeze %dma_wait3A_334 : memref<1x80xi32, #tpu.memory_space<vmem>> -> memref<80xi32, #tpu.memory_space<vmem>>
      %dma_wait3A_336 = arith.constant 0 : i32
      %dma_wait3A_337 = arith.constant 0 : i32
      %dma_wait3A_338 = tpu.memref_slice %arg18[%dma_wait3A_336, %dma_wait3A_337] : memref<10240x64xf32, #tpu.memory_space<vmem_shared>> -> memref<10240x64xf32, #tpu.memory_space<vmem_shared>>
      tpu.wait_indirect_dma semaphore(%run_scoped3A_326 : memref<!tpu.dma_semaphore, #tpu.memory_space<semaphore_mem>>) src(%arg9 : memref<80x64xf32, #tpu.memory_space<vmem>>) dst(%dma_wait3A_338 : memref<10240x64xf32, #tpu.memory_space<vmem_shared>>)
      tpu.yield
    }) : () -> ()
    %dma_wait3A_237 = arith.constant 0 : i32
    %dma_wait3A_238 = arith.constant 0 : i32
    %dma_wait3A_239 = tpu.memref_slice %arg6[%dma_wait3A_237, %dma_wait3A_238] : memref<125x80xi32, #tpu.memory_space<vmem>> -> memref<1x80xi32, #tpu.memory_space<vmem>>
    %dma_wait3A_240 = tpu.memref_squeeze %dma_wait3A_239 : memref<1x80xi32, #tpu.memory_space<vmem>> -> memref<80xi32, #tpu.memory_space<vmem>>
    %dma_wait3A_241 = arith.constant 0 : i32
    %dma_wait3A_242 = arith.constant 0 : i32
    %dma_wait3A_243 = tpu.memref_slice %arg3[%dma_wait3A_241, %dma_wait3A_242] : memref<10000x64xf32, #tpu.memory_space<hbm>> -> memref<10000x64xf32, #tpu.memory_space<hbm>>
    tpu.wait_indirect_dma semaphore(%arg21 : memref<!tpu.dma_semaphore, #tpu.memory_space<semaphore_mem>>) src(%dma_wait3A_243 : memref<10000x64xf32, #tpu.memory_space<hbm>>) dst(%arg10 : memref<80x64xf32, #tpu.memory_space<vmem>>)
    %run_scoped3A_244 = arith.constant 122 : i32
    "tpu.region"() ({
      %run_scoped3A_326 = tpu.sem_alloc : memref<!tpu.dma_semaphore, #tpu.memory_space<semaphore_mem>>
      %dma_start3A_327 = arith.constant 0 : i32
      %dma_start3A_328 = tpu.memref_slice %arg7[%run_scoped3A_244, %dma_start3A_327] : memref<125x80xi32, #tpu.memory_space<vmem>> -> memref<1x80xi32, #tpu.memory_space<vmem>>
      %dma_start3A_329 = tpu.memref_squeeze %dma_start3A_328 : memref<1x80xi32, #tpu.memory_space<vmem>> -> memref<80xi32, #tpu.memory_space<vmem>>
      %dma_start3A_330 = arith.constant 0 : i32
      %dma_start3A_331 = arith.constant 0 : i32
      %dma_start3A_332 = tpu.memref_slice %arg18[%dma_start3A_330, %dma_start3A_331] : memref<10240x64xf32, #tpu.memory_space<vmem_shared>> -> memref<10240x64xf32, #tpu.memory_space<vmem_shared>>
      tpu.enqueue_indirect_dma source(%arg10 : memref<80x64xf32, #tpu.memory_space<vmem>>) target(%dma_start3A_332 : memref<10240x64xf32, #tpu.memory_space<vmem_shared>>) offsets(%dma_start3A_329 : memref<80xi32, #tpu.memory_space<vmem>>) semaphore(%run_scoped3A_326 : memref<!tpu.dma_semaphore, #tpu.memory_space<semaphore_mem>>) {add = true}
      %dma_wait3A_333 = arith.constant 0 : i32
      %dma_wait3A_334 = tpu.memref_slice %arg7[%run_scoped3A_244, %dma_wait3A_333] : memref<125x80xi32, #tpu.memory_space<vmem>> -> memref<1x80xi32, #tpu.memory_space<vmem>>
      %dma_wait3A_335 = tpu.memref_squeeze %dma_wait3A_334 : memref<1x80xi32, #tpu.memory_space<vmem>> -> memref<80xi32, #tpu.memory_space<vmem>>
      %dma_wait3A_336 = arith.constant 0 : i32
      %dma_wait3A_337 = arith.constant 0 : i32
      %dma_wait3A_338 = tpu.memref_slice %arg18[%dma_wait3A_336, %dma_wait3A_337] : memref<10240x64xf32, #tpu.memory_space<vmem_shared>> -> memref<10240x64xf32, #tpu.memory_space<vmem_shared>>
      tpu.wait_indirect_dma semaphore(%run_scoped3A_326 : memref<!tpu.dma_semaphore, #tpu.memory_space<semaphore_mem>>) src(%arg10 : memref<80x64xf32, #tpu.memory_space<vmem>>) dst(%dma_wait3A_338 : memref<10240x64xf32, #tpu.memory_space<vmem_shared>>)
      tpu.yield
    }) : () -> ()
    %dma_wait3A_245 = arith.constant 0 : i32
    %dma_wait3A_246 = arith.constant 0 : i32
    %dma_wait3A_247 = tpu.memref_slice %arg6[%dma_wait3A_245, %dma_wait3A_246] : memref<125x80xi32, #tpu.memory_space<vmem>> -> memref<1x80xi32, #tpu.memory_space<vmem>>
    %dma_wait3A_248 = tpu.memref_squeeze %dma_wait3A_247 : memref<1x80xi32, #tpu.memory_space<vmem>> -> memref<80xi32, #tpu.memory_space<vmem>>
    %dma_wait3A_249 = arith.constant 0 : i32
    %dma_wait3A_250 = arith.constant 0 : i32
    %dma_wait3A_251 = tpu.memref_slice %arg3[%dma_wait3A_249, %dma_wait3A_250] : memref<10000x64xf32, #tpu.memory_space<hbm>> -> memref<10000x64xf32, #tpu.memory_space<hbm>>
    tpu.wait_indirect_dma semaphore(%arg22 : memref<!tpu.dma_semaphore, #tpu.memory_space<semaphore_mem>>) src(%dma_wait3A_251 : memref<10000x64xf32, #tpu.memory_space<hbm>>) dst(%arg11 : memref<80x64xf32, #tpu.memory_space<vmem>>)
    %run_scoped3A_252 = arith.constant 123 : i32
    "tpu.region"() ({
      %run_scoped3A_326 = tpu.sem_alloc : memref<!tpu.dma_semaphore, #tpu.memory_space<semaphore_mem>>
      %dma_start3A_327 = arith.constant 0 : i32
      %dma_start3A_328 = tpu.memref_slice %arg7[%run_scoped3A_252, %dma_start3A_327] : memref<125x80xi32, #tpu.memory_space<vmem>> -> memref<1x80xi32, #tpu.memory_space<vmem>>
      %dma_start3A_329 = tpu.memref_squeeze %dma_start3A_328 : memref<1x80xi32, #tpu.memory_space<vmem>> -> memref<80xi32, #tpu.memory_space<vmem>>
      %dma_start3A_330 = arith.constant 0 : i32
      %dma_start3A_331 = arith.constant 0 : i32
      %dma_start3A_332 = tpu.memref_slice %arg18[%dma_start3A_330, %dma_start3A_331] : memref<10240x64xf32, #tpu.memory_space<vmem_shared>> -> memref<10240x64xf32, #tpu.memory_space<vmem_shared>>
      tpu.enqueue_indirect_dma source(%arg11 : memref<80x64xf32, #tpu.memory_space<vmem>>) target(%dma_start3A_332 : memref<10240x64xf32, #tpu.memory_space<vmem_shared>>) offsets(%dma_start3A_329 : memref<80xi32, #tpu.memory_space<vmem>>) semaphore(%run_scoped3A_326 : memref<!tpu.dma_semaphore, #tpu.memory_space<semaphore_mem>>) {add = true}
      %dma_wait3A_333 = arith.constant 0 : i32
      %dma_wait3A_334 = tpu.memref_slice %arg7[%run_scoped3A_252, %dma_wait3A_333] : memref<125x80xi32, #tpu.memory_space<vmem>> -> memref<1x80xi32, #tpu.memory_space<vmem>>
      %dma_wait3A_335 = tpu.memref_squeeze %dma_wait3A_334 : memref<1x80xi32, #tpu.memory_space<vmem>> -> memref<80xi32, #tpu.memory_space<vmem>>
      %dma_wait3A_336 = arith.constant 0 : i32
      %dma_wait3A_337 = arith.constant 0 : i32
      %dma_wait3A_338 = tpu.memref_slice %arg18[%dma_wait3A_336, %dma_wait3A_337] : memref<10240x64xf32, #tpu.memory_space<vmem_shared>> -> memref<10240x64xf32, #tpu.memory_space<vmem_shared>>
      tpu.wait_indirect_dma semaphore(%run_scoped3A_326 : memref<!tpu.dma_semaphore, #tpu.memory_space<semaphore_mem>>) src(%arg11 : memref<80x64xf32, #tpu.memory_space<vmem>>) dst(%dma_wait3A_338 : memref<10240x64xf32, #tpu.memory_space<vmem_shared>>)
      tpu.yield
    }) : () -> ()
    %dma_wait3A_253 = arith.constant 0 : i32
    %dma_wait3A_254 = arith.constant 0 : i32
    %dma_wait3A_255 = tpu.memref_slice %arg6[%dma_wait3A_253, %dma_wait3A_254] : memref<125x80xi32, #tpu.memory_space<vmem>> -> memref<1x80xi32, #tpu.memory_space<vmem>>
    %dma_wait3A_256 = tpu.memref_squeeze %dma_wait3A_255 : memref<1x80xi32, #tpu.memory_space<vmem>> -> memref<80xi32, #tpu.memory_space<vmem>>
    %dma_wait3A_257 = arith.constant 0 : i32
    %dma_wait3A_258 = arith.constant 0 : i32
    %dma_wait3A_259 = tpu.memref_slice %arg3[%dma_wait3A_257, %dma_wait3A_258] : memref<10000x64xf32, #tpu.memory_space<hbm>> -> memref<10000x64xf32, #tpu.memory_space<hbm>>
    tpu.wait_indirect_dma semaphore(%arg23 : memref<!tpu.dma_semaphore, #tpu.memory_space<semaphore_mem>>) src(%dma_wait3A_259 : memref<10000x64xf32, #tpu.memory_space<hbm>>) dst(%arg12 : memref<80x64xf32, #tpu.memory_space<vmem>>)
    %run_scoped3A_260 = arith.constant 124 : i32
    "tpu.region"() ({
      %run_scoped3A_326 = tpu.sem_alloc : memref<!tpu.dma_semaphore, #tpu.memory_space<semaphore_mem>>
      %dma_start3A_327 = arith.constant 0 : i32
      %dma_start3A_328 = tpu.memref_slice %arg7[%run_scoped3A_260, %dma_start3A_327] : memref<125x80xi32, #tpu.memory_space<vmem>> -> memref<1x80xi32, #tpu.memory_space<vmem>>
      %dma_start3A_329 = tpu.memref_squeeze %dma_start3A_328 : memref<1x80xi32, #tpu.memory_space<vmem>> -> memref<80xi32, #tpu.memory_space<vmem>>
      %dma_start3A_330 = arith.constant 0 : i32
      %dma_start3A_331 = arith.constant 0 : i32
      %dma_start3A_332 = tpu.memref_slice %arg18[%dma_start3A_330, %dma_start3A_331] : memref<10240x64xf32, #tpu.memory_space<vmem_shared>> -> memref<10240x64xf32, #tpu.memory_space<vmem_shared>>
      tpu.enqueue_indirect_dma source(%arg12 : memref<80x64xf32, #tpu.memory_space<vmem>>) target(%dma_start3A_332 : memref<10240x64xf32, #tpu.memory_space<vmem_shared>>) offsets(%dma_start3A_329 : memref<80xi32, #tpu.memory_space<vmem>>) semaphore(%run_scoped3A_326 : memref<!tpu.dma_semaphore, #tpu.memory_space<semaphore_mem>>) {add = true}
      %dma_wait3A_333 = arith.constant 0 : i32
      %dma_wait3A_334 = tpu.memref_slice %arg7[%run_scoped3A_260, %dma_wait3A_333] : memref<125x80xi32, #tpu.memory_space<vmem>> -> memref<1x80xi32, #tpu.memory_space<vmem>>
      %dma_wait3A_335 = tpu.memref_squeeze %dma_wait3A_334 : memref<1x80xi32, #tpu.memory_space<vmem>> -> memref<80xi32, #tpu.memory_space<vmem>>
      %dma_wait3A_336 = arith.constant 0 : i32
      %dma_wait3A_337 = arith.constant 0 : i32
      %dma_wait3A_338 = tpu.memref_slice %arg18[%dma_wait3A_336, %dma_wait3A_337] : memref<10240x64xf32, #tpu.memory_space<vmem_shared>> -> memref<10240x64xf32, #tpu.memory_space<vmem_shared>>
      tpu.wait_indirect_dma semaphore(%run_scoped3A_326 : memref<!tpu.dma_semaphore, #tpu.memory_space<semaphore_mem>>) src(%arg12 : memref<80x64xf32, #tpu.memory_space<vmem>>) dst(%dma_wait3A_338 : memref<10240x64xf32, #tpu.memory_space<vmem_shared>>)
      tpu.yield
    }) : () -> ()
    %barrier3A_261 = arith.constant 0 : index
    tpu.barrier barrier_id(%barrier3A_261)
    %mul3A_262 = arith.constant 640 : i32
    %mul3A_263 = arith.muli %arg1, %mul3A_262 : i32
    %add3A_264 = arith.constant 0 : i32
    %add3A_265 = arith.addi %mul3A_263, %add3A_264 : i32
    "tpu.region"() ({
      %run_scoped3A_326 = tpu.sem_alloc : memref<!tpu.dma_semaphore, #tpu.memory_space<semaphore_mem>>
      %dma_start3A_327 = arith.constant 0 : i32
      %dma_start3A_328 = tpu.memref_slice %arg18[%add3A_265, %dma_start3A_327] : memref<10240x64xf32, #tpu.memory_space<vmem_shared>> -> memref<80x64xf32, #tpu.memory_space<vmem_shared>>
      %dma_start3A_329 = arith.constant 0 : i32
      %dma_start3A_330 = tpu.memref_slice %arg18[%add3A_265, %dma_start3A_329] : memref<10240x64xf32, #tpu.memory_space<vmem_shared>> -> memref<80x64xf32, #tpu.memory_space<vmem_shared>>
      tpu.enqueue_dma source(%dma_start3A_330 : memref<80x64xf32, #tpu.memory_space<vmem_shared>>) target(%arg8 : memref<80x64xf32, #tpu.memory_space<vmem>>) target_semaphore(%run_scoped3A_326 : memref<!tpu.dma_semaphore, #tpu.memory_space<semaphore_mem>>)
      %dma_wait3A_331 = arith.constant 0 : i32
      %dma_wait3A_332 = tpu.memref_slice %arg18[%add3A_265, %dma_wait3A_331] : memref<10240x64xf32, #tpu.memory_space<vmem_shared>> -> memref<80x64xf32, #tpu.memory_space<vmem_shared>>
      %dma_wait3A_333 = arith.constant 0 : i32
      %dma_wait3A_334 = tpu.memref_slice %arg18[%add3A_265, %dma_wait3A_333] : memref<10240x64xf32, #tpu.memory_space<vmem_shared>> -> memref<80x64xf32, #tpu.memory_space<vmem_shared>>
      tpu.wait_dma2 semaphore(%run_scoped3A_326 : memref<!tpu.dma_semaphore, #tpu.memory_space<semaphore_mem>>) src(%dma_wait3A_334 : memref<80x64xf32, #tpu.memory_space<vmem_shared>>) dst(%arg8 : memref<80x64xf32, #tpu.memory_space<vmem>>)
      tpu.yield
    }) : () -> ()
    %mul3A_266 = arith.constant 640 : i32
    %mul3A_267 = arith.muli %arg1, %mul3A_266 : i32
    %add3A_268 = arith.constant 0 : i32
    %add3A_269 = arith.addi %mul3A_267, %add3A_268 : i32
    "tpu.region"() ({
      %run_scoped3A_326 = tpu.sem_alloc : memref<!tpu.dma_semaphore, #tpu.memory_space<semaphore_mem>>
      %dma_start3A_327 = arith.constant 0 : i32
      %dma_start3A_328 = tpu.memref_slice %arg5[%arg0, %add3A_269, %dma_start3A_327] : memref<2x10240x64xf32, #tpu.memory_space<hbm>> -> memref<1x80x64xf32, #tpu.memory_space<hbm>>
      %dma_start3A_329 = tpu.memref_squeeze %dma_start3A_328 : memref<1x80x64xf32, #tpu.memory_space<hbm>> -> memref<80x64xf32, #tpu.memory_space<hbm>>
      %dma_start3A_330 = arith.constant 0 : i32
      %dma_start3A_331 = tpu.memref_slice %arg5[%arg0, %add3A_269, %dma_start3A_330] : memref<2x10240x64xf32, #tpu.memory_space<hbm>> -> memref<1x80x64xf32, #tpu.memory_space<hbm>>
      %dma_start3A_332 = tpu.memref_squeeze %dma_start3A_331 : memref<1x80x64xf32, #tpu.memory_space<hbm>> -> memref<80x64xf32, #tpu.memory_space<hbm>>
      tpu.enqueue_dma source(%arg8 : memref<80x64xf32, #tpu.memory_space<vmem>>) target(%dma_start3A_332 : memref<80x64xf32, #tpu.memory_space<hbm>>) target_semaphore(%run_scoped3A_326 : memref<!tpu.dma_semaphore, #tpu.memory_space<semaphore_mem>>)
      %dma_wait3A_333 = arith.constant 0 : i32
      %dma_wait3A_334 = tpu.memref_slice %arg5[%arg0, %add3A_269, %dma_wait3A_333] : memref<2x10240x64xf32, #tpu.memory_space<hbm>> -> memref<1x80x64xf32, #tpu.memory_space<hbm>>
      %dma_wait3A_335 = tpu.memref_squeeze %dma_wait3A_334 : memref<1x80x64xf32, #tpu.memory_space<hbm>> -> memref<80x64xf32, #tpu.memory_space<hbm>>
      %dma_wait3A_336 = arith.constant 0 : i32
      %dma_wait3A_337 = tpu.memref_slice %arg5[%arg0, %add3A_269, %dma_wait3A_336] : memref<2x10240x64xf32, #tpu.memory_space<hbm>> -> memref<1x80x64xf32, #tpu.memory_space<hbm>>
      %dma_wait3A_338 = tpu.memref_squeeze %dma_wait3A_337 : memref<1x80x64xf32, #tpu.memory_space<hbm>> -> memref<80x64xf32, #tpu.memory_space<hbm>>
      tpu.wait_dma2 semaphore(%run_scoped3A_326 : memref<!tpu.dma_semaphore, #tpu.memory_space<semaphore_mem>>) src(%arg8 : memref<80x64xf32, #tpu.memory_space<vmem>>) dst(%dma_wait3A_338 : memref<80x64xf32, #tpu.memory_space<hbm>>)
      tpu.yield
    }) : () -> ()
    %mul3A_270 = arith.constant 640 : i32
    %mul3A_271 = arith.muli %arg1, %mul3A_270 : i32
    %add3A_272 = arith.constant 80 : i32
    %add3A_273 = arith.addi %mul3A_271, %add3A_272 : i32
    "tpu.region"() ({
      %run_scoped3A_326 = tpu.sem_alloc : memref<!tpu.dma_semaphore, #tpu.memory_space<semaphore_mem>>
      %dma_start3A_327 = arith.constant 0 : i32
      %dma_start3A_328 = tpu.memref_slice %arg18[%add3A_273, %dma_start3A_327] : memref<10240x64xf32, #tpu.memory_space<vmem_shared>> -> memref<80x64xf32, #tpu.memory_space<vmem_shared>>
      %dma_start3A_329 = arith.constant 0 : i32
      %dma_start3A_330 = tpu.memref_slice %arg18[%add3A_273, %dma_start3A_329] : memref<10240x64xf32, #tpu.memory_space<vmem_shared>> -> memref<80x64xf32, #tpu.memory_space<vmem_shared>>
      tpu.enqueue_dma source(%dma_start3A_330 : memref<80x64xf32, #tpu.memory_space<vmem_shared>>) target(%arg8 : memref<80x64xf32, #tpu.memory_space<vmem>>) target_semaphore(%run_scoped3A_326 : memref<!tpu.dma_semaphore, #tpu.memory_space<semaphore_mem>>)
      %dma_wait3A_331 = arith.constant 0 : i32
      %dma_wait3A_332 = tpu.memref_slice %arg18[%add3A_273, %dma_wait3A_331] : memref<10240x64xf32, #tpu.memory_space<vmem_shared>> -> memref<80x64xf32, #tpu.memory_space<vmem_shared>>
      %dma_wait3A_333 = arith.constant 0 : i32
      %dma_wait3A_334 = tpu.memref_slice %arg18[%add3A_273, %dma_wait3A_333] : memref<10240x64xf32, #tpu.memory_space<vmem_shared>> -> memref<80x64xf32, #tpu.memory_space<vmem_shared>>
      tpu.wait_dma2 semaphore(%run_scoped3A_326 : memref<!tpu.dma_semaphore, #tpu.memory_space<semaphore_mem>>) src(%dma_wait3A_334 : memref<80x64xf32, #tpu.memory_space<vmem_shared>>) dst(%arg8 : memref<80x64xf32, #tpu.memory_space<vmem>>)
      tpu.yield
    }) : () -> ()
    %mul3A_274 = arith.constant 640 : i32
    %mul3A_275 = arith.muli %arg1, %mul3A_274 : i32
    %add3A_276 = arith.constant 80 : i32
    %add3A_277 = arith.addi %mul3A_275, %add3A_276 : i32
    "tpu.region"() ({
      %run_scoped3A_326 = tpu.sem_alloc : memref<!tpu.dma_semaphore, #tpu.memory_space<semaphore_mem>>
      %dma_start3A_327 = arith.constant 0 : i32
      %dma_start3A_328 = tpu.memref_slice %arg5[%arg0, %add3A_277, %dma_start3A_327] : memref<2x10240x64xf32, #tpu.memory_space<hbm>> -> memref<1x80x64xf32, #tpu.memory_space<hbm>>
      %dma_start3A_329 = tpu.memref_squeeze %dma_start3A_328 : memref<1x80x64xf32, #tpu.memory_space<hbm>> -> memref<80x64xf32, #tpu.memory_space<hbm>>
      %dma_start3A_330 = arith.constant 0 : i32
      %dma_start3A_331 = tpu.memref_slice %arg5[%arg0, %add3A_277, %dma_start3A_330] : memref<2x10240x64xf32, #tpu.memory_space<hbm>> -> memref<1x80x64xf32, #tpu.memory_space<hbm>>
      %dma_start3A_332 = tpu.memref_squeeze %dma_start3A_331 : memref<1x80x64xf32, #tpu.memory_space<hbm>> -> memref<80x64xf32, #tpu.memory_space<hbm>>
      tpu.enqueue_dma source(%arg8 : memref<80x64xf32, #tpu.memory_space<vmem>>) target(%dma_start3A_332 : memref<80x64xf32, #tpu.memory_space<hbm>>) target_semaphore(%run_scoped3A_326 : memref<!tpu.dma_semaphore, #tpu.memory_space<semaphore_mem>>)
      %dma_wait3A_333 = arith.constant 0 : i32
      %dma_wait3A_334 = tpu.memref_slice %arg5[%arg0, %add3A_277, %dma_wait3A_333] : memref<2x10240x64xf32, #tpu.memory_space<hbm>> -> memref<1x80x64xf32, #tpu.memory_space<hbm>>
      %dma_wait3A_335 = tpu.memref_squeeze %dma_wait3A_334 : memref<1x80x64xf32, #tpu.memory_space<hbm>> -> memref<80x64xf32, #tpu.memory_space<hbm>>
      %dma_wait3A_336 = arith.constant 0 : i32
      %dma_wait3A_337 = tpu.memref_slice %arg5[%arg0, %add3A_277, %dma_wait3A_336] : memref<2x10240x64xf32, #tpu.memory_space<hbm>> -> memref<1x80x64xf32, #tpu.memory_space<hbm>>
      %dma_wait3A_338 = tpu.memref_squeeze %dma_wait3A_337 : memref<1x80x64xf32, #tpu.memory_space<hbm>> -> memref<80x64xf32, #tpu.memory_space<hbm>>
      tpu.wait_dma2 semaphore(%run_scoped3A_326 : memref<!tpu.dma_semaphore, #tpu.memory_space<semaphore_mem>>) src(%arg8 : memref<80x64xf32, #tpu.memory_space<vmem>>) dst(%dma_wait3A_338 : memref<80x64xf32, #tpu.memory_space<hbm>>)
      tpu.yield
    }) : () -> ()
    %mul3A_278 = arith.constant 640 : i32
    %mul3A_279 = arith.muli %arg1, %mul3A_278 : i32
    %add3A_280 = arith.constant 160 : i32
    %add3A_281 = arith.addi %mul3A_279, %add3A_280 : i32
    "tpu.region"() ({
      %run_scoped3A_326 = tpu.sem_alloc : memref<!tpu.dma_semaphore, #tpu.memory_space<semaphore_mem>>
      %dma_start3A_327 = arith.constant 0 : i32
      %dma_start3A_328 = tpu.memref_slice %arg18[%add3A_281, %dma_start3A_327] : memref<10240x64xf32, #tpu.memory_space<vmem_shared>> -> memref<80x64xf32, #tpu.memory_space<vmem_shared>>
      %dma_start3A_329 = arith.constant 0 : i32
      %dma_start3A_330 = tpu.memref_slice %arg18[%add3A_281, %dma_start3A_329] : memref<10240x64xf32, #tpu.memory_space<vmem_shared>> -> memref<80x64xf32, #tpu.memory_space<vmem_shared>>
      tpu.enqueue_dma source(%dma_start3A_330 : memref<80x64xf32, #tpu.memory_space<vmem_shared>>) target(%arg8 : memref<80x64xf32, #tpu.memory_space<vmem>>) target_semaphore(%run_scoped3A_326 : memref<!tpu.dma_semaphore, #tpu.memory_space<semaphore_mem>>)
      %dma_wait3A_331 = arith.constant 0 : i32
      %dma_wait3A_332 = tpu.memref_slice %arg18[%add3A_281, %dma_wait3A_331] : memref<10240x64xf32, #tpu.memory_space<vmem_shared>> -> memref<80x64xf32, #tpu.memory_space<vmem_shared>>
      %dma_wait3A_333 = arith.constant 0 : i32
      %dma_wait3A_334 = tpu.memref_slice %arg18[%add3A_281, %dma_wait3A_333] : memref<10240x64xf32, #tpu.memory_space<vmem_shared>> -> memref<80x64xf32, #tpu.memory_space<vmem_shared>>
      tpu.wait_dma2 semaphore(%run_scoped3A_326 : memref<!tpu.dma_semaphore, #tpu.memory_space<semaphore_mem>>) src(%dma_wait3A_334 : memref<80x64xf32, #tpu.memory_space<vmem_shared>>) dst(%arg8 : memref<80x64xf32, #tpu.memory_space<vmem>>)
      tpu.yield
    }) : () -> ()
    %mul3A_282 = arith.constant 640 : i32
    %mul3A_283 = arith.muli %arg1, %mul3A_282 : i32
    %add3A_284 = arith.constant 160 : i32
    %add3A_285 = arith.addi %mul3A_283, %add3A_284 : i32
    "tpu.region"() ({
      %run_scoped3A_326 = tpu.sem_alloc : memref<!tpu.dma_semaphore, #tpu.memory_space<semaphore_mem>>
      %dma_start3A_327 = arith.constant 0 : i32
      %dma_start3A_328 = tpu.memref_slice %arg5[%arg0, %add3A_285, %dma_start3A_327] : memref<2x10240x64xf32, #tpu.memory_space<hbm>> -> memref<1x80x64xf32, #tpu.memory_space<hbm>>
      %dma_start3A_329 = tpu.memref_squeeze %dma_start3A_328 : memref<1x80x64xf32, #tpu.memory_space<hbm>> -> memref<80x64xf32, #tpu.memory_space<hbm>>
      %dma_start3A_330 = arith.constant 0 : i32
      %dma_start3A_331 = tpu.memref_slice %arg5[%arg0, %add3A_285, %dma_start3A_330] : memref<2x10240x64xf32, #tpu.memory_space<hbm>> -> memref<1x80x64xf32, #tpu.memory_space<hbm>>
      %dma_start3A_332 = tpu.memref_squeeze %dma_start3A_331 : memref<1x80x64xf32, #tpu.memory_space<hbm>> -> memref<80x64xf32, #tpu.memory_space<hbm>>
      tpu.enqueue_dma source(%arg8 : memref<80x64xf32, #tpu.memory_space<vmem>>) target(%dma_start3A_332 : memref<80x64xf32, #tpu.memory_space<hbm>>) target_semaphore(%run_scoped3A_326 : memref<!tpu.dma_semaphore, #tpu.memory_space<semaphore_mem>>)
      %dma_wait3A_333 = arith.constant 0 : i32
      %dma_wait3A_334 = tpu.memref_slice %arg5[%arg0, %add3A_285, %dma_wait3A_333] : memref<2x10240x64xf32, #tpu.memory_space<hbm>> -> memref<1x80x64xf32, #tpu.memory_space<hbm>>
      %dma_wait3A_335 = tpu.memref_squeeze %dma_wait3A_334 : memref<1x80x64xf32, #tpu.memory_space<hbm>> -> memref<80x64xf32, #tpu.memory_space<hbm>>
      %dma_wait3A_336 = arith.constant 0 : i32
      %dma_wait3A_337 = tpu.memref_slice %arg5[%arg0, %add3A_285, %dma_wait3A_336] : memref<2x10240x64xf32, #tpu.memory_space<hbm>> -> memref<1x80x64xf32, #tpu.memory_space<hbm>>
      %dma_wait3A_338 = tpu.memref_squeeze %dma_wait3A_337 : memref<1x80x64xf32, #tpu.memory_space<hbm>> -> memref<80x64xf32, #tpu.memory_space<hbm>>
      tpu.wait_dma2 semaphore(%run_scoped3A_326 : memref<!tpu.dma_semaphore, #tpu.memory_space<semaphore_mem>>) src(%arg8 : memref<80x64xf32, #tpu.memory_space<vmem>>) dst(%dma_wait3A_338 : memref<80x64xf32, #tpu.memory_space<hbm>>)
      tpu.yield
    }) : () -> ()
    %mul3A_286 = arith.constant 640 : i32
    %mul3A_287 = arith.muli %arg1, %mul3A_286 : i32
    %add3A_288 = arith.constant 240 : i32
    %add3A_289 = arith.addi %mul3A_287, %add3A_288 : i32
    "tpu.region"() ({
      %run_scoped3A_326 = tpu.sem_alloc : memref<!tpu.dma_semaphore, #tpu.memory_space<semaphore_mem>>
      %dma_start3A_327 = arith.constant 0 : i32
      %dma_start3A_328 = tpu.memref_slice %arg18[%add3A_289, %dma_start3A_327] : memref<10240x64xf32, #tpu.memory_space<vmem_shared>> -> memref<80x64xf32, #tpu.memory_space<vmem_shared>>
      %dma_start3A_329 = arith.constant 0 : i32
      %dma_start3A_330 = tpu.memref_slice %arg18[%add3A_289, %dma_start3A_329] : memref<10240x64xf32, #tpu.memory_space<vmem_shared>> -> memref<80x64xf32, #tpu.memory_space<vmem_shared>>
      tpu.enqueue_dma source(%dma_start3A_330 : memref<80x64xf32, #tpu.memory_space<vmem_shared>>) target(%arg8 : memref<80x64xf32, #tpu.memory_space<vmem>>) target_semaphore(%run_scoped3A_326 : memref<!tpu.dma_semaphore, #tpu.memory_space<semaphore_mem>>)
      %dma_wait3A_331 = arith.constant 0 : i32
      %dma_wait3A_332 = tpu.memref_slice %arg18[%add3A_289, %dma_wait3A_331] : memref<10240x64xf32, #tpu.memory_space<vmem_shared>> -> memref<80x64xf32, #tpu.memory_space<vmem_shared>>
      %dma_wait3A_333 = arith.constant 0 : i32
      %dma_wait3A_334 = tpu.memref_slice %arg18[%add3A_289, %dma_wait3A_333] : memref<10240x64xf32, #tpu.memory_space<vmem_shared>> -> memref<80x64xf32, #tpu.memory_space<vmem_shared>>
      tpu.wait_dma2 semaphore(%run_scoped3A_326 : memref<!tpu.dma_semaphore, #tpu.memory_space<semaphore_mem>>) src(%dma_wait3A_334 : memref<80x64xf32, #tpu.memory_space<vmem_shared>>) dst(%arg8 : memref<80x64xf32, #tpu.memory_space<vmem>>)
      tpu.yield
    }) : () -> ()
    %mul3A_290 = arith.constant 640 : i32
    %mul3A_291 = arith.muli %arg1, %mul3A_290 : i32
    %add3A_292 = arith.constant 240 : i32
    %add3A_293 = arith.addi %mul3A_291, %add3A_292 : i32
    "tpu.region"() ({
      %run_scoped3A_326 = tpu.sem_alloc : memref<!tpu.dma_semaphore, #tpu.memory_space<semaphore_mem>>
      %dma_start3A_327 = arith.constant 0 : i32
      %dma_start3A_328 = tpu.memref_slice %arg5[%arg0, %add3A_293, %dma_start3A_327] : memref<2x10240x64xf32, #tpu.memory_space<hbm>> -> memref<1x80x64xf32, #tpu.memory_space<hbm>>
      %dma_start3A_329 = tpu.memref_squeeze %dma_start3A_328 : memref<1x80x64xf32, #tpu.memory_space<hbm>> -> memref<80x64xf32, #tpu.memory_space<hbm>>
      %dma_start3A_330 = arith.constant 0 : i32
      %dma_start3A_331 = tpu.memref_slice %arg5[%arg0, %add3A_293, %dma_start3A_330] : memref<2x10240x64xf32, #tpu.memory_space<hbm>> -> memref<1x80x64xf32, #tpu.memory_space<hbm>>
      %dma_start3A_332 = tpu.memref_squeeze %dma_start3A_331 : memref<1x80x64xf32, #tpu.memory_space<hbm>> -> memref<80x64xf32, #tpu.memory_space<hbm>>
      tpu.enqueue_dma source(%arg8 : memref<80x64xf32, #tpu.memory_space<vmem>>) target(%dma_start3A_332 : memref<80x64xf32, #tpu.memory_space<hbm>>) target_semaphore(%run_scoped3A_326 : memref<!tpu.dma_semaphore, #tpu.memory_space<semaphore_mem>>)
      %dma_wait3A_333 = arith.constant 0 : i32
      %dma_wait3A_334 = tpu.memref_slice %arg5[%arg0, %add3A_293, %dma_wait3A_333] : memref<2x10240x64xf32, #tpu.memory_space<hbm>> -> memref<1x80x64xf32, #tpu.memory_space<hbm>>
      %dma_wait3A_335 = tpu.memref_squeeze %dma_wait3A_334 : memref<1x80x64xf32, #tpu.memory_space<hbm>> -> memref<80x64xf32, #tpu.memory_space<hbm>>
      %dma_wait3A_336 = arith.constant 0 : i32
      %dma_wait3A_337 = tpu.memref_slice %arg5[%arg0, %add3A_293, %dma_wait3A_336] : memref<2x10240x64xf32, #tpu.memory_space<hbm>> -> memref<1x80x64xf32, #tpu.memory_space<hbm>>
      %dma_wait3A_338 = tpu.memref_squeeze %dma_wait3A_337 : memref<1x80x64xf32, #tpu.memory_space<hbm>> -> memref<80x64xf32, #tpu.memory_space<hbm>>
      tpu.wait_dma2 semaphore(%run_scoped3A_326 : memref<!tpu.dma_semaphore, #tpu.memory_space<semaphore_mem>>) src(%arg8 : memref<80x64xf32, #tpu.memory_space<vmem>>) dst(%dma_wait3A_338 : memref<80x64xf32, #tpu.memory_space<hbm>>)
      tpu.yield
    }) : () -> ()
    %mul3A_294 = arith.constant 640 : i32
    %mul3A_295 = arith.muli %arg1, %mul3A_294 : i32
    %add3A_296 = arith.constant 320 : i32
    %add3A_297 = arith.addi %mul3A_295, %add3A_296 : i32
    "tpu.region"() ({
      %run_scoped3A_326 = tpu.sem_alloc : memref<!tpu.dma_semaphore, #tpu.memory_space<semaphore_mem>>
      %dma_start3A_327 = arith.constant 0 : i32
      %dma_start3A_328 = tpu.memref_slice %arg18[%add3A_297, %dma_start3A_327] : memref<10240x64xf32, #tpu.memory_space<vmem_shared>> -> memref<80x64xf32, #tpu.memory_space<vmem_shared>>
      %dma_start3A_329 = arith.constant 0 : i32
      %dma_start3A_330 = tpu.memref_slice %arg18[%add3A_297, %dma_start3A_329] : memref<10240x64xf32, #tpu.memory_space<vmem_shared>> -> memref<80x64xf32, #tpu.memory_space<vmem_shared>>
      tpu.enqueue_dma source(%dma_start3A_330 : memref<80x64xf32, #tpu.memory_space<vmem_shared>>) target(%arg8 : memref<80x64xf32, #tpu.memory_space<vmem>>) target_semaphore(%run_scoped3A_326 : memref<!tpu.dma_semaphore, #tpu.memory_space<semaphore_mem>>)
      %dma_wait3A_331 = arith.constant 0 : i32
      %dma_wait3A_332 = tpu.memref_slice %arg18[%add3A_297, %dma_wait3A_331] : memref<10240x64xf32, #tpu.memory_space<vmem_shared>> -> memref<80x64xf32, #tpu.memory_space<vmem_shared>>
      %dma_wait3A_333 = arith.constant 0 : i32
      %dma_wait3A_334 = tpu.memref_slice %arg18[%add3A_297, %dma_wait3A_333] : memref<10240x64xf32, #tpu.memory_space<vmem_shared>> -> memref<80x64xf32, #tpu.memory_space<vmem_shared>>
      tpu.wait_dma2 semaphore(%run_scoped3A_326 : memref<!tpu.dma_semaphore, #tpu.memory_space<semaphore_mem>>) src(%dma_wait3A_334 : memref<80x64xf32, #tpu.memory_space<vmem_shared>>) dst(%arg8 : memref<80x64xf32, #tpu.memory_space<vmem>>)
      tpu.yield
    }) : () -> ()
    %mul3A_298 = arith.constant 640 : i32
    %mul3A_299 = arith.muli %arg1, %mul3A_298 : i32
    %add3A_300 = arith.constant 320 : i32
    %add3A_301 = arith.addi %mul3A_299, %add3A_300 : i32
    "tpu.region"() ({
      %run_scoped3A_326 = tpu.sem_alloc : memref<!tpu.dma_semaphore, #tpu.memory_space<semaphore_mem>>
      %dma_start3A_327 = arith.constant 0 : i32
      %dma_start3A_328 = tpu.memref_slice %arg5[%arg0, %add3A_301, %dma_start3A_327] : memref<2x10240x64xf32, #tpu.memory_space<hbm>> -> memref<1x80x64xf32, #tpu.memory_space<hbm>>
      %dma_start3A_329 = tpu.memref_squeeze %dma_start3A_328 : memref<1x80x64xf32, #tpu.memory_space<hbm>> -> memref<80x64xf32, #tpu.memory_space<hbm>>
      %dma_start3A_330 = arith.constant 0 : i32
      %dma_start3A_331 = tpu.memref_slice %arg5[%arg0, %add3A_301, %dma_start3A_330] : memref<2x10240x64xf32, #tpu.memory_space<hbm>> -> memref<1x80x64xf32, #tpu.memory_space<hbm>>
      %dma_start3A_332 = tpu.memref_squeeze %dma_start3A_331 : memref<1x80x64xf32, #tpu.memory_space<hbm>> -> memref<80x64xf32, #tpu.memory_space<hbm>>
      tpu.enqueue_dma source(%arg8 : memref<80x64xf32, #tpu.memory_space<vmem>>) target(%dma_start3A_332 : memref<80x64xf32, #tpu.memory_space<hbm>>) target_semaphore(%run_scoped3A_326 : memref<!tpu.dma_semaphore, #tpu.memory_space<semaphore_mem>>)
      %dma_wait3A_333 = arith.constant 0 : i32
      %dma_wait3A_334 = tpu.memref_slice %arg5[%arg0, %add3A_301, %dma_wait3A_333] : memref<2x10240x64xf32, #tpu.memory_space<hbm>> -> memref<1x80x64xf32, #tpu.memory_space<hbm>>
      %dma_wait3A_335 = tpu.memref_squeeze %dma_wait3A_334 : memref<1x80x64xf32, #tpu.memory_space<hbm>> -> memref<80x64xf32, #tpu.memory_space<hbm>>
      %dma_wait3A_336 = arith.constant 0 : i32
      %dma_wait3A_337 = tpu.memref_slice %arg5[%arg0, %add3A_301, %dma_wait3A_336] : memref<2x10240x64xf32, #tpu.memory_space<hbm>> -> memref<1x80x64xf32, #tpu.memory_space<hbm>>
      %dma_wait3A_338 = tpu.memref_squeeze %dma_wait3A_337 : memref<1x80x64xf32, #tpu.memory_space<hbm>> -> memref<80x64xf32, #tpu.memory_space<hbm>>
      tpu.wait_dma2 semaphore(%run_scoped3A_326 : memref<!tpu.dma_semaphore, #tpu.memory_space<semaphore_mem>>) src(%arg8 : memref<80x64xf32, #tpu.memory_space<vmem>>) dst(%dma_wait3A_338 : memref<80x64xf32, #tpu.memory_space<hbm>>)
      tpu.yield
    }) : () -> ()
    %mul3A_302 = arith.constant 640 : i32
    %mul3A_303 = arith.muli %arg1, %mul3A_302 : i32
    %add3A_304 = arith.constant 400 : i32
    %add3A_305 = arith.addi %mul3A_303, %add3A_304 : i32
    "tpu.region"() ({
      %run_scoped3A_326 = tpu.sem_alloc : memref<!tpu.dma_semaphore, #tpu.memory_space<semaphore_mem>>
      %dma_start3A_327 = arith.constant 0 : i32
      %dma_start3A_328 = tpu.memref_slice %arg18[%add3A_305, %dma_start3A_327] : memref<10240x64xf32, #tpu.memory_space<vmem_shared>> -> memref<80x64xf32, #tpu.memory_space<vmem_shared>>
      %dma_start3A_329 = arith.constant 0 : i32
      %dma_start3A_330 = tpu.memref_slice %arg18[%add3A_305, %dma_start3A_329] : memref<10240x64xf32, #tpu.memory_space<vmem_shared>> -> memref<80x64xf32, #tpu.memory_space<vmem_shared>>
      tpu.enqueue_dma source(%dma_start3A_330 : memref<80x64xf32, #tpu.memory_space<vmem_shared>>) target(%arg8 : memref<80x64xf32, #tpu.memory_space<vmem>>) target_semaphore(%run_scoped3A_326 : memref<!tpu.dma_semaphore, #tpu.memory_space<semaphore_mem>>)
      %dma_wait3A_331 = arith.constant 0 : i32
      %dma_wait3A_332 = tpu.memref_slice %arg18[%add3A_305, %dma_wait3A_331] : memref<10240x64xf32, #tpu.memory_space<vmem_shared>> -> memref<80x64xf32, #tpu.memory_space<vmem_shared>>
      %dma_wait3A_333 = arith.constant 0 : i32
      %dma_wait3A_334 = tpu.memref_slice %arg18[%add3A_305, %dma_wait3A_333] : memref<10240x64xf32, #tpu.memory_space<vmem_shared>> -> memref<80x64xf32, #tpu.memory_space<vmem_shared>>
      tpu.wait_dma2 semaphore(%run_scoped3A_326 : memref<!tpu.dma_semaphore, #tpu.memory_space<semaphore_mem>>) src(%dma_wait3A_334 : memref<80x64xf32, #tpu.memory_space<vmem_shared>>) dst(%arg8 : memref<80x64xf32, #tpu.memory_space<vmem>>)
      tpu.yield
    }) : () -> ()
    %mul3A_306 = arith.constant 640 : i32
    %mul3A_307 = arith.muli %arg1, %mul3A_306 : i32
    %add3A_308 = arith.constant 400 : i32
    %add3A_309 = arith.addi %mul3A_307, %add3A_308 : i32
    "tpu.region"() ({
      %run_scoped3A_326 = tpu.sem_alloc : memref<!tpu.dma_semaphore, #tpu.memory_space<semaphore_mem>>
      %dma_start3A_327 = arith.constant 0 : i32
      %dma_start3A_328 = tpu.memref_slice %arg5[%arg0, %add3A_309, %dma_start3A_327] : memref<2x10240x64xf32, #tpu.memory_space<hbm>> -> memref<1x80x64xf32, #tpu.memory_space<hbm>>
      %dma_start3A_329 = tpu.memref_squeeze %dma_start3A_328 : memref<1x80x64xf32, #tpu.memory_space<hbm>> -> memref<80x64xf32, #tpu.memory_space<hbm>>
      %dma_start3A_330 = arith.constant 0 : i32
      %dma_start3A_331 = tpu.memref_slice %arg5[%arg0, %add3A_309, %dma_start3A_330] : memref<2x10240x64xf32, #tpu.memory_space<hbm>> -> memref<1x80x64xf32, #tpu.memory_space<hbm>>
      %dma_start3A_332 = tpu.memref_squeeze %dma_start3A_331 : memref<1x80x64xf32, #tpu.memory_space<hbm>> -> memref<80x64xf32, #tpu.memory_space<hbm>>
      tpu.enqueue_dma source(%arg8 : memref<80x64xf32, #tpu.memory_space<vmem>>) target(%dma_start3A_332 : memref<80x64xf32, #tpu.memory_space<hbm>>) target_semaphore(%run_scoped3A_326 : memref<!tpu.dma_semaphore, #tpu.memory_space<semaphore_mem>>)
      %dma_wait3A_333 = arith.constant 0 : i32
      %dma_wait3A_334 = tpu.memref_slice %arg5[%arg0, %add3A_309, %dma_wait3A_333] : memref<2x10240x64xf32, #tpu.memory_space<hbm>> -> memref<1x80x64xf32, #tpu.memory_space<hbm>>
      %dma_wait3A_335 = tpu.memref_squeeze %dma_wait3A_334 : memref<1x80x64xf32, #tpu.memory_space<hbm>> -> memref<80x64xf32, #tpu.memory_space<hbm>>
      %dma_wait3A_336 = arith.constant 0 : i32
      %dma_wait3A_337 = tpu.memref_slice %arg5[%arg0, %add3A_309, %dma_wait3A_336] : memref<2x10240x64xf32, #tpu.memory_space<hbm>> -> memref<1x80x64xf32, #tpu.memory_space<hbm>>
      %dma_wait3A_338 = tpu.memref_squeeze %dma_wait3A_337 : memref<1x80x64xf32, #tpu.memory_space<hbm>> -> memref<80x64xf32, #tpu.memory_space<hbm>>
      tpu.wait_dma2 semaphore(%run_scoped3A_326 : memref<!tpu.dma_semaphore, #tpu.memory_space<semaphore_mem>>) src(%arg8 : memref<80x64xf32, #tpu.memory_space<vmem>>) dst(%dma_wait3A_338 : memref<80x64xf32, #tpu.memory_space<hbm>>)
      tpu.yield
    }) : () -> ()
    %mul3A_310 = arith.constant 640 : i32
    %mul3A_311 = arith.muli %arg1, %mul3A_310 : i32
    %add3A_312 = arith.constant 480 : i32
    %add3A_313 = arith.addi %mul3A_311, %add3A_312 : i32
    "tpu.region"() ({
      %run_scoped3A_326 = tpu.sem_alloc : memref<!tpu.dma_semaphore, #tpu.memory_space<semaphore_mem>>
      %dma_start3A_327 = arith.constant 0 : i32
      %dma_start3A_328 = tpu.memref_slice %arg18[%add3A_313, %dma_start3A_327] : memref<10240x64xf32, #tpu.memory_space<vmem_shared>> -> memref<80x64xf32, #tpu.memory_space<vmem_shared>>
      %dma_start3A_329 = arith.constant 0 : i32
      %dma_start3A_330 = tpu.memref_slice %arg18[%add3A_313, %dma_start3A_329] : memref<10240x64xf32, #tpu.memory_space<vmem_shared>> -> memref<80x64xf32, #tpu.memory_space<vmem_shared>>
      tpu.enqueue_dma source(%dma_start3A_330 : memref<80x64xf32, #tpu.memory_space<vmem_shared>>) target(%arg8 : memref<80x64xf32, #tpu.memory_space<vmem>>) target_semaphore(%run_scoped3A_326 : memref<!tpu.dma_semaphore, #tpu.memory_space<semaphore_mem>>)
      %dma_wait3A_331 = arith.constant 0 : i32
      %dma_wait3A_332 = tpu.memref_slice %arg18[%add3A_313, %dma_wait3A_331] : memref<10240x64xf32, #tpu.memory_space<vmem_shared>> -> memref<80x64xf32, #tpu.memory_space<vmem_shared>>
      %dma_wait3A_333 = arith.constant 0 : i32
      %dma_wait3A_334 = tpu.memref_slice %arg18[%add3A_313, %dma_wait3A_333] : memref<10240x64xf32, #tpu.memory_space<vmem_shared>> -> memref<80x64xf32, #tpu.memory_space<vmem_shared>>
      tpu.wait_dma2 semaphore(%run_scoped3A_326 : memref<!tpu.dma_semaphore, #tpu.memory_space<semaphore_mem>>) src(%dma_wait3A_334 : memref<80x64xf32, #tpu.memory_space<vmem_shared>>) dst(%arg8 : memref<80x64xf32, #tpu.memory_space<vmem>>)
      tpu.yield
    }) : () -> ()
    %mul3A_314 = arith.constant 640 : i32
    %mul3A_315 = arith.muli %arg1, %mul3A_314 : i32
    %add3A_316 = arith.constant 480 : i32
    %add3A_317 = arith.addi %mul3A_315, %add3A_316 : i32
    "tpu.region"() ({
      %run_scoped3A_326 = tpu.sem_alloc : memref<!tpu.dma_semaphore, #tpu.memory_space<semaphore_mem>>
      %dma_start3A_327 = arith.constant 0 : i32
      %dma_start3A_328 = tpu.memref_slice %arg5[%arg0, %add3A_317, %dma_start3A_327] : memref<2x10240x64xf32, #tpu.memory_space<hbm>> -> memref<1x80x64xf32, #tpu.memory_space<hbm>>
      %dma_start3A_329 = tpu.memref_squeeze %dma_start3A_328 : memref<1x80x64xf32, #tpu.memory_space<hbm>> -> memref<80x64xf32, #tpu.memory_space<hbm>>
      %dma_start3A_330 = arith.constant 0 : i32
      %dma_start3A_331 = tpu.memref_slice %arg5[%arg0, %add3A_317, %dma_start3A_330] : memref<2x10240x64xf32, #tpu.memory_space<hbm>> -> memref<1x80x64xf32, #tpu.memory_space<hbm>>
      %dma_start3A_332 = tpu.memref_squeeze %dma_start3A_331 : memref<1x80x64xf32, #tpu.memory_space<hbm>> -> memref<80x64xf32, #tpu.memory_space<hbm>>
      tpu.enqueue_dma source(%arg8 : memref<80x64xf32, #tpu.memory_space<vmem>>) target(%dma_start3A_332 : memref<80x64xf32, #tpu.memory_space<hbm>>) target_semaphore(%run_scoped3A_326 : memref<!tpu.dma_semaphore, #tpu.memory_space<semaphore_mem>>)
      %dma_wait3A_333 = arith.constant 0 : i32
      %dma_wait3A_334 = tpu.memref_slice %arg5[%arg0, %add3A_317, %dma_wait3A_333] : memref<2x10240x64xf32, #tpu.memory_space<hbm>> -> memref<1x80x64xf32, #tpu.memory_space<hbm>>
      %dma_wait3A_335 = tpu.memref_squeeze %dma_wait3A_334 : memref<1x80x64xf32, #tpu.memory_space<hbm>> -> memref<80x64xf32, #tpu.memory_space<hbm>>
      %dma_wait3A_336 = arith.constant 0 : i32
      %dma_wait3A_337 = tpu.memref_slice %arg5[%arg0, %add3A_317, %dma_wait3A_336] : memref<2x10240x64xf32, #tpu.memory_space<hbm>> -> memref<1x80x64xf32, #tpu.memory_space<hbm>>
      %dma_wait3A_338 = tpu.memref_squeeze %dma_wait3A_337 : memref<1x80x64xf32, #tpu.memory_space<hbm>> -> memref<80x64xf32, #tpu.memory_space<hbm>>
      tpu.wait_dma2 semaphore(%run_scoped3A_326 : memref<!tpu.dma_semaphore, #tpu.memory_space<semaphore_mem>>) src(%arg8 : memref<80x64xf32, #tpu.memory_space<vmem>>) dst(%dma_wait3A_338 : memref<80x64xf32, #tpu.memory_space<hbm>>)
      tpu.yield
    }) : () -> ()
    %mul3A_318 = arith.constant 640 : i32
    %mul3A_319 = arith.muli %arg1, %mul3A_318 : i32
    %add3A_320 = arith.constant 560 : i32
    %add3A_321 = arith.addi %mul3A_319, %add3A_320 : i32
    "tpu.region"() ({
      %run_scoped3A_326 = tpu.sem_alloc : memref<!tpu.dma_semaphore, #tpu.memory_space<semaphore_mem>>
      %dma_start3A_327 = arith.constant 0 : i32
      %dma_start3A_328 = tpu.memref_slice %arg18[%add3A_321, %dma_start3A_327] : memref<10240x64xf32, #tpu.memory_space<vmem_shared>> -> memref<80x64xf32, #tpu.memory_space<vmem_shared>>
      %dma_start3A_329 = arith.constant 0 : i32
      %dma_start3A_330 = tpu.memref_slice %arg18[%add3A_321, %dma_start3A_329] : memref<10240x64xf32, #tpu.memory_space<vmem_shared>> -> memref<80x64xf32, #tpu.memory_space<vmem_shared>>
      tpu.enqueue_dma source(%dma_start3A_330 : memref<80x64xf32, #tpu.memory_space<vmem_shared>>) target(%arg8 : memref<80x64xf32, #tpu.memory_space<vmem>>) target_semaphore(%run_scoped3A_326 : memref<!tpu.dma_semaphore, #tpu.memory_space<semaphore_mem>>)
      %dma_wait3A_331 = arith.constant 0 : i32
      %dma_wait3A_332 = tpu.memref_slice %arg18[%add3A_321, %dma_wait3A_331] : memref<10240x64xf32, #tpu.memory_space<vmem_shared>> -> memref<80x64xf32, #tpu.memory_space<vmem_shared>>
      %dma_wait3A_333 = arith.constant 0 : i32
      %dma_wait3A_334 = tpu.memref_slice %arg18[%add3A_321, %dma_wait3A_333] : memref<10240x64xf32, #tpu.memory_space<vmem_shared>> -> memref<80x64xf32, #tpu.memory_space<vmem_shared>>
      tpu.wait_dma2 semaphore(%run_scoped3A_326 : memref<!tpu.dma_semaphore, #tpu.memory_space<semaphore_mem>>) src(%dma_wait3A_334 : memref<80x64xf32, #tpu.memory_space<vmem_shared>>) dst(%arg8 : memref<80x64xf32, #tpu.memory_space<vmem>>)
      tpu.yield
    }) : () -> ()
    %mul3A_322 = arith.constant 640 : i32
    %mul3A_323 = arith.muli %arg1, %mul3A_322 : i32
    %add3A_324 = arith.constant 560 : i32
    %add3A_325 = arith.addi %mul3A_323, %add3A_324 : i32
    "tpu.region"() ({
      %run_scoped3A_326 = tpu.sem_alloc : memref<!tpu.dma_semaphore, #tpu.memory_space<semaphore_mem>>
      %dma_start3A_327 = arith.constant 0 : i32
      %dma_start3A_328 = tpu.memref_slice %arg5[%arg0, %add3A_325, %dma_start3A_327] : memref<2x10240x64xf32, #tpu.memory_space<hbm>> -> memref<1x80x64xf32, #tpu.memory_space<hbm>>
      %dma_start3A_329 = tpu.memref_squeeze %dma_start3A_328 : memref<1x80x64xf32, #tpu.memory_space<hbm>> -> memref<80x64xf32, #tpu.memory_space<hbm>>
      %dma_start3A_330 = arith.constant 0 : i32
      %dma_start3A_331 = tpu.memref_slice %arg5[%arg0, %add3A_325, %dma_start3A_330] : memref<2x10240x64xf32, #tpu.memory_space<hbm>> -> memref<1x80x64xf32, #tpu.memory_space<hbm>>
      %dma_start3A_332 = tpu.memref_squeeze %dma_start3A_331 : memref<1x80x64xf32, #tpu.memory_space<hbm>> -> memref<80x64xf32, #tpu.memory_space<hbm>>
      tpu.enqueue_dma source(%arg8 : memref<80x64xf32, #tpu.memory_space<vmem>>) target(%dma_start3A_332 : memref<80x64xf32, #tpu.memory_space<hbm>>) target_semaphore(%run_scoped3A_326 : memref<!tpu.dma_semaphore, #tpu.memory_space<semaphore_mem>>)
      %dma_wait3A_333 = arith.constant 0 : i32
      %dma_wait3A_334 = tpu.memref_slice %arg5[%arg0, %add3A_325, %dma_wait3A_333] : memref<2x10240x64xf32, #tpu.memory_space<hbm>> -> memref<1x80x64xf32, #tpu.memory_space<hbm>>
      %dma_wait3A_335 = tpu.memref_squeeze %dma_wait3A_334 : memref<1x80x64xf32, #tpu.memory_space<hbm>> -> memref<80x64xf32, #tpu.memory_space<hbm>>
      %dma_wait3A_336 = arith.constant 0 : i32
      %dma_wait3A_337 = tpu.memref_slice %arg5[%arg0, %add3A_325, %dma_wait3A_336] : memref<2x10240x64xf32, #tpu.memory_space<hbm>> -> memref<1x80x64xf32, #tpu.memory_space<hbm>>
      %dma_wait3A_338 = tpu.memref_squeeze %dma_wait3A_337 : memref<1x80x64xf32, #tpu.memory_space<hbm>> -> memref<80x64xf32, #tpu.memory_space<hbm>>
      tpu.wait_dma2 semaphore(%run_scoped3A_326 : memref<!tpu.dma_semaphore, #tpu.memory_space<semaphore_mem>>) src(%arg8 : memref<80x64xf32, #tpu.memory_space<vmem>>) dst(%dma_wait3A_338 : memref<80x64xf32, #tpu.memory_space<hbm>>)
      tpu.yield
    }) : () -> ()
    return
  }
}

module attributes {stable_mosaic.version = 14 : i64} {
  func.func @body(%arg0: i32, %arg1: memref<2000x128xf32, #tpu.memory_space<vmem>>, %arg2: memref<128x64xf32, #tpu.memory_space<vmem>>, %arg3: memref<1x64xf32, #tpu.memory_space<vmem>>, %arg4: memref<2000x1xf32, #tpu.memory_space<vmem>>, %arg5: memref<2000x64xf32, #tpu.memory_space<vmem>>, %arg6: memref<2000x64xf32, #tpu.memory_space<vmem>>) attributes {dimension_semantics = [#tpu.dimension_semantics<arbitrary>], iteration_bounds = array<i64: 5>, scalar_prefetch = 0 : i64, scratch_operands = 0 : i64, tpu.core_type = #tpu.core_type<tc>, window_params = [{transform_indices = @transform_0, window_bounds = array<i64: 2000, 128>}, {pipeline_mode = #tpu.pipeline_mode<synchronous>, transform_indices = @transform_1, window_bounds = array<i64: 128, 64>}, {pipeline_mode = #tpu.pipeline_mode<synchronous>, transform_indices = @transform_2, window_bounds = array<i64: 1, 64>}, {transform_indices = @transform_3, window_bounds = array<i64: 2000, 1>}, {transform_indices = @transform_4, window_bounds = array<i64: 2000, 64>}, {transform_indices = @transform_5, window_bounds = array<i64: 2000, 64>}]} {
    %get3A = arith.constant 0 : index
    %get3A_0 = arith.constant 0 : index
    %get3A_1 = vector.load %arg1[%get3A, %get3A_0] : memref<2000x128xf32, #tpu.memory_space<vmem>>, vector<2000x128xf32>
    %get3A_2 = arith.constant 0 : index
    %get3A_3 = arith.constant 0 : index
    %get3A_4 = vector.load %arg2[%get3A_2, %get3A_3] : memref<128x64xf32, #tpu.memory_space<vmem>>, vector<128x64xf32>
    %dot_general3A = arith.constant dense<0.000000e+00> : vector<2000x64xf32>
    %dot_general3A_5 = tpu.matmul %get3A_1, %get3A_4, %dot_general3A {dimension_numbers = #tpu.dot_dimension_numbers<[1], [0], [0], [1], [0, 0, 1, 1], [], []>, transpose_lhs_hint = false} : vector<2000x128xf32>, vector<128x64xf32>, vector<2000x64xf32> -> vector<2000x64xf32>
    %get3A_6 = arith.constant 0 : index
    %get3A_7 = arith.constant 0 : index
    %get3A_8 = vector.load %arg3[%get3A_6, %get3A_7] : memref<1x64xf32, #tpu.memory_space<vmem>>, vector<1x64xf32>
    %add3A = vector.broadcast %get3A_8 : vector<1x64xf32> to vector<2000x64xf32>
    %add3A_9 = arith.addf %dot_general3A_5, %add3A : vector<2000x64xf32>
    %swap3A = arith.constant 0 : index
    %swap3A_10 = arith.constant 0 : index
    %swap3A_11 = vector.load %arg5[%swap3A, %swap3A_10] : memref<2000x64xf32, #tpu.memory_space<vmem>>, vector<2000x64xf32>
    tpu.vector_store %arg5[%swap3A, %swap3A_10], %add3A_9 {strides = array<i32>} : memref<2000x64xf32, #tpu.memory_space<vmem>>, vector<2000x64xf32>,
    %get3A_12 = arith.constant 0 : index
    %get3A_13 = arith.constant 0 : index
    %get3A_14 = vector.load %arg4[%get3A_12, %get3A_13] : memref<2000x1xf32, #tpu.memory_space<vmem>>, vector<2000x1xf32>
    %mul3A = vector.broadcast %get3A_14 : vector<2000x1xf32> to vector<2000x64xf32>
    %mul3A_15 = arith.mulf %mul3A, %add3A_9 : vector<2000x64xf32>
    %swap3A_16 = arith.constant 0 : index
    %swap3A_17 = arith.constant 0 : index
    %swap3A_18 = vector.load %arg6[%swap3A_16, %swap3A_17] : memref<2000x64xf32, #tpu.memory_space<vmem>>, vector<2000x64xf32>
    tpu.vector_store %arg6[%swap3A_16, %swap3A_17], %mul3A_15 {strides = array<i32>} : memref<2000x64xf32, #tpu.memory_space<vmem>>, vector<2000x64xf32>,
    return
  }
  func.func @transform_0(%arg0: i32) -> (i32, i32) {
    %c0_i32 = arith.constant 0 : i32
    %c0_i32_0 = arith.constant 0 : i32
    return %arg0, %c0_i32 : i32, i32
  }
  func.func @transform_1(%arg0: i32) -> (i32, i32) {
    %c0_i32 = arith.constant 0 : i32
    %c0_i32_0 = arith.constant 0 : i32
    %c0_i32_1 = arith.constant 0 : i32
    return %c0_i32, %c0_i32_0 : i32, i32
  }
  func.func @transform_2(%arg0: i32) -> (i32, i32) {
    %c0_i32 = arith.constant 0 : i32
    %c0_i32_0 = arith.constant 0 : i32
    %c0_i32_1 = arith.constant 0 : i32
    return %c0_i32, %c0_i32_0 : i32, i32
  }
  func.func @transform_3(%arg0: i32) -> (i32, i32) {
    %c0_i32 = arith.constant 0 : i32
    %c0_i32_0 = arith.constant 0 : i32
    return %arg0, %c0_i32 : i32, i32
  }
  func.func @transform_4(%arg0: i32) -> (i32, i32) {
    %c0_i32 = arith.constant 0 : i32
    %c0_i32_0 = arith.constant 0 : i32
    return %arg0, %c0_i32 : i32, i32
  }
  func.func @transform_5(%arg0: i32) -> (i32, i32) {
    %c0_i32 = arith.constant 0 : i32
    %c0_i32_0 = arith.constant 0 : i32
    return %arg0, %c0_i32 : i32, i32
  }
}

module attributes {stable_mosaic.version = 14 : i64} {
  func.func @body(%arg0: i32, %arg1: memref<2000x64xf32, #tpu.memory_space<vmem>>, %arg2: memref<2x2000x64xf32, #tpu.memory_space<vmem>>, %arg3: memref<2000x1xf32, #tpu.memory_space<vmem>>, %arg4: memref<2000x1xf32, #tpu.memory_space<vmem>>, %arg5: memref<64x128xf32, #tpu.memory_space<vmem>>, %arg6: memref<1x128xf32, #tpu.memory_space<vmem>>, %arg7: memref<2000x128xf32, #tpu.memory_space<vmem>>, %arg8: memref<2000x72xf32, #tpu.memory_space<vmem>>) attributes {dimension_semantics = [#tpu.dimension_semantics<arbitrary>], iteration_bounds = array<i64: 5>, scalar_prefetch = 0 : i64, scratch_operands = 0 : i64, tpu.core_type = #tpu.core_type<tc>, window_params = [{transform_indices = @transform_0, window_bounds = array<i64: 2000, 64>}, {transform_indices = @transform_1, window_bounds = array<i64: 2, 2000, 64>}, {transform_indices = @transform_2, window_bounds = array<i64: 2000, 1>}, {transform_indices = @transform_3, window_bounds = array<i64: 2000, 1>}, {pipeline_mode = #tpu.pipeline_mode<synchronous>, transform_indices = @transform_4, window_bounds = array<i64: 64, 128>}, {pipeline_mode = #tpu.pipeline_mode<synchronous>, transform_indices = @transform_5, window_bounds = array<i64: 1, 128>}, {transform_indices = @transform_6, window_bounds = array<i64: 2000, 128>}, {transform_indices = @transform_7, window_bounds = array<i64: 2000, 72>}]} {
    %get3A = arith.constant 0 : index
    %get3A_0 = arith.constant 0 : index
    %get3A_1 = arith.constant 0 : index
    %get3A_2 = vector.load %arg2[%get3A, %get3A_0, %get3A_1] : memref<2x2000x64xf32, #tpu.memory_space<vmem>>, vector<1x2000x64xf32>
    %get3A_3 = vector.shape_cast %get3A_2 : vector<1x2000x64xf32> to vector<2000x64xf32>
    %get3A_4 = arith.constant 1 : index
    %get3A_5 = arith.constant 0 : index
    %get3A_6 = arith.constant 0 : index
    %get3A_7 = vector.load %arg2[%get3A_4, %get3A_5, %get3A_6] : memref<2x2000x64xf32, #tpu.memory_space<vmem>>, vector<1x2000x64xf32>
    %get3A_8 = vector.shape_cast %get3A_7 : vector<1x2000x64xf32> to vector<2000x64xf32>
    %add3A = arith.addf %get3A_3, %get3A_8 : vector<2000x64xf32>
    %get3A_9 = arith.constant 0 : index
    %get3A_10 = arith.constant 0 : index
    %get3A_11 = vector.load %arg4[%get3A_9, %get3A_10] : memref<2000x1xf32, #tpu.memory_space<vmem>>, vector<2000x1xf32>
    %get3A_12 = arith.constant 0 : index
    %get3A_13 = arith.constant 0 : index
    %get3A_14 = vector.load %arg3[%get3A_12, %get3A_13] : memref<2000x1xf32, #tpu.memory_space<vmem>>, vector<2000x1xf32>
    %get3A_15 = arith.constant 0 : index
    %get3A_16 = arith.constant 0 : index
    %get3A_17 = vector.load %arg1[%get3A_15, %get3A_16] : memref<2000x64xf32, #tpu.memory_space<vmem>>, vector<2000x64xf32>
    %mul3A = vector.broadcast %get3A_14 : vector<2000x1xf32> to vector<2000x64xf32>
    %mul3A_18 = arith.mulf %mul3A, %get3A_17 : vector<2000x64xf32>
    %mul3A_19 = vector.broadcast %get3A_11 : vector<2000x1xf32> to vector<2000x64xf32>
    %mul3A_20 = arith.mulf %mul3A_19, %add3A : vector<2000x64xf32>
    %add3A_21 = arith.addf %mul3A_18, %mul3A_20 : vector<2000x64xf32>
    %max3A = arith.constant 0.000000e+00 : f32
    %max3A_22 = vector.broadcast %max3A : f32 to vector<2000x64xf32>
    %max3A_23 = arith.maximumf %add3A_21, %max3A_22 : vector<2000x64xf32>
    %get3A_24 = arith.constant 0 : index
    %get3A_25 = arith.constant 0 : index
    %get3A_26 = vector.load %arg5[%get3A_24, %get3A_25] : memref<64x128xf32, #tpu.memory_space<vmem>>, vector<64x128xf32>
    %dot_general3A = arith.constant dense<0.000000e+00> : vector<2000x128xf32>
    %dot_general3A_27 = tpu.matmul %max3A_23, %get3A_26, %dot_general3A {dimension_numbers = #tpu.dot_dimension_numbers<[1], [0], [0], [1], [0, 0, 1, 1], [], []>, transpose_lhs_hint = false} : vector<2000x64xf32>, vector<64x128xf32>, vector<2000x128xf32> -> vector<2000x128xf32>
    %get3A_28 = arith.constant 0 : index
    %get3A_29 = arith.constant 0 : index
    %get3A_30 = vector.load %arg6[%get3A_28, %get3A_29] : memref<1x128xf32, #tpu.memory_space<vmem>>, vector<1x128xf32>
    %add3A_31 = vector.broadcast %get3A_30 : vector<1x128xf32> to vector<2000x128xf32>
    %add3A_32 = arith.addf %dot_general3A_27, %add3A_31 : vector<2000x128xf32>
    %swap3A = arith.constant 0 : index
    %swap3A_33 = arith.constant 0 : index
    %swap3A_34 = vector.load %arg7[%swap3A, %swap3A_33] : memref<2000x128xf32, #tpu.memory_space<vmem>>, vector<2000x128xf32>
    tpu.vector_store %arg7[%swap3A, %swap3A_33], %add3A_32 {strides = array<i32>} : memref<2000x128xf32, #tpu.memory_space<vmem>>, vector<2000x128xf32>,
    %broadcast_in_dim3A = arith.constant 0.000000e+00 : f32
    %broadcast_in_dim3A_35 = vector.broadcast %broadcast_in_dim3A : f32 to vector<2000x7xf32>
    %mul3A_36 = vector.broadcast %get3A_11 : vector<2000x1xf32> to vector<2000x64xf32>
    %mul3A_37 = arith.mulf %mul3A_36, %max3A_23 : vector<2000x64xf32>
    %concatenate3A = tpu.concatenate %mul3A_37, %get3A_11, %broadcast_in_dim3A_35 in 1 : vector<2000x64xf32>, vector<2000x1xf32>, vector<2000x7xf32> -> vector<2000x72xf32>
    %swap3A_38 = arith.constant 0 : index
    %swap3A_39 = arith.constant 0 : index
    %swap3A_40 = vector.load %arg8[%swap3A_38, %swap3A_39] : memref<2000x72xf32, #tpu.memory_space<vmem>>, vector<2000x72xf32>
    tpu.vector_store %arg8[%swap3A_38, %swap3A_39], %concatenate3A {strides = array<i32>} : memref<2000x72xf32, #tpu.memory_space<vmem>>, vector<2000x72xf32>,
    return
  }
  func.func @transform_0(%arg0: i32) -> (i32, i32) {
    %c0_i32 = arith.constant 0 : i32
    %c0_i32_0 = arith.constant 0 : i32
    return %arg0, %c0_i32 : i32, i32
  }
  func.func @transform_1(%arg0: i32) -> (i32, i32, i32) {
    %c0_i32 = arith.constant 0 : i32
    %c0_i32_0 = arith.constant 0 : i32
    %c0_i32_1 = arith.constant 0 : i32
    return %c0_i32, %arg0, %c0_i32_0 : i32, i32, i32
  }
  func.func @transform_2(%arg0: i32) -> (i32, i32) {
    %c0_i32 = arith.constant 0 : i32
    %c0_i32_0 = arith.constant 0 : i32
    return %arg0, %c0_i32 : i32, i32
  }
  func.func @transform_3(%arg0: i32) -> (i32, i32) {
    %c0_i32 = arith.constant 0 : i32
    %c0_i32_0 = arith.constant 0 : i32
    return %arg0, %c0_i32 : i32, i32
  }
  func.func @transform_4(%arg0: i32) -> (i32, i32) {
    %c0_i32 = arith.constant 0 : i32
    %c0_i32_0 = arith.constant 0 : i32
    %c0_i32_1 = arith.constant 0 : i32
    return %c0_i32, %c0_i32_0 : i32, i32
  }
  func.func @transform_5(%arg0: i32) -> (i32, i32) {
    %c0_i32 = arith.constant 0 : i32
    %c0_i32_0 = arith.constant 0 : i32
    %c0_i32_1 = arith.constant 0 : i32
    return %c0_i32, %c0_i32_0 : i32, i32
  }
  func.func @transform_6(%arg0: i32) -> (i32, i32) {
    %c0_i32 = arith.constant 0 : i32
    %c0_i32_0 = arith.constant 0 : i32
    return %arg0, %c0_i32 : i32, i32
  }
  func.func @transform_7(%arg0: i32) -> (i32, i32) {
    %c0_i32 = arith.constant 0 : i32
    %c0_i32_0 = arith.constant 0 : i32
    return %arg0, %c0_i32 : i32, i32
  }
}

module attributes {stable_mosaic.version = 14 : i64} {
  func.func @body(%arg0: i32, %arg1: memref<2000x128xf32, #tpu.memory_space<vmem>>, %arg2: memref<2x2000x72xf32, #tpu.memory_space<vmem>>, %arg3: memref<2000x1xf32, #tpu.memory_space<vmem>>, %arg4: memref<2000x1xf32, #tpu.memory_space<vmem>>, %arg5: memref<64x128xf32, #tpu.memory_space<vmem>>, %arg6: memref<1x128xf32, #tpu.memory_space<vmem>>, %arg7: memref<2000x128xf32, #tpu.memory_space<vmem>>) attributes {dimension_semantics = [#tpu.dimension_semantics<arbitrary>], iteration_bounds = array<i64: 5>, scalar_prefetch = 0 : i64, scratch_operands = 0 : i64, tpu.core_type = #tpu.core_type<tc>, window_params = [{transform_indices = @transform_0, window_bounds = array<i64: 2000, 128>}, {transform_indices = @transform_1, window_bounds = array<i64: 2, 2000, 72>}, {transform_indices = @transform_2, window_bounds = array<i64: 2000, 1>}, {transform_indices = @transform_3, window_bounds = array<i64: 2000, 1>}, {pipeline_mode = #tpu.pipeline_mode<synchronous>, transform_indices = @transform_4, window_bounds = array<i64: 64, 128>}, {pipeline_mode = #tpu.pipeline_mode<synchronous>, transform_indices = @transform_5, window_bounds = array<i64: 1, 128>}, {transform_indices = @transform_6, window_bounds = array<i64: 2000, 128>}]} {
    %get3A = arith.constant 0 : index
    %get3A_0 = arith.constant 0 : index
    %get3A_1 = arith.constant 0 : index
    %get3A_2 = vector.load %arg2[%get3A, %get3A_0, %get3A_1] : memref<2x2000x72xf32, #tpu.memory_space<vmem>>, vector<1x2000x72xf32>
    %get3A_3 = vector.shape_cast %get3A_2 : vector<1x2000x72xf32> to vector<2000x72xf32>
    %get3A_4 = arith.constant 1 : index
    %get3A_5 = arith.constant 0 : index
    %get3A_6 = arith.constant 0 : index
    %get3A_7 = vector.load %arg2[%get3A_4, %get3A_5, %get3A_6] : memref<2x2000x72xf32, #tpu.memory_space<vmem>>, vector<1x2000x72xf32>
    %get3A_8 = vector.shape_cast %get3A_7 : vector<1x2000x72xf32> to vector<2000x72xf32>
    %add3A = arith.addf %get3A_3, %get3A_8 : vector<2000x72xf32>
    %slice3A = vector.extract_strided_slice %add3A {offsets = [0, 0], sizes = [2000, 64], strides = [1, 1]} : vector<2000x72xf32> to vector<2000x64xf32>
    %get3A_9 = arith.constant 0 : index
    %get3A_10 = arith.constant 0 : index
    %get3A_11 = vector.load %arg5[%get3A_9, %get3A_10] : memref<64x128xf32, #tpu.memory_space<vmem>>, vector<64x128xf32>
    %dot_general3A = arith.constant dense<0.000000e+00> : vector<2000x128xf32>
    %dot_general3A_12 = tpu.matmul %slice3A, %get3A_11, %dot_general3A {dimension_numbers = #tpu.dot_dimension_numbers<[1], [0], [0], [1], [0, 0, 1, 1], [], []>, transpose_lhs_hint = false} : vector<2000x64xf32>, vector<64x128xf32>, vector<2000x128xf32> -> vector<2000x128xf32>
    %slice3A_13 = vector.extract_strided_slice %add3A {offsets = [0, 64], sizes = [2000, 1], strides = [1, 1]} : vector<2000x72xf32> to vector<2000x1xf32>
    %get3A_14 = arith.constant 0 : index
    %get3A_15 = arith.constant 0 : index
    %get3A_16 = vector.load %arg6[%get3A_14, %get3A_15] : memref<1x128xf32, #tpu.memory_space<vmem>>, vector<1x128xf32>
    %mul3A = vector.broadcast %slice3A_13 : vector<2000x1xf32> to vector<2000x128xf32>
    %mul3A_17 = vector.broadcast %get3A_16 : vector<1x128xf32> to vector<2000x128xf32>
    %mul3A_18 = arith.mulf %mul3A, %mul3A_17 : vector<2000x128xf32>
    %add3A_19 = arith.addf %dot_general3A_12, %mul3A_18 : vector<2000x128xf32>
    %get3A_20 = arith.constant 0 : index
    %get3A_21 = arith.constant 0 : index
    %get3A_22 = vector.load %arg3[%get3A_20, %get3A_21] : memref<2000x1xf32, #tpu.memory_space<vmem>>, vector<2000x1xf32>
    %get3A_23 = arith.constant 0 : index
    %get3A_24 = arith.constant 0 : index
    %get3A_25 = vector.load %arg1[%get3A_23, %get3A_24] : memref<2000x128xf32, #tpu.memory_space<vmem>>, vector<2000x128xf32>
    %mul3A_26 = vector.broadcast %get3A_22 : vector<2000x1xf32> to vector<2000x128xf32>
    %mul3A_27 = arith.mulf %mul3A_26, %get3A_25 : vector<2000x128xf32>
    %get3A_28 = arith.constant 0 : index
    %get3A_29 = arith.constant 0 : index
    %get3A_30 = vector.load %arg4[%get3A_28, %get3A_29] : memref<2000x1xf32, #tpu.memory_space<vmem>>, vector<2000x1xf32>
    %mul3A_31 = vector.broadcast %get3A_30 : vector<2000x1xf32> to vector<2000x128xf32>
    %mul3A_32 = arith.mulf %mul3A_31, %add3A_19 : vector<2000x128xf32>
    %add3A_33 = arith.addf %mul3A_27, %mul3A_32 : vector<2000x128xf32>
    %reduce_max3A = arith.constant dense<0xFF800000> : vector<2000xf32>
    %reduce_max3A_34 = vector.multi_reduction <maximumf>, %add3A_33, %reduce_max3A [1] : vector<2000x128xf32> to vector<2000xf32>
    %broadcast_in_dim3A = vector.shape_cast %reduce_max3A_34 : vector<2000xf32> to vector<2000x1xf32>
    %sub3A = vector.broadcast %broadcast_in_dim3A : vector<2000x1xf32> to vector<2000x128xf32>
    %sub3A_35 = arith.subf %add3A_33, %sub3A : vector<2000x128xf32>
    %exp3A = math.exp %sub3A_35 : vector<2000x128xf32>
    %reduce_sum3A = arith.constant dense<0.000000e+00> : vector<2000xf32>
    %reduce_sum3A_36 = vector.multi_reduction <add>, %exp3A, %reduce_sum3A [1] : vector<2000x128xf32> to vector<2000xf32>
    %broadcast_in_dim3A_37 = vector.shape_cast %reduce_sum3A_36 : vector<2000xf32> to vector<2000x1xf32>
    %log3A = math.log %broadcast_in_dim3A_37 : vector<2000x1xf32>
    %add3A_38 = arith.addf %log3A, %broadcast_in_dim3A : vector<2000x1xf32>
    %sub3A_39 = vector.broadcast %add3A_38 : vector<2000x1xf32> to vector<2000x128xf32>
    %sub3A_40 = arith.subf %add3A_33, %sub3A_39 : vector<2000x128xf32>
    %swap3A = arith.constant 0 : index
    %swap3A_41 = arith.constant 0 : index
    %swap3A_42 = vector.load %arg7[%swap3A, %swap3A_41] : memref<2000x128xf32, #tpu.memory_space<vmem>>, vector<2000x128xf32>
    tpu.vector_store %arg7[%swap3A, %swap3A_41], %sub3A_40 {strides = array<i32>} : memref<2000x128xf32, #tpu.memory_space<vmem>>, vector<2000x128xf32>,
    return
  }
  func.func @transform_0(%arg0: i32) -> (i32, i32) {
    %c0_i32 = arith.constant 0 : i32
    %c0_i32_0 = arith.constant 0 : i32
    return %arg0, %c0_i32 : i32, i32
  }
  func.func @transform_1(%arg0: i32) -> (i32, i32, i32) {
    %c0_i32 = arith.constant 0 : i32
    %c0_i32_0 = arith.constant 0 : i32
    %c0_i32_1 = arith.constant 0 : i32
    return %c0_i32, %arg0, %c0_i32_0 : i32, i32, i32
  }
  func.func @transform_2(%arg0: i32) -> (i32, i32) {
    %c0_i32 = arith.constant 0 : i32
    %c0_i32_0 = arith.constant 0 : i32
    return %arg0, %c0_i32 : i32, i32
  }
  func.func @transform_3(%arg0: i32) -> (i32, i32) {
    %c0_i32 = arith.constant 0 : i32
    %c0_i32_0 = arith.constant 0 : i32
    return %arg0, %c0_i32 : i32, i32
  }
  func.func @transform_4(%arg0: i32) -> (i32, i32) {
    %c0_i32 = arith.constant 0 : i32
    %c0_i32_0 = arith.constant 0 : i32
    %c0_i32_1 = arith.constant 0 : i32
    return %c0_i32, %c0_i32_0 : i32, i32
  }
  func.func @transform_5(%arg0: i32) -> (i32, i32) {
    %c0_i32 = arith.constant 0 : i32
    %c0_i32_0 = arith.constant 0 : i32
    %c0_i32_1 = arith.constant 0 : i32
    return %c0_i32, %c0_i32_0 : i32, i32
  }
  func.func @transform_6(%arg0: i32) -> (i32, i32) {
    %c0_i32 = arith.constant 0 : i32
    %c0_i32_0 = arith.constant 0 : i32
    return %arg0, %c0_i32 : i32, i32
  }
}

</mosaic_0001>

<sc_bundles>
// kernel: kernel.11.cloned.1.call-start
scs
__scs_entry_jumppad:
0x0: {  	(pc) =	sbr.rel $0x88, $3  }
0x1: {  	(tag) =	ssettag $0x0;
	lr =	simm.s32 $0x1  }
0x2: {  	[smem:$0x3F9B] =	sst lr;
	_ =	strace $0xD0000000  }
0x3: {  	_ = 	snop  }
0x4: {  	_ = 	snop  }
0x5: {  	_ = 	snop  }
0x6: {  	_ = 	snop  }
0x7: {  	_ = 	snop  }
__scs_overlays_trampoline_lowered:
0x8: {  	[smem:$0x3FAA] =	sst s0  }
0x9: {  	[smem:$0x3FAB] =	sst s1  }
0xa: {  	[smem:$0x3FAC] =	sst s2  }
0xb: {  	[smem:$0x3FAD] =	sst s3  }
0xc: {  	[smem:$0x3FAE] =	sst s4  }
0xd: {  	[smem:$0x3FAF] =	sst s5  }
0xe: {  	[smem:$0x3FB0] =	sst s6  }
0xf: {  	[smem:$0x3FB1] =	sst s7  }
0x10: {  	[smem:$0x3FB2] =	sst s8  }
0x11: {  	[smem:$0x3FB3] =	sst s9;
	s0 =	simm.s32 @!p0 $0x0  }
0x12: {  	s1 =	sld [smem:$0x3F99];
	s0 =	simm.s32 @p0 $0x1  }
0x13: {  	[smem:$0x3FB4] =	sst s0;
	s0 =	simm.s32 @!p1 $0x0  }
0x14: {  	s2 =	sld [smem:$0x3F98];
	s0 =	simm.s32 @p1 $0x1  }
0x15: {  	[smem:$0x3FB5] =	sst s0;
	s0 =	simm.s32 @!p2 $0x0  }
0x16: {  	s3 =	sld [smem:$0x3FDB];
	s0 =	simm.s32 @p2 $0x1  }
0x17: {  	s4 =	simm.s32 $0x1BF5;
	[smem:$0x3FB7] =	sst s0  }
0x18: {  	s0 =	sld [smem:$0x3F9A];
	_ =	swait.ge [sflag:s4], $0x0  }
0x19: {  	s7 =	sld [smem:$0x3F9B]  }
0x1a: {  	s8 =	sadd.s32 $0xFFFFE003, lr  }
0x1b: {  	s9 =	sadd.s32 $0xFFFFFEF7, lr;
	s5 =	simm.s32 $0xFFFFFFFF;
	p2 =	slt.u32 s8, $0xFFFFF086  }
0x1c: {  	p1 =	slt.u32 s9, $0xF7A;
	s5 =	simm.s32 @!p2 $0x0  }
0x1d: {  	s5 =	simm.s32 @p1 $0x1;
	p0 =	seq.s32 s7, s2  }
0x1e: {  	s7 =	smul.u32 @!p0 $0xF7A, s2;
	p2 =	seq.s32 @!p0 s5, $0x0  }
0x1f: {  	s9 =	smul.u32 $0xF7A, s1;
	s8 =	simm.s32 @!p0 $0x1BF5;
	p2 =	por !p2, p0  }
0x20: {  	[sflag:s8] =	ssyncset.s32 @!p0 $0xFFFFF086;
	s6 =	sadd.s32 @!p0 s3, s7;
	s7 =	simm.s32 @!p0 $0x108  }
0x21: {  	s3 =	sadd.s32 s3, s9;
	s6 =	sadd.s32 @!p0 $0x88, s6;
	s7 =	simm.s32 @p2 $0x1082  }
0x22: {  	[simem:s7], [sflag:s8] =	dma.local @!p0 [hbm:s6], $0xF7A  }
0x23: {  	s9 =	sor.u32 $0xD0000000, s2;
	s6 =	simm.s32 $0x108;
	_ =	swait.ge @!p0 [sflag:s8], $0x0  }
0x24: {  	s3 =	sadd.s32 $0x88, s3;
	s6 =	simm.s32 @!p1 $0x1082;
	[sflag:s4] =	ssyncset.s32 $0xFFFFF086  }
0x25: {  	[simem:s6], [sflag:s4] =	dma.local [hbm:s3], $0xF7A  }
0x26: {  	[smem:$0x3F9B] =	sst s1;
	(tag) =	ssettag s2;
	_ =	strace s9  }
0x27: {  	s1 =	sld [smem:$0x3FAB]  }
0x28: {  	s2 =	sld [smem:$0x3FAC]  }
0x29: {  	s4 =	sld [smem:$0x3FAE]  }
0x2a: {  	p0 =	seq.s32 s5, $0x0;
	s5 =	sld [smem:$0x3FAF]  }
0x2b: {  	s6 =	sld [smem:$0x3FB0]  }
0x2c: {  	s7 =	sld [smem:$0x3FB1]  }
0x2d: {  	s3 =	simm.s32 $0x108;
	s8 =	sld [smem:$0x3FB2]  }
0x2e: {  	s3 =	simm.s32 @!p0 $0x1082;
	s9 =	sld [smem:$0x3FB3]  }
0x2f: {  	lr =	sadd.s32 s0, s3;
	s0 =	sld [smem:$0x3FAA]  }
0x30: {  	s3 =	sld [smem:$0x3FAD]  }
0x31: {  	[smem:$0x3FB6] =	sst s10  }
0x32: {  	s10 =	sld [smem:$0x3FB4];
	_ =	sdelay $0x3  }
0x33: {  	p0 =	seq.s32 s10, $0x1;
	s10 =	sld [smem:$0x3FB6];
	_ =	sdelay $0x3  }
0x34: {  	[smem:$0x3FB6] =	sst s10  }
0x35: {  	s10 =	sld [smem:$0x3FB5];
	_ =	sdelay $0x3  }
0x36: {  	p1 =	seq.s32 s10, $0x1;
	s10 =	sld [smem:$0x3FB6];
	_ =	sdelay $0x3  }
0x37: {  	[smem:$0x3FB6] =	sst s10  }
0x38: {  	s10 =	sld [smem:$0x3FB7]  }
0x39: {  	_ = 	snop;
	(pc) =	sbr.ind lr, $3  }
0x3a: {  	_ = 	snop  }
0x3b: {  	_ = 	snop  }
0x3c: {  	p2 =	seq.s32 s10, $0x1;
	s10 =	sld [smem:$0x3FB6]  }
0x3d: {  	_ =	shalt  }
0x3e: {  	_ =	shalt  }
0x3f: {  	_ =	shalt  }
0x40: {  	_ =	shalt  }
0x41: {  	_ =	shalt  }
0x42: {  	_ =	shalt  }
0x43: {  	_ =	shalt  }
0x44: {  	_ =	shalt  }
0x45: {  	_ =	shalt  }
0x46: {  	_ =	shalt  }
0x47: {  	_ =	shalt  }
0x48: {  	_ =	shalt  }
0x49: {  	_ =	shalt  }
0x4a: {  	_ =	shalt  }
0x4b: {  	_ =	shalt  }
0x4c: {  	_ =	shalt  }
0x4d: {  	_ =	shalt  }
0x4e: {  	_ =	shalt  }
0x4f: {  	_ =	shalt  }
0x50: {  	_ =	shalt  }
0x51: {  	_ =	shalt  }
0x52: {  	_ =	shalt  }
0x53: {  	_ =	shalt  }
0x54: {  	_ =	shalt  }
0x55: {  	_ =	shalt  }
0x56: {  	_ =	shalt  }
0x57: {  	_ =	shalt  }
0x58: {  	_ =	shalt  }
0x59: {  	_ =	shalt  }
0x5a: {  	_ =	shalt  }
0x5b: {  	_ =	shalt  }
0x5c: {  	_ =	shalt  }
0x5d: {  	_ =	shalt  }
0x5e: {  	_ =	shalt  }
0x5f: {  	_ =	shalt  }
0x60: {  	_ =	shalt  }
0x61: {  	_ =	shalt  }
0x62: {  	_ =	shalt  }
0x63: {  	_ =	shalt  }
0x64: {  	_ =	shalt  }
0x65: {  	_ =	shalt  }
0x66: {  	_ =	shalt  }
0x67: {  	_ =	shalt  }
0x68: {  	_ =	shalt  }
0x69: {  	_ =	shalt  }
0x6a: {  	_ =	shalt  }
0x6b: {  	_ =	shalt  }
0x6c: {  	_ =	shalt  }
0x6d: {  	_ =	shalt  }
0x6e: {  	_ =	shalt  }
0x6f: {  	_ =	shalt  }
0x70: {  	_ =	shalt  }
0x71: {  	_ =	shalt  }
0x72: {  	_ =	shalt  }
0x73: {  	_ =	shalt  }
0x74: {  	_ =	shalt  }
0x75: {  	_ =	shalt  }
0x76: {  	_ =	shalt  }
0x77: {  	_ =	shalt  }
0x78: {  	_ =	shalt  }
0x79: {  	_ =	shalt  }
0x7a: {  	_ =	shalt  }
0x7b: {  	_ =	shalt  }
0x7c: {  	_ =	shalt  }
0x7d: {  	_ =	shalt  }
0x7e: {  	_ =	shalt  }
0x7f: {  	_ =	shalt  }
0x80: {  	_ =	shalt  }
0x81: {  	_ =	shalt  }
0x82: {  	_ =	shalt  }
0x83: {  	_ =	shalt  }
0x84: {  	_ =	shalt  }
0x85: {  	_ =	shalt  }
0x86: {  	_ =	shalt  }
0x87: {  	_ =	shalt  }
.Lfunc_end0:
.L_simem_size_0:
called_computation.1_lowered:
.L_overlay_start_0:
0x88: {  	s2 =	sld [smem:$0x3FD9]  }
0x89: {  	s3 =	sld [smem:$0x3FFE];
	_ =	sdelay $0x1  }
0x8a: {  	s1 =	srdreg.scid  }
0x8b: {  	s0 =	sand.u32 $0x1, s1  }
0x8c: {  	s16 =	sshll.u32 s0, $0xA;
	s2 =	sadd.s32 s3, s2  }
0x8d: {  	s2 =	sadd.s32 s2, s16  }
0x8e: {  	[smem:$0x3FC2] =	sst s2  }
0x8f: {  	_ = 	snop  }
0x90: {  	(tm) =	ssettm $0x1  }
0x91: {  	s17 =	sld [smem:$0x3FFB];
	_ =	sdelay $0x3  }
0x92: {  	_ =	strace s17  }
0x93: {  	s2 =	sld [smem:$0x3FFC];
	_ =	sdelay $0x3  }
0x94: {  	_ =	strace s2  }
0x95: {  	s2 =	sld [smem:$0x3FFD];
	_ =	sdelay $0x3  }
0x96: {  	_ =	strace s2  }
0x97: {  	_ =	strace $0x8FFFFFFF  }
0x98: {  	s18 =	sld [smem:$0x3FDB];
	_ =	sdelay $0x1  }
0x99: {  	s19 =	simm.s32 $_scs_section_size  }
0x9a: {  	s4 =	simm.s32 $_size__tile_overlayer_lowered;
	s5 =	simm.s32 $_tile_overlayer_lowered  }
0x9b: {  	s22 =	simm.s32 $0x1BFF;
	s21 =	sshll.u32 s5, $0x1;
	s2 =	sadd.s32 s19, s18  }
0x9c: {  	s6 =	simm.s32 $0x0;
	s20 =	sshll.u32 s4, $0x1;
	s4 =	sadd.s32 s21, s2  }
0x9d: {  	[timem:s6], [sflag:s22] =	dma.local [hbm:s4], s20  }
0x9e: {  	_ =	swait.ge [sflag:s22], s20  }
0x9f: {  	s3 =	ssub.s32 $0x0, s20;
	[sflag:s22] =	ssyncset.done $0x0  }
0xa0: {  	[sflag:s22] =	ssyncadd.s32 s3;
	_ =	sdelay $0x1  }
0xa1: {  	s23 =	simm.s32 $0x1B8B  }
0xa2: {  	_ =	swait.ge [sflag:s23], $0x1  }
0xa3: {  	[sflag:s23] =	ssyncset.done $0x0  }
0xa4: {  	s25 =	simm.s32 $0x1B8E;
	s24 =	sld [smem:$0x3FFE];
	[sflag:s23] =	ssyncadd.s32 $0xFFFFFFFF  }
0xa5: {  	s26 =	simm.s32 $execute0_lowered;
	[smem:$0x3FD2] =	sst s25  }
0xa6: {  	s4 =	sshll.u32 s26, $0x1;
	_ =	strace $0x80000049;
	[dreg:$0x1] =	wrdreg $0xFFFFFFFF  }
0xa7: {  	s28 =	simm.s32 $_size_execute0_lowered;
	s2 =	sadd.s32 s2, s4;
	[dreg:$0x0] =	wrdreg $0x0  }
0xa8: {  	s4 =	sshll.u32 s28, $0x1;
	[dreg:$0x2] =	wrdreg s2  }
0xa9: {  	[dreg:$0x3] =	wrdreg s4  }
0xaa: {  	[dreg:$0x4] =	wrdreg $0xC0  }
0xab: {  	_ =	task [dreg:s6], $0x5FFFF  }
0xac: {  	[dreg:$0x1] =	wrdreg $0xFFFFFFFF  }
0xad: {  	[dreg:$0x0] =	wrdreg $0x60  }
0xae: {  	[dreg:$0x2] =	wrdreg s24  }
0xaf: {  	[dreg:$0x3] =	wrdreg $0x116200  }
0xb0: {  	[dreg:$0x4] =	wrdreg $0x9  }
0xb1: {  	_ =	task.clear_ibuf [dreg:s6], $0x5FFFF;
	_ =	strace $0x90000049  }
0xb2: {  	s29 =	simm.s32 $0x9;
	_ =	strace $0x8000004B  }
0xb3: {  	_ =	swait.ge [sflag:s29], $0x1  }
0xb4: {  	[sflag:s29] =	ssyncadd.s32 $0xFFFFFFFF  }
0xb5: {  	_ =	strace $0x9000004B  }
0xb6: {  	_ =	sfence  }
0xb7: {  	s30 =	sld [smem:$0x0];
	_ =	sdelay $0x2  }
0xb8: {  	s31 =	sshll.u32 s1, $0xD;
	s1 =	sshrl.u32 s1, $0x2  }
0xb9: {  	s3 =	sand.u32 $0x4000, s31;
	s1 =	sadd.s32 s1, s30  }
0xba: {  	s0 =	sor.u32 s3, s0;
	s1 =	sshll.u32 s1, $0x11  }
0xbb: {  	s0 =	sor.u32 s1, s0  }
0xbc: {  	s0 =	sadd.s32 $0x8F2B, s0  }
0xbd: {  	[sflag:s0] =	ssyncadd.remote.s32 $0x1  }
0xbe: {  	_ =	sfence.sel $0xFFFF  }
0xbf: {  	[dreg:$0x0] =	wrdreg $0xFFFFFFFF;
	(pc) =	sbr.abs _section_cstart, $3  }
0xc0: {  	[dreg:$0x1] =	wrdreg $0xFFFFFFFF  }
0xc1: {  	_ =	task.clear_ibuf [dreg:s6], $0x2FFFF;
	_ =	strace $0x9FFFFFFF  }
0xc2: {  	(tm) =	ssettm $0x7FFFFFFF  }
0xc3: {  	_ =	shalt  }
tec
execute0_lowered:
.L_overlay_start_1:
0x0: {  	(tag) =	ssettag $0x1  }
0x1: {  	s0 =	srdreg.scid  }
0x2: {  	s7 =	stileid.u32;
	s5 =	rddreg [dreg:$0x0]  }
0x3: {  	s2 =	rddreg [dreg:$0x1];
	s13 =	simm.s32 $0x0;
	s29 =	simm.s32 $0x50  }
0x4: {  	s30 =	simm.s32 $0x6220;
	s28 =	simm.s32 $0x8A20;
	s31 =	simm.s32 $0xB220  }
0x5: {  	s0 =	sand.u32 $0x1, s0;
	[smem:$0x7FF] =	sst s13;
	s4 =	sadd.s32 $0x17200, s5  }
0x6: {  	s8 =	sadd.s32 $0x2E00, s5;
	s1 =	sshll.u32 s0, $0x4;
	_ =	strace $0x8000004A  }
0x7: {  	s6 =	ssub.s32 $0x2, s0;
	s1 =	sor.u32 s7, s1;
	s7 =	smul.u32 $0xA000, s7  }
0x8: {  	[dreg:$0x3] =	wrdreg s8;
	s0 =	smul.u32 $0xA0000, s0;
	s22 =	sshrl.u32 s6, $0x1  }
0x9: {  	s1 =	smul.u32 $0x2710, s1;
	s6 =	ssub.s32 s6, s22;
	s3 =	sadd.s32 s7, s2  }
0xa: {  	s19 =	sor.u32 $0x1400, s7;
	s9 =	sadd.s32 $0x2800, s7;
	s10 =	sadd.s32 $0x3C00, s7  }
0xb: {  	s14 =	sadd.s32 $0x5000, s7;
	s15 =	sadd.s32 $0x6400, s7;
	s16 =	sadd.s32 $0x7800, s7  }
0xc: {  	s17 =	sadd.s32 $0x8C00, s7;
	s7 =	sadd.s32 s7, s0;
	s1 =	sshrl.u32 s1, $0x3  }
0xd: {  	s18 =	sadd.s32 s19, s2;
	s23 =	sadd.s32 s9, s2;
	s24 =	sadd.s32 s10, s2  }
0xe: {  	s25 =	sadd.s32 s14, s2;
	s8 =	sadd.s32 s15, s2;
	s11 =	sadd.s32 s16, s2  }
0xf: {  	s12 =	sadd.s32 s17, s2;
	s19 =	sadd.s32 s0, s19;
	s9 =	sadd.s32 s0, s9  }
0x10: {  	s10 =	sadd.s32 s0, s10;
	s14 =	sadd.s32 s0, s14;
	[dreg:$0x6] =	wrdreg s3  }
0x11: {  	s15 =	sadd.s32 s0, s15;
	s16 =	sadd.s32 s0, s16;
	[dreg:$0x4] =	wrdreg s23  }
0x12: {  	s0 =	sadd.s32 s0, s17;
	s7 =	sshrl.u32 s7, $0x3;
	[dreg:$0x5] =	wrdreg s24  }
0x13: {  	s1 =	sadd.s32 s1, s5;
	s5 =	sadd.s32 $0x2AC00, s5;
	[dreg:$0x7] =	wrdreg s25  }
0x14: {  	s17 =	sshrl.u32 s19, $0x3;
	s19 =	sshrl.u32 s9, $0x3;
	[dreg:$0x9] =	wrdreg s8  }
0x15: {  	s20 =	sshrl.u32 s10, $0x3;
	s10 =	smov.u32 s18;
	[dreg:$0xa] =	wrdreg s11  }
0x16: {  	s22 =	sshrl.u32 s14, $0x3;
	s9 =	simm.s32 $0x0;
	[dreg:$0xb] =	wrdreg s12  }
0x17: {  	s23 =	sshrl.u32 s15, $0x3;
	s24 =	sshrl.u32 s16, $0x3;
	[dreg:$0x17] =	wrdreg s9  }
0x18: {  	s0 =	sshrl.u32 s0, $0x3;
	s26 =	sadd.s32 $0x3800, s1;
	[dreg:$0x8] =	wrdreg s10  }
0x19: {  	s14 =	simm.s32 $0xDA20;
	s1 =	sadd.s32 $0xD440, s1;
	[dreg:$0xc] =	wrdreg s26  }
0x1a: {  	s15 =	simm.s32 $0xEE20;
	s7 =	sadd.s32 s5, s7;
	[dreg:$0xd] =	wrdreg s1  }
0x1b: {  	s16 =	simm.s32 $0x10220;
	s21 =	sadd.s32 s5, s20;
	[dreg:$0xe] =	wrdreg s7  }
0x1c: {  	s18 =	simm.s32 $0x2;
	s25 =	sadd.s32 s5, s24;
	[dreg:$0x11] =	wrdreg s21  }
0x1d: {  	s0 =	sadd.s32 s5, s0;
	s20 =	simm.s32 $0x4;
	[dreg:$0x14] =	wrdreg s25  }
0x1e: {  	s24 =	simm.s32 $0x8;
	s1 =	sadd.s32 s5, s17;
	[dreg:$0x15] =	wrdreg s0  }
0x1f: {  	s26 =	smax.u32 s6, $0x1;
	s25 =	simm.s32 $0x4E20;
	s0 =	simm.s32 $0x9E20  }
0x20: {  	s17 =	simm.s32 $0x1;
	s21 =	simm.s32 $0x5;
	s6 =	simm.s32 $0x9  }
0x21: {  	s7 =	simm.s32 $0xA;
	[dreg:$0xf] =	wrdreg s1;
	s1 =	sadd.s32 s5, s19  }
0x22: {  	[dreg:$0x16] =	wrdreg s26;
	s26 =	simm.s32 $0xB;
	s19 =	simm.s32 $0x3  }
0x23: {  	[dreg:$0x10] =	wrdreg s1;
	s1 =	sadd.s32 s5, s22;
	s22 =	simm.s32 $0x6  }
0x24: {  	[dreg:$0x12] =	wrdreg s1;
	s1 =	sadd.s32 s5, s23;
	s5 =	simm.s32 $0xC620  }
0x25: {  	s23 =	simm.s32 $0x7;
	[dreg:$0x13] =	wrdreg s1;
	s1 =	simm.s32 $0x7620  }
.LBB2_1:
0x26: {  	s9 =	rddreg [dreg:$0x3]  }
0x27: {  	[tilespmem:s25], [sflag:$0xB] =	stream.linear.gather [hbm4b:s9+s13], $0x1400, $0x38;
	[tilespmem:$0x1B620] =	vst v63  }
0x28: {  	_ =	swait.ge [sflag:s26], $0x1400  }
0x29: {  	[sflag:s26] =	ssyncset.done $0x0  }
0x2a: {  	[sflag:s26] =	ssyncadd.s32 $0xFFFFEC00  }
0x2b: {  	[spmem:s3] =	stream.linear.scatter [tilespmem:s25], [sflag:$0xB], $0x1400, $0x38;
	[tilespmem:$0x1B620] =	vst v63  }
0x2c: {  	_ =	swait.ge [sflag:s26], $0x1400  }
0x2d: {  	[sflag:s26] =	ssyncset.done $0x0  }
0x2e: {  	[sflag:s26] =	ssyncadd.s32 $0xFFFFEC00  }
0x2f: {  	[spmem:s10] =	stream.linear.scatter [tilespmem:s25], [sflag:$0xB], $0x1400, $0x38;
	[tilespmem:$0x1B620] =	vst v63  }
0x30: {  	s3 =	rddreg [dreg:$0x4];
	_ =	swait.ge [sflag:s26], $0x1400  }
0x31: {  	[sflag:s26] =	ssyncset.done $0x0  }
0x32: {  	[sflag:s26] =	ssyncadd.s32 $0xFFFFEC00  }
0x33: {  	[spmem:s3] =	stream.linear.scatter [tilespmem:s25], [sflag:$0xB], $0x1400, $0x38;
	[tilespmem:$0x1B620] =	vst v63  }
0x34: {  	_ =	swait.ge [sflag:s26], $0x1400  }
0x35: {  	[sflag:s26] =	ssyncset.done $0x0  }
0x36: {  	s9 =	rddreg [dreg:$0x5];
	[sflag:s26] =	ssyncadd.s32 $0xFFFFEC00  }
0x37: {  	[spmem:s9] =	stream.linear.scatter [tilespmem:s25], [sflag:$0xB], $0x1400, $0x38;
	[tilespmem:$0x1B620] =	vst v63  }
0x38: {  	_ =	swait.ge [sflag:s26], $0x1400  }
0x39: {  	[sflag:s26] =	ssyncset.done $0x0  }
0x3a: {  	s10 =	rddreg [dreg:$0x7];
	[sflag:s26] =	ssyncadd.s32 $0xFFFFEC00  }
0x3b: {  	[spmem:s10] =	stream.linear.scatter [tilespmem:s25], [sflag:$0xB], $0x1400, $0x38;
	[tilespmem:$0x1B620] =	vst v63  }
0x3c: {  	_ =	swait.ge [sflag:s26], $0x1400  }
0x3d: {  	[sflag:s26] =	ssyncset.done $0x0  }
0x3e: {  	[sflag:s26] =	ssyncadd.s32 $0xFFFFEC00  }
0x3f: {  	[spmem:s8] =	stream.linear.scatter [tilespmem:s25], [sflag:$0xB], $0x1400, $0x38;
	[tilespmem:$0x1B620] =	vst v63  }
0x40: {  	_ =	swait.ge [sflag:s26], $0x1400  }
0x41: {  	[sflag:s26] =	ssyncset.done $0x0  }
0x42: {  	[sflag:s26] =	ssyncadd.s32 $0xFFFFEC00  }
0x43: {  	[spmem:s11] =	stream.linear.scatter [tilespmem:s25], [sflag:$0xB], $0x1400, $0x38;
	[tilespmem:$0x1B620] =	vst v63  }
0x44: {  	_ =	swait.ge [sflag:s26], $0x1400  }
0x45: {  	[sflag:s26] =	ssyncset.done $0x0  }
0x46: {  	[sflag:s26] =	ssyncadd.s32 $0xFFFFEC00  }
0x47: {  	[spmem:s12] =	stream.linear.scatter [tilespmem:s25], [sflag:$0xB], $0x1400, $0x38;
	[tilespmem:$0x1B620] =	vst v63  }
0x48: {  	_ =	swait.ge [sflag:s26], $0x1400  }
0x49: {  	[sflag:s26] =	ssyncset.done $0x0  }
0x4a: {  	s8 =	rddreg [dreg:$0xc];
	[sflag:s26] =	ssyncadd.s32 $0xFFFFEC00  }
0x4b: {  	[tilespmem:s13], [sflag:$0xB] =	stream.linear.gather [hbm4b:s8+s13], $0x2710, $0x38;
	[tilespmem:$0x1B620] =	vst v63  }
0x4c: {  	_ =	swait.ge [sflag:s26], $0x2710  }
0x4d: {  	[sflag:s26] =	ssyncset.done $0x0  }
0x4e: {  	s10 =	simm.s32 $0x2710;
	s9 =	rddreg [dreg:$0xd];
	[sflag:s26] =	ssyncadd.s32 $0xFFFFD8F0  }
0x4f: {  	[tilespmem:s10], [sflag:$0xB] =	stream.linear.gather [hbm4b:s9+s13], $0x2710, $0x38;
	[tilespmem:$0x1B620] =	vst v63  }
0x50: {  	_ =	swait.ge [sflag:s26], $0x2710  }
0x51: {  	[sflag:s26] =	ssyncset.done $0x0  }
0x52: {  	[sflag:s26] =	ssyncadd.s32 $0xFFFFD8F0  }
0x53: {  	[bflag:$0x0] =	sbarrier.arrive $0xFFFF  }
0x54: {  	[tilespmem:s25], [sflag:$0x1] =	stream.indirect.gather [hbm4b:s4+s29], $0x40, s13, s29, $0xb8;
	[tilespmem:$0x1B620] =	vst v63  }
0x55: {  	_ = 	snop  }
0x56: {  	[tilespmem:s30], [sflag:$0x2] =	stream.indirect.gather [hbm4b:s4+s29], $0x40, s29, s29, $0xb8;
	[tilespmem:$0x1B620] =	vst v63  }
0x57: {  	s11 =	simm.s32 $0xA0  }
0x58: {  	[tilespmem:s1], [sflag:$0x3] =	stream.indirect.gather [hbm4b:s4+s29], $0x40, s11, s29, $0xb8;
	[tilespmem:$0x1B620] =	vst v63  }
0x59: {  	s12 =	simm.s32 $0xF0  }
0x5a: {  	[tilespmem:s28], [sflag:$0x4] =	stream.indirect.gather [hbm4b:s4+s29], $0x40, s12, s29, $0xb8;
	[tilespmem:$0x1B620] =	vst v63  }
0x5b: {  	s13 =	simm.s32 $0x140  }
0x5c: {  	[tilespmem:s0], [sflag:$0x5] =	stream.indirect.gather [hbm4b:s4+s29], $0x40, s13, s29, $0xb8;
	[tilespmem:$0x1B620] =	vst v63  }
0x5d: {  	s8 =	simm.s32 $0x190  }
0x5e: {  	[tilespmem:s31], [sflag:$0x6] =	stream.indirect.gather [hbm4b:s4+s29], $0x40, s8, s29, $0xb8;
	[tilespmem:$0x1B620] =	vst v63  }
0x5f: {  	s9 =	simm.s32 $0x1E0  }
0x60: {  	[tilespmem:s5], [sflag:$0x7] =	stream.indirect.gather [hbm4b:s4+s29], $0x40, s9, s29, $0xb8;
	[tilespmem:$0x1B620] =	vst v63  }
0x61: {  	s10 =	simm.s32 $0x230  }
0x62: {  	[tilespmem:s14], [sflag:$0x8] =	stream.indirect.gather [hbm4b:s4+s29], $0x40, s10, s29, $0xb8;
	[tilespmem:$0x1B620] =	vst v63  }
0x63: {  	s11 =	simm.s32 $0x280  }
0x64: {  	[tilespmem:s15], [sflag:$0x9] =	stream.indirect.gather [hbm4b:s4+s29], $0x40, s11, s29, $0xb8;
	[tilespmem:$0x1B620] =	vst v63  }
0x65: {  	s12 =	simm.s32 $0x2D0  }
0x66: {  	[tilespmem:s16], [sflag:$0xA] =	stream.indirect.gather [hbm4b:s4+s29], $0x40, s12, s29, $0xb8;
	[tilespmem:$0x1B620] =	vst v63  }
0x67: {  	_ =	swait.ge [sflag:s17], $0x1400  }
0x68: {  	[sflag:s17] =	ssyncset.done $0x0  }
0x69: {  	s13 =	simm.s32 $0x2710;
	[sflag:s17] =	ssyncadd.s32 $0xFFFFEC00  }
0x6a: {  	[spmem:s2] =	stream.indirect.scatter.add.f32 [tilespmem:s25], [sflag:$0xB], $0x40, s13, s29, $0xb8;
	[tilespmem:$0x1B620] =	vst v63  }
0x6b: {  	_ =	swait.ge [sflag:s26], $0x1400  }
0x6c: {  	[sflag:s26] =	ssyncset.done $0x0  }
0x6d: {  	s3 =	simm.s32 $0x320;
	[sflag:s26] =	ssyncadd.s32 $0xFFFFEC00  }
0x6e: {  	[tilespmem:s25], [sflag:$0x1] =	stream.indirect.gather [hbm4b:s4+s29], $0x40, s3, s29, $0xb8;
	[tilespmem:$0x1B620] =	vst v63  }
0x6f: {  	_ =	swait.ge [sflag:s18], $0x1400  }
0x70: {  	[sflag:s18] =	ssyncset.done $0x0  }
0x71: {  	s8 =	simm.s32 $0x2760;
	[sflag:s18] =	ssyncadd.s32 $0xFFFFEC00  }
0x72: {  	[spmem:s2] =	stream.indirect.scatter.add.f32 [tilespmem:s30], [sflag:$0xB], $0x40, s8, s29, $0xb8;
	[tilespmem:$0x1B620] =	vst v63  }
0x73: {  	_ =	swait.ge [sflag:s26], $0x1400  }
0x74: {  	[sflag:s26] =	ssyncset.done $0x0  }
0x75: {  	s10 =	simm.s32 $0x370;
	[sflag:s26] =	ssyncadd.s32 $0xFFFFEC00  }
0x76: {  	[tilespmem:s30], [sflag:$0x2] =	stream.indirect.gather [hbm4b:s4+s29], $0x40, s10, s29, $0xb8;
	[tilespmem:$0x1B620] =	vst v63  }
0x77: {  	_ =	swait.ge [sflag:s19], $0x1400  }
0x78: {  	[sflag:s19] =	ssyncset.done $0x0  }
0x79: {  	s11 =	simm.s32 $0x27B0;
	[sflag:s19] =	ssyncadd.s32 $0xFFFFEC00  }
0x7a: {  	[spmem:s2] =	stream.indirect.scatter.add.f32 [tilespmem:s1], [sflag:$0xB], $0x40, s11, s29, $0xb8;
	[tilespmem:$0x1B620] =	vst v63  }
0x7b: {  	_ =	swait.ge [sflag:s26], $0x1400  }
0x7c: {  	[sflag:s26] =	ssyncset.done $0x0  }
0x7d: {  	s12 =	simm.s32 $0x3C0;
	[sflag:s26] =	ssyncadd.s32 $0xFFFFEC00  }
0x7e: {  	[tilespmem:s1], [sflag:$0x3] =	stream.indirect.gather [hbm4b:s4+s29], $0x40, s12, s29, $0xb8;
	[tilespmem:$0x1B620] =	vst v63  }
0x7f: {  	_ =	swait.ge [sflag:s20], $0x1400  }
0x80: {  	[sflag:s20] =	ssyncset.done $0x0  }
0x81: {  	s13 =	simm.s32 $0x2800;
	[sflag:s20] =	ssyncadd.s32 $0xFFFFEC00  }
0x82: {  	[spmem:s2] =	stream.indirect.scatter.add.f32 [tilespmem:s28], [sflag:$0xB], $0x40, s13, s29, $0xb8;
	[tilespmem:$0x1B620] =	vst v63  }
0x83: {  	_ =	swait.ge [sflag:s26], $0x1400  }
0x84: {  	[sflag:s26] =	ssyncset.done $0x0  }
0x85: {  	s3 =	simm.s32 $0x410;
	[sflag:s26] =	ssyncadd.s32 $0xFFFFEC00  }
0x86: {  	[tilespmem:s28], [sflag:$0x4] =	stream.indirect.gather [hbm4b:s4+s29], $0x40, s3, s29, $0xb8;
	[tilespmem:$0x1B620] =	vst v63  }
0x87: {  	_ =	swait.ge [sflag:s21], $0x1400  }
0x88: {  	[sflag:s21] =	ssyncset.done $0x0  }
0x89: {  	s8 =	simm.s32 $0x2850;
	[sflag:s21] =	ssyncadd.s32 $0xFFFFEC00  }
0x8a: {  	[spmem:s2] =	stream.indirect.scatter.add.f32 [tilespmem:s0], [sflag:$0xB], $0x40, s8, s29, $0xb8;
	[tilespmem:$0x1B620] =	vst v63  }
0x8b: {  	_ =	swait.ge [sflag:s26], $0x1400  }
0x8c: {  	[sflag:s26] =	ssyncset.done $0x0  }
0x8d: {  	s10 =	simm.s32 $0x460;
	[sflag:s26] =	ssyncadd.s32 $0xFFFFEC00  }
0x8e: {  	[tilespmem:s0], [sflag:$0x5] =	stream.indirect.gather [hbm4b:s4+s29], $0x40, s10, s29, $0xb8;
	[tilespmem:$0x1B620] =	vst v63  }
0x8f: {  	_ =	swait.ge [sflag:s22], $0x1400  }
0x90: {  	[sflag:s22] =	ssyncset.done $0x0  }
0x91: {  	s11 =	simm.s32 $0x28A0;
	[sflag:s22] =	ssyncadd.s32 $0xFFFFEC00  }
0x92: {  	[spmem:s2] =	stream.indirect.scatter.add.f32 [tilespmem:s31], [sflag:$0xB], $0x40, s11, s29, $0xb8;
	[tilespmem:$0x1B620] =	vst v63  }
0x93: {  	_ =	swait.ge [sflag:s26], $0x1400  }
0x94: {  	[sflag:s26] =	ssyncset.done $0x0  }
0x95: {  	s12 =	simm.s32 $0x4B0;
	[sflag:s26] =	ssyncadd.s32 $0xFFFFEC00  }
0x96: {  	[tilespmem:s31], [sflag:$0x6] =	stream.indirect.gather [hbm4b:s4+s29], $0x40, s12, s29, $0xb8;
	[tilespmem:$0x1B620] =	vst v63  }
0x97: {  	_ =	swait.ge [sflag:s23], $0x1400  }
0x98: {  	[sflag:s23] =	ssyncset.done $0x0  }
0x99: {  	s13 =	simm.s32 $0x28F0;
	[sflag:s23] =	ssyncadd.s32 $0xFFFFEC00  }
0x9a: {  	[spmem:s2] =	stream.indirect.scatter.add.f32 [tilespmem:s5], [sflag:$0xB], $0x40, s13, s29, $0xb8;
	[tilespmem:$0x1B620] =	vst v63  }
0x9b: {  	_ =	swait.ge [sflag:s26], $0x1400  }
0x9c: {  	[sflag:s26] =	ssyncset.done $0x0  }
0x9d: {  	s3 =	simm.s32 $0x500;
	[sflag:s26] =	ssyncadd.s32 $0xFFFFEC00  }
0x9e: {  	[tilespmem:s5], [sflag:$0x7] =	stream.indirect.gather [hbm4b:s4+s29], $0x40, s3, s29, $0xb8;
	[tilespmem:$0x1B620] =	vst v63  }
0x9f: {  	_ =	swait.ge [sflag:s24], $0x1400  }
0xa0: {  	[sflag:s24] =	ssyncset.done $0x0  }
0xa1: {  	s8 =	simm.s32 $0x2940;
	[sflag:s24] =	ssyncadd.s32 $0xFFFFEC00  }
0xa2: {  	[spmem:s2] =	stream.indirect.scatter.add.f32 [tilespmem:s14], [sflag:$0xB], $0x40, s8, s29, $0xb8;
	[tilespmem:$0x1B620] =	vst v63  }
0xa3: {  	_ =	swait.ge [sflag:s26], $0x1400  }
0xa4: {  	[sflag:s26] =	ssyncset.done $0x0  }
0xa5: {  	s10 =	simm.s32 $0x550;
	[sflag:s26] =	ssyncadd.s32 $0xFFFFEC00  }
0xa6: {  	[tilespmem:s14], [sflag:$0x8] =	stream.indirect.gather [hbm4b:s4+s29], $0x40, s10, s29, $0xb8;
	[tilespmem:$0x1B620] =	vst v63  }
0xa7: {  	_ =	swait.ge [sflag:s6], $0x1400  }
0xa8: {  	[sflag:s6] =	ssyncset.done $0x0  }
0xa9: {  	s11 =	simm.s32 $0x2990;
	[sflag:s6] =	ssyncadd.s32 $0xFFFFEC00  }
0xaa: {  	[spmem:s2] =	stream.indirect.scatter.add.f32 [tilespmem:s15], [sflag:$0xB], $0x40, s11, s29, $0xb8;
	[tilespmem:$0x1B620] =	vst v63  }
0xab: {  	_ =	swait.ge [sflag:s26], $0x1400  }
0xac: {  	[sflag:s26] =	ssyncset.done $0x0  }
0xad: {  	s12 =	simm.s32 $0x5A0;
	[sflag:s26] =	ssyncadd.s32 $0xFFFFEC00  }
0xae: {  	[tilespmem:s15], [sflag:$0x9] =	stream.indirect.gather [hbm4b:s4+s29], $0x40, s12, s29, $0xb8;
	[tilespmem:$0x1B620] =	vst v63  }
0xaf: {  	_ =	swait.ge [sflag:s7], $0x1400  }
0xb0: {  	[sflag:s7] =	ssyncset.done $0x0  }
0xb1: {  	s13 =	simm.s32 $0x29E0;
	[sflag:s7] =	ssyncadd.s32 $0xFFFFEC00  }
0xb2: {  	[spmem:s2] =	stream.indirect.scatter.add.f32 [tilespmem:s16], [sflag:$0xB], $0x40, s13, s29, $0xb8;
	[tilespmem:$0x1B620] =	vst v63  }
0xb3: {  	_ =	swait.ge [sflag:s26], $0x1400  }
0xb4: {  	s9 =	simm.s32 $0xC80;
	[sflag:s26] =	ssyncset.done $0x0  }
0xb5: {  	s3 =	simm.s32 $0x0;
	s10 =	simm.s32 $0x5F0;
	[sflag:s26] =	ssyncadd.s32 $0xFFFFEC00  }
.LBB2_2:
0xb6: {  	[tilespmem:s16], [sflag:$0xA] =	stream.indirect.gather [hbm4b:s4+s29], $0x40, s10, s29, $0xb8;
	[tilespmem:$0x1B620] =	vst v63  }
0xb7: {  	s10 =	smov.u32 s9  }
0xb8: {  	p0 =	sne.s32 s9, $0x7D00;
	s9 =	sadd.s32 $0xC80, s9;
	_ =	swait.ge [sflag:s17], $0x1400  }
0xb9: {  	s10 =	sshra.s32 s10, $0x2;
	[sflag:s17] =	ssyncset.done $0x0  }
0xba: {  	s11 =	sadd.s32 $0x2710, s10;
	[sflag:s17] =	ssyncadd.s32 $0xFFFFEC00  }
0xbb: {  	[spmem:s2] =	stream.indirect.scatter.add.f32 [tilespmem:s25], [sflag:$0xB], $0x40, s11, s29, $0xb8;
	[tilespmem:$0x1B620] =	vst v63  }
0xbc: {  	_ =	swait.ge [sflag:s26], $0x1400  }
0xbd: {  	[sflag:s26] =	ssyncset.done $0x0  }
0xbe: {  	s11 =	sadd.s32 $0x320, s10;
	[sflag:s26] =	ssyncadd.s32 $0xFFFFEC00  }
0xbf: {  	[tilespmem:s25], [sflag:$0x1] =	stream.indirect.gather [hbm4b:s4+s29], $0x40, s11, s29, $0xb8;
	[tilespmem:$0x1B620] =	vst v63  }
0xc0: {  	_ =	swait.ge [sflag:s18], $0x1400  }
0xc1: {  	[sflag:s18] =	ssyncset.done $0x0  }
0xc2: {  	s11 =	sadd.s32 $0x2760, s10;
	[sflag:s18] =	ssyncadd.s32 $0xFFFFEC00  }
0xc3: {  	[spmem:s2] =	stream.indirect.scatter.add.f32 [tilespmem:s30], [sflag:$0xB], $0x40, s11, s29, $0xb8;
	[tilespmem:$0x1B620] =	vst v63  }
0xc4: {  	_ =	swait.ge [sflag:s26], $0x1400  }
0xc5: {  	[sflag:s26] =	ssyncset.done $0x0  }
0xc6: {  	s11 =	sadd.s32 $0x370, s10;
	[sflag:s26] =	ssyncadd.s32 $0xFFFFEC00  }
0xc7: {  	[tilespmem:s30], [sflag:$0x2] =	stream.indirect.gather [hbm4b:s4+s29], $0x40, s11, s29, $0xb8;
	[tilespmem:$0x1B620] =	vst v63  }
0xc8: {  	_ =	swait.ge [sflag:s19], $0x1400  }
0xc9: {  	[sflag:s19] =	ssyncset.done $0x0  }
0xca: {  	s11 =	sadd.s32 $0x27B0, s10;
	[sflag:s19] =	ssyncadd.s32 $0xFFFFEC00  }
0xcb: {  	[spmem:s2] =	stream.indirect.scatter.add.f32 [tilespmem:s1], [sflag:$0xB], $0x40, s11, s29, $0xb8;
	[tilespmem:$0x1B620] =	vst v63  }
0xcc: {  	_ =	swait.ge [sflag:s26], $0x1400  }
0xcd: {  	[sflag:s26] =	ssyncset.done $0x0  }
0xce: {  	s11 =	sadd.s32 $0x3C0, s10;
	[sflag:s26] =	ssyncadd.s32 $0xFFFFEC00  }
0xcf: {  	[tilespmem:s1], [sflag:$0x3] =	stream.indirect.gather [hbm4b:s4+s29], $0x40, s11, s29, $0xb8;
	[tilespmem:$0x1B620] =	vst v63  }
0xd0: {  	_ =	swait.ge [sflag:s20], $0x1400  }
0xd1: {  	[sflag:s20] =	ssyncset.done $0x0  }
0xd2: {  	s11 =	sadd.s32 $0x2800, s10;
	[sflag:s20] =	ssyncadd.s32 $0xFFFFEC00  }
0xd3: {  	[spmem:s2] =	stream.indirect.scatter.add.f32 [tilespmem:s28], [sflag:$0xB], $0x40, s11, s29, $0xb8;
	[tilespmem:$0x1B620] =	vst v63  }
0xd4: {  	_ =	swait.ge [sflag:s26], $0x1400  }
0xd5: {  	[sflag:s26] =	ssyncset.done $0x0  }
0xd6: {  	s11 =	sadd.s32 $0x410, s10;
	[sflag:s26] =	ssyncadd.s32 $0xFFFFEC00  }
0xd7: {  	[tilespmem:s28], [sflag:$0x4] =	stream.indirect.gather [hbm4b:s4+s29], $0x40, s11, s29, $0xb8;
	[tilespmem:$0x1B620] =	vst v63  }
0xd8: {  	_ =	swait.ge [sflag:s21], $0x1400  }
0xd9: {  	[sflag:s21] =	ssyncset.done $0x0  }
0xda: {  	s11 =	sadd.s32 $0x2850, s10;
	[sflag:s21] =	ssyncadd.s32 $0xFFFFEC00  }
0xdb: {  	[spmem:s2] =	stream.indirect.scatter.add.f32 [tilespmem:s0], [sflag:$0xB], $0x40, s11, s29, $0xb8;
	[tilespmem:$0x1B620] =	vst v63  }
0xdc: {  	_ =	swait.ge [sflag:s26], $0x1400  }
0xdd: {  	[sflag:s26] =	ssyncset.done $0x0  }
0xde: {  	s11 =	sadd.s32 $0x460, s10;
	[sflag:s26] =	ssyncadd.s32 $0xFFFFEC00  }
0xdf: {  	[tilespmem:s0], [sflag:$0x5] =	stream.indirect.gather [hbm4b:s4+s29], $0x40, s11, s29, $0xb8;
	[tilespmem:$0x1B620] =	vst v63  }
0xe0: {  	_ =	swait.ge [sflag:s22], $0x1400  }
0xe1: {  	[sflag:s22] =	ssyncset.done $0x0  }
0xe2: {  	s11 =	sadd.s32 $0x28A0, s10;
	[sflag:s22] =	ssyncadd.s32 $0xFFFFEC00  }
0xe3: {  	[spmem:s2] =	stream.indirect.scatter.add.f32 [tilespmem:s31], [sflag:$0xB], $0x40, s11, s29, $0xb8;
	[tilespmem:$0x1B620] =	vst v63  }
0xe4: {  	_ =	swait.ge [sflag:s26], $0x1400  }
0xe5: {  	[sflag:s26] =	ssyncset.done $0x0  }
0xe6: {  	s11 =	sadd.s32 $0x4B0, s10;
	[sflag:s26] =	ssyncadd.s32 $0xFFFFEC00  }
0xe7: {  	[tilespmem:s31], [sflag:$0x6] =	stream.indirect.gather [hbm4b:s4+s29], $0x40, s11, s29, $0xb8;
	[tilespmem:$0x1B620] =	vst v63  }
0xe8: {  	_ =	swait.ge [sflag:s23], $0x1400  }
0xe9: {  	[sflag:s23] =	ssyncset.done $0x0  }
0xea: {  	s11 =	sadd.s32 $0x28F0, s10;
	[sflag:s23] =	ssyncadd.s32 $0xFFFFEC00  }
0xeb: {  	[spmem:s2] =	stream.indirect.scatter.add.f32 [tilespmem:s5], [sflag:$0xB], $0x40, s11, s29, $0xb8;
	[tilespmem:$0x1B620] =	vst v63  }
0xec: {  	_ =	swait.ge [sflag:s26], $0x1400  }
0xed: {  	[sflag:s26] =	ssyncset.done $0x0  }
0xee: {  	s11 =	sadd.s32 $0x500, s10;
	[sflag:s26] =	ssyncadd.s32 $0xFFFFEC00  }
0xef: {  	[tilespmem:s5], [sflag:$0x7] =	stream.indirect.gather [hbm4b:s4+s29], $0x40, s11, s29, $0xb8;
	[tilespmem:$0x1B620] =	vst v63  }
0xf0: {  	_ =	swait.ge [sflag:s24], $0x1400  }
0xf1: {  	[sflag:s24] =	ssyncset.done $0x0  }
0xf2: {  	s11 =	sadd.s32 $0x2940, s10;
	[sflag:s24] =	ssyncadd.s32 $0xFFFFEC00  }
0xf3: {  	[spmem:s2] =	stream.indirect.scatter.add.f32 [tilespmem:s14], [sflag:$0xB], $0x40, s11, s29, $0xb8;
	[tilespmem:$0x1B620] =	vst v63  }
0xf4: {  	_ =	swait.ge [sflag:s26], $0x1400  }
0xf5: {  	[sflag:s26] =	ssyncset.done $0x0  }
0xf6: {  	s11 =	sadd.s32 $0x550, s10;
	[sflag:s26] =	ssyncadd.s32 $0xFFFFEC00  }
0xf7: {  	[tilespmem:s14], [sflag:$0x8] =	stream.indirect.gather [hbm4b:s4+s29], $0x40, s11, s29, $0xb8;
	[tilespmem:$0x1B620] =	vst v63  }
0xf8: {  	_ =	swait.ge [sflag:s6], $0x1400  }
0xf9: {  	[sflag:s6] =	ssyncset.done $0x0  }
0xfa: {  	s11 =	sadd.s32 $0x2990, s10;
	[sflag:s6] =	ssyncadd.s32 $0xFFFFEC00  }
0xfb: {  	[spmem:s2] =	stream.indirect.scatter.add.f32 [tilespmem:s15], [sflag:$0xB], $0x40, s11, s29, $0xb8;
	[tilespmem:$0x1B620] =	vst v63  }
0xfc: {  	_ =	swait.ge [sflag:s26], $0x1400  }
0xfd: {  	[sflag:s26] =	ssyncset.done $0x0  }
0xfe: {  	s11 =	sadd.s32 $0x5A0, s10;
	[sflag:s26] =	ssyncadd.s32 $0xFFFFEC00  }
0xff: {  	[tilespmem:s15], [sflag:$0x9] =	stream.indirect.gather [hbm4b:s4+s29], $0x40, s11, s29, $0xb8;
	[tilespmem:$0x1B620] =	vst v63  }
0x100: {  	_ =	swait.ge [sflag:s7], $0x1400  }
0x101: {  	[sflag:s7] =	ssyncset.done $0x0  }
.Ltmp0:
0x102: {  	s11 =	sadd.s32 $0x29E0, s10;
	[sflag:s7] =	ssyncadd.s32 $0xFFFFEC00;
	(pc) =	sbr.rel @p0 .LBB2_2-.Ltmp0, $4  }
0x103: {  	[spmem:s2] =	stream.indirect.scatter.add.f32 [tilespmem:s16], [sflag:$0xB], $0x40, s11, s29, $0xb8;
	[tilespmem:$0x1B620] =	vst v63  }
0x104: {  	_ =	swait.ge [sflag:s26], $0x1400  }
0x105: {  	[sflag:s26] =	ssyncset.done $0x0  }
0x106: {  	s10 =	sadd.s32 $0x5F0, s10;
	[sflag:s26] =	ssyncadd.s32 $0xFFFFEC00  }
0x107: {  	[tilespmem:s16], [sflag:$0xA] =	stream.indirect.gather [hbm4b:s4+s29], $0x40, s10, s29, $0xb8;
	[tilespmem:$0x1B620] =	vst v63  }
0x108: {  	_ =	swait.ge [sflag:s17], $0x1400  }
0x109: {  	[sflag:s17] =	ssyncset.done $0x0  }
0x10a: {  	s8 =	simm.s32 $0x4970;
	[sflag:s17] =	ssyncadd.s32 $0xFFFFEC00  }
0x10b: {  	[spmem:s2] =	stream.indirect.scatter.add.f32 [tilespmem:s25], [sflag:$0xB], $0x40, s8, s29, $0xb8;
	[tilespmem:$0x1B620] =	vst v63  }
0x10c: {  	_ =	swait.ge [sflag:s26], $0x1400  }
0x10d: {  	[sflag:s26] =	ssyncset.done $0x0  }
0x10e: {  	s12 =	simm.s32 $0x2580;
	[sflag:s26] =	ssyncadd.s32 $0xFFFFEC00  }
0x10f: {  	[tilespmem:s25], [sflag:$0x1] =	stream.indirect.gather [hbm4b:s4+s29], $0x40, s12, s29, $0xb8;
	[tilespmem:$0x1B620] =	vst v63  }
0x110: {  	_ =	swait.ge [sflag:s18], $0x1400  }
0x111: {  	[sflag:s18] =	ssyncset.done $0x0  }
0x112: {  	s13 =	simm.s32 $0x49C0;
	[sflag:s18] =	ssyncadd.s32 $0xFFFFEC00  }
0x113: {  	[spmem:s2] =	stream.indirect.scatter.add.f32 [tilespmem:s30], [sflag:$0xB], $0x40, s13, s29, $0xb8;
	[tilespmem:$0x1B620] =	vst v63  }
0x114: {  	_ =	swait.ge [sflag:s26], $0x1400  }
0x115: {  	[sflag:s26] =	ssyncset.done $0x0  }
0x116: {  	s9 =	simm.s32 $0x25D0;
	[sflag:s26] =	ssyncadd.s32 $0xFFFFEC00  }
0x117: {  	[tilespmem:s30], [sflag:$0x2] =	stream.indirect.gather [hbm4b:s4+s29], $0x40, s9, s29, $0xb8;
	[tilespmem:$0x1B620] =	vst v63  }
0x118: {  	_ =	swait.ge [sflag:s19], $0x1400  }
0x119: {  	[sflag:s19] =	ssyncset.done $0x0  }
0x11a: {  	s10 =	simm.s32 $0x4A10;
	[sflag:s19] =	ssyncadd.s32 $0xFFFFEC00  }
0x11b: {  	[spmem:s2] =	stream.indirect.scatter.add.f32 [tilespmem:s1], [sflag:$0xB], $0x40, s10, s29, $0xb8;
	[tilespmem:$0x1B620] =	vst v63  }
0x11c: {  	_ =	swait.ge [sflag:s26], $0x1400  }
0x11d: {  	[sflag:s26] =	ssyncset.done $0x0  }
0x11e: {  	s11 =	simm.s32 $0x2620;
	[sflag:s26] =	ssyncadd.s32 $0xFFFFEC00  }
0x11f: {  	[tilespmem:s1], [sflag:$0x3] =	stream.indirect.gather [hbm4b:s4+s29], $0x40, s11, s29, $0xb8;
	[tilespmem:$0x1B620] =	vst v63  }
0x120: {  	_ =	swait.ge [sflag:s20], $0x1400  }
0x121: {  	[sflag:s20] =	ssyncset.done $0x0  }
0x122: {  	s12 =	simm.s32 $0x4A60;
	[sflag:s20] =	ssyncadd.s32 $0xFFFFEC00  }
0x123: {  	[spmem:s2] =	stream.indirect.scatter.add.f32 [tilespmem:s28], [sflag:$0xB], $0x40, s12, s29, $0xb8;
	[tilespmem:$0x1B620] =	vst v63  }
0x124: {  	_ =	swait.ge [sflag:s26], $0x1400  }
0x125: {  	[sflag:s26] =	ssyncset.done $0x0  }
0x126: {  	s13 =	simm.s32 $0x2670;
	[sflag:s26] =	ssyncadd.s32 $0xFFFFEC00  }
0x127: {  	[tilespmem:s28], [sflag:$0x4] =	stream.indirect.gather [hbm4b:s4+s29], $0x40, s13, s29, $0xb8;
	[tilespmem:$0x1B620] =	vst v63  }
0x128: {  	_ =	swait.ge [sflag:s21], $0x1400  }
0x129: {  	[sflag:s21] =	ssyncset.done $0x0  }
0x12a: {  	s9 =	simm.s32 $0x4AB0;
	[sflag:s21] =	ssyncadd.s32 $0xFFFFEC00  }
0x12b: {  	[spmem:s2] =	stream.indirect.scatter.add.f32 [tilespmem:s0], [sflag:$0xB], $0x40, s9, s29, $0xb8;
	[tilespmem:$0x1B620] =	vst v63  }
0x12c: {  	_ =	swait.ge [sflag:s26], $0x1400  }
0x12d: {  	[sflag:s26] =	ssyncset.done $0x0  }
0x12e: {  	s10 =	simm.s32 $0x26C0;
	[sflag:s26] =	ssyncadd.s32 $0xFFFFEC00  }
0x12f: {  	[tilespmem:s0], [sflag:$0x5] =	stream.indirect.gather [hbm4b:s4+s29], $0x40, s10, s29, $0xb8;
	[tilespmem:$0x1B620] =	vst v63  }
0x130: {  	_ =	swait.ge [sflag:s22], $0x1400  }
0x131: {  	[sflag:s22] =	ssyncset.done $0x0  }
0x132: {  	s11 =	simm.s32 $0x4B00;
	[sflag:s22] =	ssyncadd.s32 $0xFFFFEC00  }
0x133: {  	[spmem:s2] =	stream.indirect.scatter.add.f32 [tilespmem:s31], [sflag:$0xB], $0x40, s11, s29, $0xb8;
	[tilespmem:$0x1B620] =	vst v63  }
0x134: {  	_ =	swait.ge [sflag:s26], $0x1400  }
0x135: {  	[sflag:s26] =	ssyncset.done $0x0  }
0x136: {  	[sflag:s26] =	ssyncadd.s32 $0xFFFFEC00  }
0x137: {  	_ =	swait.ge [sflag:s23], $0x1400  }
0x138: {  	[sflag:s23] =	ssyncset.done $0x0  }
0x139: {  	s12 =	simm.s32 $0x4B50;
	[sflag:s23] =	ssyncadd.s32 $0xFFFFEC00  }
0x13a: {  	[spmem:s2] =	stream.indirect.scatter.add.f32 [tilespmem:s5], [sflag:$0xB], $0x40, s12, s29, $0xb8;
	[tilespmem:$0x1B620] =	vst v63  }
0x13b: {  	_ =	swait.ge [sflag:s26], $0x1400  }
0x13c: {  	[sflag:s26] =	ssyncset.done $0x0  }
0x13d: {  	[sflag:s26] =	ssyncadd.s32 $0xFFFFEC00  }
0x13e: {  	_ =	swait.ge [sflag:s24], $0x1400  }
0x13f: {  	[sflag:s24] =	ssyncset.done $0x0  }
0x140: {  	s13 =	simm.s32 $0x4BA0;
	[sflag:s24] =	ssyncadd.s32 $0xFFFFEC00  }
0x141: {  	[spmem:s2] =	stream.indirect.scatter.add.f32 [tilespmem:s14], [sflag:$0xB], $0x40, s13, s29, $0xb8;
	[tilespmem:$0x1B620] =	vst v63  }
0x142: {  	_ =	swait.ge [sflag:s26], $0x1400  }
0x143: {  	[sflag:s26] =	ssyncset.done $0x0  }
0x144: {  	[sflag:s26] =	ssyncadd.s32 $0xFFFFEC00  }
0x145: {  	_ =	swait.ge [sflag:s6], $0x1400  }
0x146: {  	[sflag:s6] =	ssyncset.done $0x0  }
0x147: {  	s9 =	simm.s32 $0x4BF0;
	[sflag:s6] =	ssyncadd.s32 $0xFFFFEC00  }
0x148: {  	[spmem:s2] =	stream.indirect.scatter.add.f32 [tilespmem:s15], [sflag:$0xB], $0x40, s9, s29, $0xb8;
	[tilespmem:$0x1B620] =	vst v63  }
0x149: {  	_ =	swait.ge [sflag:s26], $0x1400  }
0x14a: {  	[sflag:s26] =	ssyncset.done $0x0  }
0x14b: {  	[sflag:s26] =	ssyncadd.s32 $0xFFFFEC00  }
0x14c: {  	_ =	swait.ge [sflag:s7], $0x1400  }
0x14d: {  	[sflag:s7] =	ssyncset.done $0x0  }
0x14e: {  	s10 =	simm.s32 $0x4C40;
	[sflag:s7] =	ssyncadd.s32 $0xFFFFEC00  }
0x14f: {  	[spmem:s2] =	stream.indirect.scatter.add.f32 [tilespmem:s16], [sflag:$0xB], $0x40, s10, s29, $0xb8;
	[tilespmem:$0x1B620] =	vst v63  }
0x150: {  	_ =	swait.ge [sflag:s26], $0x1400  }
0x151: {  	[sflag:s26] =	ssyncset.done $0x0  }
0x152: {  	[sflag:s26] =	ssyncadd.s32 $0xFFFFEC00  }
0x153: {  	_ =	swait.ge [sflag:s17], $0x1400  }
0x154: {  	[sflag:s17] =	ssyncset.done $0x0  }
0x155: {  	s11 =	simm.s32 $0x4C90;
	[sflag:s17] =	ssyncadd.s32 $0xFFFFEC00  }
0x156: {  	[spmem:s2] =	stream.indirect.scatter.add.f32 [tilespmem:s25], [sflag:$0xB], $0x40, s11, s29, $0xb8;
	[tilespmem:$0x1B620] =	vst v63  }
0x157: {  	_ =	swait.ge [sflag:s26], $0x1400  }
0x158: {  	[sflag:s26] =	ssyncset.done $0x0  }
0x159: {  	[sflag:s26] =	ssyncadd.s32 $0xFFFFEC00  }
0x15a: {  	_ =	swait.ge [sflag:s18], $0x1400  }
0x15b: {  	[sflag:s18] =	ssyncset.done $0x0  }
0x15c: {  	s12 =	simm.s32 $0x4CE0;
	[sflag:s18] =	ssyncadd.s32 $0xFFFFEC00  }
0x15d: {  	[spmem:s2] =	stream.indirect.scatter.add.f32 [tilespmem:s30], [sflag:$0xB], $0x40, s12, s29, $0xb8;
	[tilespmem:$0x1B620] =	vst v63  }
0x15e: {  	_ =	swait.ge [sflag:s26], $0x1400  }
0x15f: {  	[sflag:s26] =	ssyncset.done $0x0  }
0x160: {  	[sflag:s26] =	ssyncadd.s32 $0xFFFFEC00  }
0x161: {  	_ =	swait.ge [sflag:s19], $0x1400  }
0x162: {  	[sflag:s19] =	ssyncset.done $0x0  }
0x163: {  	s13 =	simm.s32 $0x4D30;
	[sflag:s19] =	ssyncadd.s32 $0xFFFFEC00  }
0x164: {  	[spmem:s2] =	stream.indirect.scatter.add.f32 [tilespmem:s1], [sflag:$0xB], $0x40, s13, s29, $0xb8;
	[tilespmem:$0x1B620] =	vst v63  }
0x165: {  	_ =	swait.ge [sflag:s26], $0x1400  }
0x166: {  	[sflag:s26] =	ssyncset.done $0x0  }
0x167: {  	[sflag:s26] =	ssyncadd.s32 $0xFFFFEC00  }
0x168: {  	_ =	swait.ge [sflag:s20], $0x1400  }
0x169: {  	[sflag:s20] =	ssyncset.done $0x0  }
0x16a: {  	s9 =	simm.s32 $0x4D80;
	[sflag:s20] =	ssyncadd.s32 $0xFFFFEC00  }
0x16b: {  	[spmem:s2] =	stream.indirect.scatter.add.f32 [tilespmem:s28], [sflag:$0xB], $0x40, s9, s29, $0xb8;
	[tilespmem:$0x1B620] =	vst v63  }
0x16c: {  	_ =	swait.ge [sflag:s26], $0x1400  }
0x16d: {  	[sflag:s26] =	ssyncset.done $0x0  }
0x16e: {  	[sflag:s26] =	ssyncadd.s32 $0xFFFFEC00  }
0x16f: {  	_ =	swait.ge [sflag:s21], $0x1400  }
0x170: {  	[sflag:s21] =	ssyncset.done $0x0  }
0x171: {  	s10 =	simm.s32 $0x4DD0;
	[sflag:s21] =	ssyncadd.s32 $0xFFFFEC00  }
0x172: {  	[spmem:s2] =	stream.indirect.scatter.add.f32 [tilespmem:s0], [sflag:$0xB], $0x40, s10, s29, $0xb8;
	[tilespmem:$0x1B620] =	vst v63  }
0x173: {  	_ =	swait.ge [sflag:s26], $0x1400  }
0x174: {  	[sflag:s26] =	ssyncset.done $0x0  }
0x175: {  	[sflag:s26] =	ssyncadd.s32 $0xFFFFEC00  }
0x176: {  	[bflag:$0x0] =	sbarrier.arrive $0xFFFF  }
0x177: {  	s11 =	rddreg [dreg:$0x6]  }
0x178: {  	[tilespmem:s25], [sflag:$0xB] =	stream.linear.gather [spmem:s11], $0x1400, $0x38;
	[tilespmem:$0x1B620] =	vst v63  }
0x179: {  	_ =	swait.ge [sflag:s26], $0x1400  }
0x17a: {  	[sflag:s26] =	ssyncset.done $0x0  }
0x17b: {  	s12 =	rddreg [dreg:$0xe];
	[sflag:s26] =	ssyncadd.s32 $0xFFFFEC00  }
0x17c: {  	[hbm4b:s12+s3] =	stream.linear.scatter [tilespmem:s25], [sflag:$0xB], $0x1400, $0x38;
	[tilespmem:$0x1B620] =	vst v63  }
0x17d: {  	_ =	swait.ge [sflag:s26], $0x1400  }
0x17e: {  	[sflag:s26] =	ssyncset.done $0x0  }
0x17f: {  	s10 =	rddreg [dreg:$0x8];
	[sflag:s26] =	ssyncadd.s32 $0xFFFFEC00  }
0x180: {  	[tilespmem:s25], [sflag:$0xB] =	stream.linear.gather [spmem:s10], $0x1400, $0x38;
	[tilespmem:$0x1B620] =	vst v63  }
0x181: {  	_ =	swait.ge [sflag:s26], $0x1400  }
0x182: {  	[sflag:s26] =	ssyncset.done $0x0  }
0x183: {  	s13 =	rddreg [dreg:$0xf];
	[sflag:s26] =	ssyncadd.s32 $0xFFFFEC00  }
0x184: {  	[hbm4b:s13+s3] =	stream.linear.scatter [tilespmem:s25], [sflag:$0xB], $0x1400, $0x38;
	[tilespmem:$0x1B620] =	vst v63  }
0x185: {  	_ =	swait.ge [sflag:s26], $0x1400  }
0x186: {  	[sflag:s26] =	ssyncset.done $0x0  }
0x187: {  	s9 =	rddreg [dreg:$0x4];
	[sflag:s26] =	ssyncadd.s32 $0xFFFFEC00  }
0x188: {  	[tilespmem:s25], [sflag:$0xB] =	stream.linear.gather [spmem:s9], $0x1400, $0x38;
	[tilespmem:$0x1B620] =	vst v63  }
0x189: {  	_ =	swait.ge [sflag:s26], $0x1400  }
0x18a: {  	[sflag:s26] =	ssyncset.done $0x0  }
0x18b: {  	s11 =	rddreg [dreg:$0x10];
	[sflag:s26] =	ssyncadd.s32 $0xFFFFEC00  }
0x18c: {  	[hbm4b:s11+s3] =	stream.linear.scatter [tilespmem:s25], [sflag:$0xB], $0x1400, $0x38;
	[tilespmem:$0x1B620] =	vst v63  }
0x18d: {  	_ =	swait.ge [sflag:s26], $0x1400  }
0x18e: {  	[sflag:s26] =	ssyncset.done $0x0  }
0x18f: {  	s12 =	rddreg [dreg:$0x5];
	[sflag:s26] =	ssyncadd.s32 $0xFFFFEC00  }
0x190: {  	[tilespmem:s25], [sflag:$0xB] =	stream.linear.gather [spmem:s12], $0x1400, $0x38;
	[tilespmem:$0x1B620] =	vst v63  }
0x191: {  	_ =	swait.ge [sflag:s26], $0x1400  }
0x192: {  	[sflag:s26] =	ssyncset.done $0x0  }
0x193: {  	s13 =	rddreg [dreg:$0x11];
	[sflag:s26] =	ssyncadd.s32 $0xFFFFEC00  }
0x194: {  	[hbm4b:s13+s3] =	stream.linear.scatter [tilespmem:s25], [sflag:$0xB], $0x1400, $0x38;
	[tilespmem:$0x1B620] =	vst v63  }
0x195: {  	_ =	swait.ge [sflag:s26], $0x1400  }
0x196: {  	[sflag:s26] =	ssyncset.done $0x0  }
0x197: {  	s9 =	rddreg [dreg:$0x7];
	[sflag:s26] =	ssyncadd.s32 $0xFFFFEC00  }
0x198: {  	[tilespmem:s25], [sflag:$0xB] =	stream.linear.gather [spmem:s9], $0x1400, $0x38;
	[tilespmem:$0x1B620] =	vst v63  }
0x199: {  	_ =	swait.ge [sflag:s26], $0x1400  }
0x19a: {  	[sflag:s26] =	ssyncset.done $0x0  }
0x19b: {  	s13 =	simm.s32 $0x0;
	s11 =	rddreg [dreg:$0x12];
	[sflag:s26] =	ssyncadd.s32 $0xFFFFEC00  }
0x19c: {  	[hbm4b:s11+s13] =	stream.linear.scatter [tilespmem:s25], [sflag:$0xB], $0x1400, $0x38;
	[tilespmem:$0x1B620] =	vst v63  }
0x19d: {  	_ =	swait.ge [sflag:s26], $0x1400  }
0x19e: {  	[sflag:s26] =	ssyncset.done $0x0  }
0x19f: {  	s8 =	rddreg [dreg:$0x9];
	[sflag:s26] =	ssyncadd.s32 $0xFFFFEC00  }
0x1a0: {  	[tilespmem:s25], [sflag:$0xB] =	stream.linear.gather [spmem:s8], $0x1400, $0x38;
	[tilespmem:$0x1B620] =	vst v63  }
0x1a1: {  	_ =	swait.ge [sflag:s26], $0x1400  }
0x1a2: {  	[sflag:s26] =	ssyncset.done $0x0  }
0x1a3: {  	s9 =	rddreg [dreg:$0x13];
	[sflag:s26] =	ssyncadd.s32 $0xFFFFEC00  }
0x1a4: {  	[hbm4b:s9+s13] =	stream.linear.scatter [tilespmem:s25], [sflag:$0xB], $0x1400, $0x38;
	[tilespmem:$0x1B620] =	vst v63  }
0x1a5: {  	_ =	swait.ge [sflag:s26], $0x1400  }
0x1a6: {  	[sflag:s26] =	ssyncset.done $0x0  }
0x1a7: {  	s11 =	rddreg [dreg:$0xa];
	[sflag:s26] =	ssyncadd.s32 $0xFFFFEC00  }
0x1a8: {  	[tilespmem:s25], [sflag:$0xB] =	stream.linear.gather [spmem:s11], $0x1400, $0x38;
	[tilespmem:$0x1B620] =	vst v63  }
0x1a9: {  	_ =	swait.ge [sflag:s26], $0x1400  }
0x1aa: {  	[sflag:s26] =	ssyncset.done $0x0  }
0x1ab: {  	s12 =	rddreg [dreg:$0x14];
	[sflag:s26] =	ssyncadd.s32 $0xFFFFEC00  }
0x1ac: {  	[hbm4b:s12+s13] =	stream.linear.scatter [tilespmem:s25], [sflag:$0xB], $0x1400, $0x38;
	[tilespmem:$0x1B620] =	vst v63  }
0x1ad: {  	_ =	swait.ge [sflag:s26], $0x1400  }
0x1ae: {  	[sflag:s26] =	ssyncset.done $0x0  }
0x1af: {  	s12 =	rddreg [dreg:$0xb];
	[sflag:s26] =	ssyncadd.s32 $0xFFFFEC00  }
0x1b0: {  	[tilespmem:s25], [sflag:$0xB] =	stream.linear.gather [spmem:s12], $0x1400, $0x38;
	[tilespmem:$0x1B620] =	vst v63  }
0x1b1: {  	_ =	swait.ge [sflag:s26], $0x1400  }
0x1b2: {  	[sflag:s26] =	ssyncset.done $0x0  }
0x1b3: {  	s3 =	rddreg [dreg:$0x15];
	[sflag:s26] =	ssyncadd.s32 $0xFFFFEC00  }
0x1b4: {  	[hbm4b:s3+s13] =	stream.linear.scatter [tilespmem:s25], [sflag:$0xB], $0x1400, $0x38;
	[tilespmem:$0x1B620] =	vst v63  }
0x1b5: {  	_ =	swait.ge [sflag:s26], $0x1400  }
0x1b6: {  	s9 =	rddreg [dreg:$0x17]  }
0x1b7: {  	s3 =	sadd.s32 $0x1, s9;
	s9 =	rddreg [dreg:$0x16]  }
0x1b8: {  	p0 =	sne.s32 s3, s9  }
.Ltmp1:
0x1b9: {  	_ = 	snop;
	(pc) =	sbr.rel @p0 .LBB2_1-.Ltmp1, $3  }
0x1ba: {  	_ =	sdelay $0x1  }
0x1bb: {  	[sflag:s26] =	ssyncset.done $0x0;
	[dreg:$0x17] =	wrdreg s3  }
0x1bc: {  	[sflag:s26] =	ssyncadd.s32 $0xFFFFEC00;
	s3 =	rddreg [dreg:$0x6]  }
0x1bd: {  	_ =	sfence.sel $0x180000  }
0x1be: {  	[bflag:$0x0] =	sbarrier.arrive $0xFFFF  }
0x1bf: {  	_ =	strace $0x9000004A  }
0x1c0: {  	s0 =	stileid.u32;
	[bflag:$0x2] =	sbarrier.arrive $0xFFFF  }
0x1c1: {  	p0 =	sne.s32 s0, $0x0;
	s0 =	rddreg [dreg:$0x2]  }
0x1c2: {  	s0 =	sadd.s32 @!p0 $0x100000, s0  }
0x1c3: {  	[sflag:s0] =	ssyncadd.tile.s32 @!p0 $0x1;
	_ =	shalt  }
.Lfunc_end2:
_tile_overlayer_lowered:
.L_overlay_start_2:
0x1c4: {  	(tag) =	ssettag $0x2  }
0x1c5: {  	s0 =	rddreg [dreg:$0x0];
	s2 =	stileid.u32  }
0x1c6: {  	s1 =	rddreg [dreg:$0x1];
	p0 =	sne.s32 s2, $0x0  }
0x1c7: {  	s3 =	rddreg [dreg:$0x2];
	[bflag:$0x3] =	sbarrier.arrive $0xFFFF;
	s2 =	simm.s32 @!p0 $0x1C0B  }
0x1c8: {  	[timem:s3], [sflag:s2] =	dma.local @!p0 [hbm:s0], s1  }
0x1c9: {  	s0 =	simm.s32 @!p0 $0xB  }
0x1ca: {  	_ =	swait.ge @!p0 [sflag:s0], s1  }
0x1cb: {  	s1 =	ssub.s32 @!p0 $0x0, s1;
	[sflag:s0] =	ssyncset.done @!p0 $0x0  }
0x1cc: {  	[sflag:s0] =	ssyncadd.s32 @!p0 s1  }
0x1cd: {  	[bflag:$0x3] =	sbarrier.arrive $0xFFFF  }
0x1ce: {  	_ =	shalt  }

// kernel: kernel.14.cloned.1.call-start
scs
__scs_entry_jumppad:
0x0: {  	(pc) =	sbr.rel $0x88, $3  }
0x1: {  	(tag) =	ssettag $0x0;
	lr =	simm.s32 $0x1  }
0x2: {  	[smem:$0x3F9B] =	sst lr;
	_ =	strace $0xD0000000  }
0x3: {  	_ = 	snop  }
0x4: {  	_ = 	snop  }
0x5: {  	_ = 	snop  }
0x6: {  	_ = 	snop  }
0x7: {  	_ = 	snop  }
__scs_overlays_trampoline_lowered:
0x8: {  	[smem:$0x3FAA] =	sst s0  }
0x9: {  	[smem:$0x3FAB] =	sst s1  }
0xa: {  	[smem:$0x3FAC] =	sst s2  }
0xb: {  	[smem:$0x3FAD] =	sst s3  }
0xc: {  	[smem:$0x3FAE] =	sst s4  }
0xd: {  	[smem:$0x3FAF] =	sst s5  }
0xe: {  	[smem:$0x3FB0] =	sst s6  }
0xf: {  	[smem:$0x3FB1] =	sst s7  }
0x10: {  	[smem:$0x3FB2] =	sst s8  }
0x11: {  	[smem:$0x3FB3] =	sst s9;
	s0 =	simm.s32 @!p0 $0x0  }
0x12: {  	s1 =	sld [smem:$0x3F99];
	s0 =	simm.s32 @p0 $0x1  }
0x13: {  	[smem:$0x3FB4] =	sst s0;
	s0 =	simm.s32 @!p1 $0x0  }
0x14: {  	s2 =	sld [smem:$0x3F98];
	s0 =	simm.s32 @p1 $0x1  }
0x15: {  	[smem:$0x3FB5] =	sst s0;
	s0 =	simm.s32 @!p2 $0x0  }
0x16: {  	s3 =	sld [smem:$0x3FDB];
	s0 =	simm.s32 @p2 $0x1  }
0x17: {  	s4 =	simm.s32 $0x1BF5;
	[smem:$0x3FB7] =	sst s0  }
0x18: {  	s0 =	sld [smem:$0x3F9A];
	_ =	swait.ge [sflag:s4], $0x0  }
0x19: {  	s7 =	sld [smem:$0x3F9B]  }
0x1a: {  	s8 =	sadd.s32 $0xFFFFE003, lr  }
0x1b: {  	s9 =	sadd.s32 $0xFFFFFEF7, lr;
	s5 =	simm.s32 $0xFFFFFFFF;
	p2 =	slt.u32 s8, $0xFFFFF086  }
0x1c: {  	p1 =	slt.u32 s9, $0xF7A;
	s5 =	simm.s32 @!p2 $0x0  }
0x1d: {  	s5 =	simm.s32 @p1 $0x1;
	p0 =	seq.s32 s7, s2  }
0x1e: {  	s7 =	smul.u32 @!p0 $0xF7A, s2;
	p2 =	seq.s32 @!p0 s5, $0x0  }
0x1f: {  	s9 =	smul.u32 $0xF7A, s1;
	s8 =	simm.s32 @!p0 $0x1BF5;
	p2 =	por !p2, p0  }
0x20: {  	[sflag:s8] =	ssyncset.s32 @!p0 $0xFFFFF086;
	s6 =	sadd.s32 @!p0 s3, s7;
	s7 =	simm.s32 @!p0 $0x108  }
0x21: {  	s3 =	sadd.s32 s3, s9;
	s6 =	sadd.s32 @!p0 $0x88, s6;
	s7 =	simm.s32 @p2 $0x1082  }
0x22: {  	[simem:s7], [sflag:s8] =	dma.local @!p0 [hbm:s6], $0xF7A  }
0x23: {  	s9 =	sor.u32 $0xD0000000, s2;
	s6 =	simm.s32 $0x108;
	_ =	swait.ge @!p0 [sflag:s8], $0x0  }
0x24: {  	s3 =	sadd.s32 $0x88, s3;
	s6 =	simm.s32 @!p1 $0x1082;
	[sflag:s4] =	ssyncset.s32 $0xFFFFF086  }
0x25: {  	[simem:s6], [sflag:s4] =	dma.local [hbm:s3], $0xF7A  }
0x26: {  	[smem:$0x3F9B] =	sst s1;
	(tag) =	ssettag s2;
	_ =	strace s9  }
0x27: {  	s1 =	sld [smem:$0x3FAB]  }
0x28: {  	s2 =	sld [smem:$0x3FAC]  }
0x29: {  	s4 =	sld [smem:$0x3FAE]  }
0x2a: {  	p0 =	seq.s32 s5, $0x0;
	s5 =	sld [smem:$0x3FAF]  }
0x2b: {  	s6 =	sld [smem:$0x3FB0]  }
0x2c: {  	s7 =	sld [smem:$0x3FB1]  }
0x2d: {  	s3 =	simm.s32 $0x108;
	s8 =	sld [smem:$0x3FB2]  }
0x2e: {  	s3 =	simm.s32 @!p0 $0x1082;
	s9 =	sld [smem:$0x3FB3]  }
0x2f: {  	lr =	sadd.s32 s0, s3;
	s0 =	sld [smem:$0x3FAA]  }
0x30: {  	s3 =	sld [smem:$0x3FAD]  }
0x31: {  	[smem:$0x3FB6] =	sst s10  }
0x32: {  	s10 =	sld [smem:$0x3FB4];
	_ =	sdelay $0x3  }
0x33: {  	p0 =	seq.s32 s10, $0x1;
	s10 =	sld [smem:$0x3FB6];
	_ =	sdelay $0x3  }
0x34: {  	[smem:$0x3FB6] =	sst s10  }
0x35: {  	s10 =	sld [smem:$0x3FB5];
	_ =	sdelay $0x3  }
0x36: {  	p1 =	seq.s32 s10, $0x1;
	s10 =	sld [smem:$0x3FB6];
	_ =	sdelay $0x3  }
0x37: {  	[smem:$0x3FB6] =	sst s10  }
0x38: {  	s10 =	sld [smem:$0x3FB7]  }
0x39: {  	_ = 	snop;
	(pc) =	sbr.ind lr, $3  }
0x3a: {  	_ = 	snop  }
0x3b: {  	_ = 	snop  }
0x3c: {  	p2 =	seq.s32 s10, $0x1;
	s10 =	sld [smem:$0x3FB6]  }
0x3d: {  	_ =	shalt  }
0x3e: {  	_ =	shalt  }
0x3f: {  	_ =	shalt  }
0x40: {  	_ =	shalt  }
0x41: {  	_ =	shalt  }
0x42: {  	_ =	shalt  }
0x43: {  	_ =	shalt  }
0x44: {  	_ =	shalt  }
0x45: {  	_ =	shalt  }
0x46: {  	_ =	shalt  }
0x47: {  	_ =	shalt  }
0x48: {  	_ =	shalt  }
0x49: {  	_ =	shalt  }
0x4a: {  	_ =	shalt  }
0x4b: {  	_ =	shalt  }
0x4c: {  	_ =	shalt  }
0x4d: {  	_ =	shalt  }
0x4e: {  	_ =	shalt  }
0x4f: {  	_ =	shalt  }
0x50: {  	_ =	shalt  }
0x51: {  	_ =	shalt  }
0x52: {  	_ =	shalt  }
0x53: {  	_ =	shalt  }
0x54: {  	_ =	shalt  }
0x55: {  	_ =	shalt  }
0x56: {  	_ =	shalt  }
0x57: {  	_ =	shalt  }
0x58: {  	_ =	shalt  }
0x59: {  	_ =	shalt  }
0x5a: {  	_ =	shalt  }
0x5b: {  	_ =	shalt  }
0x5c: {  	_ =	shalt  }
0x5d: {  	_ =	shalt  }
0x5e: {  	_ =	shalt  }
0x5f: {  	_ =	shalt  }
0x60: {  	_ =	shalt  }
0x61: {  	_ =	shalt  }
0x62: {  	_ =	shalt  }
0x63: {  	_ =	shalt  }
0x64: {  	_ =	shalt  }
0x65: {  	_ =	shalt  }
0x66: {  	_ =	shalt  }
0x67: {  	_ =	shalt  }
0x68: {  	_ =	shalt  }
0x69: {  	_ =	shalt  }
0x6a: {  	_ =	shalt  }
0x6b: {  	_ =	shalt  }
0x6c: {  	_ =	shalt  }
0x6d: {  	_ =	shalt  }
0x6e: {  	_ =	shalt  }
0x6f: {  	_ =	shalt  }
0x70: {  	_ =	shalt  }
0x71: {  	_ =	shalt  }
0x72: {  	_ =	shalt  }
0x73: {  	_ =	shalt  }
0x74: {  	_ =	shalt  }
0x75: {  	_ =	shalt  }
0x76: {  	_ =	shalt  }
0x77: {  	_ =	shalt  }
0x78: {  	_ =	shalt  }
0x79: {  	_ =	shalt  }
0x7a: {  	_ =	shalt  }
0x7b: {  	_ =	shalt  }
0x7c: {  	_ =	shalt  }
0x7d: {  	_ =	shalt  }
0x7e: {  	_ =	shalt  }
0x7f: {  	_ =	shalt  }
0x80: {  	_ =	shalt  }
0x81: {  	_ =	shalt  }
0x82: {  	_ =	shalt  }
0x83: {  	_ =	shalt  }
0x84: {  	_ =	shalt  }
0x85: {  	_ =	shalt  }
0x86: {  	_ =	shalt  }
0x87: {  	_ =	shalt  }
.Lfunc_end0:
.L_simem_size_0:
called_computation.2_lowered:
.L_overlay_start_0:
0x88: {  	s2 =	sld [smem:$0x3FD9]  }
0x89: {  	s3 =	sld [smem:$0x3FFE];
	_ =	sdelay $0x1  }
0x8a: {  	s1 =	srdreg.scid  }
0x8b: {  	s0 =	sand.u32 $0x1, s1  }
0x8c: {  	s16 =	sshll.u32 s0, $0xA;
	s2 =	sadd.s32 s3, s2  }
0x8d: {  	s2 =	sadd.s32 s2, s16  }
0x8e: {  	[smem:$0x3FC2] =	sst s2  }
0x8f: {  	_ = 	snop  }
0x90: {  	(tm) =	ssettm $0x1  }
0x91: {  	s17 =	sld [smem:$0x3FFB];
	_ =	sdelay $0x3  }
0x92: {  	_ =	strace s17  }
0x93: {  	s2 =	sld [smem:$0x3FFC];
	_ =	sdelay $0x3  }
0x94: {  	_ =	strace s2  }
0x95: {  	s2 =	sld [smem:$0x3FFD];
	_ =	sdelay $0x3  }
0x96: {  	_ =	strace s2  }
0x97: {  	_ =	strace $0x8FFFFFFF  }
0x98: {  	s18 =	sld [smem:$0x3FDB];
	_ =	sdelay $0x1  }
0x99: {  	s19 =	simm.s32 $_scs_section_size  }
0x9a: {  	s4 =	simm.s32 $_size__tile_overlayer_lowered;
	s5 =	simm.s32 $_tile_overlayer_lowered  }
0x9b: {  	s22 =	simm.s32 $0x1BFF;
	s21 =	sshll.u32 s5, $0x1;
	s2 =	sadd.s32 s19, s18  }
0x9c: {  	s6 =	simm.s32 $0x0;
	s20 =	sshll.u32 s4, $0x1;
	s4 =	sadd.s32 s21, s2  }
0x9d: {  	[timem:s6], [sflag:s22] =	dma.local [hbm:s4], s20  }
0x9e: {  	_ =	swait.ge [sflag:s22], s20  }
0x9f: {  	s3 =	ssub.s32 $0x0, s20;
	[sflag:s22] =	ssyncset.done $0x0  }
0xa0: {  	[sflag:s22] =	ssyncadd.s32 s3;
	_ =	sdelay $0x1  }
0xa1: {  	s23 =	simm.s32 $0x1B8B  }
0xa2: {  	_ =	swait.ge [sflag:s23], $0x1  }
0xa3: {  	[sflag:s23] =	ssyncset.done $0x0  }
0xa4: {  	s25 =	simm.s32 $0x1B8E;
	s24 =	sld [smem:$0x3FFE];
	[sflag:s23] =	ssyncadd.s32 $0xFFFFFFFF  }
0xa5: {  	s26 =	simm.s32 $execute0_lowered;
	[smem:$0x3FD2] =	sst s25  }
0xa6: {  	s4 =	sshll.u32 s26, $0x1;
	_ =	strace $0x8000004C;
	[dreg:$0x1] =	wrdreg $0xFFFFFFFF  }
0xa7: {  	s28 =	simm.s32 $_size_execute0_lowered;
	s2 =	sadd.s32 s2, s4;
	[dreg:$0x0] =	wrdreg $0x0  }
0xa8: {  	s4 =	sshll.u32 s28, $0x1;
	[dreg:$0x2] =	wrdreg s2  }
0xa9: {  	[dreg:$0x3] =	wrdreg s4  }
0xaa: {  	[dreg:$0x4] =	wrdreg $0xC0  }
0xab: {  	_ =	task [dreg:s6], $0x5FFFF  }
0xac: {  	[dreg:$0x1] =	wrdreg $0xFFFFFFFF  }
0xad: {  	[dreg:$0x0] =	wrdreg $0x60  }
0xae: {  	[dreg:$0x2] =	wrdreg s24  }
0xaf: {  	[dreg:$0x3] =	wrdreg $0x118A00  }
0xb0: {  	[dreg:$0x4] =	wrdreg $0x9  }
0xb1: {  	_ =	task.clear_ibuf [dreg:s6], $0x5FFFF;
	_ =	strace $0x9000004C  }
0xb2: {  	s29 =	simm.s32 $0x9;
	_ =	strace $0x8000004E  }
0xb3: {  	_ =	swait.ge [sflag:s29], $0x1  }
0xb4: {  	[sflag:s29] =	ssyncadd.s32 $0xFFFFFFFF  }
0xb5: {  	_ =	strace $0x9000004E  }
0xb6: {  	_ =	sfence  }
0xb7: {  	s30 =	sld [smem:$0x0];
	_ =	sdelay $0x2  }
0xb8: {  	s31 =	sshll.u32 s1, $0xD;
	s1 =	sshrl.u32 s1, $0x2  }
0xb9: {  	s3 =	sand.u32 $0x4000, s31;
	s1 =	sadd.s32 s1, s30  }
0xba: {  	s0 =	sor.u32 s3, s0;
	s1 =	sshll.u32 s1, $0x11  }
0xbb: {  	s0 =	sor.u32 s1, s0  }
0xbc: {  	s0 =	sadd.s32 $0x8F2B, s0  }
0xbd: {  	[sflag:s0] =	ssyncadd.remote.s32 $0x1  }
0xbe: {  	_ =	sfence.sel $0xFFFF  }
0xbf: {  	[dreg:$0x0] =	wrdreg $0xFFFFFFFF;
	(pc) =	sbr.abs _section_cstart, $3  }
0xc0: {  	[dreg:$0x1] =	wrdreg $0xFFFFFFFF  }
0xc1: {  	_ =	task.clear_ibuf [dreg:s6], $0x2FFFF;
	_ =	strace $0x9FFFFFFF  }
0xc2: {  	(tm) =	ssettm $0x7FFFFFFF  }
0xc3: {  	_ =	shalt  }
tec
execute0_lowered:
.L_overlay_start_1:
0x0: {  	(tag) =	ssettag $0x1  }
0x1: {  	s0 =	srdreg.scid  }
0x2: {  	s1 =	rddreg [dreg:$0x0];
	s7 =	stileid.u32  }
0x3: {  	s2 =	rddreg [dreg:$0x1];
	s6 =	simm.s32 $0x0;
	s29 =	simm.s32 $0x50  }
0x4: {  	s30 =	simm.s32 $0x64A0;
	s28 =	simm.s32 $0x91A0;
	s31 =	simm.s32 $0xBEA0  }
0x5: {  	s0 =	sand.u32 $0x1, s0;
	[smem:$0x7FF] =	sst s6;
	s8 =	sadd.s32 $0x2E00, s1  }
0x6: {  	s3 =	sshll.u32 s0, $0x4;
	s20 =	ssub.s32 $0x2, s0;
	s0 =	smul.u32 $0xB4000, s0  }
0x7: {  	_ =	strace $0x8000004D;
	s4 =	sor.u32 s7, s3;
	s7 =	smul.u32 $0xB400, s7  }
0x8: {  	[dreg:$0x3] =	wrdreg s8;
	s21 =	sshrl.u32 s20, $0x1;
	s4 =	smul.u32 $0x2710, s4  }
0x9: {  	s21 =	ssub.s32 s20, s21;
	s22 =	sadd.s32 $0x1680, s7;
	s9 =	sadd.s32 s7, s2  }
0xa: {  	s14 =	sadd.s32 $0x2D00, s7;
	s15 =	sadd.s32 $0x4380, s7;
	s16 =	sadd.s32 $0x5A00, s7  }
0xb: {  	s17 =	sadd.s32 $0x7080, s7;
	s18 =	sadd.s32 $0x8700, s7;
	s19 =	sadd.s32 $0x9D80, s7  }
0xc: {  	s7 =	sadd.s32 s7, s0;
	s4 =	sshrl.u32 s4, $0x3;
	s20 =	sadd.s32 s22, s2  }
0xd: {  	s12 =	sadd.s32 s14, s2;
	s11 =	sadd.s32 s15, s2;
	s23 =	sadd.s32 s16, s2  }
0xe: {  	s10 =	sadd.s32 s17, s2;
	s3 =	sadd.s32 s18, s2;
	s13 =	sadd.s32 s19, s2  }
0xf: {  	s8 =	sadd.s32 s0, s22;
	s14 =	sadd.s32 s0, s14;
	s15 =	sadd.s32 s0, s15  }
0x10: {  	s16 =	sadd.s32 s0, s16;
	s17 =	sadd.s32 s0, s17;
	s18 =	sadd.s32 s0, s18  }
0x11: {  	s0 =	sadd.s32 s0, s19;
	s25 =	sshrl.u32 s7, $0x3;
	[dreg:$0x7] =	wrdreg s9  }
0x12: {  	s5 =	sadd.s32 s4, s1;
	s4 =	sadd.s32 $0x17200, s1;
	[dreg:$0x4] =	wrdreg s23  }
0x13: {  	s1 =	sadd.s32 $0x2D200, s1;
	s26 =	sshrl.u32 s8, $0x3;
	[dreg:$0x5] =	wrdreg s11  }
0x14: {  	s8 =	smov.u32 s20;
	s19 =	sshrl.u32 s14, $0x3;
	[dreg:$0x6] =	wrdreg s10  }
0x15: {  	s20 =	sshrl.u32 s15, $0x3;
	s22 =	sshrl.u32 s16, $0x3;
	[dreg:$0x8] =	wrdreg s3  }
0x16: {  	s0 =	sshrl.u32 s0, $0x3;
	s14 =	simm.s32 $0xEBA0;
	[dreg:$0x9] =	wrdreg s13  }
0x17: {  	s15 =	simm.s32 $0x10220;
	[dreg:$0xa] =	wrdreg s12;
	s24 =	sadd.s32 $0x3800, s5  }
0x18: {  	s16 =	simm.s32 $0x1;
	s5 =	sadd.s32 $0xD440, s5;
	[dreg:$0xb] =	wrdreg s24  }
0x19: {  	s7 =	sadd.s32 s1, s26;
	s23 =	sadd.s32 s1, s22;
	[dreg:$0xc] =	wrdreg s5  }
0x1a: {  	s0 =	sadd.s32 s1, s0;
	s26 =	smax.u32 s21, $0x1;
	[dreg:$0xe] =	wrdreg s7  }
0x1b: {  	s21 =	simm.s32 $0x6;
	s22 =	simm.s32 $0x7;
	[dreg:$0x11] =	wrdreg s23  }
0x1c: {  	s5 =	sadd.s32 s1, s25;
	s24 =	sshrl.u32 s17, $0x3;
	[dreg:$0x14] =	wrdreg s0  }
0x1d: {  	s25 =	sshrl.u32 s18, $0x3;
	[dreg:$0x15] =	wrdreg s26;
	s26 =	simm.s32 $0xA  }
0x1e: {  	s0 =	simm.s32 $0xA820;
	s17 =	simm.s32 $0x2;
	s18 =	simm.s32 $0x3  }
0x1f: {  	s23 =	simm.s32 $0x8;
	s7 =	simm.s32 $0x0;
	[dreg:$0xd] =	wrdreg s5  }
0x20: {  	s5 =	sadd.s32 s1, s19;
	s19 =	simm.s32 $0x4;
	[dreg:$0x16] =	wrdreg s7  }
0x21: {  	[dreg:$0xf] =	wrdreg s5;
	s5 =	sadd.s32 s1, s20;
	s20 =	simm.s32 $0x5  }
0x22: {  	[dreg:$0x10] =	wrdreg s5;
	s5 =	sadd.s32 s1, s24;
	s24 =	simm.s32 $0x9  }
0x23: {  	[dreg:$0x12] =	wrdreg s5;
	s5 =	sadd.s32 s1, s25;
	s25 =	simm.s32 $0x4E20  }
0x24: {  	s1 =	simm.s32 $0x7B20;
	[dreg:$0x13] =	wrdreg s5;
	s5 =	simm.s32 $0xD520  }
.LBB2_1:
0x25: {  	s7 =	rddreg [dreg:$0x3]  }
0x26: {  	[tilespmem:s25], [sflag:$0xA] =	stream.linear.gather [hbm4b:s7+s6], $0x1680, $0x38;
	[tilespmem:$0x1CCA0] =	vst v63  }
0x27: {  	_ =	swait.ge [sflag:s26], $0x1680  }
0x28: {  	[sflag:s26] =	ssyncset.done $0x0  }
0x29: {  	[sflag:s26] =	ssyncadd.s32 $0xFFFFE980  }
0x2a: {  	[spmem:s9] =	stream.linear.scatter [tilespmem:s25], [sflag:$0xA], $0x1680, $0x38;
	[tilespmem:$0x1CCA0] =	vst v63  }
0x2b: {  	_ =	swait.ge [sflag:s26], $0x1680  }
0x2c: {  	[sflag:s26] =	ssyncset.done $0x0  }
0x2d: {  	[sflag:s26] =	ssyncadd.s32 $0xFFFFE980  }
0x2e: {  	[spmem:s8] =	stream.linear.scatter [tilespmem:s25], [sflag:$0xA], $0x1680, $0x38;
	[tilespmem:$0x1CCA0] =	vst v63  }
0x2f: {  	s9 =	smov.u32 s11;
	s11 =	rddreg [dreg:$0x4];
	_ =	swait.ge [sflag:s26], $0x1680  }
0x30: {  	[sflag:s26] =	ssyncset.done $0x0  }
0x31: {  	s7 =	smov.u32 s12;
	[sflag:s26] =	ssyncadd.s32 $0xFFFFE980  }
0x32: {  	[spmem:s7] =	stream.linear.scatter [tilespmem:s25], [sflag:$0xA], $0x1680, $0x38;
	[tilespmem:$0x1CCA0] =	vst v63  }
0x33: {  	_ =	swait.ge [sflag:s26], $0x1680  }
0x34: {  	[sflag:s26] =	ssyncset.done $0x0  }
0x35: {  	[sflag:s26] =	ssyncadd.s32 $0xFFFFE980  }
0x36: {  	[spmem:s9] =	stream.linear.scatter [tilespmem:s25], [sflag:$0xA], $0x1680, $0x38;
	[tilespmem:$0x1CCA0] =	vst v63  }
0x37: {  	_ =	swait.ge [sflag:s26], $0x1680  }
0x38: {  	[sflag:s26] =	ssyncset.done $0x0  }
0x39: {  	[sflag:s26] =	ssyncadd.s32 $0xFFFFE980  }
0x3a: {  	[spmem:s11] =	stream.linear.scatter [tilespmem:s25], [sflag:$0xA], $0x1680, $0x38;
	[tilespmem:$0x1CCA0] =	vst v63  }
0x3b: {  	_ =	swait.ge [sflag:s26], $0x1680  }
0x3c: {  	[sflag:s26] =	ssyncset.done $0x0  }
0x3d: {  	[sflag:s26] =	ssyncadd.s32 $0xFFFFE980  }
0x3e: {  	[spmem:s10] =	stream.linear.scatter [tilespmem:s25], [sflag:$0xA], $0x1680, $0x38;
	[tilespmem:$0x1CCA0] =	vst v63  }
0x3f: {  	_ =	swait.ge [sflag:s26], $0x1680  }
0x40: {  	[sflag:s26] =	ssyncset.done $0x0  }
0x41: {  	[sflag:s26] =	ssyncadd.s32 $0xFFFFE980  }
0x42: {  	[spmem:s3] =	stream.linear.scatter [tilespmem:s25], [sflag:$0xA], $0x1680, $0x38;
	[tilespmem:$0x1CCA0] =	vst v63  }
0x43: {  	_ =	swait.ge [sflag:s26], $0x1680  }
0x44: {  	[sflag:s26] =	ssyncset.done $0x0  }
0x45: {  	[sflag:s26] =	ssyncadd.s32 $0xFFFFE980  }
0x46: {  	[spmem:s13] =	stream.linear.scatter [tilespmem:s25], [sflag:$0xA], $0x1680, $0x38;
	[tilespmem:$0x1CCA0] =	vst v63  }
0x47: {  	_ =	swait.ge [sflag:s26], $0x1680  }
0x48: {  	[sflag:s26] =	ssyncset.done $0x0  }
0x49: {  	s7 =	rddreg [dreg:$0xb];
	[sflag:s26] =	ssyncadd.s32 $0xFFFFE980  }
0x4a: {  	[tilespmem:s6], [sflag:$0xA] =	stream.linear.gather [hbm4b:s7+s6], $0x2710, $0x38;
	[tilespmem:$0x1CCA0] =	vst v63  }
0x4b: {  	_ =	swait.ge [sflag:s26], $0x2710  }
0x4c: {  	s12 =	smov.u32 s8;
	[sflag:s26] =	ssyncset.done $0x0  }
0x4d: {  	s9 =	simm.s32 $0x2710;
	s8 =	rddreg [dreg:$0xc];
	[sflag:s26] =	ssyncadd.s32 $0xFFFFD8F0  }
0x4e: {  	[tilespmem:s9], [sflag:$0xA] =	stream.linear.gather [hbm4b:s8+s6], $0x2710, $0x38;
	[tilespmem:$0x1CCA0] =	vst v63  }
0x4f: {  	_ =	swait.ge [sflag:s26], $0x2710  }
0x50: {  	[sflag:s26] =	ssyncset.done $0x0  }
0x51: {  	[sflag:s26] =	ssyncadd.s32 $0xFFFFD8F0  }
0x52: {  	[bflag:$0x0] =	sbarrier.arrive $0xFFFF  }
0x53: {  	[tilespmem:s25], [sflag:$0x1] =	stream.indirect.gather [hbm4b:s4+s29], $0x48, s6, s29, $0xb8;
	[tilespmem:$0x1CCA0] =	vst v63  }
0x54: {  	_ = 	snop  }
0x55: {  	[tilespmem:s30], [sflag:$0x2] =	stream.indirect.gather [hbm4b:s4+s29], $0x48, s29, s29, $0xb8;
	[tilespmem:$0x1CCA0] =	vst v63  }
0x56: {  	s10 =	simm.s32 $0xA0  }
0x57: {  	[tilespmem:s1], [sflag:$0x3] =	stream.indirect.gather [hbm4b:s4+s29], $0x48, s10, s29, $0xb8;
	[tilespmem:$0x1CCA0] =	vst v63  }
0x58: {  	s11 =	simm.s32 $0xF0  }
0x59: {  	[tilespmem:s28], [sflag:$0x4] =	stream.indirect.gather [hbm4b:s4+s29], $0x48, s11, s29, $0xb8;
	[tilespmem:$0x1CCA0] =	vst v63  }
0x5a: {  	s13 =	simm.s32 $0x140  }
0x5b: {  	[tilespmem:s0], [sflag:$0x5] =	stream.indirect.gather [hbm4b:s4+s29], $0x48, s13, s29, $0xb8;
	[tilespmem:$0x1CCA0] =	vst v63  }
0x5c: {  	s6 =	simm.s32 $0x190  }
0x5d: {  	[tilespmem:s31], [sflag:$0x6] =	stream.indirect.gather [hbm4b:s4+s29], $0x48, s6, s29, $0xb8;
	[tilespmem:$0x1CCA0] =	vst v63  }
0x5e: {  	s7 =	simm.s32 $0x1E0  }
0x5f: {  	[tilespmem:s5], [sflag:$0x7] =	stream.indirect.gather [hbm4b:s4+s29], $0x48, s7, s29, $0xb8;
	[tilespmem:$0x1CCA0] =	vst v63  }
0x60: {  	s8 =	simm.s32 $0x230  }
0x61: {  	[tilespmem:s14], [sflag:$0x8] =	stream.indirect.gather [hbm4b:s4+s29], $0x48, s8, s29, $0xb8;
	[tilespmem:$0x1CCA0] =	vst v63  }
0x62: {  	s9 =	simm.s32 $0x280  }
0x63: {  	[tilespmem:s15], [sflag:$0x9] =	stream.indirect.gather [hbm4b:s4+s29], $0x48, s9, s29, $0xb8;
	[tilespmem:$0x1CCA0] =	vst v63  }
0x64: {  	_ =	swait.ge [sflag:s16], $0x1680  }
0x65: {  	[sflag:s16] =	ssyncset.done $0x0  }
0x66: {  	s10 =	simm.s32 $0x2710;
	[sflag:s16] =	ssyncadd.s32 $0xFFFFE980  }
0x67: {  	[spmem:s2] =	stream.indirect.scatter.add.f32 [tilespmem:s25], [sflag:$0xA], $0x48, s10, s29, $0xb8;
	[tilespmem:$0x1CCA0] =	vst v63  }
0x68: {  	_ =	swait.ge [sflag:s26], $0x1680  }
0x69: {  	[sflag:s26] =	ssyncset.done $0x0  }
0x6a: {  	s11 =	simm.s32 $0x2D0;
	[sflag:s26] =	ssyncadd.s32 $0xFFFFE980  }
0x6b: {  	[tilespmem:s25], [sflag:$0x1] =	stream.indirect.gather [hbm4b:s4+s29], $0x48, s11, s29, $0xb8;
	[tilespmem:$0x1CCA0] =	vst v63  }
0x6c: {  	_ =	swait.ge [sflag:s17], $0x1680  }
0x6d: {  	[sflag:s17] =	ssyncset.done $0x0  }
0x6e: {  	s13 =	simm.s32 $0x2760;
	[sflag:s17] =	ssyncadd.s32 $0xFFFFE980  }
0x6f: {  	[spmem:s2] =	stream.indirect.scatter.add.f32 [tilespmem:s30], [sflag:$0xA], $0x48, s13, s29, $0xb8;
	[tilespmem:$0x1CCA0] =	vst v63  }
0x70: {  	_ =	swait.ge [sflag:s26], $0x1680  }
0x71: {  	[sflag:s26] =	ssyncset.done $0x0  }
0x72: {  	s3 =	simm.s32 $0x320;
	[sflag:s26] =	ssyncadd.s32 $0xFFFFE980  }
0x73: {  	[tilespmem:s30], [sflag:$0x2] =	stream.indirect.gather [hbm4b:s4+s29], $0x48, s3, s29, $0xb8;
	[tilespmem:$0x1CCA0] =	vst v63  }
0x74: {  	_ =	swait.ge [sflag:s18], $0x1680  }
0x75: {  	[sflag:s18] =	ssyncset.done $0x0  }
0x76: {  	s6 =	simm.s32 $0x27B0;
	[sflag:s18] =	ssyncadd.s32 $0xFFFFE980  }
0x77: {  	[spmem:s2] =	stream.indirect.scatter.add.f32 [tilespmem:s1], [sflag:$0xA], $0x48, s6, s29, $0xb8;
	[tilespmem:$0x1CCA0] =	vst v63  }
0x78: {  	_ =	swait.ge [sflag:s26], $0x1680  }
0x79: {  	[sflag:s26] =	ssyncset.done $0x0  }
0x7a: {  	s8 =	simm.s32 $0x370;
	[sflag:s26] =	ssyncadd.s32 $0xFFFFE980  }
0x7b: {  	[tilespmem:s1], [sflag:$0x3] =	stream.indirect.gather [hbm4b:s4+s29], $0x48, s8, s29, $0xb8;
	[tilespmem:$0x1CCA0] =	vst v63  }
0x7c: {  	_ =	swait.ge [sflag:s19], $0x1680  }
0x7d: {  	[sflag:s19] =	ssyncset.done $0x0  }
0x7e: {  	s9 =	simm.s32 $0x2800;
	[sflag:s19] =	ssyncadd.s32 $0xFFFFE980  }
0x7f: {  	[spmem:s2] =	stream.indirect.scatter.add.f32 [tilespmem:s28], [sflag:$0xA], $0x48, s9, s29, $0xb8;
	[tilespmem:$0x1CCA0] =	vst v63  }
0x80: {  	_ =	swait.ge [sflag:s26], $0x1680  }
0x81: {  	[sflag:s26] =	ssyncset.done $0x0  }
0x82: {  	s10 =	simm.s32 $0x3C0;
	[sflag:s26] =	ssyncadd.s32 $0xFFFFE980  }
0x83: {  	[tilespmem:s28], [sflag:$0x4] =	stream.indirect.gather [hbm4b:s4+s29], $0x48, s10, s29, $0xb8;
	[tilespmem:$0x1CCA0] =	vst v63  }
0x84: {  	_ =	swait.ge [sflag:s20], $0x1680  }
0x85: {  	[sflag:s20] =	ssyncset.done $0x0  }
0x86: {  	s11 =	simm.s32 $0x2850;
	[sflag:s20] =	ssyncadd.s32 $0xFFFFE980  }
0x87: {  	[spmem:s2] =	stream.indirect.scatter.add.f32 [tilespmem:s0], [sflag:$0xA], $0x48, s11, s29, $0xb8;
	[tilespmem:$0x1CCA0] =	vst v63  }
0x88: {  	_ =	swait.ge [sflag:s26], $0x1680  }
0x89: {  	[sflag:s26] =	ssyncset.done $0x0  }
0x8a: {  	s13 =	simm.s32 $0x410;
	[sflag:s26] =	ssyncadd.s32 $0xFFFFE980  }
0x8b: {  	[tilespmem:s0], [sflag:$0x5] =	stream.indirect.gather [hbm4b:s4+s29], $0x48, s13, s29, $0xb8;
	[tilespmem:$0x1CCA0] =	vst v63  }
0x8c: {  	_ =	swait.ge [sflag:s21], $0x1680  }
0x8d: {  	[sflag:s21] =	ssyncset.done $0x0  }
0x8e: {  	s3 =	simm.s32 $0x28A0;
	[sflag:s21] =	ssyncadd.s32 $0xFFFFE980  }
0x8f: {  	[spmem:s2] =	stream.indirect.scatter.add.f32 [tilespmem:s31], [sflag:$0xA], $0x48, s3, s29, $0xb8;
	[tilespmem:$0x1CCA0] =	vst v63  }
0x90: {  	_ =	swait.ge [sflag:s26], $0x1680  }
0x91: {  	[sflag:s26] =	ssyncset.done $0x0  }
0x92: {  	s6 =	simm.s32 $0x460;
	[sflag:s26] =	ssyncadd.s32 $0xFFFFE980  }
0x93: {  	[tilespmem:s31], [sflag:$0x6] =	stream.indirect.gather [hbm4b:s4+s29], $0x48, s6, s29, $0xb8;
	[tilespmem:$0x1CCA0] =	vst v63  }
0x94: {  	_ =	swait.ge [sflag:s22], $0x1680  }
0x95: {  	[sflag:s22] =	ssyncset.done $0x0  }
0x96: {  	s8 =	simm.s32 $0x28F0;
	[sflag:s22] =	ssyncadd.s32 $0xFFFFE980  }
0x97: {  	[spmem:s2] =	stream.indirect.scatter.add.f32 [tilespmem:s5], [sflag:$0xA], $0x48, s8, s29, $0xb8;
	[tilespmem:$0x1CCA0] =	vst v63  }
0x98: {  	_ =	swait.ge [sflag:s26], $0x1680  }
0x99: {  	[sflag:s26] =	ssyncset.done $0x0  }
0x9a: {  	s9 =	simm.s32 $0x4B0;
	[sflag:s26] =	ssyncadd.s32 $0xFFFFE980  }
0x9b: {  	[tilespmem:s5], [sflag:$0x7] =	stream.indirect.gather [hbm4b:s4+s29], $0x48, s9, s29, $0xb8;
	[tilespmem:$0x1CCA0] =	vst v63  }
0x9c: {  	_ =	swait.ge [sflag:s23], $0x1680  }
0x9d: {  	[sflag:s23] =	ssyncset.done $0x0  }
0x9e: {  	s10 =	simm.s32 $0x2940;
	[sflag:s23] =	ssyncadd.s32 $0xFFFFE980  }
0x9f: {  	[spmem:s2] =	stream.indirect.scatter.add.f32 [tilespmem:s14], [sflag:$0xA], $0x48, s10, s29, $0xb8;
	[tilespmem:$0x1CCA0] =	vst v63  }
0xa0: {  	_ =	swait.ge [sflag:s26], $0x1680  }
0xa1: {  	[sflag:s26] =	ssyncset.done $0x0  }
0xa2: {  	s11 =	simm.s32 $0x500;
	[sflag:s26] =	ssyncadd.s32 $0xFFFFE980  }
0xa3: {  	[tilespmem:s14], [sflag:$0x8] =	stream.indirect.gather [hbm4b:s4+s29], $0x48, s11, s29, $0xb8;
	[tilespmem:$0x1CCA0] =	vst v63  }
0xa4: {  	_ =	swait.ge [sflag:s24], $0x1680  }
0xa5: {  	[sflag:s24] =	ssyncset.done $0x0  }
0xa6: {  	s13 =	simm.s32 $0x2990;
	[sflag:s24] =	ssyncadd.s32 $0xFFFFE980  }
0xa7: {  	[spmem:s2] =	stream.indirect.scatter.add.f32 [tilespmem:s15], [sflag:$0xA], $0x48, s13, s29, $0xb8;
	[tilespmem:$0x1CCA0] =	vst v63  }
0xa8: {  	_ =	swait.ge [sflag:s26], $0x1680  }
0xa9: {  	s7 =	simm.s32 $0xB40;
	[sflag:s26] =	ssyncset.done $0x0  }
0xaa: {  	s3 =	simm.s32 $0x0;
	s8 =	simm.s32 $0x550;
	[sflag:s26] =	ssyncadd.s32 $0xFFFFE980  }
.LBB2_2:
0xab: {  	[tilespmem:s15], [sflag:$0x9] =	stream.indirect.gather [hbm4b:s4+s29], $0x48, s8, s29, $0xb8;
	[tilespmem:$0x1CCA0] =	vst v63  }
0xac: {  	s8 =	smov.u32 s7  }
0xad: {  	p0 =	sne.s32 s7, $0x7BC0;
	s7 =	sadd.s32 $0xB40, s7;
	_ =	swait.ge [sflag:s16], $0x1680  }
0xae: {  	s8 =	sshra.s32 s8, $0x2;
	[sflag:s16] =	ssyncset.done $0x0  }
0xaf: {  	s9 =	sadd.s32 $0x2710, s8;
	[sflag:s16] =	ssyncadd.s32 $0xFFFFE980  }
0xb0: {  	[spmem:s2] =	stream.indirect.scatter.add.f32 [tilespmem:s25], [sflag:$0xA], $0x48, s9, s29, $0xb8;
	[tilespmem:$0x1CCA0] =	vst v63  }
0xb1: {  	_ =	swait.ge [sflag:s26], $0x1680  }
0xb2: {  	[sflag:s26] =	ssyncset.done $0x0  }
0xb3: {  	s9 =	sadd.s32 $0x2D0, s8;
	[sflag:s26] =	ssyncadd.s32 $0xFFFFE980  }
0xb4: {  	[tilespmem:s25], [sflag:$0x1] =	stream.indirect.gather [hbm4b:s4+s29], $0x48, s9, s29, $0xb8;
	[tilespmem:$0x1CCA0] =	vst v63  }
0xb5: {  	_ =	swait.ge [sflag:s17], $0x1680  }
0xb6: {  	[sflag:s17] =	ssyncset.done $0x0  }
0xb7: {  	s9 =	sadd.s32 $0x2760, s8;
	[sflag:s17] =	ssyncadd.s32 $0xFFFFE980  }
0xb8: {  	[spmem:s2] =	stream.indirect.scatter.add.f32 [tilespmem:s30], [sflag:$0xA], $0x48, s9, s29, $0xb8;
	[tilespmem:$0x1CCA0] =	vst v63  }
0xb9: {  	_ =	swait.ge [sflag:s26], $0x1680  }
0xba: {  	[sflag:s26] =	ssyncset.done $0x0  }
0xbb: {  	s9 =	sadd.s32 $0x320, s8;
	[sflag:s26] =	ssyncadd.s32 $0xFFFFE980  }
0xbc: {  	[tilespmem:s30], [sflag:$0x2] =	stream.indirect.gather [hbm4b:s4+s29], $0x48, s9, s29, $0xb8;
	[tilespmem:$0x1CCA0] =	vst v63  }
0xbd: {  	_ =	swait.ge [sflag:s18], $0x1680  }
0xbe: {  	[sflag:s18] =	ssyncset.done $0x0  }
0xbf: {  	s9 =	sadd.s32 $0x27B0, s8;
	[sflag:s18] =	ssyncadd.s32 $0xFFFFE980  }
0xc0: {  	[spmem:s2] =	stream.indirect.scatter.add.f32 [tilespmem:s1], [sflag:$0xA], $0x48, s9, s29, $0xb8;
	[tilespmem:$0x1CCA0] =	vst v63  }
0xc1: {  	_ =	swait.ge [sflag:s26], $0x1680  }
0xc2: {  	[sflag:s26] =	ssyncset.done $0x0  }
0xc3: {  	s9 =	sadd.s32 $0x370, s8;
	[sflag:s26] =	ssyncadd.s32 $0xFFFFE980  }
0xc4: {  	[tilespmem:s1], [sflag:$0x3] =	stream.indirect.gather [hbm4b:s4+s29], $0x48, s9, s29, $0xb8;
	[tilespmem:$0x1CCA0] =	vst v63  }
0xc5: {  	_ =	swait.ge [sflag:s19], $0x1680  }
0xc6: {  	[sflag:s19] =	ssyncset.done $0x0  }
0xc7: {  	s9 =	sadd.s32 $0x2800, s8;
	[sflag:s19] =	ssyncadd.s32 $0xFFFFE980  }
0xc8: {  	[spmem:s2] =	stream.indirect.scatter.add.f32 [tilespmem:s28], [sflag:$0xA], $0x48, s9, s29, $0xb8;
	[tilespmem:$0x1CCA0] =	vst v63  }
0xc9: {  	_ =	swait.ge [sflag:s26], $0x1680  }
0xca: {  	[sflag:s26] =	ssyncset.done $0x0  }
0xcb: {  	s9 =	sadd.s32 $0x3C0, s8;
	[sflag:s26] =	ssyncadd.s32 $0xFFFFE980  }
0xcc: {  	[tilespmem:s28], [sflag:$0x4] =	stream.indirect.gather [hbm4b:s4+s29], $0x48, s9, s29, $0xb8;
	[tilespmem:$0x1CCA0] =	vst v63  }
0xcd: {  	_ =	swait.ge [sflag:s20], $0x1680  }
0xce: {  	[sflag:s20] =	ssyncset.done $0x0  }
0xcf: {  	s9 =	sadd.s32 $0x2850, s8;
	[sflag:s20] =	ssyncadd.s32 $0xFFFFE980  }
0xd0: {  	[spmem:s2] =	stream.indirect.scatter.add.f32 [tilespmem:s0], [sflag:$0xA], $0x48, s9, s29, $0xb8;
	[tilespmem:$0x1CCA0] =	vst v63  }
0xd1: {  	_ =	swait.ge [sflag:s26], $0x1680  }
0xd2: {  	[sflag:s26] =	ssyncset.done $0x0  }
0xd3: {  	s9 =	sadd.s32 $0x410, s8;
	[sflag:s26] =	ssyncadd.s32 $0xFFFFE980  }
0xd4: {  	[tilespmem:s0], [sflag:$0x5] =	stream.indirect.gather [hbm4b:s4+s29], $0x48, s9, s29, $0xb8;
	[tilespmem:$0x1CCA0] =	vst v63  }
0xd5: {  	_ =	swait.ge [sflag:s21], $0x1680  }
0xd6: {  	[sflag:s21] =	ssyncset.done $0x0  }
0xd7: {  	s9 =	sadd.s32 $0x28A0, s8;
	[sflag:s21] =	ssyncadd.s32 $0xFFFFE980  }
0xd8: {  	[spmem:s2] =	stream.indirect.scatter.add.f32 [tilespmem:s31], [sflag:$0xA], $0x48, s9, s29, $0xb8;
	[tilespmem:$0x1CCA0] =	vst v63  }
0xd9: {  	_ =	swait.ge [sflag:s26], $0x1680  }
0xda: {  	[sflag:s26] =	ssyncset.done $0x0  }
0xdb: {  	s9 =	sadd.s32 $0x460, s8;
	[sflag:s26] =	ssyncadd.s32 $0xFFFFE980  }
0xdc: {  	[tilespmem:s31], [sflag:$0x6] =	stream.indirect.gather [hbm4b:s4+s29], $0x48, s9, s29, $0xb8;
	[tilespmem:$0x1CCA0] =	vst v63  }
0xdd: {  	_ =	swait.ge [sflag:s22], $0x1680  }
0xde: {  	[sflag:s22] =	ssyncset.done $0x0  }
0xdf: {  	s9 =	sadd.s32 $0x28F0, s8;
	[sflag:s22] =	ssyncadd.s32 $0xFFFFE980  }
0xe0: {  	[spmem:s2] =	stream.indirect.scatter.add.f32 [tilespmem:s5], [sflag:$0xA], $0x48, s9, s29, $0xb8;
	[tilespmem:$0x1CCA0] =	vst v63  }
0xe1: {  	_ =	swait.ge [sflag:s26], $0x1680  }
0xe2: {  	[sflag:s26] =	ssyncset.done $0x0  }
0xe3: {  	s9 =	sadd.s32 $0x4B0, s8;
	[sflag:s26] =	ssyncadd.s32 $0xFFFFE980  }
0xe4: {  	[tilespmem:s5], [sflag:$0x7] =	stream.indirect.gather [hbm4b:s4+s29], $0x48, s9, s29, $0xb8;
	[tilespmem:$0x1CCA0] =	vst v63  }
0xe5: {  	_ =	swait.ge [sflag:s23], $0x1680  }
0xe6: {  	[sflag:s23] =	ssyncset.done $0x0  }
0xe7: {  	s9 =	sadd.s32 $0x2940, s8;
	[sflag:s23] =	ssyncadd.s32 $0xFFFFE980  }
0xe8: {  	[spmem:s2] =	stream.indirect.scatter.add.f32 [tilespmem:s14], [sflag:$0xA], $0x48, s9, s29, $0xb8;
	[tilespmem:$0x1CCA0] =	vst v63  }
0xe9: {  	_ =	swait.ge [sflag:s26], $0x1680  }
0xea: {  	[sflag:s26] =	ssyncset.done $0x0  }
0xeb: {  	s9 =	sadd.s32 $0x500, s8;
	[sflag:s26] =	ssyncadd.s32 $0xFFFFE980  }
0xec: {  	[tilespmem:s14], [sflag:$0x8] =	stream.indirect.gather [hbm4b:s4+s29], $0x48, s9, s29, $0xb8;
	[tilespmem:$0x1CCA0] =	vst v63  }
0xed: {  	_ =	swait.ge [sflag:s24], $0x1680  }
0xee: {  	[sflag:s24] =	ssyncset.done $0x0  }
.Ltmp0:
0xef: {  	s9 =	sadd.s32 $0x2990, s8;
	[sflag:s24] =	ssyncadd.s32 $0xFFFFE980;
	(pc) =	sbr.rel @p0 .LBB2_2-.Ltmp0, $4  }
0xf0: {  	[spmem:s2] =	stream.indirect.scatter.add.f32 [tilespmem:s15], [sflag:$0xA], $0x48, s9, s29, $0xb8;
	[tilespmem:$0x1CCA0] =	vst v63  }
0xf1: {  	_ =	swait.ge [sflag:s26], $0x1680  }
0xf2: {  	[sflag:s26] =	ssyncset.done $0x0  }
0xf3: {  	s8 =	sadd.s32 $0x550, s8;
	[sflag:s26] =	ssyncadd.s32 $0xFFFFE980  }
0xf4: {  	[tilespmem:s15], [sflag:$0x9] =	stream.indirect.gather [hbm4b:s4+s29], $0x48, s8, s29, $0xb8;
	[tilespmem:$0x1CCA0] =	vst v63  }
0xf5: {  	_ =	swait.ge [sflag:s16], $0x1680  }
0xf6: {  	[sflag:s16] =	ssyncset.done $0x0  }
0xf7: {  	s6 =	simm.s32 $0x48D0;
	[sflag:s16] =	ssyncadd.s32 $0xFFFFE980  }
0xf8: {  	[spmem:s2] =	stream.indirect.scatter.add.f32 [tilespmem:s25], [sflag:$0xA], $0x48, s6, s29, $0xb8;
	[tilespmem:$0x1CCA0] =	vst v63  }
0xf9: {  	_ =	swait.ge [sflag:s26], $0x1680  }
0xfa: {  	[sflag:s26] =	ssyncset.done $0x0  }
0xfb: {  	s10 =	simm.s32 $0x2490;
	[sflag:s26] =	ssyncadd.s32 $0xFFFFE980  }
0xfc: {  	[tilespmem:s25], [sflag:$0x1] =	stream.indirect.gather [hbm4b:s4+s29], $0x48, s10, s29, $0xb8;
	[tilespmem:$0x1CCA0] =	vst v63  }
0xfd: {  	_ =	swait.ge [sflag:s17], $0x1680  }
0xfe: {  	[sflag:s17] =	ssyncset.done $0x0  }
0xff: {  	s11 =	simm.s32 $0x4920;
	[sflag:s17] =	ssyncadd.s32 $0xFFFFE980  }
0x100: {  	[spmem:s2] =	stream.indirect.scatter.add.f32 [tilespmem:s30], [sflag:$0xA], $0x48, s11, s29, $0xb8;
	[tilespmem:$0x1CCA0] =	vst v63  }
0x101: {  	_ =	swait.ge [sflag:s26], $0x1680  }
0x102: {  	[sflag:s26] =	ssyncset.done $0x0  }
0x103: {  	s13 =	simm.s32 $0x24E0;
	[sflag:s26] =	ssyncadd.s32 $0xFFFFE980  }
0x104: {  	[tilespmem:s30], [sflag:$0x2] =	stream.indirect.gather [hbm4b:s4+s29], $0x48, s13, s29, $0xb8;
	[tilespmem:$0x1CCA0] =	vst v63  }
0x105: {  	_ =	swait.ge [sflag:s18], $0x1680  }
0x106: {  	[sflag:s18] =	ssyncset.done $0x0  }
0x107: {  	s7 =	simm.s32 $0x4970;
	[sflag:s18] =	ssyncadd.s32 $0xFFFFE980  }
0x108: {  	[spmem:s2] =	stream.indirect.scatter.add.f32 [tilespmem:s1], [sflag:$0xA], $0x48, s7, s29, $0xb8;
	[tilespmem:$0x1CCA0] =	vst v63  }
0x109: {  	_ =	swait.ge [sflag:s26], $0x1680  }
0x10a: {  	[sflag:s26] =	ssyncset.done $0x0  }
0x10b: {  	s8 =	simm.s32 $0x2530;
	[sflag:s26] =	ssyncadd.s32 $0xFFFFE980  }
0x10c: {  	[tilespmem:s1], [sflag:$0x3] =	stream.indirect.gather [hbm4b:s4+s29], $0x48, s8, s29, $0xb8;
	[tilespmem:$0x1CCA0] =	vst v63  }
0x10d: {  	_ =	swait.ge [sflag:s19], $0x1680  }
0x10e: {  	[sflag:s19] =	ssyncset.done $0x0  }
0x10f: {  	s9 =	simm.s32 $0x49C0;
	[sflag:s19] =	ssyncadd.s32 $0xFFFFE980  }
0x110: {  	[spmem:s2] =	stream.indirect.scatter.add.f32 [tilespmem:s28], [sflag:$0xA], $0x48, s9, s29, $0xb8;
	[tilespmem:$0x1CCA0] =	vst v63  }
0x111: {  	_ =	swait.ge [sflag:s26], $0x1680  }
0x112: {  	[sflag:s26] =	ssyncset.done $0x0  }
0x113: {  	s10 =	simm.s32 $0x2580;
	[sflag:s26] =	ssyncadd.s32 $0xFFFFE980  }
0x114: {  	[tilespmem:s28], [sflag:$0x4] =	stream.indirect.gather [hbm4b:s4+s29], $0x48, s10, s29, $0xb8;
	[tilespmem:$0x1CCA0] =	vst v63  }
0x115: {  	_ =	swait.ge [sflag:s20], $0x1680  }
0x116: {  	[sflag:s20] =	ssyncset.done $0x0  }
0x117: {  	s11 =	simm.s32 $0x4A10;
	[sflag:s20] =	ssyncadd.s32 $0xFFFFE980  }
0x118: {  	[spmem:s2] =	stream.indirect.scatter.add.f32 [tilespmem:s0], [sflag:$0xA], $0x48, s11, s29, $0xb8;
	[tilespmem:$0x1CCA0] =	vst v63  }
0x119: {  	_ =	swait.ge [sflag:s26], $0x1680  }
0x11a: {  	[sflag:s26] =	ssyncset.done $0x0  }
0x11b: {  	s13 =	simm.s32 $0x25D0;
	[sflag:s26] =	ssyncadd.s32 $0xFFFFE980  }
0x11c: {  	[tilespmem:s0], [sflag:$0x5] =	stream.indirect.gather [hbm4b:s4+s29], $0x48, s13, s29, $0xb8;
	[tilespmem:$0x1CCA0] =	vst v63  }
0x11d: {  	_ =	swait.ge [sflag:s21], $0x1680  }
0x11e: {  	[sflag:s21] =	ssyncset.done $0x0  }
0x11f: {  	s7 =	simm.s32 $0x4A60;
	[sflag:s21] =	ssyncadd.s32 $0xFFFFE980  }
0x120: {  	[spmem:s2] =	stream.indirect.scatter.add.f32 [tilespmem:s31], [sflag:$0xA], $0x48, s7, s29, $0xb8;
	[tilespmem:$0x1CCA0] =	vst v63  }
0x121: {  	_ =	swait.ge [sflag:s26], $0x1680  }
0x122: {  	[sflag:s26] =	ssyncset.done $0x0  }
0x123: {  	s8 =	simm.s32 $0x2620;
	[sflag:s26] =	ssyncadd.s32 $0xFFFFE980  }
0x124: {  	[tilespmem:s31], [sflag:$0x6] =	stream.indirect.gather [hbm4b:s4+s29], $0x48, s8, s29, $0xb8;
	[tilespmem:$0x1CCA0] =	vst v63  }
0x125: {  	_ =	swait.ge [sflag:s22], $0x1680  }
0x126: {  	[sflag:s22] =	ssyncset.done $0x0  }
0x127: {  	s9 =	simm.s32 $0x4AB0;
	[sflag:s22] =	ssyncadd.s32 $0xFFFFE980  }
0x128: {  	[spmem:s2] =	stream.indirect.scatter.add.f32 [tilespmem:s5], [sflag:$0xA], $0x48, s9, s29, $0xb8;
	[tilespmem:$0x1CCA0] =	vst v63  }
0x129: {  	_ =	swait.ge [sflag:s26], $0x1680  }
0x12a: {  	[sflag:s26] =	ssyncset.done $0x0  }
0x12b: {  	s10 =	simm.s32 $0x2670;
	[sflag:s26] =	ssyncadd.s32 $0xFFFFE980  }
0x12c: {  	[tilespmem:s5], [sflag:$0x7] =	stream.indirect.gather [hbm4b:s4+s29], $0x48, s10, s29, $0xb8;
	[tilespmem:$0x1CCA0] =	vst v63  }
0x12d: {  	_ =	swait.ge [sflag:s23], $0x1680  }
0x12e: {  	[sflag:s23] =	ssyncset.done $0x0  }
0x12f: {  	s11 =	simm.s32 $0x4B00;
	[sflag:s23] =	ssyncadd.s32 $0xFFFFE980  }
0x130: {  	[spmem:s2] =	stream.indirect.scatter.add.f32 [tilespmem:s14], [sflag:$0xA], $0x48, s11, s29, $0xb8;
	[tilespmem:$0x1CCA0] =	vst v63  }
0x131: {  	_ =	swait.ge [sflag:s26], $0x1680  }
0x132: {  	[sflag:s26] =	ssyncset.done $0x0  }
0x133: {  	s13 =	simm.s32 $0x26C0;
	[sflag:s26] =	ssyncadd.s32 $0xFFFFE980  }
0x134: {  	[tilespmem:s14], [sflag:$0x8] =	stream.indirect.gather [hbm4b:s4+s29], $0x48, s13, s29, $0xb8;
	[tilespmem:$0x1CCA0] =	vst v63  }
0x135: {  	_ =	swait.ge [sflag:s24], $0x1680  }
0x136: {  	[sflag:s24] =	ssyncset.done $0x0  }
0x137: {  	s7 =	simm.s32 $0x4B50;
	[sflag:s24] =	ssyncadd.s32 $0xFFFFE980  }
0x138: {  	[spmem:s2] =	stream.indirect.scatter.add.f32 [tilespmem:s15], [sflag:$0xA], $0x48, s7, s29, $0xb8;
	[tilespmem:$0x1CCA0] =	vst v63  }
0x139: {  	_ =	swait.ge [sflag:s26], $0x1680  }
0x13a: {  	[sflag:s26] =	ssyncset.done $0x0  }
0x13b: {  	[sflag:s26] =	ssyncadd.s32 $0xFFFFE980  }
0x13c: {  	_ =	swait.ge [sflag:s16], $0x1680  }
0x13d: {  	[sflag:s16] =	ssyncset.done $0x0  }
0x13e: {  	s8 =	simm.s32 $0x4BA0;
	[sflag:s16] =	ssyncadd.s32 $0xFFFFE980  }
0x13f: {  	[spmem:s2] =	stream.indirect.scatter.add.f32 [tilespmem:s25], [sflag:$0xA], $0x48, s8, s29, $0xb8;
	[tilespmem:$0x1CCA0] =	vst v63  }
0x140: {  	_ =	swait.ge [sflag:s26], $0x1680  }
0x141: {  	[sflag:s26] =	ssyncset.done $0x0  }
0x142: {  	[sflag:s26] =	ssyncadd.s32 $0xFFFFE980  }
0x143: {  	_ =	swait.ge [sflag:s17], $0x1680  }
0x144: {  	[sflag:s17] =	ssyncset.done $0x0  }
0x145: {  	s9 =	simm.s32 $0x4BF0;
	[sflag:s17] =	ssyncadd.s32 $0xFFFFE980  }
0x146: {  	[spmem:s2] =	stream.indirect.scatter.add.f32 [tilespmem:s30], [sflag:$0xA], $0x48, s9, s29, $0xb8;
	[tilespmem:$0x1CCA0] =	vst v63  }
0x147: {  	_ =	swait.ge [sflag:s26], $0x1680  }
0x148: {  	[sflag:s26] =	ssyncset.done $0x0  }
0x149: {  	[sflag:s26] =	ssyncadd.s32 $0xFFFFE980  }
0x14a: {  	_ =	swait.ge [sflag:s18], $0x1680  }
0x14b: {  	[sflag:s18] =	ssyncset.done $0x0  }
0x14c: {  	s10 =	simm.s32 $0x4C40;
	[sflag:s18] =	ssyncadd.s32 $0xFFFFE980  }
0x14d: {  	[spmem:s2] =	stream.indirect.scatter.add.f32 [tilespmem:s1], [sflag:$0xA], $0x48, s10, s29, $0xb8;
	[tilespmem:$0x1CCA0] =	vst v63  }
0x14e: {  	_ =	swait.ge [sflag:s26], $0x1680  }
0x14f: {  	[sflag:s26] =	ssyncset.done $0x0  }
0x150: {  	[sflag:s26] =	ssyncadd.s32 $0xFFFFE980  }
0x151: {  	_ =	swait.ge [sflag:s19], $0x1680  }
0x152: {  	[sflag:s19] =	ssyncset.done $0x0  }
0x153: {  	s11 =	simm.s32 $0x4C90;
	[sflag:s19] =	ssyncadd.s32 $0xFFFFE980  }
0x154: {  	[spmem:s2] =	stream.indirect.scatter.add.f32 [tilespmem:s28], [sflag:$0xA], $0x48, s11, s29, $0xb8;
	[tilespmem:$0x1CCA0] =	vst v63  }
0x155: {  	_ =	swait.ge [sflag:s26], $0x1680  }
0x156: {  	[sflag:s26] =	ssyncset.done $0x0  }
0x157: {  	[sflag:s26] =	ssyncadd.s32 $0xFFFFE980  }
0x158: {  	_ =	swait.ge [sflag:s20], $0x1680  }
0x159: {  	[sflag:s20] =	ssyncset.done $0x0  }
0x15a: {  	s13 =	simm.s32 $0x4CE0;
	[sflag:s20] =	ssyncadd.s32 $0xFFFFE980  }
0x15b: {  	[spmem:s2] =	stream.indirect.scatter.add.f32 [tilespmem:s0], [sflag:$0xA], $0x48, s13, s29, $0xb8;
	[tilespmem:$0x1CCA0] =	vst v63  }
0x15c: {  	_ =	swait.ge [sflag:s26], $0x1680  }
0x15d: {  	[sflag:s26] =	ssyncset.done $0x0  }
0x15e: {  	[sflag:s26] =	ssyncadd.s32 $0xFFFFE980  }
0x15f: {  	_ =	swait.ge [sflag:s21], $0x1680  }
0x160: {  	[sflag:s21] =	ssyncset.done $0x0  }
0x161: {  	s7 =	simm.s32 $0x4D30;
	[sflag:s21] =	ssyncadd.s32 $0xFFFFE980  }
0x162: {  	[spmem:s2] =	stream.indirect.scatter.add.f32 [tilespmem:s31], [sflag:$0xA], $0x48, s7, s29, $0xb8;
	[tilespmem:$0x1CCA0] =	vst v63  }
0x163: {  	_ =	swait.ge [sflag:s26], $0x1680  }
0x164: {  	[sflag:s26] =	ssyncset.done $0x0  }
0x165: {  	[sflag:s26] =	ssyncadd.s32 $0xFFFFE980  }
0x166: {  	_ =	swait.ge [sflag:s22], $0x1680  }
0x167: {  	[sflag:s22] =	ssyncset.done $0x0  }
0x168: {  	s8 =	simm.s32 $0x4D80;
	[sflag:s22] =	ssyncadd.s32 $0xFFFFE980  }
0x169: {  	[spmem:s2] =	stream.indirect.scatter.add.f32 [tilespmem:s5], [sflag:$0xA], $0x48, s8, s29, $0xb8;
	[tilespmem:$0x1CCA0] =	vst v63  }
0x16a: {  	_ =	swait.ge [sflag:s26], $0x1680  }
0x16b: {  	[sflag:s26] =	ssyncset.done $0x0  }
0x16c: {  	[sflag:s26] =	ssyncadd.s32 $0xFFFFE980  }
0x16d: {  	_ =	swait.ge [sflag:s23], $0x1680  }
0x16e: {  	[sflag:s23] =	ssyncset.done $0x0  }
0x16f: {  	s9 =	simm.s32 $0x4DD0;
	[sflag:s23] =	ssyncadd.s32 $0xFFFFE980  }
0x170: {  	[spmem:s2] =	stream.indirect.scatter.add.f32 [tilespmem:s14], [sflag:$0xA], $0x48, s9, s29, $0xb8;
	[tilespmem:$0x1CCA0] =	vst v63  }
0x171: {  	_ =	swait.ge [sflag:s26], $0x1680  }
0x172: {  	[sflag:s26] =	ssyncset.done $0x0  }
0x173: {  	[sflag:s26] =	ssyncadd.s32 $0xFFFFE980  }
0x174: {  	[bflag:$0x0] =	sbarrier.arrive $0xFFFF  }
0x175: {  	s10 =	rddreg [dreg:$0x7]  }
0x176: {  	[tilespmem:s25], [sflag:$0xA] =	stream.linear.gather [spmem:s10], $0x1680, $0x38;
	[tilespmem:$0x1CCA0] =	vst v63  }
0x177: {  	_ =	swait.ge [sflag:s26], $0x1680  }
0x178: {  	[sflag:s26] =	ssyncset.done $0x0  }
0x179: {  	s11 =	rddreg [dreg:$0xd];
	[sflag:s26] =	ssyncadd.s32 $0xFFFFE980  }
0x17a: {  	[hbm4b:s11+s3] =	stream.linear.scatter [tilespmem:s25], [sflag:$0xA], $0x1680, $0x38;
	[tilespmem:$0x1CCA0] =	vst v63  }
0x17b: {  	_ =	swait.ge [sflag:s26], $0x1680  }
0x17c: {  	[sflag:s26] =	ssyncset.done $0x0  }
0x17d: {  	[sflag:s26] =	ssyncadd.s32 $0xFFFFE980  }
0x17e: {  	[tilespmem:s25], [sflag:$0xA] =	stream.linear.gather [spmem:s12], $0x1680, $0x38;
	[tilespmem:$0x1CCA0] =	vst v63  }
0x17f: {  	_ =	swait.ge [sflag:s26], $0x1680  }
0x180: {  	[sflag:s26] =	ssyncset.done $0x0  }
0x181: {  	s13 =	rddreg [dreg:$0xe];
	[sflag:s26] =	ssyncadd.s32 $0xFFFFE980  }
0x182: {  	[hbm4b:s13+s3] =	stream.linear.scatter [tilespmem:s25], [sflag:$0xA], $0x1680, $0x38;
	[tilespmem:$0x1CCA0] =	vst v63  }
0x183: {  	_ =	swait.ge [sflag:s26], $0x1680  }
0x184: {  	[sflag:s26] =	ssyncset.done $0x0  }
0x185: {  	s9 =	rddreg [dreg:$0xa];
	[sflag:s26] =	ssyncadd.s32 $0xFFFFE980  }
0x186: {  	[tilespmem:s25], [sflag:$0xA] =	stream.linear.gather [spmem:s9], $0x1680, $0x38;
	[tilespmem:$0x1CCA0] =	vst v63  }
0x187: {  	_ =	swait.ge [sflag:s26], $0x1680  }
0x188: {  	[sflag:s26] =	ssyncset.done $0x0  }
0x189: {  	s7 =	rddreg [dreg:$0xf];
	[sflag:s26] =	ssyncadd.s32 $0xFFFFE980  }
0x18a: {  	[hbm4b:s7+s3] =	stream.linear.scatter [tilespmem:s25], [sflag:$0xA], $0x1680, $0x38;
	[tilespmem:$0x1CCA0] =	vst v63  }
0x18b: {  	_ =	swait.ge [sflag:s26], $0x1680  }
0x18c: {  	[sflag:s26] =	ssyncset.done $0x0  }
0x18d: {  	s11 =	rddreg [dreg:$0x5];
	[sflag:s26] =	ssyncadd.s32 $0xFFFFE980  }
0x18e: {  	[tilespmem:s25], [sflag:$0xA] =	stream.linear.gather [spmem:s11], $0x1680, $0x38;
	[tilespmem:$0x1CCA0] =	vst v63  }
0x18f: {  	_ =	swait.ge [sflag:s26], $0x1680  }
0x190: {  	[sflag:s26] =	ssyncset.done $0x0  }
0x191: {  	s10 =	rddreg [dreg:$0x10];
	[sflag:s26] =	ssyncadd.s32 $0xFFFFE980  }
0x192: {  	[hbm4b:s10+s3] =	stream.linear.scatter [tilespmem:s25], [sflag:$0xA], $0x1680, $0x38;
	[tilespmem:$0x1CCA0] =	vst v63  }
0x193: {  	_ =	swait.ge [sflag:s26], $0x1680  }
0x194: {  	[sflag:s26] =	ssyncset.done $0x0  }
0x195: {  	s8 =	smov.u32 s12;
	s12 =	rddreg [dreg:$0x4];
	[sflag:s26] =	ssyncadd.s32 $0xFFFFE980  }
0x196: {  	[tilespmem:s25], [sflag:$0xA] =	stream.linear.gather [spmem:s12], $0x1680, $0x38;
	[tilespmem:$0x1CCA0] =	vst v63  }
0x197: {  	_ =	swait.ge [sflag:s26], $0x1680  }
0x198: {  	[sflag:s26] =	ssyncset.done $0x0  }
0x199: {  	s13 =	rddreg [dreg:$0x11];
	[sflag:s26] =	ssyncadd.s32 $0xFFFFE980  }
0x19a: {  	[hbm4b:s13+s3] =	stream.linear.scatter [tilespmem:s25], [sflag:$0xA], $0x1680, $0x38;
	[tilespmem:$0x1CCA0] =	vst v63  }
0x19b: {  	_ =	swait.ge [sflag:s26], $0x1680  }
0x19c: {  	[sflag:s26] =	ssyncset.done $0x0  }
0x19d: {  	s10 =	rddreg [dreg:$0x6];
	[sflag:s26] =	ssyncadd.s32 $0xFFFFE980  }
0x19e: {  	[tilespmem:s25], [sflag:$0xA] =	stream.linear.gather [spmem:s10], $0x1680, $0x38;
	[tilespmem:$0x1CCA0] =	vst v63  }
0x19f: {  	_ =	swait.ge [sflag:s26], $0x1680  }
0x1a0: {  	[sflag:s26] =	ssyncset.done $0x0  }
0x1a1: {  	s7 =	rddreg [dreg:$0x12];
	[sflag:s26] =	ssyncadd.s32 $0xFFFFE980  }
0x1a2: {  	[hbm4b:s7+s3] =	stream.linear.scatter [tilespmem:s25], [sflag:$0xA], $0x1680, $0x38;
	[tilespmem:$0x1CCA0] =	vst v63  }
0x1a3: {  	_ =	swait.ge [sflag:s26], $0x1680  }
0x1a4: {  	[sflag:s26] =	ssyncset.done $0x0  }
0x1a5: {  	s3 =	rddreg [dreg:$0x8];
	[sflag:s26] =	ssyncadd.s32 $0xFFFFE980  }
0x1a6: {  	[tilespmem:s25], [sflag:$0xA] =	stream.linear.gather [spmem:s3], $0x1680, $0x38;
	[tilespmem:$0x1CCA0] =	vst v63  }
0x1a7: {  	_ =	swait.ge [sflag:s26], $0x1680  }
0x1a8: {  	[sflag:s26] =	ssyncset.done $0x0  }
0x1a9: {  	s6 =	simm.s32 $0x0;
	s7 =	rddreg [dreg:$0x13];
	[sflag:s26] =	ssyncadd.s32 $0xFFFFE980  }
0x1aa: {  	[hbm4b:s7+s6] =	stream.linear.scatter [tilespmem:s25], [sflag:$0xA], $0x1680, $0x38;
	[tilespmem:$0x1CCA0] =	vst v63  }
0x1ab: {  	_ =	swait.ge [sflag:s26], $0x1680  }
0x1ac: {  	[sflag:s26] =	ssyncset.done $0x0  }
0x1ad: {  	s13 =	rddreg [dreg:$0x9];
	[sflag:s26] =	ssyncadd.s32 $0xFFFFE980  }
0x1ae: {  	[tilespmem:s25], [sflag:$0xA] =	stream.linear.gather [spmem:s13], $0x1680, $0x38;
	[tilespmem:$0x1CCA0] =	vst v63  }
0x1af: {  	_ =	swait.ge [sflag:s26], $0x1680  }
0x1b0: {  	[sflag:s26] =	ssyncset.done $0x0  }
0x1b1: {  	s12 =	rddreg [dreg:$0x14];
	[sflag:s26] =	ssyncadd.s32 $0xFFFFE980  }
0x1b2: {  	[hbm4b:s12+s6] =	stream.linear.scatter [tilespmem:s25], [sflag:$0xA], $0x1680, $0x38;
	[tilespmem:$0x1CCA0] =	vst v63  }
0x1b3: {  	_ =	swait.ge [sflag:s26], $0x1680  }
0x1b4: {  	s7 =	rddreg [dreg:$0x16]  }
0x1b5: {  	s12 =	sadd.s32 $0x1, s7;
	s7 =	rddreg [dreg:$0x15]  }
0x1b6: {  	p0 =	sne.s32 s12, s7  }
.Ltmp1:
0x1b7: {  	_ = 	snop;
	(pc) =	sbr.rel @p0 .LBB2_1-.Ltmp1, $3  }
0x1b8: {  	_ =	sdelay $0x1  }
0x1b9: {  	[sflag:s26] =	ssyncset.done $0x0;
	[dreg:$0x16] =	wrdreg s12  }
0x1ba: {  	[sflag:s26] =	ssyncadd.s32 $0xFFFFE980;
	s12 =	smov.u32 s9;
	s9 =	rddreg [dreg:$0x7]  }
0x1bb: {  	_ =	sfence.sel $0x180000  }
0x1bc: {  	[bflag:$0x0] =	sbarrier.arrive $0xFFFF  }
0x1bd: {  	_ =	strace $0x9000004D  }
0x1be: {  	s0 =	stileid.u32;
	[bflag:$0x2] =	sbarrier.arrive $0xFFFF  }
0x1bf: {  	p0 =	sne.s32 s0, $0x0;
	s0 =	rddreg [dreg:$0x2]  }
0x1c0: {  	s0 =	sadd.s32 @!p0 $0x100000, s0  }
0x1c1: {  	[sflag:s0] =	ssyncadd.tile.s32 @!p0 $0x1;
	_ =	shalt  }
.Lfunc_end2:
_tile_overlayer_lowered:
.L_overlay_start_2:
0x1c2: {  	(tag) =	ssettag $0x2  }
0x1c3: {  	s0 =	rddreg [dreg:$0x0];
	s2 =	stileid.u32  }
0x1c4: {  	s1 =	rddreg [dreg:$0x1];
	p0 =	sne.s32 s2, $0x0  }
0x1c5: {  	s3 =	rddreg [dreg:$0x2];
	[bflag:$0x3] =	sbarrier.arrive $0xFFFF;
	s2 =	simm.s32 @!p0 $0x1C0A  }
0x1c6: {  	[timem:s3], [sflag:s2] =	dma.local @!p0 [hbm:s0], s1  }
0x1c7: {  	s0 =	simm.s32 @!p0 $0xA  }
0x1c8: {  	_ =	swait.ge @!p0 [sflag:s0], s1  }
0x1c9: {  	s1 =	ssub.s32 @!p0 $0x0, s1;
	[sflag:s0] =	ssyncset.done @!p0 $0x0  }
0x1ca: {  	[sflag:s0] =	ssyncadd.s32 @!p0 s1  }
0x1cb: {  	[bflag:$0x3] =	sbarrier.arrive $0xFFFF  }
0x1cc: {  	_ =	shalt  }

// kernel: kernel.8.cloned.1.call-start
scs
__scs_entry_jumppad:
0x0: {  	(pc) =	sbr.rel $0x88, $3  }
0x1: {  	(tag) =	ssettag $0x0;
	lr =	simm.s32 $0x1  }
0x2: {  	[smem:$0x3F9B] =	sst lr;
	_ =	strace $0xD0000000  }
0x3: {  	_ = 	snop  }
0x4: {  	_ = 	snop  }
0x5: {  	_ = 	snop  }
0x6: {  	_ = 	snop  }
0x7: {  	_ = 	snop  }
__scs_overlays_trampoline_lowered:
0x8: {  	[smem:$0x3FAA] =	sst s0  }
0x9: {  	[smem:$0x3FAB] =	sst s1  }
0xa: {  	[smem:$0x3FAC] =	sst s2  }
0xb: {  	[smem:$0x3FAD] =	sst s3  }
0xc: {  	[smem:$0x3FAE] =	sst s4  }
0xd: {  	[smem:$0x3FAF] =	sst s5  }
0xe: {  	[smem:$0x3FB0] =	sst s6  }
0xf: {  	[smem:$0x3FB1] =	sst s7  }
0x10: {  	[smem:$0x3FB2] =	sst s8  }
0x11: {  	[smem:$0x3FB3] =	sst s9;
	s0 =	simm.s32 @!p0 $0x0  }
0x12: {  	s1 =	sld [smem:$0x3F99];
	s0 =	simm.s32 @p0 $0x1  }
0x13: {  	[smem:$0x3FB4] =	sst s0;
	s0 =	simm.s32 @!p1 $0x0  }
0x14: {  	s2 =	sld [smem:$0x3F98];
	s0 =	simm.s32 @p1 $0x1  }
0x15: {  	[smem:$0x3FB5] =	sst s0;
	s0 =	simm.s32 @!p2 $0x0  }
0x16: {  	s3 =	sld [smem:$0x3FDB];
	s0 =	simm.s32 @p2 $0x1  }
0x17: {  	s4 =	simm.s32 $0x1BF5;
	[smem:$0x3FB7] =	sst s0  }
0x18: {  	s0 =	sld [smem:$0x3F9A];
	_ =	swait.ge [sflag:s4], $0x0  }
0x19: {  	s7 =	sld [smem:$0x3F9B]  }
0x1a: {  	s8 =	sadd.s32 $0xFFFFE003, lr  }
0x1b: {  	s9 =	sadd.s32 $0xFFFFFEF7, lr;
	s5 =	simm.s32 $0xFFFFFFFF;
	p2 =	slt.u32 s8, $0xFFFFF086  }
0x1c: {  	p1 =	slt.u32 s9, $0xF7A;
	s5 =	simm.s32 @!p2 $0x0  }
0x1d: {  	s5 =	simm.s32 @p1 $0x1;
	p0 =	seq.s32 s7, s2  }
0x1e: {  	s7 =	smul.u32 @!p0 $0xF7A, s2;
	p2 =	seq.s32 @!p0 s5, $0x0  }
0x1f: {  	s9 =	smul.u32 $0xF7A, s1;
	s8 =	simm.s32 @!p0 $0x1BF5;
	p2 =	por !p2, p0  }
0x20: {  	[sflag:s8] =	ssyncset.s32 @!p0 $0xFFFFF086;
	s6 =	sadd.s32 @!p0 s3, s7;
	s7 =	simm.s32 @!p0 $0x108  }
0x21: {  	s3 =	sadd.s32 s3, s9;
	s6 =	sadd.s32 @!p0 $0x88, s6;
	s7 =	simm.s32 @p2 $0x1082  }
0x22: {  	[simem:s7], [sflag:s8] =	dma.local @!p0 [hbm:s6], $0xF7A  }
0x23: {  	s9 =	sor.u32 $0xD0000000, s2;
	s6 =	simm.s32 $0x108;
	_ =	swait.ge @!p0 [sflag:s8], $0x0  }
0x24: {  	s3 =	sadd.s32 $0x88, s3;
	s6 =	simm.s32 @!p1 $0x1082;
	[sflag:s4] =	ssyncset.s32 $0xFFFFF086  }
0x25: {  	[simem:s6], [sflag:s4] =	dma.local [hbm:s3], $0xF7A  }
0x26: {  	[smem:$0x3F9B] =	sst s1;
	(tag) =	ssettag s2;
	_ =	strace s9  }
0x27: {  	s1 =	sld [smem:$0x3FAB]  }
0x28: {  	s2 =	sld [smem:$0x3FAC]  }
0x29: {  	s4 =	sld [smem:$0x3FAE]  }
0x2a: {  	p0 =	seq.s32 s5, $0x0;
	s5 =	sld [smem:$0x3FAF]  }
0x2b: {  	s6 =	sld [smem:$0x3FB0]  }
0x2c: {  	s7 =	sld [smem:$0x3FB1]  }
0x2d: {  	s3 =	simm.s32 $0x108;
	s8 =	sld [smem:$0x3FB2]  }
0x2e: {  	s3 =	simm.s32 @!p0 $0x1082;
	s9 =	sld [smem:$0x3FB3]  }
0x2f: {  	lr =	sadd.s32 s0, s3;
	s0 =	sld [smem:$0x3FAA]  }
0x30: {  	s3 =	sld [smem:$0x3FAD]  }
0x31: {  	[smem:$0x3FB6] =	sst s10  }
0x32: {  	s10 =	sld [smem:$0x3FB4];
	_ =	sdelay $0x3  }
0x33: {  	p0 =	seq.s32 s10, $0x1;
	s10 =	sld [smem:$0x3FB6];
	_ =	sdelay $0x3  }
0x34: {  	[smem:$0x3FB6] =	sst s10  }
0x35: {  	s10 =	sld [smem:$0x3FB5];
	_ =	sdelay $0x3  }
0x36: {  	p1 =	seq.s32 s10, $0x1;
	s10 =	sld [smem:$0x3FB6];
	_ =	sdelay $0x3  }
0x37: {  	[smem:$0x3FB6] =	sst s10  }
0x38: {  	s10 =	sld [smem:$0x3FB7]  }
0x39: {  	_ = 	snop;
	(pc) =	sbr.ind lr, $3  }
0x3a: {  	_ = 	snop  }
0x3b: {  	_ = 	snop  }
0x3c: {  	p2 =	seq.s32 s10, $0x1;
	s10 =	sld [smem:$0x3FB6]  }
0x3d: {  	_ =	shalt  }
0x3e: {  	_ =	shalt  }
0x3f: {  	_ =	shalt  }
0x40: {  	_ =	shalt  }
0x41: {  	_ =	shalt  }
0x42: {  	_ =	shalt  }
0x43: {  	_ =	shalt  }
0x44: {  	_ =	shalt  }
0x45: {  	_ =	shalt  }
0x46: {  	_ =	shalt  }
0x47: {  	_ =	shalt  }
0x48: {  	_ =	shalt  }
0x49: {  	_ =	shalt  }
0x4a: {  	_ =	shalt  }
0x4b: {  	_ =	shalt  }
0x4c: {  	_ =	shalt  }
0x4d: {  	_ =	shalt  }
0x4e: {  	_ =	shalt  }
0x4f: {  	_ =	shalt  }
0x50: {  	_ =	shalt  }
0x51: {  	_ =	shalt  }
0x52: {  	_ =	shalt  }
0x53: {  	_ =	shalt  }
0x54: {  	_ =	shalt  }
0x55: {  	_ =	shalt  }
0x56: {  	_ =	shalt  }
0x57: {  	_ =	shalt  }
0x58: {  	_ =	shalt  }
0x59: {  	_ =	shalt  }
0x5a: {  	_ =	shalt  }
0x5b: {  	_ =	shalt  }
0x5c: {  	_ =	shalt  }
0x5d: {  	_ =	shalt  }
0x5e: {  	_ =	shalt  }
0x5f: {  	_ =	shalt  }
0x60: {  	_ =	shalt  }
0x61: {  	_ =	shalt  }
0x62: {  	_ =	shalt  }
0x63: {  	_ =	shalt  }
0x64: {  	_ =	shalt  }
0x65: {  	_ =	shalt  }
0x66: {  	_ =	shalt  }
0x67: {  	_ =	shalt  }
0x68: {  	_ =	shalt  }
0x69: {  	_ =	shalt  }
0x6a: {  	_ =	shalt  }
0x6b: {  	_ =	shalt  }
0x6c: {  	_ =	shalt  }
0x6d: {  	_ =	shalt  }
0x6e: {  	_ =	shalt  }
0x6f: {  	_ =	shalt  }
0x70: {  	_ =	shalt  }
0x71: {  	_ =	shalt  }
0x72: {  	_ =	shalt  }
0x73: {  	_ =	shalt  }
0x74: {  	_ =	shalt  }
0x75: {  	_ =	shalt  }
0x76: {  	_ =	shalt  }
0x77: {  	_ =	shalt  }
0x78: {  	_ =	shalt  }
0x79: {  	_ =	shalt  }
0x7a: {  	_ =	shalt  }
0x7b: {  	_ =	shalt  }
0x7c: {  	_ =	shalt  }
0x7d: {  	_ =	shalt  }
0x7e: {  	_ =	shalt  }
0x7f: {  	_ =	shalt  }
0x80: {  	_ =	shalt  }
0x81: {  	_ =	shalt  }
0x82: {  	_ =	shalt  }
0x83: {  	_ =	shalt  }
0x84: {  	_ =	shalt  }
0x85: {  	_ =	shalt  }
0x86: {  	_ =	shalt  }
0x87: {  	_ =	shalt  }
.Lfunc_end0:
.L_simem_size_0:
called_computation_lowered:
.L_overlay_start_0:
0x88: {  	s2 =	sld [smem:$0x3FD9]  }
0x89: {  	s3 =	sld [smem:$0x3FFE];
	_ =	sdelay $0x1  }
0x8a: {  	s1 =	srdreg.scid  }
0x8b: {  	s0 =	sand.u32 $0x1, s1  }
0x8c: {  	s17 =	sshll.u32 s0, $0xA;
	s2 =	sadd.s32 s3, s2  }
0x8d: {  	s2 =	sadd.s32 s2, s17  }
0x8e: {  	[smem:$0x3FC2] =	sst s2  }
0x8f: {  	_ = 	snop  }
0x90: {  	s2 =	sld [smem:$0x3FD0];
	(tm) =	ssettm $0x1  }
0x91: {  	s18 =	sld [smem:$0x3FFB];
	_ =	sdelay $0x3  }
0x92: {  	_ =	strace s18  }
0x93: {  	s3 =	sld [smem:$0x3FFC];
	_ =	sdelay $0x3  }
0x94: {  	_ =	strace s3  }
0x95: {  	s3 =	sld [smem:$0x3FFD];
	_ =	sdelay $0x3  }
0x96: {  	_ =	strace s3  }
0x97: {  	_ =	strace $0x8FFFFFFF  }
0x98: {  	s19 =	sld [smem:$0x3FDB];
	_ =	sdelay $0x1  }
0x99: {  	s4 =	simm.s32 $_scs_section_size  }
0x9a: {  	s5 =	simm.s32 $_size__tile_overlayer_lowered;
	s6 =	simm.s32 $_tile_overlayer_lowered  }
0x9b: {  	s22 =	simm.s32 $0x1BFF;
	s21 =	sshll.u32 s6, $0x1;
	s3 =	sadd.s32 s4, s19  }
0x9c: {  	s7 =	simm.s32 $0x0;
	s20 =	sshll.u32 s5, $0x1;
	s5 =	sadd.s32 s21, s3  }
0x9d: {  	[timem:s7], [sflag:s22] =	dma.local [hbm:s5], s20  }
0x9e: {  	_ =	swait.ge [sflag:s22], s20  }
0x9f: {  	s4 =	ssub.s32 $0x0, s20;
	[sflag:s22] =	ssyncset.done $0x0  }
0xa0: {  	[sflag:s22] =	ssyncadd.s32 s4;
	_ =	sdelay $0x1  }
0xa1: {  	s23 =	simm.s32 $0x1B8B  }
0xa2: {  	_ =	swait.ge [sflag:s23], $0x1  }
0xa3: {  	[sflag:s23] =	ssyncset.done $0x0  }
0xa4: {  	s25 =	simm.s32 $0x1B8E;
	s24 =	sld [smem:$0x3FFE];
	[sflag:s23] =	ssyncadd.s32 $0xFFFFFFFF  }
0xa5: {  	s26 =	simm.s32 $execute0_lowered;
	[smem:$0x3FD2] =	sst s25  }
0xa6: {  	s5 =	sshll.u32 s26, $0x1;
	_ =	strace $0x80000046;
	[dreg:$0x1] =	wrdreg $0xFFFFFFFF  }
0xa7: {  	s28 =	simm.s32 $_size_execute0_lowered;
	s3 =	sadd.s32 s3, s5;
	[dreg:$0x0] =	wrdreg $0x0  }
0xa8: {  	s5 =	sshll.u32 s28, $0x1;
	[dreg:$0x2] =	wrdreg s3  }
0xa9: {  	[dreg:$0x3] =	wrdreg s5  }
0xaa: {  	[dreg:$0x4] =	wrdreg $0xC0  }
0xab: {  	_ =	task [dreg:s7], $0x5FFFF  }
0xac: {  	[dreg:$0x1] =	wrdreg $0xFFFFFFFF  }
0xad: {  	[dreg:$0x0] =	wrdreg $0x60  }
0xae: {  	[dreg:$0x2] =	wrdreg s2  }
0xaf: {  	[dreg:$0x3] =	wrdreg s24  }
0xb0: {  	[dreg:$0x4] =	wrdreg $0x83000  }
0xb1: {  	[dreg:$0x5] =	wrdreg $0x9  }
0xb2: {  	_ =	task.clear_ibuf [dreg:s7], $0x6FFFF;
	_ =	strace $0x90000046  }
0xb3: {  	s29 =	simm.s32 $0x9;
	_ =	strace $0x80000048  }
0xb4: {  	_ =	swait.ge [sflag:s29], $0x1  }
0xb5: {  	[sflag:s29] =	ssyncadd.s32 $0xFFFFFFFF  }
0xb6: {  	_ =	strace $0x90000048  }
0xb7: {  	_ =	sfence  }
0xb8: {  	s30 =	sld [smem:$0x0];
	_ =	sdelay $0x2  }
0xb9: {  	s31 =	sshll.u32 s1, $0xD;
	s1 =	sshrl.u32 s1, $0x2  }
0xba: {  	s3 =	sand.u32 $0x4000, s31;
	s1 =	sadd.s32 s1, s30  }
0xbb: {  	s0 =	sor.u32 s3, s0;
	s1 =	sshll.u32 s1, $0x11  }
0xbc: {  	s0 =	sor.u32 s1, s0  }
0xbd: {  	s0 =	sadd.s32 $0x8F2B, s0  }
0xbe: {  	[sflag:s0] =	ssyncadd.remote.s32 $0x1  }
0xbf: {  	_ =	sfence.sel $0xFFFF  }
0xc0: {  	[dreg:$0x0] =	wrdreg $0xFFFFFFFF;
	(pc) =	sbr.abs _section_cstart, $3  }
0xc1: {  	[dreg:$0x1] =	wrdreg $0xFFFFFFFF  }
0xc2: {  	_ =	task.clear_ibuf [dreg:s7], $0x2FFFF;
	_ =	strace $0x9FFFFFFF  }
0xc3: {  	(tm) =	ssettm $0x7FFFFFFF  }
tec
execute0_lowered:
.L_overlay_start_1:
0x0: {  	(tag) =	ssettag $0x1  }
0x1: {  	s5 =	rddreg [dreg:$0x0];
	s1 =	srdreg.scid  }
0x2: {  	s0 =	stileid.u32;
	s4 =	rddreg [dreg:$0x1]  }
0x3: {  	s2 =	rddreg [dreg:$0x2];
	s3 =	simm.s32 $0x0;
	s11 =	simm.s32 $0x8000  }
0x4: {  	s12 =	simm.s32 $0x1;
	s6 =	sand.u32 $0x1, s1;
	s1 =	rddreg [dreg:$0x3]  }
0x5: {  	s13 =	simm.s32 $0x0;
	s7 =	smul.u32 $0x280, s0;
	[smem:$0x7FF] =	sst s3  }
0x6: {  	s31 =	sshll.u32 s0, $0xC;
	s8 =	smul.u32 $0x2800, s6;
	s9 =	ssub.s32 $0x2, s6  }
0x7: {  	_ =	strace $0x80000047;
	s6 =	sshll.u32 s6, $0x10;
	s5 =	sadd.s32 s5, s31  }
0x8: {  	s10 =	sshrl.u32 s9, $0x1;
	s5 =	sadd.s32 s6, s5;
	s8 =	sadd.s32 s7, s8  }
0x9: {  	s9 =	ssub.s32 s9, s10;
	s10 =	simm.s32 $0x50;
	s8 =	sshrl.u32 s8, $0x3  }
0xa: {  	s8 =	sadd.s32 s8, s4;
	s4 =	sadd.s32 s7, s2;
	s7 =	smax.u32 s9, $0x1  }
0xb: {  	v0 =	vimm.f32 $0.0e+00;
	v1 =	vimm.f32 $1.000000000e+00;
	s9 =	simm.s32 $0x2;
	s6 =	sadd.s32 $0x2E00, s8;
	s8 =	simm.s32 $0x8080  }
.LBB2_1:
0xc: {  	[tilespmem:$0x8080] =	vst v0  }
0xd: {  	[tilespmem:$0x8090] =	vst v0  }
0xe: {  	[tilespmem:$0x80A0] =	vst v0  }
0xf: {  	[tilespmem:$0x80B0] =	vst v0  }
0x10: {  	[tilespmem:$0x80C0] =	vst v0  }
0x11: {  	[tilespmem:$0x80D0] =	vst v0  }
0x12: {  	[tilespmem:$0x80E0] =	vst v0  }
0x13: {  	[tilespmem:$0x80F0] =	vst v0  }
0x14: {  	[tilespmem:$0x8100] =	vst v0  }
0x15: {  	[tilespmem:$0x8110] =	vst v0  }
0x16: {  	[tilespmem:$0x8120] =	vst v0  }
0x17: {  	[tilespmem:$0x8130] =	vst v0  }
0x18: {  	[tilespmem:$0x8140] =	vst v0  }
0x19: {  	[tilespmem:$0x8150] =	vst v0  }
0x1a: {  	[tilespmem:$0x8160] =	vst v0  }
0x1b: {  	[tilespmem:$0x8170] =	vst v0  }
0x1c: {  	[tilespmem:$0x8180] =	vst v0  }
0x1d: {  	[tilespmem:$0x8190] =	vst v0  }
0x1e: {  	[tilespmem:$0x81A0] =	vst v0  }
0x1f: {  	[tilespmem:$0x81B0] =	vst v0  }
0x20: {  	[tilespmem:$0x81C0] =	vst v0  }
0x21: {  	[tilespmem:$0x81D0] =	vst v0  }
0x22: {  	[tilespmem:$0x81E0] =	vst v0  }
0x23: {  	[tilespmem:$0x81F0] =	vst v0  }
0x24: {  	[tilespmem:$0x8200] =	vst v0  }
0x25: {  	[tilespmem:$0x8210] =	vst v0  }
0x26: {  	[tilespmem:$0x8220] =	vst v0  }
0x27: {  	[tilespmem:$0x8230] =	vst v0  }
0x28: {  	[tilespmem:$0x8240] =	vst v0  }
0x29: {  	[tilespmem:$0x8250] =	vst v0  }
0x2a: {  	[tilespmem:$0x8260] =	vst v0  }
0x2b: {  	[tilespmem:$0x8270] =	vst v0  }
0x2c: {  	[tilespmem:$0x8280] =	vst v0  }
0x2d: {  	[tilespmem:$0x8290] =	vst v0  }
0x2e: {  	[tilespmem:$0x82A0] =	vst v0  }
0x2f: {  	[tilespmem:$0x82B0] =	vst v0  }
0x30: {  	[tilespmem:$0x82C0] =	vst v0  }
0x31: {  	[tilespmem:$0x82D0] =	vst v0  }
0x32: {  	[tilespmem:$0x82E0] =	vst v0  }
0x33: {  	[tilespmem:$0x82F0] =	vst v0  }
0x34: {  	[spmem:s4] =	stream.linear.scatter [tilespmem:s8], [sflag:$0x2], $0x280, $0x38;
	[tilespmem:$0x8580] =	vst v63  }
0x35: {  	_ =	swait.ge [sflag:s9], $0x280  }
0x36: {  	[sflag:s9] =	ssyncset.done $0x0  }
0x37: {  	[sflag:s9] =	ssyncadd.s32 $0xFFFFFD80  }
0x38: {  	[tilespmem:s3], [sflag:$0x2] =	stream.linear.gather [hbm4b:s5+s3], $0x7D00, $0x38;
	[tilespmem:$0x8580] =	vst v63  }
0x39: {  	_ =	swait.ge [sflag:s9], $0x7D00  }
0x3a: {  	[sflag:s9] =	ssyncset.done $0x0  }
0x3b: {  	[sflag:s9] =	ssyncadd.s32 $0xFFFF8300  }
0x3c: {  	[tilespmem:$0x8000] =	vst v1  }
0x3d: {  	[tilespmem:$0x8010] =	vst v1  }
0x3e: {  	[tilespmem:$0x8020] =	vst v1  }
0x3f: {  	[tilespmem:$0x8030] =	vst v1  }
0x40: {  	[tilespmem:$0x8040] =	vst v1  }
0x41: {  	s14 =	simm.s32 $0x0;
	[bflag:$0x0] =	sbarrier.arrive $0xFFFF  }
.LBB2_2:
0x42: {  	p0 =	sne.s32 s14, $0x1F200  }
.Ltmp0:
0x43: {  	_ = 	snop;
	(pc) =	sbr.rel @p0 .LBB2_2-.Ltmp0, $3  }
0x44: {  	_ =	sdelay $0x1  }
0x45: {  	s15 =	sshra.s32 s14, $0x2;
	s14 =	sadd.s32 $0x200, s14  }
0x46: {  	[spmem:s2] =	stream.indirect.scatter.add.f32 [tilespmem:s11], [sflag:$0x1], $0x1, s15, s10, $0xb8;
	[tilespmem:$0x8580] =	vst v63  }
0x47: {  	_ =	swait.ge [sflag:s12], $0x50  }
0x48: {  	s14 =	simm.s32 $0xF9;
	[sflag:s12] =	ssyncset.done $0x0  }
.LBB2_4:
0x49: {  	p0 =	sne.s32 s14, $0x1;
	s14 =	sadd.s32 $0xFFFFFFFF, s14;
	[sflag:s12] =	ssyncadd.s32 $0xFFFFFFB0  }
.Ltmp1:
0x4a: {  	(pc) =	sbr.rel @p0 .LBB2_4-.Ltmp1, $3  }
0x4b: {  	_ =	sdelay $0x1  }
0x4c: {  	_ =	swait.ge [sflag:s12], $0x50  }
0x4d: {  	[sflag:s12] =	ssyncset.done $0x0  }
0x4e: {  	[sflag:s12] =	ssyncadd.s32 $0xFFFFFFB0  }
0x4f: {  	[bflag:$0x0] =	sbarrier.arrive $0xFFFF  }
0x50: {  	[tilespmem:s8], [sflag:$0x2] =	stream.linear.gather [spmem:s4], $0x280, $0x38;
	[tilespmem:$0x8580] =	vst v63  }
0x51: {  	s13 =	sadd.s32 $0x1, s13;
	_ =	swait.ge [sflag:s9], $0x280  }
0x52: {  	p0 =	sne.s32 s13, s7;
	[sflag:s9] =	ssyncset.done $0x0  }
.Ltmp2:
0x53: {  	[sflag:s9] =	ssyncadd.s32 $0xFFFFFD80;
	(pc) =	sbr.rel @p0 .LBB2_1-.Ltmp2, $4  }
0x54: {  	[hbm4b:s6+s3] =	stream.linear.scatter [tilespmem:s8], [sflag:$0x2], $0x280, $0x38;
	[tilespmem:$0x8580] =	vst v63  }
0x55: {  	_ =	swait.ge [sflag:s9], $0x280  }
0x56: {  	[sflag:s9] =	ssyncset.done $0x0  }
0x57: {  	[sflag:s9] =	ssyncadd.s32 $0xFFFFFD80  }
0x58: {  	_ =	sfence.sel $0x180000  }
0x59: {  	[bflag:$0x0] =	sbarrier.arrive $0xFFFF  }
0x5a: {  	p0 =	sne.s32 s0, $0x0;
	_ =	strace $0x90000047  }
0x5b: {  	s0 =	sadd.s32 @!p0 $0x100000, s1;
	[bflag:$0x2] =	sbarrier.arrive $0xFFFF  }
0x5c: {  	[sflag:s0] =	ssyncadd.tile.s32 @!p0 $0x1;
	_ =	shalt  }
.Lfunc_end2:
_tile_overlayer_lowered:
.L_overlay_start_2:
0x5d: {  	(tag) =	ssettag $0x2  }
0x5e: {  	s0 =	rddreg [dreg:$0x0];
	s2 =	stileid.u32  }
0x5f: {  	s1 =	rddreg [dreg:$0x1];
	p0 =	sne.s32 s2, $0x0  }
0x60: {  	s3 =	rddreg [dreg:$0x2];
	[bflag:$0x3] =	sbarrier.arrive $0xFFFF;
	s2 =	simm.s32 @!p0 $0x1C02  }
0x61: {  	[timem:s3], [sflag:s2] =	dma.local @!p0 [hbm:s0], s1  }
0x62: {  	s0 =	simm.s32 @!p0 $0x2  }
0x63: {  	_ =	swait.ge @!p0 [sflag:s0], s1  }
0x64: {  	s1 =	ssub.s32 @!p0 $0x0, s1;
	[sflag:s0] =	ssyncset.done @!p0 $0x0  }
0x65: {  	[sflag:s0] =	ssyncadd.s32 @!p0 s1  }
0x66: {  	[bflag:$0x3] =	sbarrier.arrive $0xFFFF  }
0x67: {  	_ =	shalt  }

</sc_bundles>
